<compile_context>
chip_gen: v7x
topology: tpu7x:2x2x1
jax: 0.10.2.dev20260603
libtpu: 0.0.44.dev20260713+nightly
codegen_flags: <defaults>
</compile_context>

<pallas_src>
import jax
import jax.numpy as jnp
from jax import lax
from jax.experimental import pallas as pl
from jax.experimental.pallas import tpu as pltpu
from jax.experimental.pallas import tpu_sc as plsc

NB = 15
C = 19
LANES = 16
NC, NS = 2, 16
NW = NC * NS
CHUNK = 1024
BH = 128




def _tc_body(tbl_ref, x_ref, o_ref):
    x = x_ref[...]
    e = jnp.exp(x)
    s = jnp.sum(e, axis=1, keepdims=True)
    t = float(NB) / s
    q = e * t
    b = jnp.minimum(q.astype(jnp.int32), NB - 1)
    lane = jax.lax.broadcasted_iota(jnp.int32, (BH, 128), 1)
    lane_base = lane & ~(LANES - 1)
    cols = []
    for c in range(C):
        tbl_c = jnp.broadcast_to(tbl_ref[c, :].reshape(1, 128), (BH, 128))
        chunks = []
        for j in range(512 // 128):
            idx = lane_base + b[0, c, :, j * 128 : (j + 1) * 128]
            chunks.append(
                jnp.take_along_axis(tbl_c, idx, axis=1, mode="promise_in_bounds")
            )
        cols.append(jnp.concatenate(chunks, axis=1).reshape(1, 1, BH, 512))
    cal = jnp.concatenate(cols, axis=1)
    s2 = jnp.sum(cal, axis=1, keepdims=True)
    inv = 1.0 / jnp.where(s2 == 0.0, 1.0, s2)
    o_ref[...] = cal * inv


def _tc_kernel(logits, tbl, nbatch=None):
    B, c, H, W = logits.shape
    grid = (B if nbatch is None else nbatch, H // BH)
    return pl.pallas_call(
        _tc_body,
        grid=grid,
        in_specs=[
            pl.BlockSpec((C, 128), lambda b, h: (0, 0)),
            pl.BlockSpec((1, c, BH, W), lambda b, h: (b, 0, h, 0)),
        ],
        out_specs=pl.BlockSpec((1, c, BH, W), lambda b, h: (b, 0, h, 0)),
        out_shape=jax.ShapeDtypeStruct(logits.shape, jnp.float32),
        compiler_params=pltpu.CompilerParams(
            dimension_semantics=("parallel", "parallel")
        ),
    )(tbl, logits)




def _sc_body(x_hbm, vf_hbm, o_hbm, vf_v, in_a, in_b, out_a, out_b,
             sem_ia, sem_ib, sem_oa, sem_ob):
    B, _, P = x_hbm.shape
    ppw = (B * P) // NW
    wpb = P // ppw
    npair = ppw // CHUNK // 2
    wid = lax.axis_index("s") * NC + lax.axis_index("c")
    b = wid // wpb
    base = (wid % wpb) * ppw

    pltpu.sync_copy(vf_hbm, vf_v)

    def in_sl(ci):
        return x_hbm.at[b, :, pl.ds(base + ci * CHUNK, CHUNK)]

    def out_sl(ci):
        return o_hbm.at[b, :, pl.ds(base + ci * CHUNK, CHUNK)]

    def compute(in_v, out_v):
        @plsc.parallel_loop(0, CHUNK // LANES, unroll=2)
        def group_step(g):
            sl = pl.ds(g * LANES, LANES)
            es = [jnp.exp(in_v[c, sl]) for c in range(C)]
            s = es[0]
            for c in range(1, C):
                s = s + es[c]
            rq = float(NB) / s
            acc = None
            cals = []
            for c in range(C):
                q = es[c] * rq
                idx = jnp.minimum(q.astype(jnp.int32), NB - 1) + c * NB
                cal = plsc.load_gather(vf_v, [idx])
                cals.append(cal)
                acc = cal if acc is None else acc + cal
            inv = 1.0 / jnp.where(acc == 0.0, 1.0, acc)
            for c in range(C):
                out_v[c, sl] = cals[c] * inv

    pltpu.async_copy(in_sl(0), in_a, sem_ia)

    def pair_step(k, _):
        a, bc = 2 * k, 2 * k + 1
        pltpu.async_copy(in_sl(bc), in_b, sem_ib)
        pltpu.make_async_copy(in_sl(a), in_a, sem_ia).wait()

        @pl.when(k > 0)
        def _():
            pltpu.make_async_copy(out_a, out_sl(a), sem_oa).wait()

        compute(in_a, out_a)
        pltpu.async_copy(out_a, out_sl(a), sem_oa)

        @pl.when(k + 1 < npair)
        def _():
            pltpu.async_copy(in_sl(2 * k + 2), in_a, sem_ia)

        pltpu.make_async_copy(in_sl(bc), in_b, sem_ib).wait()

        @pl.when(k > 0)
        def _():
            pltpu.make_async_copy(out_b, out_sl(bc), sem_ob).wait()

        compute(in_b, out_b)
        pltpu.async_copy(out_b, out_sl(bc), sem_ob)
        return 0

    lax.fori_loop(0, npair, pair_step, 0)
    pltpu.make_async_copy(out_a, out_sl(2 * npair - 2), sem_oa).wait()
    pltpu.make_async_copy(out_b, out_sl(2 * npair - 1), sem_ob).wait()


def _sc_kernel(x, vf):
    B, c, P = x.shape
    mesh = plsc.VectorSubcoreMesh(core_axis_name="c", subcore_axis_name="s")
    return pl.kernel(
        _sc_body,
        out_type=jax.ShapeDtypeStruct((B, c, P), jnp.float32),
        mesh=mesh,
        compiler_params=pltpu.CompilerParams(needs_layout_passes=False),
        scratch_types=[
            pltpu.VMEM((C * NB + 3,), jnp.float32),
            pltpu.VMEM((C, CHUNK), jnp.float32),
            pltpu.VMEM((C, CHUNK), jnp.float32),
            pltpu.VMEM((C, CHUNK), jnp.float32),
            pltpu.VMEM((C, CHUNK), jnp.float32),
            pltpu.SemaphoreType.DMA,
            pltpu.SemaphoreType.DMA,
            pltpu.SemaphoreType.DMA,
            pltpu.SemaphoreType.DMA,
        ],
    )(x, vf)




SC_BATCHES = 1


def kernel(logits, val_freqs):
    B, c, H, W = logits.shape
    vf16 = jnp.pad(val_freqs, ((0, 0), (0, LANES - NB)))
    tbl = jnp.tile(vf16, (1, 128 // LANES))
    vf_flat = jnp.pad(val_freqs.reshape(-1), (0, 3))
    nb_tc = B - SC_BATCHES
    sc_in = lax.slice(logits, (nb_tc, 0, 0, 0), (B, c, H, W)).reshape(
        SC_BATCHES, c, H * W
    )
    sc_out = _sc_kernel(sc_in, vf_flat).reshape(SC_BATCHES, c, H, W)
    tc_out = _tc_kernel(logits, tbl, nbatch=nb_tc)
    return lax.dynamic_update_slice(tc_out, sc_out, (nb_tc, 0, 0, 0))

# --- scband reference (transcript-rebuilt; emitter-appended) ---
"""Pipeline reference for scband-histogram-binning-33818572488971 (READ-ONLY COPY).

The authoritative reference and input builder live on the scoring server;
editing this copy changes nothing except your own understanding.
"""

import jax, jax.numpy as jnp
import numpy as np

NUM_PROB_BINS = 15
NUM_CLASSES = 19


def setup_inputs(seed: int = 0) -> dict:
    key = jax.random.key(seed)
    k1, k2 = jax.random.split(key)
    logits = jax.random.normal(k1, (8, NUM_CLASSES, 512, 512), dtype=jnp.float32)
    # calibration table: per-class bin frequencies in [0, 1], stands in for
    # the pickle-loaded classwise_prob_bin_stats 'bin_freqs'
    val_freqs = jax.random.uniform(k2, (NUM_CLASSES, NUM_PROB_BINS), dtype=jnp.float32)
    return {"logits": logits, "val_freqs": val_freqs}


def reference(logits, val_freqs):
    C = NUM_CLASSES
    nb = NUM_PROB_BINS
    # softmax over class dim
    prob = jax.nn.softmax(logits, axis=1)
    # get_bin_per_sample: uniform bins on [0,1] with width 1/nb; clamp the
    # prob==1.0 edge case into the last bin
    bin_width = 1.0 / nb
    bin_idx = jnp.clip(jnp.floor(prob / bin_width).astype(jnp.int32), 0, nb - 1)
    # classwise lookup: calibrated[b,c,h,w] = val_freqs[c, bin_idx[b,c,h,w]]
    class_idx = jnp.arange(C, dtype=jnp.int32).reshape(1, C, 1, 1)
    calibrated = val_freqs[class_idx, bin_idx]
    # normalize=True branch
    s = calibrated.sum(axis=1, keepdims=True)
    s = jnp.where(s == 0, jnp.ones_like(s), s)
    return calibrated / s

if __name__ == "__main__":
    import jax
    _d = setup_inputs()
    print(jax.jit(kernel)(*tuple(_d.values())))

</pallas_src>

<mosaic_0001>
#map = affine_map<(d0, d1) -> (0, 0, 0)>
#map1 = affine_map<(d0, d1) -> (0)>
module attributes {stable_mosaic.version = 14 : i64} {
  func.func @_sc_body(%arg0: i32, %arg1: i32, %arg2: memref<1x19x262144xf32, #tpu.memory_space<hbm>>, %arg3: memref<288xf32, #tpu.memory_space<hbm>>, %arg4: memref<1x19x262144xf32, #tpu.memory_space<hbm>>, %arg5: memref<288xf32, #tpu.memory_space<vmem>>, %arg6: memref<19x1024xf32, #tpu.memory_space<vmem>>, %arg7: memref<19x1024xf32, #tpu.memory_space<vmem>>, %arg8: memref<19x1024xf32, #tpu.memory_space<vmem>>, %arg9: memref<19x1024xf32, #tpu.memory_space<vmem>>, %arg10: memref<!tpu.dma_semaphore, #tpu.memory_space<semaphore_mem>>, %arg11: memref<!tpu.dma_semaphore, #tpu.memory_space<semaphore_mem>>, %arg12: memref<!tpu.dma_semaphore, #tpu.memory_space<semaphore_mem>>, %arg13: memref<!tpu.dma_semaphore, #tpu.memory_space<semaphore_mem>>) attributes {dimension_semantics = [#tpu.dimension_semantics<core_parallel>, #tpu.dimension_semantics<subcore_parallel>], iteration_bounds = array<i64: 2, 16>, scalar_prefetch = 0 : i64, scratch_operands = 9 : i64, tpu.core_type = #tpu.core_type<sc_vector_subcore>, window_params = [{transform_indices = #map}, {transform_indices = #map1}, {transform_indices = #map}]} {
    %mul3A = arith.constant 2 : i32
    %mul3A_0 = arith.muli %arg1, %mul3A : i32
    %add3A = arith.addi %mul3A_0, %arg0 : i32
    %jit3A = arith.constant 32 : i32
    %div3A = arith.divsi %add3A, %jit3A : i32
    %sign3A = arith.constant 0 : i32
    %sign3A_1 = arith.cmpi sgt, %add3A, %sign3A : i32
    %sign3A_2 = arith.extui %sign3A_1 : i1 to i32
    %sign3A_3 = arith.constant 0 : i32
    %sign3A_4 = arith.cmpi slt, %add3A, %sign3A_3 : i32
    %sign3A_5 = arith.extui %sign3A_4 : i1 to i32
    %sign3A_6 = arith.subi %sign3A_2, %sign3A_5 : i32
    %sign3A_7 = arith.constant 0 : i32
    %sign3A_8 = arith.cmpi sgt, %jit3A, %sign3A_7 : i32
    %sign3A_9 = arith.extui %sign3A_8 : i1 to i32
    %sign3A_10 = arith.constant 0 : i32
    %sign3A_11 = arith.cmpi slt, %jit3A, %sign3A_10 : i32
    %sign3A_12 = arith.extui %sign3A_11 : i1 to i32
    %sign3A_13 = arith.subi %sign3A_9, %sign3A_12 : i32
    %ne3A = arith.cmpi ne, %sign3A_6, %sign3A_13 : i32
    %rem3A = arith.remsi %add3A, %jit3A : i32
    %ne3A_14 = arith.constant 0 : i32
    %ne3A_15 = arith.cmpi ne, %rem3A, %ne3A_14 : i32
    %and3A = arith.andi %ne3A, %ne3A_15 : i1
    %sub3A = arith.constant 1 : i32
    %sub3A_16 = arith.subi %div3A, %sub3A : i32
    %select_n3A = arith.select %and3A, %sub3A_16, %div3A : i32
    %jit3A_17 = arith.constant 32 : i32
    %eq3A = arith.constant 0 : i32
    %eq3A_18 = arith.cmpi eq, %jit3A_17, %eq3A : i32
    %jit3A_19 = arith.constant 1 : i32
    %select_n3A_20 = arith.select %eq3A_18, %jit3A_19, %jit3A_17 : i32
    %rem3A_21 = arith.remsi %add3A, %select_n3A_20 : i32
    %ne3A_22 = arith.constant 0 : i32
    %ne3A_23 = arith.cmpi ne, %rem3A_21, %ne3A_22 : i32
    %lt3A = arith.constant 0 : i32
    %lt3A_24 = arith.cmpi slt, %rem3A_21, %lt3A : i32
    %lt3A_25 = arith.constant 0 : i32
    %lt3A_26 = arith.cmpi slt, %select_n3A_20, %lt3A_25 : i32
    %ne3A_27 = arith.xori %lt3A_24, %lt3A_26 : i1
    %and3A_28 = arith.andi %ne3A_27, %ne3A_23 : i1
    %add3A_29 = arith.addi %rem3A_21, %select_n3A_20 : i32
    %select_n3A_30 = arith.select %and3A_28, %add3A_29, %rem3A_21 : i32
    %mul3A_31 = arith.constant 8192 : i32
    %mul3A_32 = arith.muli %select_n3A_30, %mul3A_31 : i32
    "tpu.region"() ({
      %run_scoped3A = tpu.sem_alloc : memref<!tpu.dma_semaphore, #tpu.memory_space<semaphore_mem>>
      tpu.enqueue_dma source(%arg3 : memref<288xf32, #tpu.memory_space<hbm>>) target(%arg5 : memref<288xf32, #tpu.memory_space<vmem>>) target_semaphore(%run_scoped3A : memref<!tpu.dma_semaphore, #tpu.memory_space<semaphore_mem>>)
      tpu.wait_dma2 semaphore(%run_scoped3A : memref<!tpu.dma_semaphore, #tpu.memory_space<semaphore_mem>>) src(%arg3 : memref<288xf32, #tpu.memory_space<hbm>>) dst(%arg5 : memref<288xf32, #tpu.memory_space<vmem>>)
      tpu.yield
    }) : () -> ()
    %add3A_33 = arith.constant 0 : i32
    %add3A_34 = arith.addi %mul3A_32, %add3A_33 : i32
    %dma_start3A = arith.constant 0 : i32
    %dma_start3A_35 = tpu.memref_slice %arg2[%select_n3A, %dma_start3A, %add3A_34] : memref<1x19x262144xf32, #tpu.memory_space<hbm>> -> memref<1x19x1024xf32, #tpu.memory_space<hbm>>
    %dma_start3A_36 = tpu.memref_squeeze %dma_start3A_35 : memref<1x19x1024xf32, #tpu.memory_space<hbm>> -> memref<19x1024xf32, #tpu.memory_space<hbm>>
    %dma_start3A_37 = arith.constant 0 : i32
    %dma_start3A_38 = tpu.memref_slice %arg2[%select_n3A, %dma_start3A_37, %add3A_34] : memref<1x19x262144xf32, #tpu.memory_space<hbm>> -> memref<1x19x1024xf32, #tpu.memory_space<hbm>>
    %dma_start3A_39 = tpu.memref_squeeze %dma_start3A_38 : memref<1x19x1024xf32, #tpu.memory_space<hbm>> -> memref<19x1024xf32, #tpu.memory_space<hbm>>
    tpu.enqueue_dma source(%dma_start3A_39 : memref<19x1024xf32, #tpu.memory_space<hbm>>) target(%arg6 : memref<19x1024xf32, #tpu.memory_space<vmem>>) target_semaphore(%arg10 : memref<!tpu.dma_semaphore, #tpu.memory_space<semaphore_mem>>)
    %scan3A = arith.constant 0 : i32
    %scan3A_40 = arith.constant 0 : i32
    %scan3A_41 = arith.constant 4 : i32
    %scan3A_42 = arith.addi %scan3A_40, %scan3A_41 : i32
    %scan3A_43 = arith.constant 1 : i32
    %scan3A_44 = scf.for %scan3A_61 = %scan3A_40 to %scan3A_42 step %scan3A_43 iter_args(%scan3A_62 = %scan3A) -> (i32)  : i32 {
      %mul3A_63 = arith.constant 2 : i32
      %mul3A_64 = arith.muli %mul3A_63, %scan3A_61 : i32
      %mul3A_65 = arith.constant 2 : i32
      %mul3A_66 = arith.muli %mul3A_65, %scan3A_61 : i32
      %add3A_67 = arith.constant 1 : i32
      %add3A_68 = arith.addi %mul3A_66, %add3A_67 : i32
      %mul3A_69 = arith.constant 1024 : i32
      %mul3A_70 = arith.muli %add3A_68, %mul3A_69 : i32
      %add3A_71 = arith.addi %mul3A_32, %mul3A_70 : i32
      %dma_start3A_72 = arith.constant 0 : i32
      %dma_start3A_73 = tpu.memref_slice %arg2[%select_n3A, %dma_start3A_72, %add3A_71] : memref<1x19x262144xf32, #tpu.memory_space<hbm>> -> memref<1x19x1024xf32, #tpu.memory_space<hbm>>
      %dma_start3A_74 = tpu.memref_squeeze %dma_start3A_73 : memref<1x19x1024xf32, #tpu.memory_space<hbm>> -> memref<19x1024xf32, #tpu.memory_space<hbm>>
      %dma_start3A_75 = arith.constant 0 : i32
      %dma_start3A_76 = tpu.memref_slice %arg2[%select_n3A, %dma_start3A_75, %add3A_71] : memref<1x19x262144xf32, #tpu.memory_space<hbm>> -> memref<1x19x1024xf32, #tpu.memory_space<hbm>>
      %dma_start3A_77 = tpu.memref_squeeze %dma_start3A_76 : memref<1x19x1024xf32, #tpu.memory_space<hbm>> -> memref<19x1024xf32, #tpu.memory_space<hbm>>
      tpu.enqueue_dma source(%dma_start3A_77 : memref<19x1024xf32, #tpu.memory_space<hbm>>) target(%arg7 : memref<19x1024xf32, #tpu.memory_space<vmem>>) target_semaphore(%arg11 : memref<!tpu.dma_semaphore, #tpu.memory_space<semaphore_mem>>)
      %mul3A_78 = arith.constant 1024 : i32
      %mul3A_79 = arith.muli %mul3A_64, %mul3A_78 : i32
      %add3A_80 = arith.addi %mul3A_32, %mul3A_79 : i32
      %dma_wait3A_81 = arith.constant 0 : i32
      %dma_wait3A_82 = tpu.memref_slice %arg2[%select_n3A, %dma_wait3A_81, %add3A_80] : memref<1x19x262144xf32, #tpu.memory_space<hbm>> -> memref<1x19x1024xf32, #tpu.memory_space<hbm>>
      %dma_wait3A_83 = tpu.memref_squeeze %dma_wait3A_82 : memref<1x19x1024xf32, #tpu.memory_space<hbm>> -> memref<19x1024xf32, #tpu.memory_space<hbm>>
      %dma_wait3A_84 = arith.constant 0 : i32
      %dma_wait3A_85 = tpu.memref_slice %arg2[%select_n3A, %dma_wait3A_84, %add3A_80] : memref<1x19x262144xf32, #tpu.memory_space<hbm>> -> memref<1x19x1024xf32, #tpu.memory_space<hbm>>
      %dma_wait3A_86 = tpu.memref_squeeze %dma_wait3A_85 : memref<1x19x1024xf32, #tpu.memory_space<hbm>> -> memref<19x1024xf32, #tpu.memory_space<hbm>>
      tpu.wait_dma2 semaphore(%arg10 : memref<!tpu.dma_semaphore, #tpu.memory_space<semaphore_mem>>) src(%dma_wait3A_86 : memref<19x1024xf32, #tpu.memory_space<hbm>>) dst(%arg6 : memref<19x1024xf32, #tpu.memory_space<vmem>>)
      %gt3A = arith.constant 0 : i32
      %gt3A_87 = arith.cmpi sgt, %scan3A_61, %gt3A : i32
      %convert_element_type3A = arith.extui %gt3A_87 : i1 to i32
      %cond3A = arith.constant 0 : i32
      %cond3A_88 = arith.cmpi ne, %convert_element_type3A, %cond3A : i32
      scf.if %cond3A_88 {
        %mul3A_134 = arith.constant 1024 : i32
        %mul3A_135 = arith.muli %mul3A_64, %mul3A_134 : i32
        %add3A_136 = arith.addi %mul3A_32, %mul3A_135 : i32
        %dma_wait3A_137 = arith.constant 0 : i32
        %dma_wait3A_138 = tpu.memref_slice %arg4[%select_n3A, %dma_wait3A_137, %add3A_136] : memref<1x19x262144xf32, #tpu.memory_space<hbm>> -> memref<1x19x1024xf32, #tpu.memory_space<hbm>>
        %dma_wait3A_139 = tpu.memref_squeeze %dma_wait3A_138 : memref<1x19x1024xf32, #tpu.memory_space<hbm>> -> memref<19x1024xf32, #tpu.memory_space<hbm>>
        %dma_wait3A_140 = arith.constant 0 : i32
        %dma_wait3A_141 = tpu.memref_slice %arg4[%select_n3A, %dma_wait3A_140, %add3A_136] : memref<1x19x262144xf32, #tpu.memory_space<hbm>> -> memref<1x19x1024xf32, #tpu.memory_space<hbm>>
        %dma_wait3A_142 = tpu.memref_squeeze %dma_wait3A_141 : memref<1x19x1024xf32, #tpu.memory_space<hbm>> -> memref<19x1024xf32, #tpu.memory_space<hbm>>
        tpu.wait_dma2 semaphore(%arg12 : memref<!tpu.dma_semaphore, #tpu.memory_space<semaphore_mem>>) src(%arg8 : memref<19x1024xf32, #tpu.memory_space<vmem>>) dst(%dma_wait3A_142 : memref<19x1024xf32, #tpu.memory_space<hbm>>)
      } else {
      }
      %parallel_loop3A = arith.constant 0 : i32
      %parallel_loop3A_89 = arith.constant 64 : i32
      %parallel_loop3A_90 = arith.constant 1 : i32
      scf.for %parallel_loop3A_134 = %parallel_loop3A to %parallel_loop3A_89 step %parallel_loop3A_90  : i32 {
        %parallel_loop3A_135 = arith.constant 16 : i32
        %parallel_loop3A_136 = arith.muli %parallel_loop3A_134, %parallel_loop3A_135 : i32
        %parallel_loop3A_137 = arith.constant 0 : i32
        %parallel_loop3A_138 = arith.index_cast %parallel_loop3A_137 : i32 to index
        %parallel_loop3A_139 = arith.index_cast %parallel_loop3A_136 : i32 to index
        %parallel_loop3A_140 = tpu.vector_load %arg6[%parallel_loop3A_138, %parallel_loop3A_139] {strides = array<i32>} : memref<19x1024xf32, #tpu.memory_space<vmem>>, vector<16xf32>,
        %parallel_loop3A_141 = math.exp %parallel_loop3A_140 : vector<16xf32>
        %parallel_loop3A_142 = arith.constant 1 : i32
        %parallel_loop3A_143 = arith.index_cast %parallel_loop3A_142 : i32 to index
        %parallel_loop3A_144 = arith.index_cast %parallel_loop3A_136 : i32 to index
        %parallel_loop3A_145 = tpu.vector_load %arg6[%parallel_loop3A_143, %parallel_loop3A_144] {strides = array<i32>} : memref<19x1024xf32, #tpu.memory_space<vmem>>, vector<16xf32>,
        %parallel_loop3A_146 = math.exp %parallel_loop3A_145 : vector<16xf32>
        %parallel_loop3A_147 = arith.constant 2 : i32
        %parallel_loop3A_148 = arith.index_cast %parallel_loop3A_147 : i32 to index
        %parallel_loop3A_149 = arith.index_cast %parallel_loop3A_136 : i32 to index
        %parallel_loop3A_150 = tpu.vector_load %arg6[%parallel_loop3A_148, %parallel_loop3A_149] {strides = array<i32>} : memref<19x1024xf32, #tpu.memory_space<vmem>>, vector<16xf32>,
        %parallel_loop3A_151 = math.exp %parallel_loop3A_150 : vector<16xf32>
        %parallel_loop3A_152 = arith.constant 3 : i32
        %parallel_loop3A_153 = arith.index_cast %parallel_loop3A_152 : i32 to index
        %parallel_loop3A_154 = arith.index_cast %parallel_loop3A_136 : i32 to index
        %parallel_loop3A_155 = tpu.vector_load %arg6[%parallel_loop3A_153, %parallel_loop3A_154] {strides = array<i32>} : memref<19x1024xf32, #tpu.memory_space<vmem>>, vector<16xf32>,
        %parallel_loop3A_156 = math.exp %parallel_loop3A_155 : vector<16xf32>
        %parallel_loop3A_157 = arith.constant 4 : i32
        %parallel_loop3A_158 = arith.index_cast %parallel_loop3A_157 : i32 to index
        %parallel_loop3A_159 = arith.index_cast %parallel_loop3A_136 : i32 to index
        %parallel_loop3A_160 = tpu.vector_load %arg6[%parallel_loop3A_158, %parallel_loop3A_159] {strides = array<i32>} : memref<19x1024xf32, #tpu.memory_space<vmem>>, vector<16xf32>,
        %parallel_loop3A_161 = math.exp %parallel_loop3A_160 : vector<16xf32>
        %parallel_loop3A_162 = arith.constant 5 : i32
        %parallel_loop3A_163 = arith.index_cast %parallel_loop3A_162 : i32 to index
        %parallel_loop3A_164 = arith.index_cast %parallel_loop3A_136 : i32 to index
        %parallel_loop3A_165 = tpu.vector_load %arg6[%parallel_loop3A_163, %parallel_loop3A_164] {strides = array<i32>} : memref<19x1024xf32, #tpu.memory_space<vmem>>, vector<16xf32>,
        %parallel_loop3A_166 = math.exp %parallel_loop3A_165 : vector<16xf32>
        %parallel_loop3A_167 = arith.constant 6 : i32
        %parallel_loop3A_168 = arith.index_cast %parallel_loop3A_167 : i32 to index
        %parallel_loop3A_169 = arith.index_cast %parallel_loop3A_136 : i32 to index
        %parallel_loop3A_170 = tpu.vector_load %arg6[%parallel_loop3A_168, %parallel_loop3A_169] {strides = array<i32>} : memref<19x1024xf32, #tpu.memory_space<vmem>>, vector<16xf32>,
        %parallel_loop3A_171 = math.exp %parallel_loop3A_170 : vector<16xf32>
        %parallel_loop3A_172 = arith.constant 7 : i32
        %parallel_loop3A_173 = arith.index_cast %parallel_loop3A_172 : i32 to index
        %parallel_loop3A_174 = arith.index_cast %parallel_loop3A_136 : i32 to index
        %parallel_loop3A_175 = tpu.vector_load %arg6[%parallel_loop3A_173, %parallel_loop3A_174] {strides = array<i32>} : memref<19x1024xf32, #tpu.memory_space<vmem>>, vector<16xf32>,
        %parallel_loop3A_176 = math.exp %parallel_loop3A_175 : vector<16xf32>
        %parallel_loop3A_177 = arith.constant 8 : i32
        %parallel_loop3A_178 = arith.index_cast %parallel_loop3A_177 : i32 to index
        %parallel_loop3A_179 = arith.index_cast %parallel_loop3A_136 : i32 to index
        %parallel_loop3A_180 = tpu.vector_load %arg6[%parallel_loop3A_178, %parallel_loop3A_179] {strides = array<i32>} : memref<19x1024xf32, #tpu.memory_space<vmem>>, vector<16xf32>,
        %parallel_loop3A_181 = math.exp %parallel_loop3A_180 : vector<16xf32>
        %parallel_loop3A_182 = arith.constant 9 : i32
        %parallel_loop3A_183 = arith.index_cast %parallel_loop3A_182 : i32 to index
        %parallel_loop3A_184 = arith.index_cast %parallel_loop3A_136 : i32 to index
        %parallel_loop3A_185 = tpu.vector_load %arg6[%parallel_loop3A_183, %parallel_loop3A_184] {strides = array<i32>} : memref<19x1024xf32, #tpu.memory_space<vmem>>, vector<16xf32>,
        %parallel_loop3A_186 = math.exp %parallel_loop3A_185 : vector<16xf32>
        %parallel_loop3A_187 = arith.constant 10 : i32
        %parallel_loop3A_188 = arith.index_cast %parallel_loop3A_187 : i32 to index
        %parallel_loop3A_189 = arith.index_cast %parallel_loop3A_136 : i32 to index
        %parallel_loop3A_190 = tpu.vector_load %arg6[%parallel_loop3A_188, %parallel_loop3A_189] {strides = array<i32>} : memref<19x1024xf32, #tpu.memory_space<vmem>>, vector<16xf32>,
        %parallel_loop3A_191 = math.exp %parallel_loop3A_190 : vector<16xf32>
        %parallel_loop3A_192 = arith.constant 11 : i32
        %parallel_loop3A_193 = arith.index_cast %parallel_loop3A_192 : i32 to index
        %parallel_loop3A_194 = arith.index_cast %parallel_loop3A_136 : i32 to index
        %parallel_loop3A_195 = tpu.vector_load %arg6[%parallel_loop3A_193, %parallel_loop3A_194] {strides = array<i32>} : memref<19x1024xf32, #tpu.memory_space<vmem>>, vector<16xf32>,
        %parallel_loop3A_196 = math.exp %parallel_loop3A_195 : vector<16xf32>
        %parallel_loop3A_197 = arith.constant 12 : i32
        %parallel_loop3A_198 = arith.index_cast %parallel_loop3A_197 : i32 to index
        %parallel_loop3A_199 = arith.index_cast %parallel_loop3A_136 : i32 to index
        %parallel_loop3A_200 = tpu.vector_load %arg6[%parallel_loop3A_198, %parallel_loop3A_199] {strides = array<i32>} : memref<19x1024xf32, #tpu.memory_space<vmem>>, vector<16xf32>,
        %parallel_loop3A_201 = math.exp %parallel_loop3A_200 : vector<16xf32>
        %parallel_loop3A_202 = arith.constant 13 : i32
        %parallel_loop3A_203 = arith.index_cast %parallel_loop3A_202 : i32 to index
        %parallel_loop3A_204 = arith.index_cast %parallel_loop3A_136 : i32 to index
        %parallel_loop3A_205 = tpu.vector_load %arg6[%parallel_loop3A_203, %parallel_loop3A_204] {strides = array<i32>} : memref<19x1024xf32, #tpu.memory_space<vmem>>, vector<16xf32>,
        %parallel_loop3A_206 = math.exp %parallel_loop3A_205 : vector<16xf32>
        %parallel_loop3A_207 = arith.constant 14 : i32
        %parallel_loop3A_208 = arith.index_cast %parallel_loop3A_207 : i32 to index
        %parallel_loop3A_209 = arith.index_cast %parallel_loop3A_136 : i32 to index
        %parallel_loop3A_210 = tpu.vector_load %arg6[%parallel_loop3A_208, %parallel_loop3A_209] {strides = array<i32>} : memref<19x1024xf32, #tpu.memory_space<vmem>>, vector<16xf32>,
        %parallel_loop3A_211 = math.exp %parallel_loop3A_210 : vector<16xf32>
        %parallel_loop3A_212 = arith.constant 15 : i32
        %parallel_loop3A_213 = arith.index_cast %parallel_loop3A_212 : i32 to index
        %parallel_loop3A_214 = arith.index_cast %parallel_loop3A_136 : i32 to index
        %parallel_loop3A_215 = tpu.vector_load %arg6[%parallel_loop3A_213, %parallel_loop3A_214] {strides = array<i32>} : memref<19x1024xf32, #tpu.memory_space<vmem>>, vector<16xf32>,
        %parallel_loop3A_216 = math.exp %parallel_loop3A_215 : vector<16xf32>
        %parallel_loop3A_217 = arith.constant 16 : i32
        %parallel_loop3A_218 = arith.index_cast %parallel_loop3A_217 : i32 to index
        %parallel_loop3A_219 = arith.index_cast %parallel_loop3A_136 : i32 to index
        %parallel_loop3A_220 = tpu.vector_load %arg6[%parallel_loop3A_218, %parallel_loop3A_219] {strides = array<i32>} : memref<19x1024xf32, #tpu.memory_space<vmem>>, vector<16xf32>,
        %parallel_loop3A_221 = math.exp %parallel_loop3A_220 : vector<16xf32>
        %parallel_loop3A_222 = arith.constant 17 : i32
        %parallel_loop3A_223 = arith.index_cast %parallel_loop3A_222 : i32 to index
        %parallel_loop3A_224 = arith.index_cast %parallel_loop3A_136 : i32 to index
        %parallel_loop3A_225 = tpu.vector_load %arg6[%parallel_loop3A_223, %parallel_loop3A_224] {strides = array<i32>} : memref<19x1024xf32, #tpu.memory_space<vmem>>, vector<16xf32>,
        %parallel_loop3A_226 = math.exp %parallel_loop3A_225 : vector<16xf32>
        %parallel_loop3A_227 = arith.constant 18 : i32
        %parallel_loop3A_228 = arith.index_cast %parallel_loop3A_227 : i32 to index
        %parallel_loop3A_229 = arith.index_cast %parallel_loop3A_136 : i32 to index
        %parallel_loop3A_230 = tpu.vector_load %arg6[%parallel_loop3A_228, %parallel_loop3A_229] {strides = array<i32>} : memref<19x1024xf32, #tpu.memory_space<vmem>>, vector<16xf32>,
        %parallel_loop3A_231 = math.exp %parallel_loop3A_230 : vector<16xf32>
        %parallel_loop3A_232 = arith.addf %parallel_loop3A_141, %parallel_loop3A_146 : vector<16xf32>
        %parallel_loop3A_233 = arith.addf %parallel_loop3A_232, %parallel_loop3A_151 : vector<16xf32>
        %parallel_loop3A_234 = arith.addf %parallel_loop3A_233, %parallel_loop3A_156 : vector<16xf32>
        %parallel_loop3A_235 = arith.addf %parallel_loop3A_234, %parallel_loop3A_161 : vector<16xf32>
        %parallel_loop3A_236 = arith.addf %parallel_loop3A_235, %parallel_loop3A_166 : vector<16xf32>
        %parallel_loop3A_237 = arith.addf %parallel_loop3A_236, %parallel_loop3A_171 : vector<16xf32>
        %parallel_loop3A_238 = arith.addf %parallel_loop3A_237, %parallel_loop3A_176 : vector<16xf32>
        %parallel_loop3A_239 = arith.addf %parallel_loop3A_238, %parallel_loop3A_181 : vector<16xf32>
        %parallel_loop3A_240 = arith.addf %parallel_loop3A_239, %parallel_loop3A_186 : vector<16xf32>
        %parallel_loop3A_241 = arith.addf %parallel_loop3A_240, %parallel_loop3A_191 : vector<16xf32>
        %parallel_loop3A_242 = arith.addf %parallel_loop3A_241, %parallel_loop3A_196 : vector<16xf32>
        %parallel_loop3A_243 = arith.addf %parallel_loop3A_242, %parallel_loop3A_201 : vector<16xf32>
        %parallel_loop3A_244 = arith.addf %parallel_loop3A_243, %parallel_loop3A_206 : vector<16xf32>
        %parallel_loop3A_245 = arith.addf %parallel_loop3A_244, %parallel_loop3A_211 : vector<16xf32>
        %parallel_loop3A_246 = arith.addf %parallel_loop3A_245, %parallel_loop3A_216 : vector<16xf32>
        %parallel_loop3A_247 = arith.addf %parallel_loop3A_246, %parallel_loop3A_221 : vector<16xf32>
        %parallel_loop3A_248 = arith.addf %parallel_loop3A_247, %parallel_loop3A_226 : vector<16xf32>
        %parallel_loop3A_249 = arith.addf %parallel_loop3A_248, %parallel_loop3A_231 : vector<16xf32>
        %parallel_loop3A_250 = arith.constant 1.500000e+01 : f32
        %parallel_loop3A_251 = vector.broadcast %parallel_loop3A_250 : f32 to vector<16xf32>
        %parallel_loop3A_252 = arith.divf %parallel_loop3A_251, %parallel_loop3A_249 : vector<16xf32>
        %parallel_loop3A_253 = arith.mulf %parallel_loop3A_141, %parallel_loop3A_252 : vector<16xf32>
        %parallel_loop3A_254 = arith.fptosi %parallel_loop3A_253 : vector<16xf32> to vector<16xi32>
        %parallel_loop3A_255 = arith.constant 14 : i32
        %parallel_loop3A_256 = vector.broadcast %parallel_loop3A_255 : i32 to vector<16xi32>
        %parallel_loop3A_257 = arith.minsi %parallel_loop3A_254, %parallel_loop3A_256 : vector<16xi32>
        %parallel_loop3A_258 = arith.constant 0 : i32
        %parallel_loop3A_259 = vector.broadcast %parallel_loop3A_258 : i32 to vector<16xi32>
        %parallel_loop3A_260 = arith.addi %parallel_loop3A_257, %parallel_loop3A_259 : vector<16xi32>
        %parallel_loop3A_261 = tpu.vector_load_idx %arg5[%parallel_loop3A_260] : memref<288xf32, #tpu.memory_space<vmem>>[vector<16xi32>], vector<16xf32>,
        %parallel_loop3A_262 = arith.mulf %parallel_loop3A_146, %parallel_loop3A_252 : vector<16xf32>
        %parallel_loop3A_263 = arith.fptosi %parallel_loop3A_262 : vector<16xf32> to vector<16xi32>
        %parallel_loop3A_264 = arith.constant 14 : i32
        %parallel_loop3A_265 = vector.broadcast %parallel_loop3A_264 : i32 to vector<16xi32>
        %parallel_loop3A_266 = arith.minsi %parallel_loop3A_263, %parallel_loop3A_265 : vector<16xi32>
        %parallel_loop3A_267 = arith.constant 15 : i32
        %parallel_loop3A_268 = vector.broadcast %parallel_loop3A_267 : i32 to vector<16xi32>
        %parallel_loop3A_269 = arith.addi %parallel_loop3A_266, %parallel_loop3A_268 : vector<16xi32>
        %parallel_loop3A_270 = tpu.vector_load_idx %arg5[%parallel_loop3A_269] : memref<288xf32, #tpu.memory_space<vmem>>[vector<16xi32>], vector<16xf32>,
        %parallel_loop3A_271 = arith.addf %parallel_loop3A_261, %parallel_loop3A_270 : vector<16xf32>
        %parallel_loop3A_272 = arith.mulf %parallel_loop3A_151, %parallel_loop3A_252 : vector<16xf32>
        %parallel_loop3A_273 = arith.fptosi %parallel_loop3A_272 : vector<16xf32> to vector<16xi32>
        %parallel_loop3A_274 = arith.constant 14 : i32
        %parallel_loop3A_275 = vector.broadcast %parallel_loop3A_274 : i32 to vector<16xi32>
        %parallel_loop3A_276 = arith.minsi %parallel_loop3A_273, %parallel_loop3A_275 : vector<16xi32>
        %parallel_loop3A_277 = arith.constant 30 : i32
        %parallel_loop3A_278 = vector.broadcast %parallel_loop3A_277 : i32 to vector<16xi32>
        %parallel_loop3A_279 = arith.addi %parallel_loop3A_276, %parallel_loop3A_278 : vector<16xi32>
        %parallel_loop3A_280 = tpu.vector_load_idx %arg5[%parallel_loop3A_279] : memref<288xf32, #tpu.memory_space<vmem>>[vector<16xi32>], vector<16xf32>,
        %parallel_loop3A_281 = arith.addf %parallel_loop3A_271, %parallel_loop3A_280 : vector<16xf32>
        %parallel_loop3A_282 = arith.mulf %parallel_loop3A_156, %parallel_loop3A_252 : vector<16xf32>
        %parallel_loop3A_283 = arith.fptosi %parallel_loop3A_282 : vector<16xf32> to vector<16xi32>
        %parallel_loop3A_284 = arith.constant 14 : i32
        %parallel_loop3A_285 = vector.broadcast %parallel_loop3A_284 : i32 to vector<16xi32>
        %parallel_loop3A_286 = arith.minsi %parallel_loop3A_283, %parallel_loop3A_285 : vector<16xi32>
        %parallel_loop3A_287 = arith.constant 45 : i32
        %parallel_loop3A_288 = vector.broadcast %parallel_loop3A_287 : i32 to vector<16xi32>
        %parallel_loop3A_289 = arith.addi %parallel_loop3A_286, %parallel_loop3A_288 : vector<16xi32>
        %parallel_loop3A_290 = tpu.vector_load_idx %arg5[%parallel_loop3A_289] : memref<288xf32, #tpu.memory_space<vmem>>[vector<16xi32>], vector<16xf32>,
        %parallel_loop3A_291 = arith.addf %parallel_loop3A_281, %parallel_loop3A_290 : vector<16xf32>
        %parallel_loop3A_292 = arith.mulf %parallel_loop3A_161, %parallel_loop3A_252 : vector<16xf32>
        %parallel_loop3A_293 = arith.fptosi %parallel_loop3A_292 : vector<16xf32> to vector<16xi32>
        %parallel_loop3A_294 = arith.constant 14 : i32
        %parallel_loop3A_295 = vector.broadcast %parallel_loop3A_294 : i32 to vector<16xi32>
        %parallel_loop3A_296 = arith.minsi %parallel_loop3A_293, %parallel_loop3A_295 : vector<16xi32>
        %parallel_loop3A_297 = arith.constant 60 : i32
        %parallel_loop3A_298 = vector.broadcast %parallel_loop3A_297 : i32 to vector<16xi32>
        %parallel_loop3A_299 = arith.addi %parallel_loop3A_296, %parallel_loop3A_298 : vector<16xi32>
        %parallel_loop3A_300 = tpu.vector_load_idx %arg5[%parallel_loop3A_299] : memref<288xf32, #tpu.memory_space<vmem>>[vector<16xi32>], vector<16xf32>,
        %parallel_loop3A_301 = arith.addf %parallel_loop3A_291, %parallel_loop3A_300 : vector<16xf32>
        %parallel_loop3A_302 = arith.mulf %parallel_loop3A_166, %parallel_loop3A_252 : vector<16xf32>
        %parallel_loop3A_303 = arith.fptosi %parallel_loop3A_302 : vector<16xf32> to vector<16xi32>
        %parallel_loop3A_304 = arith.constant 14 : i32
        %parallel_loop3A_305 = vector.broadcast %parallel_loop3A_304 : i32 to vector<16xi32>
        %parallel_loop3A_306 = arith.minsi %parallel_loop3A_303, %parallel_loop3A_305 : vector<16xi32>
        %parallel_loop3A_307 = arith.constant 75 : i32
        %parallel_loop3A_308 = vector.broadcast %parallel_loop3A_307 : i32 to vector<16xi32>
        %parallel_loop3A_309 = arith.addi %parallel_loop3A_306, %parallel_loop3A_308 : vector<16xi32>
        %parallel_loop3A_310 = tpu.vector_load_idx %arg5[%parallel_loop3A_309] : memref<288xf32, #tpu.memory_space<vmem>>[vector<16xi32>], vector<16xf32>,
        %parallel_loop3A_311 = arith.addf %parallel_loop3A_301, %parallel_loop3A_310 : vector<16xf32>
        %parallel_loop3A_312 = arith.mulf %parallel_loop3A_171, %parallel_loop3A_252 : vector<16xf32>
        %parallel_loop3A_313 = arith.fptosi %parallel_loop3A_312 : vector<16xf32> to vector<16xi32>
        %parallel_loop3A_314 = arith.constant 14 : i32
        %parallel_loop3A_315 = vector.broadcast %parallel_loop3A_314 : i32 to vector<16xi32>
        %parallel_loop3A_316 = arith.minsi %parallel_loop3A_313, %parallel_loop3A_315 : vector<16xi32>
        %parallel_loop3A_317 = arith.constant 90 : i32
        %parallel_loop3A_318 = vector.broadcast %parallel_loop3A_317 : i32 to vector<16xi32>
        %parallel_loop3A_319 = arith.addi %parallel_loop3A_316, %parallel_loop3A_318 : vector<16xi32>
        %parallel_loop3A_320 = tpu.vector_load_idx %arg5[%parallel_loop3A_319] : memref<288xf32, #tpu.memory_space<vmem>>[vector<16xi32>], vector<16xf32>,
        %parallel_loop3A_321 = arith.addf %parallel_loop3A_311, %parallel_loop3A_320 : vector<16xf32>
        %parallel_loop3A_322 = arith.mulf %parallel_loop3A_176, %parallel_loop3A_252 : vector<16xf32>
        %parallel_loop3A_323 = arith.fptosi %parallel_loop3A_322 : vector<16xf32> to vector<16xi32>
        %parallel_loop3A_324 = arith.constant 14 : i32
        %parallel_loop3A_325 = vector.broadcast %parallel_loop3A_324 : i32 to vector<16xi32>
        %parallel_loop3A_326 = arith.minsi %parallel_loop3A_323, %parallel_loop3A_325 : vector<16xi32>
        %parallel_loop3A_327 = arith.constant 105 : i32
        %parallel_loop3A_328 = vector.broadcast %parallel_loop3A_327 : i32 to vector<16xi32>
        %parallel_loop3A_329 = arith.addi %parallel_loop3A_326, %parallel_loop3A_328 : vector<16xi32>
        %parallel_loop3A_330 = tpu.vector_load_idx %arg5[%parallel_loop3A_329] : memref<288xf32, #tpu.memory_space<vmem>>[vector<16xi32>], vector<16xf32>,
        %parallel_loop3A_331 = arith.addf %parallel_loop3A_321, %parallel_loop3A_330 : vector<16xf32>
        %parallel_loop3A_332 = arith.mulf %parallel_loop3A_181, %parallel_loop3A_252 : vector<16xf32>
        %parallel_loop3A_333 = arith.fptosi %parallel_loop3A_332 : vector<16xf32> to vector<16xi32>
        %parallel_loop3A_334 = arith.constant 14 : i32
        %parallel_loop3A_335 = vector.broadcast %parallel_loop3A_334 : i32 to vector<16xi32>
        %parallel_loop3A_336 = arith.minsi %parallel_loop3A_333, %parallel_loop3A_335 : vector<16xi32>
        %parallel_loop3A_337 = arith.constant 120 : i32
        %parallel_loop3A_338 = vector.broadcast %parallel_loop3A_337 : i32 to vector<16xi32>
        %parallel_loop3A_339 = arith.addi %parallel_loop3A_336, %parallel_loop3A_338 : vector<16xi32>
        %parallel_loop3A_340 = tpu.vector_load_idx %arg5[%parallel_loop3A_339] : memref<288xf32, #tpu.memory_space<vmem>>[vector<16xi32>], vector<16xf32>,
        %parallel_loop3A_341 = arith.addf %parallel_loop3A_331, %parallel_loop3A_340 : vector<16xf32>
        %parallel_loop3A_342 = arith.mulf %parallel_loop3A_186, %parallel_loop3A_252 : vector<16xf32>
        %parallel_loop3A_343 = arith.fptosi %parallel_loop3A_342 : vector<16xf32> to vector<16xi32>
        %parallel_loop3A_344 = arith.constant 14 : i32
        %parallel_loop3A_345 = vector.broadcast %parallel_loop3A_344 : i32 to vector<16xi32>
        %parallel_loop3A_346 = arith.minsi %parallel_loop3A_343, %parallel_loop3A_345 : vector<16xi32>
        %parallel_loop3A_347 = arith.constant 135 : i32
        %parallel_loop3A_348 = vector.broadcast %parallel_loop3A_347 : i32 to vector<16xi32>
        %parallel_loop3A_349 = arith.addi %parallel_loop3A_346, %parallel_loop3A_348 : vector<16xi32>
        %parallel_loop3A_350 = tpu.vector_load_idx %arg5[%parallel_loop3A_349] : memref<288xf32, #tpu.memory_space<vmem>>[vector<16xi32>], vector<16xf32>,
        %parallel_loop3A_351 = arith.addf %parallel_loop3A_341, %parallel_loop3A_350 : vector<16xf32>
        %parallel_loop3A_352 = arith.mulf %parallel_loop3A_191, %parallel_loop3A_252 : vector<16xf32>
        %parallel_loop3A_353 = arith.fptosi %parallel_loop3A_352 : vector<16xf32> to vector<16xi32>
        %parallel_loop3A_354 = arith.constant 14 : i32
        %parallel_loop3A_355 = vector.broadcast %parallel_loop3A_354 : i32 to vector<16xi32>
        %parallel_loop3A_356 = arith.minsi %parallel_loop3A_353, %parallel_loop3A_355 : vector<16xi32>
        %parallel_loop3A_357 = arith.constant 150 : i32
        %parallel_loop3A_358 = vector.broadcast %parallel_loop3A_357 : i32 to vector<16xi32>
        %parallel_loop3A_359 = arith.addi %parallel_loop3A_356, %parallel_loop3A_358 : vector<16xi32>
        %parallel_loop3A_360 = tpu.vector_load_idx %arg5[%parallel_loop3A_359] : memref<288xf32, #tpu.memory_space<vmem>>[vector<16xi32>], vector<16xf32>,
        %parallel_loop3A_361 = arith.addf %parallel_loop3A_351, %parallel_loop3A_360 : vector<16xf32>
        %parallel_loop3A_362 = arith.mulf %parallel_loop3A_196, %parallel_loop3A_252 : vector<16xf32>
        %parallel_loop3A_363 = arith.fptosi %parallel_loop3A_362 : vector<16xf32> to vector<16xi32>
        %parallel_loop3A_364 = arith.constant 14 : i32
        %parallel_loop3A_365 = vector.broadcast %parallel_loop3A_364 : i32 to vector<16xi32>
        %parallel_loop3A_366 = arith.minsi %parallel_loop3A_363, %parallel_loop3A_365 : vector<16xi32>
        %parallel_loop3A_367 = arith.constant 165 : i32
        %parallel_loop3A_368 = vector.broadcast %parallel_loop3A_367 : i32 to vector<16xi32>
        %parallel_loop3A_369 = arith.addi %parallel_loop3A_366, %parallel_loop3A_368 : vector<16xi32>
        %parallel_loop3A_370 = tpu.vector_load_idx %arg5[%parallel_loop3A_369] : memref<288xf32, #tpu.memory_space<vmem>>[vector<16xi32>], vector<16xf32>,
        %parallel_loop3A_371 = arith.addf %parallel_loop3A_361, %parallel_loop3A_370 : vector<16xf32>
        %parallel_loop3A_372 = arith.mulf %parallel_loop3A_201, %parallel_loop3A_252 : vector<16xf32>
        %parallel_loop3A_373 = arith.fptosi %parallel_loop3A_372 : vector<16xf32> to vector<16xi32>
        %parallel_loop3A_374 = arith.constant 14 : i32
        %parallel_loop3A_375 = vector.broadcast %parallel_loop3A_374 : i32 to vector<16xi32>
        %parallel_loop3A_376 = arith.minsi %parallel_loop3A_373, %parallel_loop3A_375 : vector<16xi32>
        %parallel_loop3A_377 = arith.constant 180 : i32
        %parallel_loop3A_378 = vector.broadcast %parallel_loop3A_377 : i32 to vector<16xi32>
        %parallel_loop3A_379 = arith.addi %parallel_loop3A_376, %parallel_loop3A_378 : vector<16xi32>
        %parallel_loop3A_380 = tpu.vector_load_idx %arg5[%parallel_loop3A_379] : memref<288xf32, #tpu.memory_space<vmem>>[vector<16xi32>], vector<16xf32>,
        %parallel_loop3A_381 = arith.addf %parallel_loop3A_371, %parallel_loop3A_380 : vector<16xf32>
        %parallel_loop3A_382 = arith.mulf %parallel_loop3A_206, %parallel_loop3A_252 : vector<16xf32>
        %parallel_loop3A_383 = arith.fptosi %parallel_loop3A_382 : vector<16xf32> to vector<16xi32>
        %parallel_loop3A_384 = arith.constant 14 : i32
        %parallel_loop3A_385 = vector.broadcast %parallel_loop3A_384 : i32 to vector<16xi32>
        %parallel_loop3A_386 = arith.minsi %parallel_loop3A_383, %parallel_loop3A_385 : vector<16xi32>
        %parallel_loop3A_387 = arith.constant 195 : i32
        %parallel_loop3A_388 = vector.broadcast %parallel_loop3A_387 : i32 to vector<16xi32>
        %parallel_loop3A_389 = arith.addi %parallel_loop3A_386, %parallel_loop3A_388 : vector<16xi32>
        %parallel_loop3A_390 = tpu.vector_load_idx %arg5[%parallel_loop3A_389] : memref<288xf32, #tpu.memory_space<vmem>>[vector<16xi32>], vector<16xf32>,
        %parallel_loop3A_391 = arith.addf %parallel_loop3A_381, %parallel_loop3A_390 : vector<16xf32>
        %parallel_loop3A_392 = arith.mulf %parallel_loop3A_211, %parallel_loop3A_252 : vector<16xf32>
        %parallel_loop3A_393 = arith.fptosi %parallel_loop3A_392 : vector<16xf32> to vector<16xi32>
        %parallel_loop3A_394 = arith.constant 14 : i32
        %parallel_loop3A_395 = vector.broadcast %parallel_loop3A_394 : i32 to vector<16xi32>
        %parallel_loop3A_396 = arith.minsi %parallel_loop3A_393, %parallel_loop3A_395 : vector<16xi32>
        %parallel_loop3A_397 = arith.constant 210 : i32
        %parallel_loop3A_398 = vector.broadcast %parallel_loop3A_397 : i32 to vector<16xi32>
        %parallel_loop3A_399 = arith.addi %parallel_loop3A_396, %parallel_loop3A_398 : vector<16xi32>
        %parallel_loop3A_400 = tpu.vector_load_idx %arg5[%parallel_loop3A_399] : memref<288xf32, #tpu.memory_space<vmem>>[vector<16xi32>], vector<16xf32>,
        %parallel_loop3A_401 = arith.addf %parallel_loop3A_391, %parallel_loop3A_400 : vector<16xf32>
        %parallel_loop3A_402 = arith.mulf %parallel_loop3A_216, %parallel_loop3A_252 : vector<16xf32>
        %parallel_loop3A_403 = arith.fptosi %parallel_loop3A_402 : vector<16xf32> to vector<16xi32>
        %parallel_loop3A_404 = arith.constant 14 : i32
        %parallel_loop3A_405 = vector.broadcast %parallel_loop3A_404 : i32 to vector<16xi32>
        %parallel_loop3A_406 = arith.minsi %parallel_loop3A_403, %parallel_loop3A_405 : vector<16xi32>
        %parallel_loop3A_407 = arith.constant 225 : i32
        %parallel_loop3A_408 = vector.broadcast %parallel_loop3A_407 : i32 to vector<16xi32>
        %parallel_loop3A_409 = arith.addi %parallel_loop3A_406, %parallel_loop3A_408 : vector<16xi32>
        %parallel_loop3A_410 = tpu.vector_load_idx %arg5[%parallel_loop3A_409] : memref<288xf32, #tpu.memory_space<vmem>>[vector<16xi32>], vector<16xf32>,
        %parallel_loop3A_411 = arith.addf %parallel_loop3A_401, %parallel_loop3A_410 : vector<16xf32>
        %parallel_loop3A_412 = arith.mulf %parallel_loop3A_221, %parallel_loop3A_252 : vector<16xf32>
        %parallel_loop3A_413 = arith.fptosi %parallel_loop3A_412 : vector<16xf32> to vector<16xi32>
        %parallel_loop3A_414 = arith.constant 14 : i32
        %parallel_loop3A_415 = vector.broadcast %parallel_loop3A_414 : i32 to vector<16xi32>
        %parallel_loop3A_416 = arith.minsi %parallel_loop3A_413, %parallel_loop3A_415 : vector<16xi32>
        %parallel_loop3A_417 = arith.constant 240 : i32
        %parallel_loop3A_418 = vector.broadcast %parallel_loop3A_417 : i32 to vector<16xi32>
        %parallel_loop3A_419 = arith.addi %parallel_loop3A_416, %parallel_loop3A_418 : vector<16xi32>
        %parallel_loop3A_420 = tpu.vector_load_idx %arg5[%parallel_loop3A_419] : memref<288xf32, #tpu.memory_space<vmem>>[vector<16xi32>], vector<16xf32>,
        %parallel_loop3A_421 = arith.addf %parallel_loop3A_411, %parallel_loop3A_420 : vector<16xf32>
        %parallel_loop3A_422 = arith.mulf %parallel_loop3A_226, %parallel_loop3A_252 : vector<16xf32>
        %parallel_loop3A_423 = arith.fptosi %parallel_loop3A_422 : vector<16xf32> to vector<16xi32>
        %parallel_loop3A_424 = arith.constant 14 : i32
        %parallel_loop3A_425 = vector.broadcast %parallel_loop3A_424 : i32 to vector<16xi32>
        %parallel_loop3A_426 = arith.minsi %parallel_loop3A_423, %parallel_loop3A_425 : vector<16xi32>
        %parallel_loop3A_427 = arith.constant 255 : i32
        %parallel_loop3A_428 = vector.broadcast %parallel_loop3A_427 : i32 to vector<16xi32>
        %parallel_loop3A_429 = arith.addi %parallel_loop3A_426, %parallel_loop3A_428 : vector<16xi32>
        %parallel_loop3A_430 = tpu.vector_load_idx %arg5[%parallel_loop3A_429] : memref<288xf32, #tpu.memory_space<vmem>>[vector<16xi32>], vector<16xf32>,
        %parallel_loop3A_431 = arith.addf %parallel_loop3A_421, %parallel_loop3A_430 : vector<16xf32>
        %parallel_loop3A_432 = arith.mulf %parallel_loop3A_231, %parallel_loop3A_252 : vector<16xf32>
        %parallel_loop3A_433 = arith.fptosi %parallel_loop3A_432 : vector<16xf32> to vector<16xi32>
        %parallel_loop3A_434 = arith.constant 14 : i32
        %parallel_loop3A_435 = vector.broadcast %parallel_loop3A_434 : i32 to vector<16xi32>
        %parallel_loop3A_436 = arith.minsi %parallel_loop3A_433, %parallel_loop3A_435 : vector<16xi32>
        %parallel_loop3A_437 = arith.constant 270 : i32
        %parallel_loop3A_438 = vector.broadcast %parallel_loop3A_437 : i32 to vector<16xi32>
        %parallel_loop3A_439 = arith.addi %parallel_loop3A_436, %parallel_loop3A_438 : vector<16xi32>
        %parallel_loop3A_440 = tpu.vector_load_idx %arg5[%parallel_loop3A_439] : memref<288xf32, #tpu.memory_space<vmem>>[vector<16xi32>], vector<16xf32>,
        %parallel_loop3A_441 = arith.addf %parallel_loop3A_431, %parallel_loop3A_440 : vector<16xf32>
        %parallel_loop3A_442 = arith.constant 0.000000e+00 : f32
        %parallel_loop3A_443 = vector.broadcast %parallel_loop3A_442 : f32 to vector<16xf32>
        %parallel_loop3A_444 = arith.cmpf oeq, %parallel_loop3A_441, %parallel_loop3A_443 : vector<16xf32>
        %parallel_loop3A_445 = arith.constant 1.000000e+00 : f32
        %parallel_loop3A_446 = vector.broadcast %parallel_loop3A_445 : f32 to vector<16xf32>
        %parallel_loop3A_447 = arith.select %parallel_loop3A_444, %parallel_loop3A_446, %parallel_loop3A_441 : vector<16xi1>, vector<16xf32>
        %parallel_loop3A_448 = arith.constant 1.000000e+00 : f32
        %parallel_loop3A_449 = vector.broadcast %parallel_loop3A_448 : f32 to vector<16xf32>
        %parallel_loop3A_450 = arith.divf %parallel_loop3A_449, %parallel_loop3A_447 : vector<16xf32>
        %parallel_loop3A_451 = arith.mulf %parallel_loop3A_261, %parallel_loop3A_450 : vector<16xf32>
        %parallel_loop3A_452 = arith.constant 0 : i32
        %parallel_loop3A_453 = arith.index_cast %parallel_loop3A_452 : i32 to index
        %parallel_loop3A_454 = arith.index_cast %parallel_loop3A_136 : i32 to index
        %parallel_loop3A_455 = tpu.vector_load %arg8[%parallel_loop3A_453, %parallel_loop3A_454] {strides = array<i32>} : memref<19x1024xf32, #tpu.memory_space<vmem>>, vector<16xf32>,
        tpu.vector_store %arg8[%parallel_loop3A_453, %parallel_loop3A_454], %parallel_loop3A_451 {strides = array<i32>} : memref<19x1024xf32, #tpu.memory_space<vmem>>, vector<16xf32>,
        %parallel_loop3A_456 = arith.mulf %parallel_loop3A_270, %parallel_loop3A_450 : vector<16xf32>
        %parallel_loop3A_457 = arith.constant 1 : i32
        %parallel_loop3A_458 = arith.index_cast %parallel_loop3A_457 : i32 to index
        %parallel_loop3A_459 = arith.index_cast %parallel_loop3A_136 : i32 to index
        %parallel_loop3A_460 = tpu.vector_load %arg8[%parallel_loop3A_458, %parallel_loop3A_459] {strides = array<i32>} : memref<19x1024xf32, #tpu.memory_space<vmem>>, vector<16xf32>,
        tpu.vector_store %arg8[%parallel_loop3A_458, %parallel_loop3A_459], %parallel_loop3A_456 {strides = array<i32>} : memref<19x1024xf32, #tpu.memory_space<vmem>>, vector<16xf32>,
        %parallel_loop3A_461 = arith.mulf %parallel_loop3A_280, %parallel_loop3A_450 : vector<16xf32>
        %parallel_loop3A_462 = arith.constant 2 : i32
        %parallel_loop3A_463 = arith.index_cast %parallel_loop3A_462 : i32 to index
        %parallel_loop3A_464 = arith.index_cast %parallel_loop3A_136 : i32 to index
        %parallel_loop3A_465 = tpu.vector_load %arg8[%parallel_loop3A_463, %parallel_loop3A_464] {strides = array<i32>} : memref<19x1024xf32, #tpu.memory_space<vmem>>, vector<16xf32>,
        tpu.vector_store %arg8[%parallel_loop3A_463, %parallel_loop3A_464], %parallel_loop3A_461 {strides = array<i32>} : memref<19x1024xf32, #tpu.memory_space<vmem>>, vector<16xf32>,
        %parallel_loop3A_466 = arith.mulf %parallel_loop3A_290, %parallel_loop3A_450 : vector<16xf32>
        %parallel_loop3A_467 = arith.constant 3 : i32
        %parallel_loop3A_468 = arith.index_cast %parallel_loop3A_467 : i32 to index
        %parallel_loop3A_469 = arith.index_cast %parallel_loop3A_136 : i32 to index
        %parallel_loop3A_470 = tpu.vector_load %arg8[%parallel_loop3A_468, %parallel_loop3A_469] {strides = array<i32>} : memref<19x1024xf32, #tpu.memory_space<vmem>>, vector<16xf32>,
        tpu.vector_store %arg8[%parallel_loop3A_468, %parallel_loop3A_469], %parallel_loop3A_466 {strides = array<i32>} : memref<19x1024xf32, #tpu.memory_space<vmem>>, vector<16xf32>,
        %parallel_loop3A_471 = arith.mulf %parallel_loop3A_300, %parallel_loop3A_450 : vector<16xf32>
        %parallel_loop3A_472 = arith.constant 4 : i32
        %parallel_loop3A_473 = arith.index_cast %parallel_loop3A_472 : i32 to index
        %parallel_loop3A_474 = arith.index_cast %parallel_loop3A_136 : i32 to index
        %parallel_loop3A_475 = tpu.vector_load %arg8[%parallel_loop3A_473, %parallel_loop3A_474] {strides = array<i32>} : memref<19x1024xf32, #tpu.memory_space<vmem>>, vector<16xf32>,
        tpu.vector_store %arg8[%parallel_loop3A_473, %parallel_loop3A_474], %parallel_loop3A_471 {strides = array<i32>} : memref<19x1024xf32, #tpu.memory_space<vmem>>, vector<16xf32>,
        %parallel_loop3A_476 = arith.mulf %parallel_loop3A_310, %parallel_loop3A_450 : vector<16xf32>
        %parallel_loop3A_477 = arith.constant 5 : i32
        %parallel_loop3A_478 = arith.index_cast %parallel_loop3A_477 : i32 to index
        %parallel_loop3A_479 = arith.index_cast %parallel_loop3A_136 : i32 to index
        %parallel_loop3A_480 = tpu.vector_load %arg8[%parallel_loop3A_478, %parallel_loop3A_479] {strides = array<i32>} : memref<19x1024xf32, #tpu.memory_space<vmem>>, vector<16xf32>,
        tpu.vector_store %arg8[%parallel_loop3A_478, %parallel_loop3A_479], %parallel_loop3A_476 {strides = array<i32>} : memref<19x1024xf32, #tpu.memory_space<vmem>>, vector<16xf32>,
        %parallel_loop3A_481 = arith.mulf %parallel_loop3A_320, %parallel_loop3A_450 : vector<16xf32>
        %parallel_loop3A_482 = arith.constant 6 : i32
        %parallel_loop3A_483 = arith.index_cast %parallel_loop3A_482 : i32 to index
        %parallel_loop3A_484 = arith.index_cast %parallel_loop3A_136 : i32 to index
        %parallel_loop3A_485 = tpu.vector_load %arg8[%parallel_loop3A_483, %parallel_loop3A_484] {strides = array<i32>} : memref<19x1024xf32, #tpu.memory_space<vmem>>, vector<16xf32>,
        tpu.vector_store %arg8[%parallel_loop3A_483, %parallel_loop3A_484], %parallel_loop3A_481 {strides = array<i32>} : memref<19x1024xf32, #tpu.memory_space<vmem>>, vector<16xf32>,
        %parallel_loop3A_486 = arith.mulf %parallel_loop3A_330, %parallel_loop3A_450 : vector<16xf32>
        %parallel_loop3A_487 = arith.constant 7 : i32
        %parallel_loop3A_488 = arith.index_cast %parallel_loop3A_487 : i32 to index
        %parallel_loop3A_489 = arith.index_cast %parallel_loop3A_136 : i32 to index
        %parallel_loop3A_490 = tpu.vector_load %arg8[%parallel_loop3A_488, %parallel_loop3A_489] {strides = array<i32>} : memref<19x1024xf32, #tpu.memory_space<vmem>>, vector<16xf32>,
        tpu.vector_store %arg8[%parallel_loop3A_488, %parallel_loop3A_489], %parallel_loop3A_486 {strides = array<i32>} : memref<19x1024xf32, #tpu.memory_space<vmem>>, vector<16xf32>,
        %parallel_loop3A_491 = arith.mulf %parallel_loop3A_340, %parallel_loop3A_450 : vector<16xf32>
        %parallel_loop3A_492 = arith.constant 8 : i32
        %parallel_loop3A_493 = arith.index_cast %parallel_loop3A_492 : i32 to index
        %parallel_loop3A_494 = arith.index_cast %parallel_loop3A_136 : i32 to index
        %parallel_loop3A_495 = tpu.vector_load %arg8[%parallel_loop3A_493, %parallel_loop3A_494] {strides = array<i32>} : memref<19x1024xf32, #tpu.memory_space<vmem>>, vector<16xf32>,
        tpu.vector_store %arg8[%parallel_loop3A_493, %parallel_loop3A_494], %parallel_loop3A_491 {strides = array<i32>} : memref<19x1024xf32, #tpu.memory_space<vmem>>, vector<16xf32>,
        %parallel_loop3A_496 = arith.mulf %parallel_loop3A_350, %parallel_loop3A_450 : vector<16xf32>
        %parallel_loop3A_497 = arith.constant 9 : i32
        %parallel_loop3A_498 = arith.index_cast %parallel_loop3A_497 : i32 to index
        %parallel_loop3A_499 = arith.index_cast %parallel_loop3A_136 : i32 to index
        %parallel_loop3A_500 = tpu.vector_load %arg8[%parallel_loop3A_498, %parallel_loop3A_499] {strides = array<i32>} : memref<19x1024xf32, #tpu.memory_space<vmem>>, vector<16xf32>,
        tpu.vector_store %arg8[%parallel_loop3A_498, %parallel_loop3A_499], %parallel_loop3A_496 {strides = array<i32>} : memref<19x1024xf32, #tpu.memory_space<vmem>>, vector<16xf32>,
        %parallel_loop3A_501 = arith.mulf %parallel_loop3A_360, %parallel_loop3A_450 : vector<16xf32>
        %parallel_loop3A_502 = arith.constant 10 : i32
        %parallel_loop3A_503 = arith.index_cast %parallel_loop3A_502 : i32 to index
        %parallel_loop3A_504 = arith.index_cast %parallel_loop3A_136 : i32 to index
        %parallel_loop3A_505 = tpu.vector_load %arg8[%parallel_loop3A_503, %parallel_loop3A_504] {strides = array<i32>} : memref<19x1024xf32, #tpu.memory_space<vmem>>, vector<16xf32>,
        tpu.vector_store %arg8[%parallel_loop3A_503, %parallel_loop3A_504], %parallel_loop3A_501 {strides = array<i32>} : memref<19x1024xf32, #tpu.memory_space<vmem>>, vector<16xf32>,
        %parallel_loop3A_506 = arith.mulf %parallel_loop3A_370, %parallel_loop3A_450 : vector<16xf32>
        %parallel_loop3A_507 = arith.constant 11 : i32
        %parallel_loop3A_508 = arith.index_cast %parallel_loop3A_507 : i32 to index
        %parallel_loop3A_509 = arith.index_cast %parallel_loop3A_136 : i32 to index
        %parallel_loop3A_510 = tpu.vector_load %arg8[%parallel_loop3A_508, %parallel_loop3A_509] {strides = array<i32>} : memref<19x1024xf32, #tpu.memory_space<vmem>>, vector<16xf32>,
        tpu.vector_store %arg8[%parallel_loop3A_508, %parallel_loop3A_509], %parallel_loop3A_506 {strides = array<i32>} : memref<19x1024xf32, #tpu.memory_space<vmem>>, vector<16xf32>,
        %parallel_loop3A_511 = arith.mulf %parallel_loop3A_380, %parallel_loop3A_450 : vector<16xf32>
        %parallel_loop3A_512 = arith.constant 12 : i32
        %parallel_loop3A_513 = arith.index_cast %parallel_loop3A_512 : i32 to index
        %parallel_loop3A_514 = arith.index_cast %parallel_loop3A_136 : i32 to index
        %parallel_loop3A_515 = tpu.vector_load %arg8[%parallel_loop3A_513, %parallel_loop3A_514] {strides = array<i32>} : memref<19x1024xf32, #tpu.memory_space<vmem>>, vector<16xf32>,
        tpu.vector_store %arg8[%parallel_loop3A_513, %parallel_loop3A_514], %parallel_loop3A_511 {strides = array<i32>} : memref<19x1024xf32, #tpu.memory_space<vmem>>, vector<16xf32>,
        %parallel_loop3A_516 = arith.mulf %parallel_loop3A_390, %parallel_loop3A_450 : vector<16xf32>
        %parallel_loop3A_517 = arith.constant 13 : i32
        %parallel_loop3A_518 = arith.index_cast %parallel_loop3A_517 : i32 to index
        %parallel_loop3A_519 = arith.index_cast %parallel_loop3A_136 : i32 to index
        %parallel_loop3A_520 = tpu.vector_load %arg8[%parallel_loop3A_518, %parallel_loop3A_519] {strides = array<i32>} : memref<19x1024xf32, #tpu.memory_space<vmem>>, vector<16xf32>,
        tpu.vector_store %arg8[%parallel_loop3A_518, %parallel_loop3A_519], %parallel_loop3A_516 {strides = array<i32>} : memref<19x1024xf32, #tpu.memory_space<vmem>>, vector<16xf32>,
        %parallel_loop3A_521 = arith.mulf %parallel_loop3A_400, %parallel_loop3A_450 : vector<16xf32>
        %parallel_loop3A_522 = arith.constant 14 : i32
        %parallel_loop3A_523 = arith.index_cast %parallel_loop3A_522 : i32 to index
        %parallel_loop3A_524 = arith.index_cast %parallel_loop3A_136 : i32 to index
        %parallel_loop3A_525 = tpu.vector_load %arg8[%parallel_loop3A_523, %parallel_loop3A_524] {strides = array<i32>} : memref<19x1024xf32, #tpu.memory_space<vmem>>, vector<16xf32>,
        tpu.vector_store %arg8[%parallel_loop3A_523, %parallel_loop3A_524], %parallel_loop3A_521 {strides = array<i32>} : memref<19x1024xf32, #tpu.memory_space<vmem>>, vector<16xf32>,
        %parallel_loop3A_526 = arith.mulf %parallel_loop3A_410, %parallel_loop3A_450 : vector<16xf32>
        %parallel_loop3A_527 = arith.constant 15 : i32
        %parallel_loop3A_528 = arith.index_cast %parallel_loop3A_527 : i32 to index
        %parallel_loop3A_529 = arith.index_cast %parallel_loop3A_136 : i32 to index
        %parallel_loop3A_530 = tpu.vector_load %arg8[%parallel_loop3A_528, %parallel_loop3A_529] {strides = array<i32>} : memref<19x1024xf32, #tpu.memory_space<vmem>>, vector<16xf32>,
        tpu.vector_store %arg8[%parallel_loop3A_528, %parallel_loop3A_529], %parallel_loop3A_526 {strides = array<i32>} : memref<19x1024xf32, #tpu.memory_space<vmem>>, vector<16xf32>,
        %parallel_loop3A_531 = arith.mulf %parallel_loop3A_420, %parallel_loop3A_450 : vector<16xf32>
        %parallel_loop3A_532 = arith.constant 16 : i32
        %parallel_loop3A_533 = arith.index_cast %parallel_loop3A_532 : i32 to index
        %parallel_loop3A_534 = arith.index_cast %parallel_loop3A_136 : i32 to index
        %parallel_loop3A_535 = tpu.vector_load %arg8[%parallel_loop3A_533, %parallel_loop3A_534] {strides = array<i32>} : memref<19x1024xf32, #tpu.memory_space<vmem>>, vector<16xf32>,
        tpu.vector_store %arg8[%parallel_loop3A_533, %parallel_loop3A_534], %parallel_loop3A_531 {strides = array<i32>} : memref<19x1024xf32, #tpu.memory_space<vmem>>, vector<16xf32>,
        %parallel_loop3A_536 = arith.mulf %parallel_loop3A_430, %parallel_loop3A_450 : vector<16xf32>
        %parallel_loop3A_537 = arith.constant 17 : i32
        %parallel_loop3A_538 = arith.index_cast %parallel_loop3A_537 : i32 to index
        %parallel_loop3A_539 = arith.index_cast %parallel_loop3A_136 : i32 to index
        %parallel_loop3A_540 = tpu.vector_load %arg8[%parallel_loop3A_538, %parallel_loop3A_539] {strides = array<i32>} : memref<19x1024xf32, #tpu.memory_space<vmem>>, vector<16xf32>,
        tpu.vector_store %arg8[%parallel_loop3A_538, %parallel_loop3A_539], %parallel_loop3A_536 {strides = array<i32>} : memref<19x1024xf32, #tpu.memory_space<vmem>>, vector<16xf32>,
        %parallel_loop3A_541 = arith.mulf %parallel_loop3A_440, %parallel_loop3A_450 : vector<16xf32>
        %parallel_loop3A_542 = arith.constant 18 : i32
        %parallel_loop3A_543 = arith.index_cast %parallel_loop3A_542 : i32 to index
        %parallel_loop3A_544 = arith.index_cast %parallel_loop3A_136 : i32 to index
        %parallel_loop3A_545 = tpu.vector_load %arg8[%parallel_loop3A_543, %parallel_loop3A_544] {strides = array<i32>} : memref<19x1024xf32, #tpu.memory_space<vmem>>, vector<16xf32>,
        tpu.vector_store %arg8[%parallel_loop3A_543, %parallel_loop3A_544], %parallel_loop3A_541 {strides = array<i32>} : memref<19x1024xf32, #tpu.memory_space<vmem>>, vector<16xf32>,
      } {sc.loop_unroll_factor = 2 : i64, sc.parallel_access}
      %mul3A_91 = arith.constant 1024 : i32
      %mul3A_92 = arith.muli %mul3A_64, %mul3A_91 : i32
      %add3A_93 = arith.addi %mul3A_32, %mul3A_92 : i32
      %dma_start3A_94 = arith.constant 0 : i32
      %dma_start3A_95 = tpu.memref_slice %arg4[%select_n3A, %dma_start3A_94, %add3A_93] : memref<1x19x262144xf32, #tpu.memory_space<hbm>> -> memref<1x19x1024xf32, #tpu.memory_space<hbm>>
      %dma_start3A_96 = tpu.memref_squeeze %dma_start3A_95 : memref<1x19x1024xf32, #tpu.memory_space<hbm>> -> memref<19x1024xf32, #tpu.memory_space<hbm>>
      %dma_start3A_97 = arith.constant 0 : i32
      %dma_start3A_98 = tpu.memref_slice %arg4[%select_n3A, %dma_start3A_97, %add3A_93] : memref<1x19x262144xf32, #tpu.memory_space<hbm>> -> memref<1x19x1024xf32, #tpu.memory_space<hbm>>
      %dma_start3A_99 = tpu.memref_squeeze %dma_start3A_98 : memref<1x19x1024xf32, #tpu.memory_space<hbm>> -> memref<19x1024xf32, #tpu.memory_space<hbm>>
      tpu.enqueue_dma source(%arg8 : memref<19x1024xf32, #tpu.memory_space<vmem>>) target(%dma_start3A_99 : memref<19x1024xf32, #tpu.memory_space<hbm>>) target_semaphore(%arg12 : memref<!tpu.dma_semaphore, #tpu.memory_space<semaphore_mem>>)
      %add3A_100 = arith.constant 1 : i32
      %add3A_101 = arith.addi %scan3A_61, %add3A_100 : i32
      %lt3A_102 = arith.constant 4 : i32
      %lt3A_103 = arith.cmpi slt, %add3A_101, %lt3A_102 : i32
      %convert_element_type3A_104 = arith.extui %lt3A_103 : i1 to i32
      %cond3A_105 = arith.constant 0 : i32
      %cond3A_106 = arith.cmpi ne, %convert_element_type3A_104, %cond3A_105 : i32
      scf.if %cond3A_106 {
        %mul3A_134 = arith.constant 2 : i32
        %mul3A_135 = arith.muli %mul3A_134, %scan3A_61 : i32
        %add3A_136 = arith.constant 2 : i32
        %add3A_137 = arith.addi %mul3A_135, %add3A_136 : i32
        %mul3A_138 = arith.constant 1024 : i32
        %mul3A_139 = arith.muli %add3A_137, %mul3A_138 : i32
        %add3A_140 = arith.addi %mul3A_32, %mul3A_139 : i32
        %dma_start3A_141 = arith.constant 0 : i32
        %dma_start3A_142 = tpu.memref_slice %arg2[%select_n3A, %dma_start3A_141, %add3A_140] : memref<1x19x262144xf32, #tpu.memory_space<hbm>> -> memref<1x19x1024xf32, #tpu.memory_space<hbm>>
        %dma_start3A_143 = tpu.memref_squeeze %dma_start3A_142 : memref<1x19x1024xf32, #tpu.memory_space<hbm>> -> memref<19x1024xf32, #tpu.memory_space<hbm>>
        %dma_start3A_144 = arith.constant 0 : i32
        %dma_start3A_145 = tpu.memref_slice %arg2[%select_n3A, %dma_start3A_144, %add3A_140] : memref<1x19x262144xf32, #tpu.memory_space<hbm>> -> memref<1x19x1024xf32, #tpu.memory_space<hbm>>
        %dma_start3A_146 = tpu.memref_squeeze %dma_start3A_145 : memref<1x19x1024xf32, #tpu.memory_space<hbm>> -> memref<19x1024xf32, #tpu.memory_space<hbm>>
        tpu.enqueue_dma source(%dma_start3A_146 : memref<19x1024xf32, #tpu.memory_space<hbm>>) target(%arg6 : memref<19x1024xf32, #tpu.memory_space<vmem>>) target_semaphore(%arg10 : memref<!tpu.dma_semaphore, #tpu.memory_space<semaphore_mem>>)
      } else {
      }
      %mul3A_107 = arith.constant 1024 : i32
      %mul3A_108 = arith.muli %add3A_68, %mul3A_107 : i32
      %add3A_109 = arith.addi %mul3A_32, %mul3A_108 : i32
      %dma_wait3A_110 = arith.constant 0 : i32
      %dma_wait3A_111 = tpu.memref_slice %arg2[%select_n3A, %dma_wait3A_110, %add3A_109] : memref<1x19x262144xf32, #tpu.memory_space<hbm>> -> memref<1x19x1024xf32, #tpu.memory_space<hbm>>
      %dma_wait3A_112 = tpu.memref_squeeze %dma_wait3A_111 : memref<1x19x1024xf32, #tpu.memory_space<hbm>> -> memref<19x1024xf32, #tpu.memory_space<hbm>>
      %dma_wait3A_113 = arith.constant 0 : i32
      %dma_wait3A_114 = tpu.memref_slice %arg2[%select_n3A, %dma_wait3A_113, %add3A_109] : memref<1x19x262144xf32, #tpu.memory_space<hbm>> -> memref<1x19x1024xf32, #tpu.memory_space<hbm>>
      %dma_wait3A_115 = tpu.memref_squeeze %dma_wait3A_114 : memref<1x19x1024xf32, #tpu.memory_space<hbm>> -> memref<19x1024xf32, #tpu.memory_space<hbm>>
      tpu.wait_dma2 semaphore(%arg11 : memref<!tpu.dma_semaphore, #tpu.memory_space<semaphore_mem>>) src(%dma_wait3A_115 : memref<19x1024xf32, #tpu.memory_space<hbm>>) dst(%arg7 : memref<19x1024xf32, #tpu.memory_space<vmem>>)
      %gt3A_116 = arith.constant 0 : i32
      %gt3A_117 = arith.cmpi sgt, %scan3A_61, %gt3A_116 : i32
      %convert_element_type3A_118 = arith.extui %gt3A_117 : i1 to i32
      %cond3A_119 = arith.constant 0 : i32
      %cond3A_120 = arith.cmpi ne, %convert_element_type3A_118, %cond3A_119 : i32
      scf.if %cond3A_120 {
        %mul3A_134 = arith.constant 1024 : i32
        %mul3A_135 = arith.muli %add3A_68, %mul3A_134 : i32
        %add3A_136 = arith.addi %mul3A_32, %mul3A_135 : i32
        %dma_wait3A_137 = arith.constant 0 : i32
        %dma_wait3A_138 = tpu.memref_slice %arg4[%select_n3A, %dma_wait3A_137, %add3A_136] : memref<1x19x262144xf32, #tpu.memory_space<hbm>> -> memref<1x19x1024xf32, #tpu.memory_space<hbm>>
        %dma_wait3A_139 = tpu.memref_squeeze %dma_wait3A_138 : memref<1x19x1024xf32, #tpu.memory_space<hbm>> -> memref<19x1024xf32, #tpu.memory_space<hbm>>
        %dma_wait3A_140 = arith.constant 0 : i32
        %dma_wait3A_141 = tpu.memref_slice %arg4[%select_n3A, %dma_wait3A_140, %add3A_136] : memref<1x19x262144xf32, #tpu.memory_space<hbm>> -> memref<1x19x1024xf32, #tpu.memory_space<hbm>>
        %dma_wait3A_142 = tpu.memref_squeeze %dma_wait3A_141 : memref<1x19x1024xf32, #tpu.memory_space<hbm>> -> memref<19x1024xf32, #tpu.memory_space<hbm>>
        tpu.wait_dma2 semaphore(%arg13 : memref<!tpu.dma_semaphore, #tpu.memory_space<semaphore_mem>>) src(%arg9 : memref<19x1024xf32, #tpu.memory_space<vmem>>) dst(%dma_wait3A_142 : memref<19x1024xf32, #tpu.memory_space<hbm>>)
      } else {
      }
      %parallel_loop3A_121 = arith.constant 0 : i32
      %parallel_loop3A_122 = arith.constant 64 : i32
      %parallel_loop3A_123 = arith.constant 1 : i32
      scf.for %parallel_loop3A_134 = %parallel_loop3A_121 to %parallel_loop3A_122 step %parallel_loop3A_123  : i32 {
        %parallel_loop3A_135 = arith.constant 16 : i32
        %parallel_loop3A_136 = arith.muli %parallel_loop3A_134, %parallel_loop3A_135 : i32
        %parallel_loop3A_137 = arith.constant 0 : i32
        %parallel_loop3A_138 = arith.index_cast %parallel_loop3A_137 : i32 to index
        %parallel_loop3A_139 = arith.index_cast %parallel_loop3A_136 : i32 to index
        %parallel_loop3A_140 = tpu.vector_load %arg7[%parallel_loop3A_138, %parallel_loop3A_139] {strides = array<i32>} : memref<19x1024xf32, #tpu.memory_space<vmem>>, vector<16xf32>,
        %parallel_loop3A_141 = math.exp %parallel_loop3A_140 : vector<16xf32>
        %parallel_loop3A_142 = arith.constant 1 : i32
        %parallel_loop3A_143 = arith.index_cast %parallel_loop3A_142 : i32 to index
        %parallel_loop3A_144 = arith.index_cast %parallel_loop3A_136 : i32 to index
        %parallel_loop3A_145 = tpu.vector_load %arg7[%parallel_loop3A_143, %parallel_loop3A_144] {strides = array<i32>} : memref<19x1024xf32, #tpu.memory_space<vmem>>, vector<16xf32>,
        %parallel_loop3A_146 = math.exp %parallel_loop3A_145 : vector<16xf32>
        %parallel_loop3A_147 = arith.constant 2 : i32
        %parallel_loop3A_148 = arith.index_cast %parallel_loop3A_147 : i32 to index
        %parallel_loop3A_149 = arith.index_cast %parallel_loop3A_136 : i32 to index
        %parallel_loop3A_150 = tpu.vector_load %arg7[%parallel_loop3A_148, %parallel_loop3A_149] {strides = array<i32>} : memref<19x1024xf32, #tpu.memory_space<vmem>>, vector<16xf32>,
        %parallel_loop3A_151 = math.exp %parallel_loop3A_150 : vector<16xf32>
        %parallel_loop3A_152 = arith.constant 3 : i32
        %parallel_loop3A_153 = arith.index_cast %parallel_loop3A_152 : i32 to index
        %parallel_loop3A_154 = arith.index_cast %parallel_loop3A_136 : i32 to index
        %parallel_loop3A_155 = tpu.vector_load %arg7[%parallel_loop3A_153, %parallel_loop3A_154] {strides = array<i32>} : memref<19x1024xf32, #tpu.memory_space<vmem>>, vector<16xf32>,
        %parallel_loop3A_156 = math.exp %parallel_loop3A_155 : vector<16xf32>
        %parallel_loop3A_157 = arith.constant 4 : i32
        %parallel_loop3A_158 = arith.index_cast %parallel_loop3A_157 : i32 to index
        %parallel_loop3A_159 = arith.index_cast %parallel_loop3A_136 : i32 to index
        %parallel_loop3A_160 = tpu.vector_load %arg7[%parallel_loop3A_158, %parallel_loop3A_159] {strides = array<i32>} : memref<19x1024xf32, #tpu.memory_space<vmem>>, vector<16xf32>,
        %parallel_loop3A_161 = math.exp %parallel_loop3A_160 : vector<16xf32>
        %parallel_loop3A_162 = arith.constant 5 : i32
        %parallel_loop3A_163 = arith.index_cast %parallel_loop3A_162 : i32 to index
        %parallel_loop3A_164 = arith.index_cast %parallel_loop3A_136 : i32 to index
        %parallel_loop3A_165 = tpu.vector_load %arg7[%parallel_loop3A_163, %parallel_loop3A_164] {strides = array<i32>} : memref<19x1024xf32, #tpu.memory_space<vmem>>, vector<16xf32>,
        %parallel_loop3A_166 = math.exp %parallel_loop3A_165 : vector<16xf32>
        %parallel_loop3A_167 = arith.constant 6 : i32
        %parallel_loop3A_168 = arith.index_cast %parallel_loop3A_167 : i32 to index
        %parallel_loop3A_169 = arith.index_cast %parallel_loop3A_136 : i32 to index
        %parallel_loop3A_170 = tpu.vector_load %arg7[%parallel_loop3A_168, %parallel_loop3A_169] {strides = array<i32>} : memref<19x1024xf32, #tpu.memory_space<vmem>>, vector<16xf32>,
        %parallel_loop3A_171 = math.exp %parallel_loop3A_170 : vector<16xf32>
        %parallel_loop3A_172 = arith.constant 7 : i32
        %parallel_loop3A_173 = arith.index_cast %parallel_loop3A_172 : i32 to index
        %parallel_loop3A_174 = arith.index_cast %parallel_loop3A_136 : i32 to index
        %parallel_loop3A_175 = tpu.vector_load %arg7[%parallel_loop3A_173, %parallel_loop3A_174] {strides = array<i32>} : memref<19x1024xf32, #tpu.memory_space<vmem>>, vector<16xf32>,
        %parallel_loop3A_176 = math.exp %parallel_loop3A_175 : vector<16xf32>
        %parallel_loop3A_177 = arith.constant 8 : i32
        %parallel_loop3A_178 = arith.index_cast %parallel_loop3A_177 : i32 to index
        %parallel_loop3A_179 = arith.index_cast %parallel_loop3A_136 : i32 to index
        %parallel_loop3A_180 = tpu.vector_load %arg7[%parallel_loop3A_178, %parallel_loop3A_179] {strides = array<i32>} : memref<19x1024xf32, #tpu.memory_space<vmem>>, vector<16xf32>,
        %parallel_loop3A_181 = math.exp %parallel_loop3A_180 : vector<16xf32>
        %parallel_loop3A_182 = arith.constant 9 : i32
        %parallel_loop3A_183 = arith.index_cast %parallel_loop3A_182 : i32 to index
        %parallel_loop3A_184 = arith.index_cast %parallel_loop3A_136 : i32 to index
        %parallel_loop3A_185 = tpu.vector_load %arg7[%parallel_loop3A_183, %parallel_loop3A_184] {strides = array<i32>} : memref<19x1024xf32, #tpu.memory_space<vmem>>, vector<16xf32>,
        %parallel_loop3A_186 = math.exp %parallel_loop3A_185 : vector<16xf32>
        %parallel_loop3A_187 = arith.constant 10 : i32
        %parallel_loop3A_188 = arith.index_cast %parallel_loop3A_187 : i32 to index
        %parallel_loop3A_189 = arith.index_cast %parallel_loop3A_136 : i32 to index
        %parallel_loop3A_190 = tpu.vector_load %arg7[%parallel_loop3A_188, %parallel_loop3A_189] {strides = array<i32>} : memref<19x1024xf32, #tpu.memory_space<vmem>>, vector<16xf32>,
        %parallel_loop3A_191 = math.exp %parallel_loop3A_190 : vector<16xf32>
        %parallel_loop3A_192 = arith.constant 11 : i32
        %parallel_loop3A_193 = arith.index_cast %parallel_loop3A_192 : i32 to index
        %parallel_loop3A_194 = arith.index_cast %parallel_loop3A_136 : i32 to index
        %parallel_loop3A_195 = tpu.vector_load %arg7[%parallel_loop3A_193, %parallel_loop3A_194] {strides = array<i32>} : memref<19x1024xf32, #tpu.memory_space<vmem>>, vector<16xf32>,
        %parallel_loop3A_196 = math.exp %parallel_loop3A_195 : vector<16xf32>
        %parallel_loop3A_197 = arith.constant 12 : i32
        %parallel_loop3A_198 = arith.index_cast %parallel_loop3A_197 : i32 to index
        %parallel_loop3A_199 = arith.index_cast %parallel_loop3A_136 : i32 to index
        %parallel_loop3A_200 = tpu.vector_load %arg7[%parallel_loop3A_198, %parallel_loop3A_199] {strides = array<i32>} : memref<19x1024xf32, #tpu.memory_space<vmem>>, vector<16xf32>,
        %parallel_loop3A_201 = math.exp %parallel_loop3A_200 : vector<16xf32>
        %parallel_loop3A_202 = arith.constant 13 : i32
        %parallel_loop3A_203 = arith.index_cast %parallel_loop3A_202 : i32 to index
        %parallel_loop3A_204 = arith.index_cast %parallel_loop3A_136 : i32 to index
        %parallel_loop3A_205 = tpu.vector_load %arg7[%parallel_loop3A_203, %parallel_loop3A_204] {strides = array<i32>} : memref<19x1024xf32, #tpu.memory_space<vmem>>, vector<16xf32>,
        %parallel_loop3A_206 = math.exp %parallel_loop3A_205 : vector<16xf32>
        %parallel_loop3A_207 = arith.constant 14 : i32
        %parallel_loop3A_208 = arith.index_cast %parallel_loop3A_207 : i32 to index
        %parallel_loop3A_209 = arith.index_cast %parallel_loop3A_136 : i32 to index
        %parallel_loop3A_210 = tpu.vector_load %arg7[%parallel_loop3A_208, %parallel_loop3A_209] {strides = array<i32>} : memref<19x1024xf32, #tpu.memory_space<vmem>>, vector<16xf32>,
        %parallel_loop3A_211 = math.exp %parallel_loop3A_210 : vector<16xf32>
        %parallel_loop3A_212 = arith.constant 15 : i32
        %parallel_loop3A_213 = arith.index_cast %parallel_loop3A_212 : i32 to index
        %parallel_loop3A_214 = arith.index_cast %parallel_loop3A_136 : i32 to index
        %parallel_loop3A_215 = tpu.vector_load %arg7[%parallel_loop3A_213, %parallel_loop3A_214] {strides = array<i32>} : memref<19x1024xf32, #tpu.memory_space<vmem>>, vector<16xf32>,
        %parallel_loop3A_216 = math.exp %parallel_loop3A_215 : vector<16xf32>
        %parallel_loop3A_217 = arith.constant 16 : i32
        %parallel_loop3A_218 = arith.index_cast %parallel_loop3A_217 : i32 to index
        %parallel_loop3A_219 = arith.index_cast %parallel_loop3A_136 : i32 to index
        %parallel_loop3A_220 = tpu.vector_load %arg7[%parallel_loop3A_218, %parallel_loop3A_219] {strides = array<i32>} : memref<19x1024xf32, #tpu.memory_space<vmem>>, vector<16xf32>,
        %parallel_loop3A_221 = math.exp %parallel_loop3A_220 : vector<16xf32>
        %parallel_loop3A_222 = arith.constant 17 : i32
        %parallel_loop3A_223 = arith.index_cast %parallel_loop3A_222 : i32 to index
        %parallel_loop3A_224 = arith.index_cast %parallel_loop3A_136 : i32 to index
        %parallel_loop3A_225 = tpu.vector_load %arg7[%parallel_loop3A_223, %parallel_loop3A_224] {strides = array<i32>} : memref<19x1024xf32, #tpu.memory_space<vmem>>, vector<16xf32>,
        %parallel_loop3A_226 = math.exp %parallel_loop3A_225 : vector<16xf32>
        %parallel_loop3A_227 = arith.constant 18 : i32
        %parallel_loop3A_228 = arith.index_cast %parallel_loop3A_227 : i32 to index
        %parallel_loop3A_229 = arith.index_cast %parallel_loop3A_136 : i32 to index
        %parallel_loop3A_230 = tpu.vector_load %arg7[%parallel_loop3A_228, %parallel_loop3A_229] {strides = array<i32>} : memref<19x1024xf32, #tpu.memory_space<vmem>>, vector<16xf32>,
        %parallel_loop3A_231 = math.exp %parallel_loop3A_230 : vector<16xf32>
        %parallel_loop3A_232 = arith.addf %parallel_loop3A_141, %parallel_loop3A_146 : vector<16xf32>
        %parallel_loop3A_233 = arith.addf %parallel_loop3A_232, %parallel_loop3A_151 : vector<16xf32>
        %parallel_loop3A_234 = arith.addf %parallel_loop3A_233, %parallel_loop3A_156 : vector<16xf32>
        %parallel_loop3A_235 = arith.addf %parallel_loop3A_234, %parallel_loop3A_161 : vector<16xf32>
        %parallel_loop3A_236 = arith.addf %parallel_loop3A_235, %parallel_loop3A_166 : vector<16xf32>
        %parallel_loop3A_237 = arith.addf %parallel_loop3A_236, %parallel_loop3A_171 : vector<16xf32>
        %parallel_loop3A_238 = arith.addf %parallel_loop3A_237, %parallel_loop3A_176 : vector<16xf32>
        %parallel_loop3A_239 = arith.addf %parallel_loop3A_238, %parallel_loop3A_181 : vector<16xf32>
        %parallel_loop3A_240 = arith.addf %parallel_loop3A_239, %parallel_loop3A_186 : vector<16xf32>
        %parallel_loop3A_241 = arith.addf %parallel_loop3A_240, %parallel_loop3A_191 : vector<16xf32>
        %parallel_loop3A_242 = arith.addf %parallel_loop3A_241, %parallel_loop3A_196 : vector<16xf32>
        %parallel_loop3A_243 = arith.addf %parallel_loop3A_242, %parallel_loop3A_201 : vector<16xf32>
        %parallel_loop3A_244 = arith.addf %parallel_loop3A_243, %parallel_loop3A_206 : vector<16xf32>
        %parallel_loop3A_245 = arith.addf %parallel_loop3A_244, %parallel_loop3A_211 : vector<16xf32>
        %parallel_loop3A_246 = arith.addf %parallel_loop3A_245, %parallel_loop3A_216 : vector<16xf32>
        %parallel_loop3A_247 = arith.addf %parallel_loop3A_246, %parallel_loop3A_221 : vector<16xf32>
        %parallel_loop3A_248 = arith.addf %parallel_loop3A_247, %parallel_loop3A_226 : vector<16xf32>
        %parallel_loop3A_249 = arith.addf %parallel_loop3A_248, %parallel_loop3A_231 : vector<16xf32>
        %parallel_loop3A_250 = arith.constant 1.500000e+01 : f32
        %parallel_loop3A_251 = vector.broadcast %parallel_loop3A_250 : f32 to vector<16xf32>
        %parallel_loop3A_252 = arith.divf %parallel_loop3A_251, %parallel_loop3A_249 : vector<16xf32>
        %parallel_loop3A_253 = arith.mulf %parallel_loop3A_141, %parallel_loop3A_252 : vector<16xf32>
        %parallel_loop3A_254 = arith.fptosi %parallel_loop3A_253 : vector<16xf32> to vector<16xi32>
        %parallel_loop3A_255 = arith.constant 14 : i32
        %parallel_loop3A_256 = vector.broadcast %parallel_loop3A_255 : i32 to vector<16xi32>
        %parallel_loop3A_257 = arith.minsi %parallel_loop3A_254, %parallel_loop3A_256 : vector<16xi32>
        %parallel_loop3A_258 = arith.constant 0 : i32
        %parallel_loop3A_259 = vector.broadcast %parallel_loop3A_258 : i32 to vector<16xi32>
        %parallel_loop3A_260 = arith.addi %parallel_loop3A_257, %parallel_loop3A_259 : vector<16xi32>
        %parallel_loop3A_261 = tpu.vector_load_idx %arg5[%parallel_loop3A_260] : memref<288xf32, #tpu.memory_space<vmem>>[vector<16xi32>], vector<16xf32>,
        %parallel_loop3A_262 = arith.mulf %parallel_loop3A_146, %parallel_loop3A_252 : vector<16xf32>
        %parallel_loop3A_263 = arith.fptosi %parallel_loop3A_262 : vector<16xf32> to vector<16xi32>
        %parallel_loop3A_264 = arith.constant 14 : i32
        %parallel_loop3A_265 = vector.broadcast %parallel_loop3A_264 : i32 to vector<16xi32>
        %parallel_loop3A_266 = arith.minsi %parallel_loop3A_263, %parallel_loop3A_265 : vector<16xi32>
        %parallel_loop3A_267 = arith.constant 15 : i32
        %parallel_loop3A_268 = vector.broadcast %parallel_loop3A_267 : i32 to vector<16xi32>
        %parallel_loop3A_269 = arith.addi %parallel_loop3A_266, %parallel_loop3A_268 : vector<16xi32>
        %parallel_loop3A_270 = tpu.vector_load_idx %arg5[%parallel_loop3A_269] : memref<288xf32, #tpu.memory_space<vmem>>[vector<16xi32>], vector<16xf32>,
        %parallel_loop3A_271 = arith.addf %parallel_loop3A_261, %parallel_loop3A_270 : vector<16xf32>
        %parallel_loop3A_272 = arith.mulf %parallel_loop3A_151, %parallel_loop3A_252 : vector<16xf32>
        %parallel_loop3A_273 = arith.fptosi %parallel_loop3A_272 : vector<16xf32> to vector<16xi32>
        %parallel_loop3A_274 = arith.constant 14 : i32
        %parallel_loop3A_275 = vector.broadcast %parallel_loop3A_274 : i32 to vector<16xi32>
        %parallel_loop3A_276 = arith.minsi %parallel_loop3A_273, %parallel_loop3A_275 : vector<16xi32>
        %parallel_loop3A_277 = arith.constant 30 : i32
        %parallel_loop3A_278 = vector.broadcast %parallel_loop3A_277 : i32 to vector<16xi32>
        %parallel_loop3A_279 = arith.addi %parallel_loop3A_276, %parallel_loop3A_278 : vector<16xi32>
        %parallel_loop3A_280 = tpu.vector_load_idx %arg5[%parallel_loop3A_279] : memref<288xf32, #tpu.memory_space<vmem>>[vector<16xi32>], vector<16xf32>,
        %parallel_loop3A_281 = arith.addf %parallel_loop3A_271, %parallel_loop3A_280 : vector<16xf32>
        %parallel_loop3A_282 = arith.mulf %parallel_loop3A_156, %parallel_loop3A_252 : vector<16xf32>
        %parallel_loop3A_283 = arith.fptosi %parallel_loop3A_282 : vector<16xf32> to vector<16xi32>
        %parallel_loop3A_284 = arith.constant 14 : i32
        %parallel_loop3A_285 = vector.broadcast %parallel_loop3A_284 : i32 to vector<16xi32>
        %parallel_loop3A_286 = arith.minsi %parallel_loop3A_283, %parallel_loop3A_285 : vector<16xi32>
        %parallel_loop3A_287 = arith.constant 45 : i32
        %parallel_loop3A_288 = vector.broadcast %parallel_loop3A_287 : i32 to vector<16xi32>
        %parallel_loop3A_289 = arith.addi %parallel_loop3A_286, %parallel_loop3A_288 : vector<16xi32>
        %parallel_loop3A_290 = tpu.vector_load_idx %arg5[%parallel_loop3A_289] : memref<288xf32, #tpu.memory_space<vmem>>[vector<16xi32>], vector<16xf32>,
        %parallel_loop3A_291 = arith.addf %parallel_loop3A_281, %parallel_loop3A_290 : vector<16xf32>
        %parallel_loop3A_292 = arith.mulf %parallel_loop3A_161, %parallel_loop3A_252 : vector<16xf32>
        %parallel_loop3A_293 = arith.fptosi %parallel_loop3A_292 : vector<16xf32> to vector<16xi32>
        %parallel_loop3A_294 = arith.constant 14 : i32
        %parallel_loop3A_295 = vector.broadcast %parallel_loop3A_294 : i32 to vector<16xi32>
        %parallel_loop3A_296 = arith.minsi %parallel_loop3A_293, %parallel_loop3A_295 : vector<16xi32>
        %parallel_loop3A_297 = arith.constant 60 : i32
        %parallel_loop3A_298 = vector.broadcast %parallel_loop3A_297 : i32 to vector<16xi32>
        %parallel_loop3A_299 = arith.addi %parallel_loop3A_296, %parallel_loop3A_298 : vector<16xi32>
        %parallel_loop3A_300 = tpu.vector_load_idx %arg5[%parallel_loop3A_299] : memref<288xf32, #tpu.memory_space<vmem>>[vector<16xi32>], vector<16xf32>,
        %parallel_loop3A_301 = arith.addf %parallel_loop3A_291, %parallel_loop3A_300 : vector<16xf32>
        %parallel_loop3A_302 = arith.mulf %parallel_loop3A_166, %parallel_loop3A_252 : vector<16xf32>
        %parallel_loop3A_303 = arith.fptosi %parallel_loop3A_302 : vector<16xf32> to vector<16xi32>
        %parallel_loop3A_304 = arith.constant 14 : i32
        %parallel_loop3A_305 = vector.broadcast %parallel_loop3A_304 : i32 to vector<16xi32>
        %parallel_loop3A_306 = arith.minsi %parallel_loop3A_303, %parallel_loop3A_305 : vector<16xi32>
        %parallel_loop3A_307 = arith.constant 75 : i32
        %parallel_loop3A_308 = vector.broadcast %parallel_loop3A_307 : i32 to vector<16xi32>
        %parallel_loop3A_309 = arith.addi %parallel_loop3A_306, %parallel_loop3A_308 : vector<16xi32>
        %parallel_loop3A_310 = tpu.vector_load_idx %arg5[%parallel_loop3A_309] : memref<288xf32, #tpu.memory_space<vmem>>[vector<16xi32>], vector<16xf32>,
        %parallel_loop3A_311 = arith.addf %parallel_loop3A_301, %parallel_loop3A_310 : vector<16xf32>
        %parallel_loop3A_312 = arith.mulf %parallel_loop3A_171, %parallel_loop3A_252 : vector<16xf32>
        %parallel_loop3A_313 = arith.fptosi %parallel_loop3A_312 : vector<16xf32> to vector<16xi32>
        %parallel_loop3A_314 = arith.constant 14 : i32
        %parallel_loop3A_315 = vector.broadcast %parallel_loop3A_314 : i32 to vector<16xi32>
        %parallel_loop3A_316 = arith.minsi %parallel_loop3A_313, %parallel_loop3A_315 : vector<16xi32>
        %parallel_loop3A_317 = arith.constant 90 : i32
        %parallel_loop3A_318 = vector.broadcast %parallel_loop3A_317 : i32 to vector<16xi32>
        %parallel_loop3A_319 = arith.addi %parallel_loop3A_316, %parallel_loop3A_318 : vector<16xi32>
        %parallel_loop3A_320 = tpu.vector_load_idx %arg5[%parallel_loop3A_319] : memref<288xf32, #tpu.memory_space<vmem>>[vector<16xi32>], vector<16xf32>,
        %parallel_loop3A_321 = arith.addf %parallel_loop3A_311, %parallel_loop3A_320 : vector<16xf32>
        %parallel_loop3A_322 = arith.mulf %parallel_loop3A_176, %parallel_loop3A_252 : vector<16xf32>
        %parallel_loop3A_323 = arith.fptosi %parallel_loop3A_322 : vector<16xf32> to vector<16xi32>
        %parallel_loop3A_324 = arith.constant 14 : i32
        %parallel_loop3A_325 = vector.broadcast %parallel_loop3A_324 : i32 to vector<16xi32>
        %parallel_loop3A_326 = arith.minsi %parallel_loop3A_323, %parallel_loop3A_325 : vector<16xi32>
        %parallel_loop3A_327 = arith.constant 105 : i32
        %parallel_loop3A_328 = vector.broadcast %parallel_loop3A_327 : i32 to vector<16xi32>
        %parallel_loop3A_329 = arith.addi %parallel_loop3A_326, %parallel_loop3A_328 : vector<16xi32>
        %parallel_loop3A_330 = tpu.vector_load_idx %arg5[%parallel_loop3A_329] : memref<288xf32, #tpu.memory_space<vmem>>[vector<16xi32>], vector<16xf32>,
        %parallel_loop3A_331 = arith.addf %parallel_loop3A_321, %parallel_loop3A_330 : vector<16xf32>
        %parallel_loop3A_332 = arith.mulf %parallel_loop3A_181, %parallel_loop3A_252 : vector<16xf32>
        %parallel_loop3A_333 = arith.fptosi %parallel_loop3A_332 : vector<16xf32> to vector<16xi32>
        %parallel_loop3A_334 = arith.constant 14 : i32
        %parallel_loop3A_335 = vector.broadcast %parallel_loop3A_334 : i32 to vector<16xi32>
        %parallel_loop3A_336 = arith.minsi %parallel_loop3A_333, %parallel_loop3A_335 : vector<16xi32>
        %parallel_loop3A_337 = arith.constant 120 : i32
        %parallel_loop3A_338 = vector.broadcast %parallel_loop3A_337 : i32 to vector<16xi32>
        %parallel_loop3A_339 = arith.addi %parallel_loop3A_336, %parallel_loop3A_338 : vector<16xi32>
        %parallel_loop3A_340 = tpu.vector_load_idx %arg5[%parallel_loop3A_339] : memref<288xf32, #tpu.memory_space<vmem>>[vector<16xi32>], vector<16xf32>,
        %parallel_loop3A_341 = arith.addf %parallel_loop3A_331, %parallel_loop3A_340 : vector<16xf32>
        %parallel_loop3A_342 = arith.mulf %parallel_loop3A_186, %parallel_loop3A_252 : vector<16xf32>
        %parallel_loop3A_343 = arith.fptosi %parallel_loop3A_342 : vector<16xf32> to vector<16xi32>
        %parallel_loop3A_344 = arith.constant 14 : i32
        %parallel_loop3A_345 = vector.broadcast %parallel_loop3A_344 : i32 to vector<16xi32>
        %parallel_loop3A_346 = arith.minsi %parallel_loop3A_343, %parallel_loop3A_345 : vector<16xi32>
        %parallel_loop3A_347 = arith.constant 135 : i32
        %parallel_loop3A_348 = vector.broadcast %parallel_loop3A_347 : i32 to vector<16xi32>
        %parallel_loop3A_349 = arith.addi %parallel_loop3A_346, %parallel_loop3A_348 : vector<16xi32>
        %parallel_loop3A_350 = tpu.vector_load_idx %arg5[%parallel_loop3A_349] : memref<288xf32, #tpu.memory_space<vmem>>[vector<16xi32>], vector<16xf32>,
        %parallel_loop3A_351 = arith.addf %parallel_loop3A_341, %parallel_loop3A_350 : vector<16xf32>
        %parallel_loop3A_352 = arith.mulf %parallel_loop3A_191, %parallel_loop3A_252 : vector<16xf32>
        %parallel_loop3A_353 = arith.fptosi %parallel_loop3A_352 : vector<16xf32> to vector<16xi32>
        %parallel_loop3A_354 = arith.constant 14 : i32
        %parallel_loop3A_355 = vector.broadcast %parallel_loop3A_354 : i32 to vector<16xi32>
        %parallel_loop3A_356 = arith.minsi %parallel_loop3A_353, %parallel_loop3A_355 : vector<16xi32>
        %parallel_loop3A_357 = arith.constant 150 : i32
        %parallel_loop3A_358 = vector.broadcast %parallel_loop3A_357 : i32 to vector<16xi32>
        %parallel_loop3A_359 = arith.addi %parallel_loop3A_356, %parallel_loop3A_358 : vector<16xi32>
        %parallel_loop3A_360 = tpu.vector_load_idx %arg5[%parallel_loop3A_359] : memref<288xf32, #tpu.memory_space<vmem>>[vector<16xi32>], vector<16xf32>,
        %parallel_loop3A_361 = arith.addf %parallel_loop3A_351, %parallel_loop3A_360 : vector<16xf32>
        %parallel_loop3A_362 = arith.mulf %parallel_loop3A_196, %parallel_loop3A_252 : vector<16xf32>
        %parallel_loop3A_363 = arith.fptosi %parallel_loop3A_362 : vector<16xf32> to vector<16xi32>
        %parallel_loop3A_364 = arith.constant 14 : i32
        %parallel_loop3A_365 = vector.broadcast %parallel_loop3A_364 : i32 to vector<16xi32>
        %parallel_loop3A_366 = arith.minsi %parallel_loop3A_363, %parallel_loop3A_365 : vector<16xi32>
        %parallel_loop3A_367 = arith.constant 165 : i32
        %parallel_loop3A_368 = vector.broadcast %parallel_loop3A_367 : i32 to vector<16xi32>
        %parallel_loop3A_369 = arith.addi %parallel_loop3A_366, %parallel_loop3A_368 : vector<16xi32>
        %parallel_loop3A_370 = tpu.vector_load_idx %arg5[%parallel_loop3A_369] : memref<288xf32, #tpu.memory_space<vmem>>[vector<16xi32>], vector<16xf32>,
        %parallel_loop3A_371 = arith.addf %parallel_loop3A_361, %parallel_loop3A_370 : vector<16xf32>
        %parallel_loop3A_372 = arith.mulf %parallel_loop3A_201, %parallel_loop3A_252 : vector<16xf32>
        %parallel_loop3A_373 = arith.fptosi %parallel_loop3A_372 : vector<16xf32> to vector<16xi32>
        %parallel_loop3A_374 = arith.constant 14 : i32
        %parallel_loop3A_375 = vector.broadcast %parallel_loop3A_374 : i32 to vector<16xi32>
        %parallel_loop3A_376 = arith.minsi %parallel_loop3A_373, %parallel_loop3A_375 : vector<16xi32>
        %parallel_loop3A_377 = arith.constant 180 : i32
        %parallel_loop3A_378 = vector.broadcast %parallel_loop3A_377 : i32 to vector<16xi32>
        %parallel_loop3A_379 = arith.addi %parallel_loop3A_376, %parallel_loop3A_378 : vector<16xi32>
        %parallel_loop3A_380 = tpu.vector_load_idx %arg5[%parallel_loop3A_379] : memref<288xf32, #tpu.memory_space<vmem>>[vector<16xi32>], vector<16xf32>,
        %parallel_loop3A_381 = arith.addf %parallel_loop3A_371, %parallel_loop3A_380 : vector<16xf32>
        %parallel_loop3A_382 = arith.mulf %parallel_loop3A_206, %parallel_loop3A_252 : vector<16xf32>
        %parallel_loop3A_383 = arith.fptosi %parallel_loop3A_382 : vector<16xf32> to vector<16xi32>
        %parallel_loop3A_384 = arith.constant 14 : i32
        %parallel_loop3A_385 = vector.broadcast %parallel_loop3A_384 : i32 to vector<16xi32>
        %parallel_loop3A_386 = arith.minsi %parallel_loop3A_383, %parallel_loop3A_385 : vector<16xi32>
        %parallel_loop3A_387 = arith.constant 195 : i32
        %parallel_loop3A_388 = vector.broadcast %parallel_loop3A_387 : i32 to vector<16xi32>
        %parallel_loop3A_389 = arith.addi %parallel_loop3A_386, %parallel_loop3A_388 : vector<16xi32>
        %parallel_loop3A_390 = tpu.vector_load_idx %arg5[%parallel_loop3A_389] : memref<288xf32, #tpu.memory_space<vmem>>[vector<16xi32>], vector<16xf32>,
        %parallel_loop3A_391 = arith.addf %parallel_loop3A_381, %parallel_loop3A_390 : vector<16xf32>
        %parallel_loop3A_392 = arith.mulf %parallel_loop3A_211, %parallel_loop3A_252 : vector<16xf32>
        %parallel_loop3A_393 = arith.fptosi %parallel_loop3A_392 : vector<16xf32> to vector<16xi32>
        %parallel_loop3A_394 = arith.constant 14 : i32
        %parallel_loop3A_395 = vector.broadcast %parallel_loop3A_394 : i32 to vector<16xi32>
        %parallel_loop3A_396 = arith.minsi %parallel_loop3A_393, %parallel_loop3A_395 : vector<16xi32>
        %parallel_loop3A_397 = arith.constant 210 : i32
        %parallel_loop3A_398 = vector.broadcast %parallel_loop3A_397 : i32 to vector<16xi32>
        %parallel_loop3A_399 = arith.addi %parallel_loop3A_396, %parallel_loop3A_398 : vector<16xi32>
        %parallel_loop3A_400 = tpu.vector_load_idx %arg5[%parallel_loop3A_399] : memref<288xf32, #tpu.memory_space<vmem>>[vector<16xi32>], vector<16xf32>,
        %parallel_loop3A_401 = arith.addf %parallel_loop3A_391, %parallel_loop3A_400 : vector<16xf32>
        %parallel_loop3A_402 = arith.mulf %parallel_loop3A_216, %parallel_loop3A_252 : vector<16xf32>
        %parallel_loop3A_403 = arith.fptosi %parallel_loop3A_402 : vector<16xf32> to vector<16xi32>
        %parallel_loop3A_404 = arith.constant 14 : i32
        %parallel_loop3A_405 = vector.broadcast %parallel_loop3A_404 : i32 to vector<16xi32>
        %parallel_loop3A_406 = arith.minsi %parallel_loop3A_403, %parallel_loop3A_405 : vector<16xi32>
        %parallel_loop3A_407 = arith.constant 225 : i32
        %parallel_loop3A_408 = vector.broadcast %parallel_loop3A_407 : i32 to vector<16xi32>
        %parallel_loop3A_409 = arith.addi %parallel_loop3A_406, %parallel_loop3A_408 : vector<16xi32>
        %parallel_loop3A_410 = tpu.vector_load_idx %arg5[%parallel_loop3A_409] : memref<288xf32, #tpu.memory_space<vmem>>[vector<16xi32>], vector<16xf32>,
        %parallel_loop3A_411 = arith.addf %parallel_loop3A_401, %parallel_loop3A_410 : vector<16xf32>
        %parallel_loop3A_412 = arith.mulf %parallel_loop3A_221, %parallel_loop3A_252 : vector<16xf32>
        %parallel_loop3A_413 = arith.fptosi %parallel_loop3A_412 : vector<16xf32> to vector<16xi32>
        %parallel_loop3A_414 = arith.constant 14 : i32
        %parallel_loop3A_415 = vector.broadcast %parallel_loop3A_414 : i32 to vector<16xi32>
        %parallel_loop3A_416 = arith.minsi %parallel_loop3A_413, %parallel_loop3A_415 : vector<16xi32>
        %parallel_loop3A_417 = arith.constant 240 : i32
        %parallel_loop3A_418 = vector.broadcast %parallel_loop3A_417 : i32 to vector<16xi32>
        %parallel_loop3A_419 = arith.addi %parallel_loop3A_416, %parallel_loop3A_418 : vector<16xi32>
        %parallel_loop3A_420 = tpu.vector_load_idx %arg5[%parallel_loop3A_419] : memref<288xf32, #tpu.memory_space<vmem>>[vector<16xi32>], vector<16xf32>,
        %parallel_loop3A_421 = arith.addf %parallel_loop3A_411, %parallel_loop3A_420 : vector<16xf32>
        %parallel_loop3A_422 = arith.mulf %parallel_loop3A_226, %parallel_loop3A_252 : vector<16xf32>
        %parallel_loop3A_423 = arith.fptosi %parallel_loop3A_422 : vector<16xf32> to vector<16xi32>
        %parallel_loop3A_424 = arith.constant 14 : i32
        %parallel_loop3A_425 = vector.broadcast %parallel_loop3A_424 : i32 to vector<16xi32>
        %parallel_loop3A_426 = arith.minsi %parallel_loop3A_423, %parallel_loop3A_425 : vector<16xi32>
        %parallel_loop3A_427 = arith.constant 255 : i32
        %parallel_loop3A_428 = vector.broadcast %parallel_loop3A_427 : i32 to vector<16xi32>
        %parallel_loop3A_429 = arith.addi %parallel_loop3A_426, %parallel_loop3A_428 : vector<16xi32>
        %parallel_loop3A_430 = tpu.vector_load_idx %arg5[%parallel_loop3A_429] : memref<288xf32, #tpu.memory_space<vmem>>[vector<16xi32>], vector<16xf32>,
        %parallel_loop3A_431 = arith.addf %parallel_loop3A_421, %parallel_loop3A_430 : vector<16xf32>
        %parallel_loop3A_432 = arith.mulf %parallel_loop3A_231, %parallel_loop3A_252 : vector<16xf32>
        %parallel_loop3A_433 = arith.fptosi %parallel_loop3A_432 : vector<16xf32> to vector<16xi32>
        %parallel_loop3A_434 = arith.constant 14 : i32
        %parallel_loop3A_435 = vector.broadcast %parallel_loop3A_434 : i32 to vector<16xi32>
        %parallel_loop3A_436 = arith.minsi %parallel_loop3A_433, %parallel_loop3A_435 : vector<16xi32>
        %parallel_loop3A_437 = arith.constant 270 : i32
        %parallel_loop3A_438 = vector.broadcast %parallel_loop3A_437 : i32 to vector<16xi32>
        %parallel_loop3A_439 = arith.addi %parallel_loop3A_436, %parallel_loop3A_438 : vector<16xi32>
        %parallel_loop3A_440 = tpu.vector_load_idx %arg5[%parallel_loop3A_439] : memref<288xf32, #tpu.memory_space<vmem>>[vector<16xi32>], vector<16xf32>,
        %parallel_loop3A_441 = arith.addf %parallel_loop3A_431, %parallel_loop3A_440 : vector<16xf32>
        %parallel_loop3A_442 = arith.constant 0.000000e+00 : f32
        %parallel_loop3A_443 = vector.broadcast %parallel_loop3A_442 : f32 to vector<16xf32>
        %parallel_loop3A_444 = arith.cmpf oeq, %parallel_loop3A_441, %parallel_loop3A_443 : vector<16xf32>
        %parallel_loop3A_445 = arith.constant 1.000000e+00 : f32
        %parallel_loop3A_446 = vector.broadcast %parallel_loop3A_445 : f32 to vector<16xf32>
        %parallel_loop3A_447 = arith.select %parallel_loop3A_444, %parallel_loop3A_446, %parallel_loop3A_441 : vector<16xi1>, vector<16xf32>
        %parallel_loop3A_448 = arith.constant 1.000000e+00 : f32
        %parallel_loop3A_449 = vector.broadcast %parallel_loop3A_448 : f32 to vector<16xf32>
        %parallel_loop3A_450 = arith.divf %parallel_loop3A_449, %parallel_loop3A_447 : vector<16xf32>
        %parallel_loop3A_451 = arith.mulf %parallel_loop3A_261, %parallel_loop3A_450 : vector<16xf32>
        %parallel_loop3A_452 = arith.constant 0 : i32
        %parallel_loop3A_453 = arith.index_cast %parallel_loop3A_452 : i32 to index
        %parallel_loop3A_454 = arith.index_cast %parallel_loop3A_136 : i32 to index
        %parallel_loop3A_455 = tpu.vector_load %arg9[%parallel_loop3A_453, %parallel_loop3A_454] {strides = array<i32>} : memref<19x1024xf32, #tpu.memory_space<vmem>>, vector<16xf32>,
        tpu.vector_store %arg9[%parallel_loop3A_453, %parallel_loop3A_454], %parallel_loop3A_451 {strides = array<i32>} : memref<19x1024xf32, #tpu.memory_space<vmem>>, vector<16xf32>,
        %parallel_loop3A_456 = arith.mulf %parallel_loop3A_270, %parallel_loop3A_450 : vector<16xf32>
        %parallel_loop3A_457 = arith.constant 1 : i32
        %parallel_loop3A_458 = arith.index_cast %parallel_loop3A_457 : i32 to index
        %parallel_loop3A_459 = arith.index_cast %parallel_loop3A_136 : i32 to index
        %parallel_loop3A_460 = tpu.vector_load %arg9[%parallel_loop3A_458, %parallel_loop3A_459] {strides = array<i32>} : memref<19x1024xf32, #tpu.memory_space<vmem>>, vector<16xf32>,
        tpu.vector_store %arg9[%parallel_loop3A_458, %parallel_loop3A_459], %parallel_loop3A_456 {strides = array<i32>} : memref<19x1024xf32, #tpu.memory_space<vmem>>, vector<16xf32>,
        %parallel_loop3A_461 = arith.mulf %parallel_loop3A_280, %parallel_loop3A_450 : vector<16xf32>
        %parallel_loop3A_462 = arith.constant 2 : i32
        %parallel_loop3A_463 = arith.index_cast %parallel_loop3A_462 : i32 to index
        %parallel_loop3A_464 = arith.index_cast %parallel_loop3A_136 : i32 to index
        %parallel_loop3A_465 = tpu.vector_load %arg9[%parallel_loop3A_463, %parallel_loop3A_464] {strides = array<i32>} : memref<19x1024xf32, #tpu.memory_space<vmem>>, vector<16xf32>,
        tpu.vector_store %arg9[%parallel_loop3A_463, %parallel_loop3A_464], %parallel_loop3A_461 {strides = array<i32>} : memref<19x1024xf32, #tpu.memory_space<vmem>>, vector<16xf32>,
        %parallel_loop3A_466 = arith.mulf %parallel_loop3A_290, %parallel_loop3A_450 : vector<16xf32>
        %parallel_loop3A_467 = arith.constant 3 : i32
        %parallel_loop3A_468 = arith.index_cast %parallel_loop3A_467 : i32 to index
        %parallel_loop3A_469 = arith.index_cast %parallel_loop3A_136 : i32 to index
        %parallel_loop3A_470 = tpu.vector_load %arg9[%parallel_loop3A_468, %parallel_loop3A_469] {strides = array<i32>} : memref<19x1024xf32, #tpu.memory_space<vmem>>, vector<16xf32>,
        tpu.vector_store %arg9[%parallel_loop3A_468, %parallel_loop3A_469], %parallel_loop3A_466 {strides = array<i32>} : memref<19x1024xf32, #tpu.memory_space<vmem>>, vector<16xf32>,
        %parallel_loop3A_471 = arith.mulf %parallel_loop3A_300, %parallel_loop3A_450 : vector<16xf32>
        %parallel_loop3A_472 = arith.constant 4 : i32
        %parallel_loop3A_473 = arith.index_cast %parallel_loop3A_472 : i32 to index
        %parallel_loop3A_474 = arith.index_cast %parallel_loop3A_136 : i32 to index
        %parallel_loop3A_475 = tpu.vector_load %arg9[%parallel_loop3A_473, %parallel_loop3A_474] {strides = array<i32>} : memref<19x1024xf32, #tpu.memory_space<vmem>>, vector<16xf32>,
        tpu.vector_store %arg9[%parallel_loop3A_473, %parallel_loop3A_474], %parallel_loop3A_471 {strides = array<i32>} : memref<19x1024xf32, #tpu.memory_space<vmem>>, vector<16xf32>,
        %parallel_loop3A_476 = arith.mulf %parallel_loop3A_310, %parallel_loop3A_450 : vector<16xf32>
        %parallel_loop3A_477 = arith.constant 5 : i32
        %parallel_loop3A_478 = arith.index_cast %parallel_loop3A_477 : i32 to index
        %parallel_loop3A_479 = arith.index_cast %parallel_loop3A_136 : i32 to index
        %parallel_loop3A_480 = tpu.vector_load %arg9[%parallel_loop3A_478, %parallel_loop3A_479] {strides = array<i32>} : memref<19x1024xf32, #tpu.memory_space<vmem>>, vector<16xf32>,
        tpu.vector_store %arg9[%parallel_loop3A_478, %parallel_loop3A_479], %parallel_loop3A_476 {strides = array<i32>} : memref<19x1024xf32, #tpu.memory_space<vmem>>, vector<16xf32>,
        %parallel_loop3A_481 = arith.mulf %parallel_loop3A_320, %parallel_loop3A_450 : vector<16xf32>
        %parallel_loop3A_482 = arith.constant 6 : i32
        %parallel_loop3A_483 = arith.index_cast %parallel_loop3A_482 : i32 to index
        %parallel_loop3A_484 = arith.index_cast %parallel_loop3A_136 : i32 to index
        %parallel_loop3A_485 = tpu.vector_load %arg9[%parallel_loop3A_483, %parallel_loop3A_484] {strides = array<i32>} : memref<19x1024xf32, #tpu.memory_space<vmem>>, vector<16xf32>,
        tpu.vector_store %arg9[%parallel_loop3A_483, %parallel_loop3A_484], %parallel_loop3A_481 {strides = array<i32>} : memref<19x1024xf32, #tpu.memory_space<vmem>>, vector<16xf32>,
        %parallel_loop3A_486 = arith.mulf %parallel_loop3A_330, %parallel_loop3A_450 : vector<16xf32>
        %parallel_loop3A_487 = arith.constant 7 : i32
        %parallel_loop3A_488 = arith.index_cast %parallel_loop3A_487 : i32 to index
        %parallel_loop3A_489 = arith.index_cast %parallel_loop3A_136 : i32 to index
        %parallel_loop3A_490 = tpu.vector_load %arg9[%parallel_loop3A_488, %parallel_loop3A_489] {strides = array<i32>} : memref<19x1024xf32, #tpu.memory_space<vmem>>, vector<16xf32>,
        tpu.vector_store %arg9[%parallel_loop3A_488, %parallel_loop3A_489], %parallel_loop3A_486 {strides = array<i32>} : memref<19x1024xf32, #tpu.memory_space<vmem>>, vector<16xf32>,
        %parallel_loop3A_491 = arith.mulf %parallel_loop3A_340, %parallel_loop3A_450 : vector<16xf32>
        %parallel_loop3A_492 = arith.constant 8 : i32
        %parallel_loop3A_493 = arith.index_cast %parallel_loop3A_492 : i32 to index
        %parallel_loop3A_494 = arith.index_cast %parallel_loop3A_136 : i32 to index
        %parallel_loop3A_495 = tpu.vector_load %arg9[%parallel_loop3A_493, %parallel_loop3A_494] {strides = array<i32>} : memref<19x1024xf32, #tpu.memory_space<vmem>>, vector<16xf32>,
        tpu.vector_store %arg9[%parallel_loop3A_493, %parallel_loop3A_494], %parallel_loop3A_491 {strides = array<i32>} : memref<19x1024xf32, #tpu.memory_space<vmem>>, vector<16xf32>,
        %parallel_loop3A_496 = arith.mulf %parallel_loop3A_350, %parallel_loop3A_450 : vector<16xf32>
        %parallel_loop3A_497 = arith.constant 9 : i32
        %parallel_loop3A_498 = arith.index_cast %parallel_loop3A_497 : i32 to index
        %parallel_loop3A_499 = arith.index_cast %parallel_loop3A_136 : i32 to index
        %parallel_loop3A_500 = tpu.vector_load %arg9[%parallel_loop3A_498, %parallel_loop3A_499] {strides = array<i32>} : memref<19x1024xf32, #tpu.memory_space<vmem>>, vector<16xf32>,
        tpu.vector_store %arg9[%parallel_loop3A_498, %parallel_loop3A_499], %parallel_loop3A_496 {strides = array<i32>} : memref<19x1024xf32, #tpu.memory_space<vmem>>, vector<16xf32>,
        %parallel_loop3A_501 = arith.mulf %parallel_loop3A_360, %parallel_loop3A_450 : vector<16xf32>
        %parallel_loop3A_502 = arith.constant 10 : i32
        %parallel_loop3A_503 = arith.index_cast %parallel_loop3A_502 : i32 to index
        %parallel_loop3A_504 = arith.index_cast %parallel_loop3A_136 : i32 to index
        %parallel_loop3A_505 = tpu.vector_load %arg9[%parallel_loop3A_503, %parallel_loop3A_504] {strides = array<i32>} : memref<19x1024xf32, #tpu.memory_space<vmem>>, vector<16xf32>,
        tpu.vector_store %arg9[%parallel_loop3A_503, %parallel_loop3A_504], %parallel_loop3A_501 {strides = array<i32>} : memref<19x1024xf32, #tpu.memory_space<vmem>>, vector<16xf32>,
        %parallel_loop3A_506 = arith.mulf %parallel_loop3A_370, %parallel_loop3A_450 : vector<16xf32>
        %parallel_loop3A_507 = arith.constant 11 : i32
        %parallel_loop3A_508 = arith.index_cast %parallel_loop3A_507 : i32 to index
        %parallel_loop3A_509 = arith.index_cast %parallel_loop3A_136 : i32 to index
        %parallel_loop3A_510 = tpu.vector_load %arg9[%parallel_loop3A_508, %parallel_loop3A_509] {strides = array<i32>} : memref<19x1024xf32, #tpu.memory_space<vmem>>, vector<16xf32>,
        tpu.vector_store %arg9[%parallel_loop3A_508, %parallel_loop3A_509], %parallel_loop3A_506 {strides = array<i32>} : memref<19x1024xf32, #tpu.memory_space<vmem>>, vector<16xf32>,
        %parallel_loop3A_511 = arith.mulf %parallel_loop3A_380, %parallel_loop3A_450 : vector<16xf32>
        %parallel_loop3A_512 = arith.constant 12 : i32
        %parallel_loop3A_513 = arith.index_cast %parallel_loop3A_512 : i32 to index
        %parallel_loop3A_514 = arith.index_cast %parallel_loop3A_136 : i32 to index
        %parallel_loop3A_515 = tpu.vector_load %arg9[%parallel_loop3A_513, %parallel_loop3A_514] {strides = array<i32>} : memref<19x1024xf32, #tpu.memory_space<vmem>>, vector<16xf32>,
        tpu.vector_store %arg9[%parallel_loop3A_513, %parallel_loop3A_514], %parallel_loop3A_511 {strides = array<i32>} : memref<19x1024xf32, #tpu.memory_space<vmem>>, vector<16xf32>,
        %parallel_loop3A_516 = arith.mulf %parallel_loop3A_390, %parallel_loop3A_450 : vector<16xf32>
        %parallel_loop3A_517 = arith.constant 13 : i32
        %parallel_loop3A_518 = arith.index_cast %parallel_loop3A_517 : i32 to index
        %parallel_loop3A_519 = arith.index_cast %parallel_loop3A_136 : i32 to index
        %parallel_loop3A_520 = tpu.vector_load %arg9[%parallel_loop3A_518, %parallel_loop3A_519] {strides = array<i32>} : memref<19x1024xf32, #tpu.memory_space<vmem>>, vector<16xf32>,
        tpu.vector_store %arg9[%parallel_loop3A_518, %parallel_loop3A_519], %parallel_loop3A_516 {strides = array<i32>} : memref<19x1024xf32, #tpu.memory_space<vmem>>, vector<16xf32>,
        %parallel_loop3A_521 = arith.mulf %parallel_loop3A_400, %parallel_loop3A_450 : vector<16xf32>
        %parallel_loop3A_522 = arith.constant 14 : i32
        %parallel_loop3A_523 = arith.index_cast %parallel_loop3A_522 : i32 to index
        %parallel_loop3A_524 = arith.index_cast %parallel_loop3A_136 : i32 to index
        %parallel_loop3A_525 = tpu.vector_load %arg9[%parallel_loop3A_523, %parallel_loop3A_524] {strides = array<i32>} : memref<19x1024xf32, #tpu.memory_space<vmem>>, vector<16xf32>,
        tpu.vector_store %arg9[%parallel_loop3A_523, %parallel_loop3A_524], %parallel_loop3A_521 {strides = array<i32>} : memref<19x1024xf32, #tpu.memory_space<vmem>>, vector<16xf32>,
        %parallel_loop3A_526 = arith.mulf %parallel_loop3A_410, %parallel_loop3A_450 : vector<16xf32>
        %parallel_loop3A_527 = arith.constant 15 : i32
        %parallel_loop3A_528 = arith.index_cast %parallel_loop3A_527 : i32 to index
        %parallel_loop3A_529 = arith.index_cast %parallel_loop3A_136 : i32 to index
        %parallel_loop3A_530 = tpu.vector_load %arg9[%parallel_loop3A_528, %parallel_loop3A_529] {strides = array<i32>} : memref<19x1024xf32, #tpu.memory_space<vmem>>, vector<16xf32>,
        tpu.vector_store %arg9[%parallel_loop3A_528, %parallel_loop3A_529], %parallel_loop3A_526 {strides = array<i32>} : memref<19x1024xf32, #tpu.memory_space<vmem>>, vector<16xf32>,
        %parallel_loop3A_531 = arith.mulf %parallel_loop3A_420, %parallel_loop3A_450 : vector<16xf32>
        %parallel_loop3A_532 = arith.constant 16 : i32
        %parallel_loop3A_533 = arith.index_cast %parallel_loop3A_532 : i32 to index
        %parallel_loop3A_534 = arith.index_cast %parallel_loop3A_136 : i32 to index
        %parallel_loop3A_535 = tpu.vector_load %arg9[%parallel_loop3A_533, %parallel_loop3A_534] {strides = array<i32>} : memref<19x1024xf32, #tpu.memory_space<vmem>>, vector<16xf32>,
        tpu.vector_store %arg9[%parallel_loop3A_533, %parallel_loop3A_534], %parallel_loop3A_531 {strides = array<i32>} : memref<19x1024xf32, #tpu.memory_space<vmem>>, vector<16xf32>,
        %parallel_loop3A_536 = arith.mulf %parallel_loop3A_430, %parallel_loop3A_450 : vector<16xf32>
        %parallel_loop3A_537 = arith.constant 17 : i32
        %parallel_loop3A_538 = arith.index_cast %parallel_loop3A_537 : i32 to index
        %parallel_loop3A_539 = arith.index_cast %parallel_loop3A_136 : i32 to index
        %parallel_loop3A_540 = tpu.vector_load %arg9[%parallel_loop3A_538, %parallel_loop3A_539] {strides = array<i32>} : memref<19x1024xf32, #tpu.memory_space<vmem>>, vector<16xf32>,
        tpu.vector_store %arg9[%parallel_loop3A_538, %parallel_loop3A_539], %parallel_loop3A_536 {strides = array<i32>} : memref<19x1024xf32, #tpu.memory_space<vmem>>, vector<16xf32>,
        %parallel_loop3A_541 = arith.mulf %parallel_loop3A_440, %parallel_loop3A_450 : vector<16xf32>
        %parallel_loop3A_542 = arith.constant 18 : i32
        %parallel_loop3A_543 = arith.index_cast %parallel_loop3A_542 : i32 to index
        %parallel_loop3A_544 = arith.index_cast %parallel_loop3A_136 : i32 to index
        %parallel_loop3A_545 = tpu.vector_load %arg9[%parallel_loop3A_543, %parallel_loop3A_544] {strides = array<i32>} : memref<19x1024xf32, #tpu.memory_space<vmem>>, vector<16xf32>,
        tpu.vector_store %arg9[%parallel_loop3A_543, %parallel_loop3A_544], %parallel_loop3A_541 {strides = array<i32>} : memref<19x1024xf32, #tpu.memory_space<vmem>>, vector<16xf32>,
      } {sc.loop_unroll_factor = 2 : i64, sc.parallel_access}
      %mul3A_124 = arith.constant 1024 : i32
      %mul3A_125 = arith.muli %add3A_68, %mul3A_124 : i32
      %add3A_126 = arith.addi %mul3A_32, %mul3A_125 : i32
      %dma_start3A_127 = arith.constant 0 : i32
      %dma_start3A_128 = tpu.memref_slice %arg4[%select_n3A, %dma_start3A_127, %add3A_126] : memref<1x19x262144xf32, #tpu.memory_space<hbm>> -> memref<1x19x1024xf32, #tpu.memory_space<hbm>>
      %dma_start3A_129 = tpu.memref_squeeze %dma_start3A_128 : memref<1x19x1024xf32, #tpu.memory_space<hbm>> -> memref<19x1024xf32, #tpu.memory_space<hbm>>
      %dma_start3A_130 = arith.constant 0 : i32
      %dma_start3A_131 = tpu.memref_slice %arg4[%select_n3A, %dma_start3A_130, %add3A_126] : memref<1x19x262144xf32, #tpu.memory_space<hbm>> -> memref<1x19x1024xf32, #tpu.memory_space<hbm>>
      %dma_start3A_132 = tpu.memref_squeeze %dma_start3A_131 : memref<1x19x1024xf32, #tpu.memory_space<hbm>> -> memref<19x1024xf32, #tpu.memory_space<hbm>>
      tpu.enqueue_dma source(%arg9 : memref<19x1024xf32, #tpu.memory_space<vmem>>) target(%dma_start3A_132 : memref<19x1024xf32, #tpu.memory_space<hbm>>) target_semaphore(%arg13 : memref<!tpu.dma_semaphore, #tpu.memory_space<semaphore_mem>>)
      %scan3A_133 = arith.constant 0 : i32
      scf.yield %scan3A_133 : i32
    }
    %scan3A_45 = arith.constant 4 : i32
    %add3A_46 = arith.constant 6144 : i32
    %add3A_47 = arith.addi %mul3A_32, %add3A_46 : i32
    %dma_wait3A = arith.constant 0 : i32
    %dma_wait3A_48 = tpu.memref_slice %arg4[%select_n3A, %dma_wait3A, %add3A_47] : memref<1x19x262144xf32, #tpu.memory_space<hbm>> -> memref<1x19x1024xf32, #tpu.memory_space<hbm>>
    %dma_wait3A_49 = tpu.memref_squeeze %dma_wait3A_48 : memref<1x19x1024xf32, #tpu.memory_space<hbm>> -> memref<19x1024xf32, #tpu.memory_space<hbm>>
    %dma_wait3A_50 = arith.constant 0 : i32
    %dma_wait3A_51 = tpu.memref_slice %arg4[%select_n3A, %dma_wait3A_50, %add3A_47] : memref<1x19x262144xf32, #tpu.memory_space<hbm>> -> memref<1x19x1024xf32, #tpu.memory_space<hbm>>
    %dma_wait3A_52 = tpu.memref_squeeze %dma_wait3A_51 : memref<1x19x1024xf32, #tpu.memory_space<hbm>> -> memref<19x1024xf32, #tpu.memory_space<hbm>>
    tpu.wait_dma2 semaphore(%arg12 : memref<!tpu.dma_semaphore, #tpu.memory_space<semaphore_mem>>) src(%arg8 : memref<19x1024xf32, #tpu.memory_space<vmem>>) dst(%dma_wait3A_52 : memref<19x1024xf32, #tpu.memory_space<hbm>>)
    %add3A_53 = arith.constant 7168 : i32
    %add3A_54 = arith.addi %mul3A_32, %add3A_53 : i32
    %dma_wait3A_55 = arith.constant 0 : i32
    %dma_wait3A_56 = tpu.memref_slice %arg4[%select_n3A, %dma_wait3A_55, %add3A_54] : memref<1x19x262144xf32, #tpu.memory_space<hbm>> -> memref<1x19x1024xf32, #tpu.memory_space<hbm>>
    %dma_wait3A_57 = tpu.memref_squeeze %dma_wait3A_56 : memref<1x19x1024xf32, #tpu.memory_space<hbm>> -> memref<19x1024xf32, #tpu.memory_space<hbm>>
    %dma_wait3A_58 = arith.constant 0 : i32
    %dma_wait3A_59 = tpu.memref_slice %arg4[%select_n3A, %dma_wait3A_58, %add3A_54] : memref<1x19x262144xf32, #tpu.memory_space<hbm>> -> memref<1x19x1024xf32, #tpu.memory_space<hbm>>
    %dma_wait3A_60 = tpu.memref_squeeze %dma_wait3A_59 : memref<1x19x1024xf32, #tpu.memory_space<hbm>> -> memref<19x1024xf32, #tpu.memory_space<hbm>>
    tpu.wait_dma2 semaphore(%arg13 : memref<!tpu.dma_semaphore, #tpu.memory_space<semaphore_mem>>) src(%arg9 : memref<19x1024xf32, #tpu.memory_space<vmem>>) dst(%dma_wait3A_60 : memref<19x1024xf32, #tpu.memory_space<hbm>>)
    return
  }
}

module attributes {stable_mosaic.version = 14 : i64} {
  func.func @_tc_body(%arg0: i32, %arg1: i32, %arg2: memref<19x128xf32, #tpu.memory_space<vmem>>, %arg3: memref<1x19x128x512xf32, #tpu.memory_space<vmem>>, %arg4: memref<1x19x128x512xf32, #tpu.memory_space<vmem>>) attributes {dimension_semantics = [#tpu.dimension_semantics<parallel>, #tpu.dimension_semantics<parallel>], iteration_bounds = array<i64: 7, 4>, scalar_prefetch = 0 : i64, scratch_operands = 0 : i64, tpu.core_type = #tpu.core_type<tc>, window_params = [{pipeline_mode = #tpu.pipeline_mode<synchronous>, transform_indices = @transform_0, window_bounds = array<i64: 19, 128>}, {transform_indices = @transform_1, window_bounds = array<i64: 1, 19, 128, 512>}, {transform_indices = @transform_2, window_bounds = array<i64: 1, 19, 128, 512>}]} {
    %get3A = arith.constant 0 : index
    %get3A_0 = arith.constant 0 : index
    %get3A_1 = arith.constant 0 : index
    %get3A_2 = arith.constant 0 : index
    %get3A_3 = vector.load %arg3[%get3A, %get3A_0, %get3A_1, %get3A_2] : memref<1x19x128x512xf32, #tpu.memory_space<vmem>>, vector<1x19x128x512xf32>
    %exp3A = math.exp %get3A_3 : vector<1x19x128x512xf32>
    %reduce_sum3A = arith.constant dense<0.000000e+00> : vector<1x128x512xf32>
    %reduce_sum3A_4 = vector.multi_reduction <add>, %exp3A, %reduce_sum3A [1] : vector<1x19x128x512xf32> to vector<1x128x512xf32>
    %broadcast_in_dim3A = vector.shape_cast %reduce_sum3A_4 : vector<1x128x512xf32> to vector<1x1x128x512xf32>
    %div3A = arith.constant 1.500000e+01 : f32
    %div3A_5 = vector.broadcast %div3A : f32 to vector<1x1x128x512xf32>
    %div3A_6 = arith.divf %div3A_5, %broadcast_in_dim3A : vector<1x1x128x512xf32>
    %mul3A = vector.broadcast %div3A_6 : vector<1x1x128x512xf32> to vector<1x19x128x512xf32>
    %mul3A_7 = arith.mulf %exp3A, %mul3A : vector<1x19x128x512xf32>
    %convert_element_type3A = arith.fptosi %mul3A_7 : vector<1x19x128x512xf32> to vector<1x19x128x512xi32>
    %min3A = arith.constant 14 : i32
    %min3A_8 = vector.broadcast %min3A : i32 to vector<1x19x128x512xi32>
    %min3A_9 = arith.minsi %convert_element_type3A, %min3A_8 : vector<1x19x128x512xi32>
    %iota3A = tpu.iota {dimensions = array<i32: 1>} : vector<128x128xi32>
    %and3A = arith.constant -16 : i32
    %and3A_10 = vector.broadcast %and3A : i32 to vector<128x128xi32>
    %and3A_11 = arith.andi %iota3A, %and3A_10 : vector<128x128xi32>
    %get3A_12 = arith.constant 0 : index
    %get3A_13 = arith.constant 0 : index
    %get3A_14 = vector.load %arg2[%get3A_12, %get3A_13] : memref<19x128xf32, #tpu.memory_space<vmem>>, vector<1x128xf32>
    %get3A_15 = vector.shape_cast %get3A_14 : vector<1x128xf32> to vector<128xf32>
    %reshape3A = vector.shape_cast %get3A_15 : vector<128xf32> to vector<1x128xf32>
    %broadcast_in_dim3A_16 = vector.shape_cast %reshape3A : vector<1x128xf32> to vector<1x128xf32>
    %broadcast_in_dim3A_17 = vector.broadcast %broadcast_in_dim3A_16 : vector<1x128xf32> to vector<128x128xf32>
    %slice3A = vector.extract_strided_slice %min3A_9 {offsets = [0, 0, 0, 0], sizes = [1, 1, 128, 128], strides = [1, 1, 1, 1]} : vector<1x19x128x512xi32> to vector<1x1x128x128xi32>
    %squeeze3A = vector.shape_cast %slice3A : vector<1x1x128x128xi32> to vector<128x128xi32>
    %add3A = arith.addi %and3A_11, %squeeze3A : vector<128x128xi32>
    %reshape3A_18 = vector.shape_cast %add3A : vector<128x128xi32> to vector<128x128x1xi32>
    %gather3A = vector.shape_cast %reshape3A_18 : vector<128x128x1xi32> to vector<128x128xi32>
    %gather3A_19 = tpu.dynamic_gather %broadcast_in_dim3A_17[%gather3A] in [1] : vector<128x128xf32>, vector<128x128xi32> -> vector<128x128xf32>
    %slice3A_20 = vector.extract_strided_slice %min3A_9 {offsets = [0, 0, 0, 128], sizes = [1, 1, 128, 128], strides = [1, 1, 1, 1]} : vector<1x19x128x512xi32> to vector<1x1x128x128xi32>
    %squeeze3A_21 = vector.shape_cast %slice3A_20 : vector<1x1x128x128xi32> to vector<128x128xi32>
    %add3A_22 = arith.addi %and3A_11, %squeeze3A_21 : vector<128x128xi32>
    %reshape3A_23 = vector.shape_cast %add3A_22 : vector<128x128xi32> to vector<128x128x1xi32>
    %gather3A_24 = vector.shape_cast %reshape3A_23 : vector<128x128x1xi32> to vector<128x128xi32>
    %gather3A_25 = tpu.dynamic_gather %broadcast_in_dim3A_17[%gather3A_24] in [1] : vector<128x128xf32>, vector<128x128xi32> -> vector<128x128xf32>
    %slice3A_26 = vector.extract_strided_slice %min3A_9 {offsets = [0, 0, 0, 256], sizes = [1, 1, 128, 128], strides = [1, 1, 1, 1]} : vector<1x19x128x512xi32> to vector<1x1x128x128xi32>
    %squeeze3A_27 = vector.shape_cast %slice3A_26 : vector<1x1x128x128xi32> to vector<128x128xi32>
    %add3A_28 = arith.addi %and3A_11, %squeeze3A_27 : vector<128x128xi32>
    %reshape3A_29 = vector.shape_cast %add3A_28 : vector<128x128xi32> to vector<128x128x1xi32>
    %gather3A_30 = vector.shape_cast %reshape3A_29 : vector<128x128x1xi32> to vector<128x128xi32>
    %gather3A_31 = tpu.dynamic_gather %broadcast_in_dim3A_17[%gather3A_30] in [1] : vector<128x128xf32>, vector<128x128xi32> -> vector<128x128xf32>
    %slice3A_32 = vector.extract_strided_slice %min3A_9 {offsets = [0, 0, 0, 384], sizes = [1, 1, 128, 128], strides = [1, 1, 1, 1]} : vector<1x19x128x512xi32> to vector<1x1x128x128xi32>
    %squeeze3A_33 = vector.shape_cast %slice3A_32 : vector<1x1x128x128xi32> to vector<128x128xi32>
    %add3A_34 = arith.addi %and3A_11, %squeeze3A_33 : vector<128x128xi32>
    %reshape3A_35 = vector.shape_cast %add3A_34 : vector<128x128xi32> to vector<128x128x1xi32>
    %gather3A_36 = vector.shape_cast %reshape3A_35 : vector<128x128x1xi32> to vector<128x128xi32>
    %gather3A_37 = tpu.dynamic_gather %broadcast_in_dim3A_17[%gather3A_36] in [1] : vector<128x128xf32>, vector<128x128xi32> -> vector<128x128xf32>
    %concatenate3A = tpu.concatenate %gather3A_19, %gather3A_25, %gather3A_31, %gather3A_37 in 1 : vector<128x128xf32>, vector<128x128xf32>, vector<128x128xf32>, vector<128x128xf32> -> vector<128x512xf32>
    %reshape3A_38 = vector.shape_cast %concatenate3A : vector<128x512xf32> to vector<1x1x128x512xf32>
    %get3A_39 = arith.constant 1 : index
    %get3A_40 = arith.constant 0 : index
    %get3A_41 = vector.load %arg2[%get3A_39, %get3A_40] : memref<19x128xf32, #tpu.memory_space<vmem>>, vector<1x128xf32>
    %get3A_42 = vector.shape_cast %get3A_41 : vector<1x128xf32> to vector<128xf32>
    %reshape3A_43 = vector.shape_cast %get3A_42 : vector<128xf32> to vector<1x128xf32>
    %broadcast_in_dim3A_44 = vector.shape_cast %reshape3A_43 : vector<1x128xf32> to vector<1x128xf32>
    %broadcast_in_dim3A_45 = vector.broadcast %broadcast_in_dim3A_44 : vector<1x128xf32> to vector<128x128xf32>
    %slice3A_46 = vector.extract_strided_slice %min3A_9 {offsets = [0, 1, 0, 0], sizes = [1, 1, 128, 128], strides = [1, 1, 1, 1]} : vector<1x19x128x512xi32> to vector<1x1x128x128xi32>
    %squeeze3A_47 = vector.shape_cast %slice3A_46 : vector<1x1x128x128xi32> to vector<128x128xi32>
    %add3A_48 = arith.addi %and3A_11, %squeeze3A_47 : vector<128x128xi32>
    %reshape3A_49 = vector.shape_cast %add3A_48 : vector<128x128xi32> to vector<128x128x1xi32>
    %gather3A_50 = vector.shape_cast %reshape3A_49 : vector<128x128x1xi32> to vector<128x128xi32>
    %gather3A_51 = tpu.dynamic_gather %broadcast_in_dim3A_45[%gather3A_50] in [1] : vector<128x128xf32>, vector<128x128xi32> -> vector<128x128xf32>
    %slice3A_52 = vector.extract_strided_slice %min3A_9 {offsets = [0, 1, 0, 128], sizes = [1, 1, 128, 128], strides = [1, 1, 1, 1]} : vector<1x19x128x512xi32> to vector<1x1x128x128xi32>
    %squeeze3A_53 = vector.shape_cast %slice3A_52 : vector<1x1x128x128xi32> to vector<128x128xi32>
    %add3A_54 = arith.addi %and3A_11, %squeeze3A_53 : vector<128x128xi32>
    %reshape3A_55 = vector.shape_cast %add3A_54 : vector<128x128xi32> to vector<128x128x1xi32>
    %gather3A_56 = vector.shape_cast %reshape3A_55 : vector<128x128x1xi32> to vector<128x128xi32>
    %gather3A_57 = tpu.dynamic_gather %broadcast_in_dim3A_45[%gather3A_56] in [1] : vector<128x128xf32>, vector<128x128xi32> -> vector<128x128xf32>
    %slice3A_58 = vector.extract_strided_slice %min3A_9 {offsets = [0, 1, 0, 256], sizes = [1, 1, 128, 128], strides = [1, 1, 1, 1]} : vector<1x19x128x512xi32> to vector<1x1x128x128xi32>
    %squeeze3A_59 = vector.shape_cast %slice3A_58 : vector<1x1x128x128xi32> to vector<128x128xi32>
    %add3A_60 = arith.addi %and3A_11, %squeeze3A_59 : vector<128x128xi32>
    %reshape3A_61 = vector.shape_cast %add3A_60 : vector<128x128xi32> to vector<128x128x1xi32>
    %gather3A_62 = vector.shape_cast %reshape3A_61 : vector<128x128x1xi32> to vector<128x128xi32>
    %gather3A_63 = tpu.dynamic_gather %broadcast_in_dim3A_45[%gather3A_62] in [1] : vector<128x128xf32>, vector<128x128xi32> -> vector<128x128xf32>
    %slice3A_64 = vector.extract_strided_slice %min3A_9 {offsets = [0, 1, 0, 384], sizes = [1, 1, 128, 128], strides = [1, 1, 1, 1]} : vector<1x19x128x512xi32> to vector<1x1x128x128xi32>
    %squeeze3A_65 = vector.shape_cast %slice3A_64 : vector<1x1x128x128xi32> to vector<128x128xi32>
    %add3A_66 = arith.addi %and3A_11, %squeeze3A_65 : vector<128x128xi32>
    %reshape3A_67 = vector.shape_cast %add3A_66 : vector<128x128xi32> to vector<128x128x1xi32>
    %gather3A_68 = vector.shape_cast %reshape3A_67 : vector<128x128x1xi32> to vector<128x128xi32>
    %gather3A_69 = tpu.dynamic_gather %broadcast_in_dim3A_45[%gather3A_68] in [1] : vector<128x128xf32>, vector<128x128xi32> -> vector<128x128xf32>
    %concatenate3A_70 = tpu.concatenate %gather3A_51, %gather3A_57, %gather3A_63, %gather3A_69 in 1 : vector<128x128xf32>, vector<128x128xf32>, vector<128x128xf32>, vector<128x128xf32> -> vector<128x512xf32>
    %reshape3A_71 = vector.shape_cast %concatenate3A_70 : vector<128x512xf32> to vector<1x1x128x512xf32>
    %get3A_72 = arith.constant 2 : index
    %get3A_73 = arith.constant 0 : index
    %get3A_74 = vector.load %arg2[%get3A_72, %get3A_73] : memref<19x128xf32, #tpu.memory_space<vmem>>, vector<1x128xf32>
    %get3A_75 = vector.shape_cast %get3A_74 : vector<1x128xf32> to vector<128xf32>
    %reshape3A_76 = vector.shape_cast %get3A_75 : vector<128xf32> to vector<1x128xf32>
    %broadcast_in_dim3A_77 = vector.shape_cast %reshape3A_76 : vector<1x128xf32> to vector<1x128xf32>
    %broadcast_in_dim3A_78 = vector.broadcast %broadcast_in_dim3A_77 : vector<1x128xf32> to vector<128x128xf32>
    %slice3A_79 = vector.extract_strided_slice %min3A_9 {offsets = [0, 2, 0, 0], sizes = [1, 1, 128, 128], strides = [1, 1, 1, 1]} : vector<1x19x128x512xi32> to vector<1x1x128x128xi32>
    %squeeze3A_80 = vector.shape_cast %slice3A_79 : vector<1x1x128x128xi32> to vector<128x128xi32>
    %add3A_81 = arith.addi %and3A_11, %squeeze3A_80 : vector<128x128xi32>
    %reshape3A_82 = vector.shape_cast %add3A_81 : vector<128x128xi32> to vector<128x128x1xi32>
    %gather3A_83 = vector.shape_cast %reshape3A_82 : vector<128x128x1xi32> to vector<128x128xi32>
    %gather3A_84 = tpu.dynamic_gather %broadcast_in_dim3A_78[%gather3A_83] in [1] : vector<128x128xf32>, vector<128x128xi32> -> vector<128x128xf32>
    %slice3A_85 = vector.extract_strided_slice %min3A_9 {offsets = [0, 2, 0, 128], sizes = [1, 1, 128, 128], strides = [1, 1, 1, 1]} : vector<1x19x128x512xi32> to vector<1x1x128x128xi32>
    %squeeze3A_86 = vector.shape_cast %slice3A_85 : vector<1x1x128x128xi32> to vector<128x128xi32>
    %add3A_87 = arith.addi %and3A_11, %squeeze3A_86 : vector<128x128xi32>
    %reshape3A_88 = vector.shape_cast %add3A_87 : vector<128x128xi32> to vector<128x128x1xi32>
    %gather3A_89 = vector.shape_cast %reshape3A_88 : vector<128x128x1xi32> to vector<128x128xi32>
    %gather3A_90 = tpu.dynamic_gather %broadcast_in_dim3A_78[%gather3A_89] in [1] : vector<128x128xf32>, vector<128x128xi32> -> vector<128x128xf32>
    %slice3A_91 = vector.extract_strided_slice %min3A_9 {offsets = [0, 2, 0, 256], sizes = [1, 1, 128, 128], strides = [1, 1, 1, 1]} : vector<1x19x128x512xi32> to vector<1x1x128x128xi32>
    %squeeze3A_92 = vector.shape_cast %slice3A_91 : vector<1x1x128x128xi32> to vector<128x128xi32>
    %add3A_93 = arith.addi %and3A_11, %squeeze3A_92 : vector<128x128xi32>
    %reshape3A_94 = vector.shape_cast %add3A_93 : vector<128x128xi32> to vector<128x128x1xi32>
    %gather3A_95 = vector.shape_cast %reshape3A_94 : vector<128x128x1xi32> to vector<128x128xi32>
    %gather3A_96 = tpu.dynamic_gather %broadcast_in_dim3A_78[%gather3A_95] in [1] : vector<128x128xf32>, vector<128x128xi32> -> vector<128x128xf32>
    %slice3A_97 = vector.extract_strided_slice %min3A_9 {offsets = [0, 2, 0, 384], sizes = [1, 1, 128, 128], strides = [1, 1, 1, 1]} : vector<1x19x128x512xi32> to vector<1x1x128x128xi32>
    %squeeze3A_98 = vector.shape_cast %slice3A_97 : vector<1x1x128x128xi32> to vector<128x128xi32>
    %add3A_99 = arith.addi %and3A_11, %squeeze3A_98 : vector<128x128xi32>
    %reshape3A_100 = vector.shape_cast %add3A_99 : vector<128x128xi32> to vector<128x128x1xi32>
    %gather3A_101 = vector.shape_cast %reshape3A_100 : vector<128x128x1xi32> to vector<128x128xi32>
    %gather3A_102 = tpu.dynamic_gather %broadcast_in_dim3A_78[%gather3A_101] in [1] : vector<128x128xf32>, vector<128x128xi32> -> vector<128x128xf32>
    %concatenate3A_103 = tpu.concatenate %gather3A_84, %gather3A_90, %gather3A_96, %gather3A_102 in 1 : vector<128x128xf32>, vector<128x128xf32>, vector<128x128xf32>, vector<128x128xf32> -> vector<128x512xf32>
    %reshape3A_104 = vector.shape_cast %concatenate3A_103 : vector<128x512xf32> to vector<1x1x128x512xf32>
    %get3A_105 = arith.constant 3 : index
    %get3A_106 = arith.constant 0 : index
    %get3A_107 = vector.load %arg2[%get3A_105, %get3A_106] : memref<19x128xf32, #tpu.memory_space<vmem>>, vector<1x128xf32>
    %get3A_108 = vector.shape_cast %get3A_107 : vector<1x128xf32> to vector<128xf32>
    %reshape3A_109 = vector.shape_cast %get3A_108 : vector<128xf32> to vector<1x128xf32>
    %broadcast_in_dim3A_110 = vector.shape_cast %reshape3A_109 : vector<1x128xf32> to vector<1x128xf32>
    %broadcast_in_dim3A_111 = vector.broadcast %broadcast_in_dim3A_110 : vector<1x128xf32> to vector<128x128xf32>
    %slice3A_112 = vector.extract_strided_slice %min3A_9 {offsets = [0, 3, 0, 0], sizes = [1, 1, 128, 128], strides = [1, 1, 1, 1]} : vector<1x19x128x512xi32> to vector<1x1x128x128xi32>
    %squeeze3A_113 = vector.shape_cast %slice3A_112 : vector<1x1x128x128xi32> to vector<128x128xi32>
    %add3A_114 = arith.addi %and3A_11, %squeeze3A_113 : vector<128x128xi32>
    %reshape3A_115 = vector.shape_cast %add3A_114 : vector<128x128xi32> to vector<128x128x1xi32>
    %gather3A_116 = vector.shape_cast %reshape3A_115 : vector<128x128x1xi32> to vector<128x128xi32>
    %gather3A_117 = tpu.dynamic_gather %broadcast_in_dim3A_111[%gather3A_116] in [1] : vector<128x128xf32>, vector<128x128xi32> -> vector<128x128xf32>
    %slice3A_118 = vector.extract_strided_slice %min3A_9 {offsets = [0, 3, 0, 128], sizes = [1, 1, 128, 128], strides = [1, 1, 1, 1]} : vector<1x19x128x512xi32> to vector<1x1x128x128xi32>
    %squeeze3A_119 = vector.shape_cast %slice3A_118 : vector<1x1x128x128xi32> to vector<128x128xi32>
    %add3A_120 = arith.addi %and3A_11, %squeeze3A_119 : vector<128x128xi32>
    %reshape3A_121 = vector.shape_cast %add3A_120 : vector<128x128xi32> to vector<128x128x1xi32>
    %gather3A_122 = vector.shape_cast %reshape3A_121 : vector<128x128x1xi32> to vector<128x128xi32>
    %gather3A_123 = tpu.dynamic_gather %broadcast_in_dim3A_111[%gather3A_122] in [1] : vector<128x128xf32>, vector<128x128xi32> -> vector<128x128xf32>
    %slice3A_124 = vector.extract_strided_slice %min3A_9 {offsets = [0, 3, 0, 256], sizes = [1, 1, 128, 128], strides = [1, 1, 1, 1]} : vector<1x19x128x512xi32> to vector<1x1x128x128xi32>
    %squeeze3A_125 = vector.shape_cast %slice3A_124 : vector<1x1x128x128xi32> to vector<128x128xi32>
    %add3A_126 = arith.addi %and3A_11, %squeeze3A_125 : vector<128x128xi32>
    %reshape3A_127 = vector.shape_cast %add3A_126 : vector<128x128xi32> to vector<128x128x1xi32>
    %gather3A_128 = vector.shape_cast %reshape3A_127 : vector<128x128x1xi32> to vector<128x128xi32>
    %gather3A_129 = tpu.dynamic_gather %broadcast_in_dim3A_111[%gather3A_128] in [1] : vector<128x128xf32>, vector<128x128xi32> -> vector<128x128xf32>
    %slice3A_130 = vector.extract_strided_slice %min3A_9 {offsets = [0, 3, 0, 384], sizes = [1, 1, 128, 128], strides = [1, 1, 1, 1]} : vector<1x19x128x512xi32> to vector<1x1x128x128xi32>
    %squeeze3A_131 = vector.shape_cast %slice3A_130 : vector<1x1x128x128xi32> to vector<128x128xi32>
    %add3A_132 = arith.addi %and3A_11, %squeeze3A_131 : vector<128x128xi32>
    %reshape3A_133 = vector.shape_cast %add3A_132 : vector<128x128xi32> to vector<128x128x1xi32>
    %gather3A_134 = vector.shape_cast %reshape3A_133 : vector<128x128x1xi32> to vector<128x128xi32>
    %gather3A_135 = tpu.dynamic_gather %broadcast_in_dim3A_111[%gather3A_134] in [1] : vector<128x128xf32>, vector<128x128xi32> -> vector<128x128xf32>
    %concatenate3A_136 = tpu.concatenate %gather3A_117, %gather3A_123, %gather3A_129, %gather3A_135 in 1 : vector<128x128xf32>, vector<128x128xf32>, vector<128x128xf32>, vector<128x128xf32> -> vector<128x512xf32>
    %reshape3A_137 = vector.shape_cast %concatenate3A_136 : vector<128x512xf32> to vector<1x1x128x512xf32>
    %get3A_138 = arith.constant 4 : index
    %get3A_139 = arith.constant 0 : index
    %get3A_140 = vector.load %arg2[%get3A_138, %get3A_139] : memref<19x128xf32, #tpu.memory_space<vmem>>, vector<1x128xf32>
    %get3A_141 = vector.shape_cast %get3A_140 : vector<1x128xf32> to vector<128xf32>
    %reshape3A_142 = vector.shape_cast %get3A_141 : vector<128xf32> to vector<1x128xf32>
    %broadcast_in_dim3A_143 = vector.shape_cast %reshape3A_142 : vector<1x128xf32> to vector<1x128xf32>
    %broadcast_in_dim3A_144 = vector.broadcast %broadcast_in_dim3A_143 : vector<1x128xf32> to vector<128x128xf32>
    %slice3A_145 = vector.extract_strided_slice %min3A_9 {offsets = [0, 4, 0, 0], sizes = [1, 1, 128, 128], strides = [1, 1, 1, 1]} : vector<1x19x128x512xi32> to vector<1x1x128x128xi32>
    %squeeze3A_146 = vector.shape_cast %slice3A_145 : vector<1x1x128x128xi32> to vector<128x128xi32>
    %add3A_147 = arith.addi %and3A_11, %squeeze3A_146 : vector<128x128xi32>
    %reshape3A_148 = vector.shape_cast %add3A_147 : vector<128x128xi32> to vector<128x128x1xi32>
    %gather3A_149 = vector.shape_cast %reshape3A_148 : vector<128x128x1xi32> to vector<128x128xi32>
    %gather3A_150 = tpu.dynamic_gather %broadcast_in_dim3A_144[%gather3A_149] in [1] : vector<128x128xf32>, vector<128x128xi32> -> vector<128x128xf32>
    %slice3A_151 = vector.extract_strided_slice %min3A_9 {offsets = [0, 4, 0, 128], sizes = [1, 1, 128, 128], strides = [1, 1, 1, 1]} : vector<1x19x128x512xi32> to vector<1x1x128x128xi32>
    %squeeze3A_152 = vector.shape_cast %slice3A_151 : vector<1x1x128x128xi32> to vector<128x128xi32>
    %add3A_153 = arith.addi %and3A_11, %squeeze3A_152 : vector<128x128xi32>
    %reshape3A_154 = vector.shape_cast %add3A_153 : vector<128x128xi32> to vector<128x128x1xi32>
    %gather3A_155 = vector.shape_cast %reshape3A_154 : vector<128x128x1xi32> to vector<128x128xi32>
    %gather3A_156 = tpu.dynamic_gather %broadcast_in_dim3A_144[%gather3A_155] in [1] : vector<128x128xf32>, vector<128x128xi32> -> vector<128x128xf32>
    %slice3A_157 = vector.extract_strided_slice %min3A_9 {offsets = [0, 4, 0, 256], sizes = [1, 1, 128, 128], strides = [1, 1, 1, 1]} : vector<1x19x128x512xi32> to vector<1x1x128x128xi32>
    %squeeze3A_158 = vector.shape_cast %slice3A_157 : vector<1x1x128x128xi32> to vector<128x128xi32>
    %add3A_159 = arith.addi %and3A_11, %squeeze3A_158 : vector<128x128xi32>
    %reshape3A_160 = vector.shape_cast %add3A_159 : vector<128x128xi32> to vector<128x128x1xi32>
    %gather3A_161 = vector.shape_cast %reshape3A_160 : vector<128x128x1xi32> to vector<128x128xi32>
    %gather3A_162 = tpu.dynamic_gather %broadcast_in_dim3A_144[%gather3A_161] in [1] : vector<128x128xf32>, vector<128x128xi32> -> vector<128x128xf32>
    %slice3A_163 = vector.extract_strided_slice %min3A_9 {offsets = [0, 4, 0, 384], sizes = [1, 1, 128, 128], strides = [1, 1, 1, 1]} : vector<1x19x128x512xi32> to vector<1x1x128x128xi32>
    %squeeze3A_164 = vector.shape_cast %slice3A_163 : vector<1x1x128x128xi32> to vector<128x128xi32>
    %add3A_165 = arith.addi %and3A_11, %squeeze3A_164 : vector<128x128xi32>
    %reshape3A_166 = vector.shape_cast %add3A_165 : vector<128x128xi32> to vector<128x128x1xi32>
    %gather3A_167 = vector.shape_cast %reshape3A_166 : vector<128x128x1xi32> to vector<128x128xi32>
    %gather3A_168 = tpu.dynamic_gather %broadcast_in_dim3A_144[%gather3A_167] in [1] : vector<128x128xf32>, vector<128x128xi32> -> vector<128x128xf32>
    %concatenate3A_169 = tpu.concatenate %gather3A_150, %gather3A_156, %gather3A_162, %gather3A_168 in 1 : vector<128x128xf32>, vector<128x128xf32>, vector<128x128xf32>, vector<128x128xf32> -> vector<128x512xf32>
    %reshape3A_170 = vector.shape_cast %concatenate3A_169 : vector<128x512xf32> to vector<1x1x128x512xf32>
    %get3A_171 = arith.constant 5 : index
    %get3A_172 = arith.constant 0 : index
    %get3A_173 = vector.load %arg2[%get3A_171, %get3A_172] : memref<19x128xf32, #tpu.memory_space<vmem>>, vector<1x128xf32>
    %get3A_174 = vector.shape_cast %get3A_173 : vector<1x128xf32> to vector<128xf32>
    %reshape3A_175 = vector.shape_cast %get3A_174 : vector<128xf32> to vector<1x128xf32>
    %broadcast_in_dim3A_176 = vector.shape_cast %reshape3A_175 : vector<1x128xf32> to vector<1x128xf32>
    %broadcast_in_dim3A_177 = vector.broadcast %broadcast_in_dim3A_176 : vector<1x128xf32> to vector<128x128xf32>
    %slice3A_178 = vector.extract_strided_slice %min3A_9 {offsets = [0, 5, 0, 0], sizes = [1, 1, 128, 128], strides = [1, 1, 1, 1]} : vector<1x19x128x512xi32> to vector<1x1x128x128xi32>
    %squeeze3A_179 = vector.shape_cast %slice3A_178 : vector<1x1x128x128xi32> to vector<128x128xi32>
    %add3A_180 = arith.addi %and3A_11, %squeeze3A_179 : vector<128x128xi32>
    %reshape3A_181 = vector.shape_cast %add3A_180 : vector<128x128xi32> to vector<128x128x1xi32>
    %gather3A_182 = vector.shape_cast %reshape3A_181 : vector<128x128x1xi32> to vector<128x128xi32>
    %gather3A_183 = tpu.dynamic_gather %broadcast_in_dim3A_177[%gather3A_182] in [1] : vector<128x128xf32>, vector<128x128xi32> -> vector<128x128xf32>
    %slice3A_184 = vector.extract_strided_slice %min3A_9 {offsets = [0, 5, 0, 128], sizes = [1, 1, 128, 128], strides = [1, 1, 1, 1]} : vector<1x19x128x512xi32> to vector<1x1x128x128xi32>
    %squeeze3A_185 = vector.shape_cast %slice3A_184 : vector<1x1x128x128xi32> to vector<128x128xi32>
    %add3A_186 = arith.addi %and3A_11, %squeeze3A_185 : vector<128x128xi32>
    %reshape3A_187 = vector.shape_cast %add3A_186 : vector<128x128xi32> to vector<128x128x1xi32>
    %gather3A_188 = vector.shape_cast %reshape3A_187 : vector<128x128x1xi32> to vector<128x128xi32>
    %gather3A_189 = tpu.dynamic_gather %broadcast_in_dim3A_177[%gather3A_188] in [1] : vector<128x128xf32>, vector<128x128xi32> -> vector<128x128xf32>
    %slice3A_190 = vector.extract_strided_slice %min3A_9 {offsets = [0, 5, 0, 256], sizes = [1, 1, 128, 128], strides = [1, 1, 1, 1]} : vector<1x19x128x512xi32> to vector<1x1x128x128xi32>
    %squeeze3A_191 = vector.shape_cast %slice3A_190 : vector<1x1x128x128xi32> to vector<128x128xi32>
    %add3A_192 = arith.addi %and3A_11, %squeeze3A_191 : vector<128x128xi32>
    %reshape3A_193 = vector.shape_cast %add3A_192 : vector<128x128xi32> to vector<128x128x1xi32>
    %gather3A_194 = vector.shape_cast %reshape3A_193 : vector<128x128x1xi32> to vector<128x128xi32>
    %gather3A_195 = tpu.dynamic_gather %broadcast_in_dim3A_177[%gather3A_194] in [1] : vector<128x128xf32>, vector<128x128xi32> -> vector<128x128xf32>
    %slice3A_196 = vector.extract_strided_slice %min3A_9 {offsets = [0, 5, 0, 384], sizes = [1, 1, 128, 128], strides = [1, 1, 1, 1]} : vector<1x19x128x512xi32> to vector<1x1x128x128xi32>
    %squeeze3A_197 = vector.shape_cast %slice3A_196 : vector<1x1x128x128xi32> to vector<128x128xi32>
    %add3A_198 = arith.addi %and3A_11, %squeeze3A_197 : vector<128x128xi32>
    %reshape3A_199 = vector.shape_cast %add3A_198 : vector<128x128xi32> to vector<128x128x1xi32>
    %gather3A_200 = vector.shape_cast %reshape3A_199 : vector<128x128x1xi32> to vector<128x128xi32>
    %gather3A_201 = tpu.dynamic_gather %broadcast_in_dim3A_177[%gather3A_200] in [1] : vector<128x128xf32>, vector<128x128xi32> -> vector<128x128xf32>
    %concatenate3A_202 = tpu.concatenate %gather3A_183, %gather3A_189, %gather3A_195, %gather3A_201 in 1 : vector<128x128xf32>, vector<128x128xf32>, vector<128x128xf32>, vector<128x128xf32> -> vector<128x512xf32>
    %reshape3A_203 = vector.shape_cast %concatenate3A_202 : vector<128x512xf32> to vector<1x1x128x512xf32>
    %get3A_204 = arith.constant 6 : index
    %get3A_205 = arith.constant 0 : index
    %get3A_206 = vector.load %arg2[%get3A_204, %get3A_205] : memref<19x128xf32, #tpu.memory_space<vmem>>, vector<1x128xf32>
    %get3A_207 = vector.shape_cast %get3A_206 : vector<1x128xf32> to vector<128xf32>
    %reshape3A_208 = vector.shape_cast %get3A_207 : vector<128xf32> to vector<1x128xf32>
    %broadcast_in_dim3A_209 = vector.shape_cast %reshape3A_208 : vector<1x128xf32> to vector<1x128xf32>
    %broadcast_in_dim3A_210 = vector.broadcast %broadcast_in_dim3A_209 : vector<1x128xf32> to vector<128x128xf32>
    %slice3A_211 = vector.extract_strided_slice %min3A_9 {offsets = [0, 6, 0, 0], sizes = [1, 1, 128, 128], strides = [1, 1, 1, 1]} : vector<1x19x128x512xi32> to vector<1x1x128x128xi32>
    %squeeze3A_212 = vector.shape_cast %slice3A_211 : vector<1x1x128x128xi32> to vector<128x128xi32>
    %add3A_213 = arith.addi %and3A_11, %squeeze3A_212 : vector<128x128xi32>
    %reshape3A_214 = vector.shape_cast %add3A_213 : vector<128x128xi32> to vector<128x128x1xi32>
    %gather3A_215 = vector.shape_cast %reshape3A_214 : vector<128x128x1xi32> to vector<128x128xi32>
    %gather3A_216 = tpu.dynamic_gather %broadcast_in_dim3A_210[%gather3A_215] in [1] : vector<128x128xf32>, vector<128x128xi32> -> vector<128x128xf32>
    %slice3A_217 = vector.extract_strided_slice %min3A_9 {offsets = [0, 6, 0, 128], sizes = [1, 1, 128, 128], strides = [1, 1, 1, 1]} : vector<1x19x128x512xi32> to vector<1x1x128x128xi32>
    %squeeze3A_218 = vector.shape_cast %slice3A_217 : vector<1x1x128x128xi32> to vector<128x128xi32>
    %add3A_219 = arith.addi %and3A_11, %squeeze3A_218 : vector<128x128xi32>
    %reshape3A_220 = vector.shape_cast %add3A_219 : vector<128x128xi32> to vector<128x128x1xi32>
    %gather3A_221 = vector.shape_cast %reshape3A_220 : vector<128x128x1xi32> to vector<128x128xi32>
    %gather3A_222 = tpu.dynamic_gather %broadcast_in_dim3A_210[%gather3A_221] in [1] : vector<128x128xf32>, vector<128x128xi32> -> vector<128x128xf32>
    %slice3A_223 = vector.extract_strided_slice %min3A_9 {offsets = [0, 6, 0, 256], sizes = [1, 1, 128, 128], strides = [1, 1, 1, 1]} : vector<1x19x128x512xi32> to vector<1x1x128x128xi32>
    %squeeze3A_224 = vector.shape_cast %slice3A_223 : vector<1x1x128x128xi32> to vector<128x128xi32>
    %add3A_225 = arith.addi %and3A_11, %squeeze3A_224 : vector<128x128xi32>
    %reshape3A_226 = vector.shape_cast %add3A_225 : vector<128x128xi32> to vector<128x128x1xi32>
    %gather3A_227 = vector.shape_cast %reshape3A_226 : vector<128x128x1xi32> to vector<128x128xi32>
    %gather3A_228 = tpu.dynamic_gather %broadcast_in_dim3A_210[%gather3A_227] in [1] : vector<128x128xf32>, vector<128x128xi32> -> vector<128x128xf32>
    %slice3A_229 = vector.extract_strided_slice %min3A_9 {offsets = [0, 6, 0, 384], sizes = [1, 1, 128, 128], strides = [1, 1, 1, 1]} : vector<1x19x128x512xi32> to vector<1x1x128x128xi32>
    %squeeze3A_230 = vector.shape_cast %slice3A_229 : vector<1x1x128x128xi32> to vector<128x128xi32>
    %add3A_231 = arith.addi %and3A_11, %squeeze3A_230 : vector<128x128xi32>
    %reshape3A_232 = vector.shape_cast %add3A_231 : vector<128x128xi32> to vector<128x128x1xi32>
    %gather3A_233 = vector.shape_cast %reshape3A_232 : vector<128x128x1xi32> to vector<128x128xi32>
    %gather3A_234 = tpu.dynamic_gather %broadcast_in_dim3A_210[%gather3A_233] in [1] : vector<128x128xf32>, vector<128x128xi32> -> vector<128x128xf32>
    %concatenate3A_235 = tpu.concatenate %gather3A_216, %gather3A_222, %gather3A_228, %gather3A_234 in 1 : vector<128x128xf32>, vector<128x128xf32>, vector<128x128xf32>, vector<128x128xf32> -> vector<128x512xf32>
    %reshape3A_236 = vector.shape_cast %concatenate3A_235 : vector<128x512xf32> to vector<1x1x128x512xf32>
    %get3A_237 = arith.constant 7 : index
    %get3A_238 = arith.constant 0 : index
    %get3A_239 = vector.load %arg2[%get3A_237, %get3A_238] : memref<19x128xf32, #tpu.memory_space<vmem>>, vector<1x128xf32>
    %get3A_240 = vector.shape_cast %get3A_239 : vector<1x128xf32> to vector<128xf32>
    %reshape3A_241 = vector.shape_cast %get3A_240 : vector<128xf32> to vector<1x128xf32>
    %broadcast_in_dim3A_242 = vector.shape_cast %reshape3A_241 : vector<1x128xf32> to vector<1x128xf32>
    %broadcast_in_dim3A_243 = vector.broadcast %broadcast_in_dim3A_242 : vector<1x128xf32> to vector<128x128xf32>
    %slice3A_244 = vector.extract_strided_slice %min3A_9 {offsets = [0, 7, 0, 0], sizes = [1, 1, 128, 128], strides = [1, 1, 1, 1]} : vector<1x19x128x512xi32> to vector<1x1x128x128xi32>
    %squeeze3A_245 = vector.shape_cast %slice3A_244 : vector<1x1x128x128xi32> to vector<128x128xi32>
    %add3A_246 = arith.addi %and3A_11, %squeeze3A_245 : vector<128x128xi32>
    %reshape3A_247 = vector.shape_cast %add3A_246 : vector<128x128xi32> to vector<128x128x1xi32>
    %gather3A_248 = vector.shape_cast %reshape3A_247 : vector<128x128x1xi32> to vector<128x128xi32>
    %gather3A_249 = tpu.dynamic_gather %broadcast_in_dim3A_243[%gather3A_248] in [1] : vector<128x128xf32>, vector<128x128xi32> -> vector<128x128xf32>
    %slice3A_250 = vector.extract_strided_slice %min3A_9 {offsets = [0, 7, 0, 128], sizes = [1, 1, 128, 128], strides = [1, 1, 1, 1]} : vector<1x19x128x512xi32> to vector<1x1x128x128xi32>
    %squeeze3A_251 = vector.shape_cast %slice3A_250 : vector<1x1x128x128xi32> to vector<128x128xi32>
    %add3A_252 = arith.addi %and3A_11, %squeeze3A_251 : vector<128x128xi32>
    %reshape3A_253 = vector.shape_cast %add3A_252 : vector<128x128xi32> to vector<128x128x1xi32>
    %gather3A_254 = vector.shape_cast %reshape3A_253 : vector<128x128x1xi32> to vector<128x128xi32>
    %gather3A_255 = tpu.dynamic_gather %broadcast_in_dim3A_243[%gather3A_254] in [1] : vector<128x128xf32>, vector<128x128xi32> -> vector<128x128xf32>
    %slice3A_256 = vector.extract_strided_slice %min3A_9 {offsets = [0, 7, 0, 256], sizes = [1, 1, 128, 128], strides = [1, 1, 1, 1]} : vector<1x19x128x512xi32> to vector<1x1x128x128xi32>
    %squeeze3A_257 = vector.shape_cast %slice3A_256 : vector<1x1x128x128xi32> to vector<128x128xi32>
    %add3A_258 = arith.addi %and3A_11, %squeeze3A_257 : vector<128x128xi32>
    %reshape3A_259 = vector.shape_cast %add3A_258 : vector<128x128xi32> to vector<128x128x1xi32>
    %gather3A_260 = vector.shape_cast %reshape3A_259 : vector<128x128x1xi32> to vector<128x128xi32>
    %gather3A_261 = tpu.dynamic_gather %broadcast_in_dim3A_243[%gather3A_260] in [1] : vector<128x128xf32>, vector<128x128xi32> -> vector<128x128xf32>
    %slice3A_262 = vector.extract_strided_slice %min3A_9 {offsets = [0, 7, 0, 384], sizes = [1, 1, 128, 128], strides = [1, 1, 1, 1]} : vector<1x19x128x512xi32> to vector<1x1x128x128xi32>
    %squeeze3A_263 = vector.shape_cast %slice3A_262 : vector<1x1x128x128xi32> to vector<128x128xi32>
    %add3A_264 = arith.addi %and3A_11, %squeeze3A_263 : vector<128x128xi32>
    %reshape3A_265 = vector.shape_cast %add3A_264 : vector<128x128xi32> to vector<128x128x1xi32>
    %gather3A_266 = vector.shape_cast %reshape3A_265 : vector<128x128x1xi32> to vector<128x128xi32>
    %gather3A_267 = tpu.dynamic_gather %broadcast_in_dim3A_243[%gather3A_266] in [1] : vector<128x128xf32>, vector<128x128xi32> -> vector<128x128xf32>
    %concatenate3A_268 = tpu.concatenate %gather3A_249, %gather3A_255, %gather3A_261, %gather3A_267 in 1 : vector<128x128xf32>, vector<128x128xf32>, vector<128x128xf32>, vector<128x128xf32> -> vector<128x512xf32>
    %reshape3A_269 = vector.shape_cast %concatenate3A_268 : vector<128x512xf32> to vector<1x1x128x512xf32>
    %get3A_270 = arith.constant 8 : index
    %get3A_271 = arith.constant 0 : index
    %get3A_272 = vector.load %arg2[%get3A_270, %get3A_271] : memref<19x128xf32, #tpu.memory_space<vmem>>, vector<1x128xf32>
    %get3A_273 = vector.shape_cast %get3A_272 : vector<1x128xf32> to vector<128xf32>
    %reshape3A_274 = vector.shape_cast %get3A_273 : vector<128xf32> to vector<1x128xf32>
    %broadcast_in_dim3A_275 = vector.shape_cast %reshape3A_274 : vector<1x128xf32> to vector<1x128xf32>
    %broadcast_in_dim3A_276 = vector.broadcast %broadcast_in_dim3A_275 : vector<1x128xf32> to vector<128x128xf32>
    %slice3A_277 = vector.extract_strided_slice %min3A_9 {offsets = [0, 8, 0, 0], sizes = [1, 1, 128, 128], strides = [1, 1, 1, 1]} : vector<1x19x128x512xi32> to vector<1x1x128x128xi32>
    %squeeze3A_278 = vector.shape_cast %slice3A_277 : vector<1x1x128x128xi32> to vector<128x128xi32>
    %add3A_279 = arith.addi %and3A_11, %squeeze3A_278 : vector<128x128xi32>
    %reshape3A_280 = vector.shape_cast %add3A_279 : vector<128x128xi32> to vector<128x128x1xi32>
    %gather3A_281 = vector.shape_cast %reshape3A_280 : vector<128x128x1xi32> to vector<128x128xi32>
    %gather3A_282 = tpu.dynamic_gather %broadcast_in_dim3A_276[%gather3A_281] in [1] : vector<128x128xf32>, vector<128x128xi32> -> vector<128x128xf32>
    %slice3A_283 = vector.extract_strided_slice %min3A_9 {offsets = [0, 8, 0, 128], sizes = [1, 1, 128, 128], strides = [1, 1, 1, 1]} : vector<1x19x128x512xi32> to vector<1x1x128x128xi32>
    %squeeze3A_284 = vector.shape_cast %slice3A_283 : vector<1x1x128x128xi32> to vector<128x128xi32>
    %add3A_285 = arith.addi %and3A_11, %squeeze3A_284 : vector<128x128xi32>
    %reshape3A_286 = vector.shape_cast %add3A_285 : vector<128x128xi32> to vector<128x128x1xi32>
    %gather3A_287 = vector.shape_cast %reshape3A_286 : vector<128x128x1xi32> to vector<128x128xi32>
    %gather3A_288 = tpu.dynamic_gather %broadcast_in_dim3A_276[%gather3A_287] in [1] : vector<128x128xf32>, vector<128x128xi32> -> vector<128x128xf32>
    %slice3A_289 = vector.extract_strided_slice %min3A_9 {offsets = [0, 8, 0, 256], sizes = [1, 1, 128, 128], strides = [1, 1, 1, 1]} : vector<1x19x128x512xi32> to vector<1x1x128x128xi32>
    %squeeze3A_290 = vector.shape_cast %slice3A_289 : vector<1x1x128x128xi32> to vector<128x128xi32>
    %add3A_291 = arith.addi %and3A_11, %squeeze3A_290 : vector<128x128xi32>
    %reshape3A_292 = vector.shape_cast %add3A_291 : vector<128x128xi32> to vector<128x128x1xi32>
    %gather3A_293 = vector.shape_cast %reshape3A_292 : vector<128x128x1xi32> to vector<128x128xi32>
    %gather3A_294 = tpu.dynamic_gather %broadcast_in_dim3A_276[%gather3A_293] in [1] : vector<128x128xf32>, vector<128x128xi32> -> vector<128x128xf32>
    %slice3A_295 = vector.extract_strided_slice %min3A_9 {offsets = [0, 8, 0, 384], sizes = [1, 1, 128, 128], strides = [1, 1, 1, 1]} : vector<1x19x128x512xi32> to vector<1x1x128x128xi32>
    %squeeze3A_296 = vector.shape_cast %slice3A_295 : vector<1x1x128x128xi32> to vector<128x128xi32>
    %add3A_297 = arith.addi %and3A_11, %squeeze3A_296 : vector<128x128xi32>
    %reshape3A_298 = vector.shape_cast %add3A_297 : vector<128x128xi32> to vector<128x128x1xi32>
    %gather3A_299 = vector.shape_cast %reshape3A_298 : vector<128x128x1xi32> to vector<128x128xi32>
    %gather3A_300 = tpu.dynamic_gather %broadcast_in_dim3A_276[%gather3A_299] in [1] : vector<128x128xf32>, vector<128x128xi32> -> vector<128x128xf32>
    %concatenate3A_301 = tpu.concatenate %gather3A_282, %gather3A_288, %gather3A_294, %gather3A_300 in 1 : vector<128x128xf32>, vector<128x128xf32>, vector<128x128xf32>, vector<128x128xf32> -> vector<128x512xf32>
    %reshape3A_302 = vector.shape_cast %concatenate3A_301 : vector<128x512xf32> to vector<1x1x128x512xf32>
    %get3A_303 = arith.constant 9 : index
    %get3A_304 = arith.constant 0 : index
    %get3A_305 = vector.load %arg2[%get3A_303, %get3A_304] : memref<19x128xf32, #tpu.memory_space<vmem>>, vector<1x128xf32>
    %get3A_306 = vector.shape_cast %get3A_305 : vector<1x128xf32> to vector<128xf32>
    %reshape3A_307 = vector.shape_cast %get3A_306 : vector<128xf32> to vector<1x128xf32>
    %broadcast_in_dim3A_308 = vector.shape_cast %reshape3A_307 : vector<1x128xf32> to vector<1x128xf32>
    %broadcast_in_dim3A_309 = vector.broadcast %broadcast_in_dim3A_308 : vector<1x128xf32> to vector<128x128xf32>
    %slice3A_310 = vector.extract_strided_slice %min3A_9 {offsets = [0, 9, 0, 0], sizes = [1, 1, 128, 128], strides = [1, 1, 1, 1]} : vector<1x19x128x512xi32> to vector<1x1x128x128xi32>
    %squeeze3A_311 = vector.shape_cast %slice3A_310 : vector<1x1x128x128xi32> to vector<128x128xi32>
    %add3A_312 = arith.addi %and3A_11, %squeeze3A_311 : vector<128x128xi32>
    %reshape3A_313 = vector.shape_cast %add3A_312 : vector<128x128xi32> to vector<128x128x1xi32>
    %gather3A_314 = vector.shape_cast %reshape3A_313 : vector<128x128x1xi32> to vector<128x128xi32>
    %gather3A_315 = tpu.dynamic_gather %broadcast_in_dim3A_309[%gather3A_314] in [1] : vector<128x128xf32>, vector<128x128xi32> -> vector<128x128xf32>
    %slice3A_316 = vector.extract_strided_slice %min3A_9 {offsets = [0, 9, 0, 128], sizes = [1, 1, 128, 128], strides = [1, 1, 1, 1]} : vector<1x19x128x512xi32> to vector<1x1x128x128xi32>
    %squeeze3A_317 = vector.shape_cast %slice3A_316 : vector<1x1x128x128xi32> to vector<128x128xi32>
    %add3A_318 = arith.addi %and3A_11, %squeeze3A_317 : vector<128x128xi32>
    %reshape3A_319 = vector.shape_cast %add3A_318 : vector<128x128xi32> to vector<128x128x1xi32>
    %gather3A_320 = vector.shape_cast %reshape3A_319 : vector<128x128x1xi32> to vector<128x128xi32>
    %gather3A_321 = tpu.dynamic_gather %broadcast_in_dim3A_309[%gather3A_320] in [1] : vector<128x128xf32>, vector<128x128xi32> -> vector<128x128xf32>
    %slice3A_322 = vector.extract_strided_slice %min3A_9 {offsets = [0, 9, 0, 256], sizes = [1, 1, 128, 128], strides = [1, 1, 1, 1]} : vector<1x19x128x512xi32> to vector<1x1x128x128xi32>
    %squeeze3A_323 = vector.shape_cast %slice3A_322 : vector<1x1x128x128xi32> to vector<128x128xi32>
    %add3A_324 = arith.addi %and3A_11, %squeeze3A_323 : vector<128x128xi32>
    %reshape3A_325 = vector.shape_cast %add3A_324 : vector<128x128xi32> to vector<128x128x1xi32>
    %gather3A_326 = vector.shape_cast %reshape3A_325 : vector<128x128x1xi32> to vector<128x128xi32>
    %gather3A_327 = tpu.dynamic_gather %broadcast_in_dim3A_309[%gather3A_326] in [1] : vector<128x128xf32>, vector<128x128xi32> -> vector<128x128xf32>
    %slice3A_328 = vector.extract_strided_slice %min3A_9 {offsets = [0, 9, 0, 384], sizes = [1, 1, 128, 128], strides = [1, 1, 1, 1]} : vector<1x19x128x512xi32> to vector<1x1x128x128xi32>
    %squeeze3A_329 = vector.shape_cast %slice3A_328 : vector<1x1x128x128xi32> to vector<128x128xi32>
    %add3A_330 = arith.addi %and3A_11, %squeeze3A_329 : vector<128x128xi32>
    %reshape3A_331 = vector.shape_cast %add3A_330 : vector<128x128xi32> to vector<128x128x1xi32>
    %gather3A_332 = vector.shape_cast %reshape3A_331 : vector<128x128x1xi32> to vector<128x128xi32>
    %gather3A_333 = tpu.dynamic_gather %broadcast_in_dim3A_309[%gather3A_332] in [1] : vector<128x128xf32>, vector<128x128xi32> -> vector<128x128xf32>
    %concatenate3A_334 = tpu.concatenate %gather3A_315, %gather3A_321, %gather3A_327, %gather3A_333 in 1 : vector<128x128xf32>, vector<128x128xf32>, vector<128x128xf32>, vector<128x128xf32> -> vector<128x512xf32>
    %reshape3A_335 = vector.shape_cast %concatenate3A_334 : vector<128x512xf32> to vector<1x1x128x512xf32>
    %get3A_336 = arith.constant 10 : index
    %get3A_337 = arith.constant 0 : index
    %get3A_338 = vector.load %arg2[%get3A_336, %get3A_337] : memref<19x128xf32, #tpu.memory_space<vmem>>, vector<1x128xf32>
    %get3A_339 = vector.shape_cast %get3A_338 : vector<1x128xf32> to vector<128xf32>
    %reshape3A_340 = vector.shape_cast %get3A_339 : vector<128xf32> to vector<1x128xf32>
    %broadcast_in_dim3A_341 = vector.shape_cast %reshape3A_340 : vector<1x128xf32> to vector<1x128xf32>
    %broadcast_in_dim3A_342 = vector.broadcast %broadcast_in_dim3A_341 : vector<1x128xf32> to vector<128x128xf32>
    %slice3A_343 = vector.extract_strided_slice %min3A_9 {offsets = [0, 10, 0, 0], sizes = [1, 1, 128, 128], strides = [1, 1, 1, 1]} : vector<1x19x128x512xi32> to vector<1x1x128x128xi32>
    %squeeze3A_344 = vector.shape_cast %slice3A_343 : vector<1x1x128x128xi32> to vector<128x128xi32>
    %add3A_345 = arith.addi %and3A_11, %squeeze3A_344 : vector<128x128xi32>
    %reshape3A_346 = vector.shape_cast %add3A_345 : vector<128x128xi32> to vector<128x128x1xi32>
    %gather3A_347 = vector.shape_cast %reshape3A_346 : vector<128x128x1xi32> to vector<128x128xi32>
    %gather3A_348 = tpu.dynamic_gather %broadcast_in_dim3A_342[%gather3A_347] in [1] : vector<128x128xf32>, vector<128x128xi32> -> vector<128x128xf32>
    %slice3A_349 = vector.extract_strided_slice %min3A_9 {offsets = [0, 10, 0, 128], sizes = [1, 1, 128, 128], strides = [1, 1, 1, 1]} : vector<1x19x128x512xi32> to vector<1x1x128x128xi32>
    %squeeze3A_350 = vector.shape_cast %slice3A_349 : vector<1x1x128x128xi32> to vector<128x128xi32>
    %add3A_351 = arith.addi %and3A_11, %squeeze3A_350 : vector<128x128xi32>
    %reshape3A_352 = vector.shape_cast %add3A_351 : vector<128x128xi32> to vector<128x128x1xi32>
    %gather3A_353 = vector.shape_cast %reshape3A_352 : vector<128x128x1xi32> to vector<128x128xi32>
    %gather3A_354 = tpu.dynamic_gather %broadcast_in_dim3A_342[%gather3A_353] in [1] : vector<128x128xf32>, vector<128x128xi32> -> vector<128x128xf32>
    %slice3A_355 = vector.extract_strided_slice %min3A_9 {offsets = [0, 10, 0, 256], sizes = [1, 1, 128, 128], strides = [1, 1, 1, 1]} : vector<1x19x128x512xi32> to vector<1x1x128x128xi32>
    %squeeze3A_356 = vector.shape_cast %slice3A_355 : vector<1x1x128x128xi32> to vector<128x128xi32>
    %add3A_357 = arith.addi %and3A_11, %squeeze3A_356 : vector<128x128xi32>
    %reshape3A_358 = vector.shape_cast %add3A_357 : vector<128x128xi32> to vector<128x128x1xi32>
    %gather3A_359 = vector.shape_cast %reshape3A_358 : vector<128x128x1xi32> to vector<128x128xi32>
    %gather3A_360 = tpu.dynamic_gather %broadcast_in_dim3A_342[%gather3A_359] in [1] : vector<128x128xf32>, vector<128x128xi32> -> vector<128x128xf32>
    %slice3A_361 = vector.extract_strided_slice %min3A_9 {offsets = [0, 10, 0, 384], sizes = [1, 1, 128, 128], strides = [1, 1, 1, 1]} : vector<1x19x128x512xi32> to vector<1x1x128x128xi32>
    %squeeze3A_362 = vector.shape_cast %slice3A_361 : vector<1x1x128x128xi32> to vector<128x128xi32>
    %add3A_363 = arith.addi %and3A_11, %squeeze3A_362 : vector<128x128xi32>
    %reshape3A_364 = vector.shape_cast %add3A_363 : vector<128x128xi32> to vector<128x128x1xi32>
    %gather3A_365 = vector.shape_cast %reshape3A_364 : vector<128x128x1xi32> to vector<128x128xi32>
    %gather3A_366 = tpu.dynamic_gather %broadcast_in_dim3A_342[%gather3A_365] in [1] : vector<128x128xf32>, vector<128x128xi32> -> vector<128x128xf32>
    %concatenate3A_367 = tpu.concatenate %gather3A_348, %gather3A_354, %gather3A_360, %gather3A_366 in 1 : vector<128x128xf32>, vector<128x128xf32>, vector<128x128xf32>, vector<128x128xf32> -> vector<128x512xf32>
    %reshape3A_368 = vector.shape_cast %concatenate3A_367 : vector<128x512xf32> to vector<1x1x128x512xf32>
    %get3A_369 = arith.constant 11 : index
    %get3A_370 = arith.constant 0 : index
    %get3A_371 = vector.load %arg2[%get3A_369, %get3A_370] : memref<19x128xf32, #tpu.memory_space<vmem>>, vector<1x128xf32>
    %get3A_372 = vector.shape_cast %get3A_371 : vector<1x128xf32> to vector<128xf32>
    %reshape3A_373 = vector.shape_cast %get3A_372 : vector<128xf32> to vector<1x128xf32>
    %broadcast_in_dim3A_374 = vector.shape_cast %reshape3A_373 : vector<1x128xf32> to vector<1x128xf32>
    %broadcast_in_dim3A_375 = vector.broadcast %broadcast_in_dim3A_374 : vector<1x128xf32> to vector<128x128xf32>
    %slice3A_376 = vector.extract_strided_slice %min3A_9 {offsets = [0, 11, 0, 0], sizes = [1, 1, 128, 128], strides = [1, 1, 1, 1]} : vector<1x19x128x512xi32> to vector<1x1x128x128xi32>
    %squeeze3A_377 = vector.shape_cast %slice3A_376 : vector<1x1x128x128xi32> to vector<128x128xi32>
    %add3A_378 = arith.addi %and3A_11, %squeeze3A_377 : vector<128x128xi32>
    %reshape3A_379 = vector.shape_cast %add3A_378 : vector<128x128xi32> to vector<128x128x1xi32>
    %gather3A_380 = vector.shape_cast %reshape3A_379 : vector<128x128x1xi32> to vector<128x128xi32>
    %gather3A_381 = tpu.dynamic_gather %broadcast_in_dim3A_375[%gather3A_380] in [1] : vector<128x128xf32>, vector<128x128xi32> -> vector<128x128xf32>
    %slice3A_382 = vector.extract_strided_slice %min3A_9 {offsets = [0, 11, 0, 128], sizes = [1, 1, 128, 128], strides = [1, 1, 1, 1]} : vector<1x19x128x512xi32> to vector<1x1x128x128xi32>
    %squeeze3A_383 = vector.shape_cast %slice3A_382 : vector<1x1x128x128xi32> to vector<128x128xi32>
    %add3A_384 = arith.addi %and3A_11, %squeeze3A_383 : vector<128x128xi32>
    %reshape3A_385 = vector.shape_cast %add3A_384 : vector<128x128xi32> to vector<128x128x1xi32>
    %gather3A_386 = vector.shape_cast %reshape3A_385 : vector<128x128x1xi32> to vector<128x128xi32>
    %gather3A_387 = tpu.dynamic_gather %broadcast_in_dim3A_375[%gather3A_386] in [1] : vector<128x128xf32>, vector<128x128xi32> -> vector<128x128xf32>
    %slice3A_388 = vector.extract_strided_slice %min3A_9 {offsets = [0, 11, 0, 256], sizes = [1, 1, 128, 128], strides = [1, 1, 1, 1]} : vector<1x19x128x512xi32> to vector<1x1x128x128xi32>
    %squeeze3A_389 = vector.shape_cast %slice3A_388 : vector<1x1x128x128xi32> to vector<128x128xi32>
    %add3A_390 = arith.addi %and3A_11, %squeeze3A_389 : vector<128x128xi32>
    %reshape3A_391 = vector.shape_cast %add3A_390 : vector<128x128xi32> to vector<128x128x1xi32>
    %gather3A_392 = vector.shape_cast %reshape3A_391 : vector<128x128x1xi32> to vector<128x128xi32>
    %gather3A_393 = tpu.dynamic_gather %broadcast_in_dim3A_375[%gather3A_392] in [1] : vector<128x128xf32>, vector<128x128xi32> -> vector<128x128xf32>
    %slice3A_394 = vector.extract_strided_slice %min3A_9 {offsets = [0, 11, 0, 384], sizes = [1, 1, 128, 128], strides = [1, 1, 1, 1]} : vector<1x19x128x512xi32> to vector<1x1x128x128xi32>
    %squeeze3A_395 = vector.shape_cast %slice3A_394 : vector<1x1x128x128xi32> to vector<128x128xi32>
    %add3A_396 = arith.addi %and3A_11, %squeeze3A_395 : vector<128x128xi32>
    %reshape3A_397 = vector.shape_cast %add3A_396 : vector<128x128xi32> to vector<128x128x1xi32>
    %gather3A_398 = vector.shape_cast %reshape3A_397 : vector<128x128x1xi32> to vector<128x128xi32>
    %gather3A_399 = tpu.dynamic_gather %broadcast_in_dim3A_375[%gather3A_398] in [1] : vector<128x128xf32>, vector<128x128xi32> -> vector<128x128xf32>
    %concatenate3A_400 = tpu.concatenate %gather3A_381, %gather3A_387, %gather3A_393, %gather3A_399 in 1 : vector<128x128xf32>, vector<128x128xf32>, vector<128x128xf32>, vector<128x128xf32> -> vector<128x512xf32>
    %reshape3A_401 = vector.shape_cast %concatenate3A_400 : vector<128x512xf32> to vector<1x1x128x512xf32>
    %get3A_402 = arith.constant 12 : index
    %get3A_403 = arith.constant 0 : index
    %get3A_404 = vector.load %arg2[%get3A_402, %get3A_403] : memref<19x128xf32, #tpu.memory_space<vmem>>, vector<1x128xf32>
    %get3A_405 = vector.shape_cast %get3A_404 : vector<1x128xf32> to vector<128xf32>
    %reshape3A_406 = vector.shape_cast %get3A_405 : vector<128xf32> to vector<1x128xf32>
    %broadcast_in_dim3A_407 = vector.shape_cast %reshape3A_406 : vector<1x128xf32> to vector<1x128xf32>
    %broadcast_in_dim3A_408 = vector.broadcast %broadcast_in_dim3A_407 : vector<1x128xf32> to vector<128x128xf32>
    %slice3A_409 = vector.extract_strided_slice %min3A_9 {offsets = [0, 12, 0, 0], sizes = [1, 1, 128, 128], strides = [1, 1, 1, 1]} : vector<1x19x128x512xi32> to vector<1x1x128x128xi32>
    %squeeze3A_410 = vector.shape_cast %slice3A_409 : vector<1x1x128x128xi32> to vector<128x128xi32>
    %add3A_411 = arith.addi %and3A_11, %squeeze3A_410 : vector<128x128xi32>
    %reshape3A_412 = vector.shape_cast %add3A_411 : vector<128x128xi32> to vector<128x128x1xi32>
    %gather3A_413 = vector.shape_cast %reshape3A_412 : vector<128x128x1xi32> to vector<128x128xi32>
    %gather3A_414 = tpu.dynamic_gather %broadcast_in_dim3A_408[%gather3A_413] in [1] : vector<128x128xf32>, vector<128x128xi32> -> vector<128x128xf32>
    %slice3A_415 = vector.extract_strided_slice %min3A_9 {offsets = [0, 12, 0, 128], sizes = [1, 1, 128, 128], strides = [1, 1, 1, 1]} : vector<1x19x128x512xi32> to vector<1x1x128x128xi32>
    %squeeze3A_416 = vector.shape_cast %slice3A_415 : vector<1x1x128x128xi32> to vector<128x128xi32>
    %add3A_417 = arith.addi %and3A_11, %squeeze3A_416 : vector<128x128xi32>
    %reshape3A_418 = vector.shape_cast %add3A_417 : vector<128x128xi32> to vector<128x128x1xi32>
    %gather3A_419 = vector.shape_cast %reshape3A_418 : vector<128x128x1xi32> to vector<128x128xi32>
    %gather3A_420 = tpu.dynamic_gather %broadcast_in_dim3A_408[%gather3A_419] in [1] : vector<128x128xf32>, vector<128x128xi32> -> vector<128x128xf32>
    %slice3A_421 = vector.extract_strided_slice %min3A_9 {offsets = [0, 12, 0, 256], sizes = [1, 1, 128, 128], strides = [1, 1, 1, 1]} : vector<1x19x128x512xi32> to vector<1x1x128x128xi32>
    %squeeze3A_422 = vector.shape_cast %slice3A_421 : vector<1x1x128x128xi32> to vector<128x128xi32>
    %add3A_423 = arith.addi %and3A_11, %squeeze3A_422 : vector<128x128xi32>
    %reshape3A_424 = vector.shape_cast %add3A_423 : vector<128x128xi32> to vector<128x128x1xi32>
    %gather3A_425 = vector.shape_cast %reshape3A_424 : vector<128x128x1xi32> to vector<128x128xi32>
    %gather3A_426 = tpu.dynamic_gather %broadcast_in_dim3A_408[%gather3A_425] in [1] : vector<128x128xf32>, vector<128x128xi32> -> vector<128x128xf32>
    %slice3A_427 = vector.extract_strided_slice %min3A_9 {offsets = [0, 12, 0, 384], sizes = [1, 1, 128, 128], strides = [1, 1, 1, 1]} : vector<1x19x128x512xi32> to vector<1x1x128x128xi32>
    %squeeze3A_428 = vector.shape_cast %slice3A_427 : vector<1x1x128x128xi32> to vector<128x128xi32>
    %add3A_429 = arith.addi %and3A_11, %squeeze3A_428 : vector<128x128xi32>
    %reshape3A_430 = vector.shape_cast %add3A_429 : vector<128x128xi32> to vector<128x128x1xi32>
    %gather3A_431 = vector.shape_cast %reshape3A_430 : vector<128x128x1xi32> to vector<128x128xi32>
    %gather3A_432 = tpu.dynamic_gather %broadcast_in_dim3A_408[%gather3A_431] in [1] : vector<128x128xf32>, vector<128x128xi32> -> vector<128x128xf32>
    %concatenate3A_433 = tpu.concatenate %gather3A_414, %gather3A_420, %gather3A_426, %gather3A_432 in 1 : vector<128x128xf32>, vector<128x128xf32>, vector<128x128xf32>, vector<128x128xf32> -> vector<128x512xf32>
    %reshape3A_434 = vector.shape_cast %concatenate3A_433 : vector<128x512xf32> to vector<1x1x128x512xf32>
    %get3A_435 = arith.constant 13 : index
    %get3A_436 = arith.constant 0 : index
    %get3A_437 = vector.load %arg2[%get3A_435, %get3A_436] : memref<19x128xf32, #tpu.memory_space<vmem>>, vector<1x128xf32>
    %get3A_438 = vector.shape_cast %get3A_437 : vector<1x128xf32> to vector<128xf32>
    %reshape3A_439 = vector.shape_cast %get3A_438 : vector<128xf32> to vector<1x128xf32>
    %broadcast_in_dim3A_440 = vector.shape_cast %reshape3A_439 : vector<1x128xf32> to vector<1x128xf32>
    %broadcast_in_dim3A_441 = vector.broadcast %broadcast_in_dim3A_440 : vector<1x128xf32> to vector<128x128xf32>
    %slice3A_442 = vector.extract_strided_slice %min3A_9 {offsets = [0, 13, 0, 0], sizes = [1, 1, 128, 128], strides = [1, 1, 1, 1]} : vector<1x19x128x512xi32> to vector<1x1x128x128xi32>
    %squeeze3A_443 = vector.shape_cast %slice3A_442 : vector<1x1x128x128xi32> to vector<128x128xi32>
    %add3A_444 = arith.addi %and3A_11, %squeeze3A_443 : vector<128x128xi32>
    %reshape3A_445 = vector.shape_cast %add3A_444 : vector<128x128xi32> to vector<128x128x1xi32>
    %gather3A_446 = vector.shape_cast %reshape3A_445 : vector<128x128x1xi32> to vector<128x128xi32>
    %gather3A_447 = tpu.dynamic_gather %broadcast_in_dim3A_441[%gather3A_446] in [1] : vector<128x128xf32>, vector<128x128xi32> -> vector<128x128xf32>
    %slice3A_448 = vector.extract_strided_slice %min3A_9 {offsets = [0, 13, 0, 128], sizes = [1, 1, 128, 128], strides = [1, 1, 1, 1]} : vector<1x19x128x512xi32> to vector<1x1x128x128xi32>
    %squeeze3A_449 = vector.shape_cast %slice3A_448 : vector<1x1x128x128xi32> to vector<128x128xi32>
    %add3A_450 = arith.addi %and3A_11, %squeeze3A_449 : vector<128x128xi32>
    %reshape3A_451 = vector.shape_cast %add3A_450 : vector<128x128xi32> to vector<128x128x1xi32>
    %gather3A_452 = vector.shape_cast %reshape3A_451 : vector<128x128x1xi32> to vector<128x128xi32>
    %gather3A_453 = tpu.dynamic_gather %broadcast_in_dim3A_441[%gather3A_452] in [1] : vector<128x128xf32>, vector<128x128xi32> -> vector<128x128xf32>
    %slice3A_454 = vector.extract_strided_slice %min3A_9 {offsets = [0, 13, 0, 256], sizes = [1, 1, 128, 128], strides = [1, 1, 1, 1]} : vector<1x19x128x512xi32> to vector<1x1x128x128xi32>
    %squeeze3A_455 = vector.shape_cast %slice3A_454 : vector<1x1x128x128xi32> to vector<128x128xi32>
    %add3A_456 = arith.addi %and3A_11, %squeeze3A_455 : vector<128x128xi32>
    %reshape3A_457 = vector.shape_cast %add3A_456 : vector<128x128xi32> to vector<128x128x1xi32>
    %gather3A_458 = vector.shape_cast %reshape3A_457 : vector<128x128x1xi32> to vector<128x128xi32>
    %gather3A_459 = tpu.dynamic_gather %broadcast_in_dim3A_441[%gather3A_458] in [1] : vector<128x128xf32>, vector<128x128xi32> -> vector<128x128xf32>
    %slice3A_460 = vector.extract_strided_slice %min3A_9 {offsets = [0, 13, 0, 384], sizes = [1, 1, 128, 128], strides = [1, 1, 1, 1]} : vector<1x19x128x512xi32> to vector<1x1x128x128xi32>
    %squeeze3A_461 = vector.shape_cast %slice3A_460 : vector<1x1x128x128xi32> to vector<128x128xi32>
    %add3A_462 = arith.addi %and3A_11, %squeeze3A_461 : vector<128x128xi32>
    %reshape3A_463 = vector.shape_cast %add3A_462 : vector<128x128xi32> to vector<128x128x1xi32>
    %gather3A_464 = vector.shape_cast %reshape3A_463 : vector<128x128x1xi32> to vector<128x128xi32>
    %gather3A_465 = tpu.dynamic_gather %broadcast_in_dim3A_441[%gather3A_464] in [1] : vector<128x128xf32>, vector<128x128xi32> -> vector<128x128xf32>
    %concatenate3A_466 = tpu.concatenate %gather3A_447, %gather3A_453, %gather3A_459, %gather3A_465 in 1 : vector<128x128xf32>, vector<128x128xf32>, vector<128x128xf32>, vector<128x128xf32> -> vector<128x512xf32>
    %reshape3A_467 = vector.shape_cast %concatenate3A_466 : vector<128x512xf32> to vector<1x1x128x512xf32>
    %get3A_468 = arith.constant 14 : index
    %get3A_469 = arith.constant 0 : index
    %get3A_470 = vector.load %arg2[%get3A_468, %get3A_469] : memref<19x128xf32, #tpu.memory_space<vmem>>, vector<1x128xf32>
    %get3A_471 = vector.shape_cast %get3A_470 : vector<1x128xf32> to vector<128xf32>
    %reshape3A_472 = vector.shape_cast %get3A_471 : vector<128xf32> to vector<1x128xf32>
    %broadcast_in_dim3A_473 = vector.shape_cast %reshape3A_472 : vector<1x128xf32> to vector<1x128xf32>
    %broadcast_in_dim3A_474 = vector.broadcast %broadcast_in_dim3A_473 : vector<1x128xf32> to vector<128x128xf32>
    %slice3A_475 = vector.extract_strided_slice %min3A_9 {offsets = [0, 14, 0, 0], sizes = [1, 1, 128, 128], strides = [1, 1, 1, 1]} : vector<1x19x128x512xi32> to vector<1x1x128x128xi32>
    %squeeze3A_476 = vector.shape_cast %slice3A_475 : vector<1x1x128x128xi32> to vector<128x128xi32>
    %add3A_477 = arith.addi %and3A_11, %squeeze3A_476 : vector<128x128xi32>
    %reshape3A_478 = vector.shape_cast %add3A_477 : vector<128x128xi32> to vector<128x128x1xi32>
    %gather3A_479 = vector.shape_cast %reshape3A_478 : vector<128x128x1xi32> to vector<128x128xi32>
    %gather3A_480 = tpu.dynamic_gather %broadcast_in_dim3A_474[%gather3A_479] in [1] : vector<128x128xf32>, vector<128x128xi32> -> vector<128x128xf32>
    %slice3A_481 = vector.extract_strided_slice %min3A_9 {offsets = [0, 14, 0, 128], sizes = [1, 1, 128, 128], strides = [1, 1, 1, 1]} : vector<1x19x128x512xi32> to vector<1x1x128x128xi32>
    %squeeze3A_482 = vector.shape_cast %slice3A_481 : vector<1x1x128x128xi32> to vector<128x128xi32>
    %add3A_483 = arith.addi %and3A_11, %squeeze3A_482 : vector<128x128xi32>
    %reshape3A_484 = vector.shape_cast %add3A_483 : vector<128x128xi32> to vector<128x128x1xi32>
    %gather3A_485 = vector.shape_cast %reshape3A_484 : vector<128x128x1xi32> to vector<128x128xi32>
    %gather3A_486 = tpu.dynamic_gather %broadcast_in_dim3A_474[%gather3A_485] in [1] : vector<128x128xf32>, vector<128x128xi32> -> vector<128x128xf32>
    %slice3A_487 = vector.extract_strided_slice %min3A_9 {offsets = [0, 14, 0, 256], sizes = [1, 1, 128, 128], strides = [1, 1, 1, 1]} : vector<1x19x128x512xi32> to vector<1x1x128x128xi32>
    %squeeze3A_488 = vector.shape_cast %slice3A_487 : vector<1x1x128x128xi32> to vector<128x128xi32>
    %add3A_489 = arith.addi %and3A_11, %squeeze3A_488 : vector<128x128xi32>
    %reshape3A_490 = vector.shape_cast %add3A_489 : vector<128x128xi32> to vector<128x128x1xi32>
    %gather3A_491 = vector.shape_cast %reshape3A_490 : vector<128x128x1xi32> to vector<128x128xi32>
    %gather3A_492 = tpu.dynamic_gather %broadcast_in_dim3A_474[%gather3A_491] in [1] : vector<128x128xf32>, vector<128x128xi32> -> vector<128x128xf32>
    %slice3A_493 = vector.extract_strided_slice %min3A_9 {offsets = [0, 14, 0, 384], sizes = [1, 1, 128, 128], strides = [1, 1, 1, 1]} : vector<1x19x128x512xi32> to vector<1x1x128x128xi32>
    %squeeze3A_494 = vector.shape_cast %slice3A_493 : vector<1x1x128x128xi32> to vector<128x128xi32>
    %add3A_495 = arith.addi %and3A_11, %squeeze3A_494 : vector<128x128xi32>
    %reshape3A_496 = vector.shape_cast %add3A_495 : vector<128x128xi32> to vector<128x128x1xi32>
    %gather3A_497 = vector.shape_cast %reshape3A_496 : vector<128x128x1xi32> to vector<128x128xi32>
    %gather3A_498 = tpu.dynamic_gather %broadcast_in_dim3A_474[%gather3A_497] in [1] : vector<128x128xf32>, vector<128x128xi32> -> vector<128x128xf32>
    %concatenate3A_499 = tpu.concatenate %gather3A_480, %gather3A_486, %gather3A_492, %gather3A_498 in 1 : vector<128x128xf32>, vector<128x128xf32>, vector<128x128xf32>, vector<128x128xf32> -> vector<128x512xf32>
    %reshape3A_500 = vector.shape_cast %concatenate3A_499 : vector<128x512xf32> to vector<1x1x128x512xf32>
    %get3A_501 = arith.constant 15 : index
    %get3A_502 = arith.constant 0 : index
    %get3A_503 = vector.load %arg2[%get3A_501, %get3A_502] : memref<19x128xf32, #tpu.memory_space<vmem>>, vector<1x128xf32>
    %get3A_504 = vector.shape_cast %get3A_503 : vector<1x128xf32> to vector<128xf32>
    %reshape3A_505 = vector.shape_cast %get3A_504 : vector<128xf32> to vector<1x128xf32>
    %broadcast_in_dim3A_506 = vector.shape_cast %reshape3A_505 : vector<1x128xf32> to vector<1x128xf32>
    %broadcast_in_dim3A_507 = vector.broadcast %broadcast_in_dim3A_506 : vector<1x128xf32> to vector<128x128xf32>
    %slice3A_508 = vector.extract_strided_slice %min3A_9 {offsets = [0, 15, 0, 0], sizes = [1, 1, 128, 128], strides = [1, 1, 1, 1]} : vector<1x19x128x512xi32> to vector<1x1x128x128xi32>
    %squeeze3A_509 = vector.shape_cast %slice3A_508 : vector<1x1x128x128xi32> to vector<128x128xi32>
    %add3A_510 = arith.addi %and3A_11, %squeeze3A_509 : vector<128x128xi32>
    %reshape3A_511 = vector.shape_cast %add3A_510 : vector<128x128xi32> to vector<128x128x1xi32>
    %gather3A_512 = vector.shape_cast %reshape3A_511 : vector<128x128x1xi32> to vector<128x128xi32>
    %gather3A_513 = tpu.dynamic_gather %broadcast_in_dim3A_507[%gather3A_512] in [1] : vector<128x128xf32>, vector<128x128xi32> -> vector<128x128xf32>
    %slice3A_514 = vector.extract_strided_slice %min3A_9 {offsets = [0, 15, 0, 128], sizes = [1, 1, 128, 128], strides = [1, 1, 1, 1]} : vector<1x19x128x512xi32> to vector<1x1x128x128xi32>
    %squeeze3A_515 = vector.shape_cast %slice3A_514 : vector<1x1x128x128xi32> to vector<128x128xi32>
    %add3A_516 = arith.addi %and3A_11, %squeeze3A_515 : vector<128x128xi32>
    %reshape3A_517 = vector.shape_cast %add3A_516 : vector<128x128xi32> to vector<128x128x1xi32>
    %gather3A_518 = vector.shape_cast %reshape3A_517 : vector<128x128x1xi32> to vector<128x128xi32>
    %gather3A_519 = tpu.dynamic_gather %broadcast_in_dim3A_507[%gather3A_518] in [1] : vector<128x128xf32>, vector<128x128xi32> -> vector<128x128xf32>
    %slice3A_520 = vector.extract_strided_slice %min3A_9 {offsets = [0, 15, 0, 256], sizes = [1, 1, 128, 128], strides = [1, 1, 1, 1]} : vector<1x19x128x512xi32> to vector<1x1x128x128xi32>
    %squeeze3A_521 = vector.shape_cast %slice3A_520 : vector<1x1x128x128xi32> to vector<128x128xi32>
    %add3A_522 = arith.addi %and3A_11, %squeeze3A_521 : vector<128x128xi32>
    %reshape3A_523 = vector.shape_cast %add3A_522 : vector<128x128xi32> to vector<128x128x1xi32>
    %gather3A_524 = vector.shape_cast %reshape3A_523 : vector<128x128x1xi32> to vector<128x128xi32>
    %gather3A_525 = tpu.dynamic_gather %broadcast_in_dim3A_507[%gather3A_524] in [1] : vector<128x128xf32>, vector<128x128xi32> -> vector<128x128xf32>
    %slice3A_526 = vector.extract_strided_slice %min3A_9 {offsets = [0, 15, 0, 384], sizes = [1, 1, 128, 128], strides = [1, 1, 1, 1]} : vector<1x19x128x512xi32> to vector<1x1x128x128xi32>
    %squeeze3A_527 = vector.shape_cast %slice3A_526 : vector<1x1x128x128xi32> to vector<128x128xi32>
    %add3A_528 = arith.addi %and3A_11, %squeeze3A_527 : vector<128x128xi32>
    %reshape3A_529 = vector.shape_cast %add3A_528 : vector<128x128xi32> to vector<128x128x1xi32>
    %gather3A_530 = vector.shape_cast %reshape3A_529 : vector<128x128x1xi32> to vector<128x128xi32>
    %gather3A_531 = tpu.dynamic_gather %broadcast_in_dim3A_507[%gather3A_530] in [1] : vector<128x128xf32>, vector<128x128xi32> -> vector<128x128xf32>
    %concatenate3A_532 = tpu.concatenate %gather3A_513, %gather3A_519, %gather3A_525, %gather3A_531 in 1 : vector<128x128xf32>, vector<128x128xf32>, vector<128x128xf32>, vector<128x128xf32> -> vector<128x512xf32>
    %reshape3A_533 = vector.shape_cast %concatenate3A_532 : vector<128x512xf32> to vector<1x1x128x512xf32>
    %get3A_534 = arith.constant 16 : index
    %get3A_535 = arith.constant 0 : index
    %get3A_536 = vector.load %arg2[%get3A_534, %get3A_535] : memref<19x128xf32, #tpu.memory_space<vmem>>, vector<1x128xf32>
    %get3A_537 = vector.shape_cast %get3A_536 : vector<1x128xf32> to vector<128xf32>
    %reshape3A_538 = vector.shape_cast %get3A_537 : vector<128xf32> to vector<1x128xf32>
    %broadcast_in_dim3A_539 = vector.shape_cast %reshape3A_538 : vector<1x128xf32> to vector<1x128xf32>
    %broadcast_in_dim3A_540 = vector.broadcast %broadcast_in_dim3A_539 : vector<1x128xf32> to vector<128x128xf32>
    %slice3A_541 = vector.extract_strided_slice %min3A_9 {offsets = [0, 16, 0, 0], sizes = [1, 1, 128, 128], strides = [1, 1, 1, 1]} : vector<1x19x128x512xi32> to vector<1x1x128x128xi32>
    %squeeze3A_542 = vector.shape_cast %slice3A_541 : vector<1x1x128x128xi32> to vector<128x128xi32>
    %add3A_543 = arith.addi %and3A_11, %squeeze3A_542 : vector<128x128xi32>
    %reshape3A_544 = vector.shape_cast %add3A_543 : vector<128x128xi32> to vector<128x128x1xi32>
    %gather3A_545 = vector.shape_cast %reshape3A_544 : vector<128x128x1xi32> to vector<128x128xi32>
    %gather3A_546 = tpu.dynamic_gather %broadcast_in_dim3A_540[%gather3A_545] in [1] : vector<128x128xf32>, vector<128x128xi32> -> vector<128x128xf32>
    %slice3A_547 = vector.extract_strided_slice %min3A_9 {offsets = [0, 16, 0, 128], sizes = [1, 1, 128, 128], strides = [1, 1, 1, 1]} : vector<1x19x128x512xi32> to vector<1x1x128x128xi32>
    %squeeze3A_548 = vector.shape_cast %slice3A_547 : vector<1x1x128x128xi32> to vector<128x128xi32>
    %add3A_549 = arith.addi %and3A_11, %squeeze3A_548 : vector<128x128xi32>
    %reshape3A_550 = vector.shape_cast %add3A_549 : vector<128x128xi32> to vector<128x128x1xi32>
    %gather3A_551 = vector.shape_cast %reshape3A_550 : vector<128x128x1xi32> to vector<128x128xi32>
    %gather3A_552 = tpu.dynamic_gather %broadcast_in_dim3A_540[%gather3A_551] in [1] : vector<128x128xf32>, vector<128x128xi32> -> vector<128x128xf32>
    %slice3A_553 = vector.extract_strided_slice %min3A_9 {offsets = [0, 16, 0, 256], sizes = [1, 1, 128, 128], strides = [1, 1, 1, 1]} : vector<1x19x128x512xi32> to vector<1x1x128x128xi32>
    %squeeze3A_554 = vector.shape_cast %slice3A_553 : vector<1x1x128x128xi32> to vector<128x128xi32>
    %add3A_555 = arith.addi %and3A_11, %squeeze3A_554 : vector<128x128xi32>
    %reshape3A_556 = vector.shape_cast %add3A_555 : vector<128x128xi32> to vector<128x128x1xi32>
    %gather3A_557 = vector.shape_cast %reshape3A_556 : vector<128x128x1xi32> to vector<128x128xi32>
    %gather3A_558 = tpu.dynamic_gather %broadcast_in_dim3A_540[%gather3A_557] in [1] : vector<128x128xf32>, vector<128x128xi32> -> vector<128x128xf32>
    %slice3A_559 = vector.extract_strided_slice %min3A_9 {offsets = [0, 16, 0, 384], sizes = [1, 1, 128, 128], strides = [1, 1, 1, 1]} : vector<1x19x128x512xi32> to vector<1x1x128x128xi32>
    %squeeze3A_560 = vector.shape_cast %slice3A_559 : vector<1x1x128x128xi32> to vector<128x128xi32>
    %add3A_561 = arith.addi %and3A_11, %squeeze3A_560 : vector<128x128xi32>
    %reshape3A_562 = vector.shape_cast %add3A_561 : vector<128x128xi32> to vector<128x128x1xi32>
    %gather3A_563 = vector.shape_cast %reshape3A_562 : vector<128x128x1xi32> to vector<128x128xi32>
    %gather3A_564 = tpu.dynamic_gather %broadcast_in_dim3A_540[%gather3A_563] in [1] : vector<128x128xf32>, vector<128x128xi32> -> vector<128x128xf32>
    %concatenate3A_565 = tpu.concatenate %gather3A_546, %gather3A_552, %gather3A_558, %gather3A_564 in 1 : vector<128x128xf32>, vector<128x128xf32>, vector<128x128xf32>, vector<128x128xf32> -> vector<128x512xf32>
    %reshape3A_566 = vector.shape_cast %concatenate3A_565 : vector<128x512xf32> to vector<1x1x128x512xf32>
    %get3A_567 = arith.constant 17 : index
    %get3A_568 = arith.constant 0 : index
    %get3A_569 = vector.load %arg2[%get3A_567, %get3A_568] : memref<19x128xf32, #tpu.memory_space<vmem>>, vector<1x128xf32>
    %get3A_570 = vector.shape_cast %get3A_569 : vector<1x128xf32> to vector<128xf32>
    %reshape3A_571 = vector.shape_cast %get3A_570 : vector<128xf32> to vector<1x128xf32>
    %broadcast_in_dim3A_572 = vector.shape_cast %reshape3A_571 : vector<1x128xf32> to vector<1x128xf32>
    %broadcast_in_dim3A_573 = vector.broadcast %broadcast_in_dim3A_572 : vector<1x128xf32> to vector<128x128xf32>
    %slice3A_574 = vector.extract_strided_slice %min3A_9 {offsets = [0, 17, 0, 0], sizes = [1, 1, 128, 128], strides = [1, 1, 1, 1]} : vector<1x19x128x512xi32> to vector<1x1x128x128xi32>
    %squeeze3A_575 = vector.shape_cast %slice3A_574 : vector<1x1x128x128xi32> to vector<128x128xi32>
    %add3A_576 = arith.addi %and3A_11, %squeeze3A_575 : vector<128x128xi32>
    %reshape3A_577 = vector.shape_cast %add3A_576 : vector<128x128xi32> to vector<128x128x1xi32>
    %gather3A_578 = vector.shape_cast %reshape3A_577 : vector<128x128x1xi32> to vector<128x128xi32>
    %gather3A_579 = tpu.dynamic_gather %broadcast_in_dim3A_573[%gather3A_578] in [1] : vector<128x128xf32>, vector<128x128xi32> -> vector<128x128xf32>
    %slice3A_580 = vector.extract_strided_slice %min3A_9 {offsets = [0, 17, 0, 128], sizes = [1, 1, 128, 128], strides = [1, 1, 1, 1]} : vector<1x19x128x512xi32> to vector<1x1x128x128xi32>
    %squeeze3A_581 = vector.shape_cast %slice3A_580 : vector<1x1x128x128xi32> to vector<128x128xi32>
    %add3A_582 = arith.addi %and3A_11, %squeeze3A_581 : vector<128x128xi32>
    %reshape3A_583 = vector.shape_cast %add3A_582 : vector<128x128xi32> to vector<128x128x1xi32>
    %gather3A_584 = vector.shape_cast %reshape3A_583 : vector<128x128x1xi32> to vector<128x128xi32>
    %gather3A_585 = tpu.dynamic_gather %broadcast_in_dim3A_573[%gather3A_584] in [1] : vector<128x128xf32>, vector<128x128xi32> -> vector<128x128xf32>
    %slice3A_586 = vector.extract_strided_slice %min3A_9 {offsets = [0, 17, 0, 256], sizes = [1, 1, 128, 128], strides = [1, 1, 1, 1]} : vector<1x19x128x512xi32> to vector<1x1x128x128xi32>
    %squeeze3A_587 = vector.shape_cast %slice3A_586 : vector<1x1x128x128xi32> to vector<128x128xi32>
    %add3A_588 = arith.addi %and3A_11, %squeeze3A_587 : vector<128x128xi32>
    %reshape3A_589 = vector.shape_cast %add3A_588 : vector<128x128xi32> to vector<128x128x1xi32>
    %gather3A_590 = vector.shape_cast %reshape3A_589 : vector<128x128x1xi32> to vector<128x128xi32>
    %gather3A_591 = tpu.dynamic_gather %broadcast_in_dim3A_573[%gather3A_590] in [1] : vector<128x128xf32>, vector<128x128xi32> -> vector<128x128xf32>
    %slice3A_592 = vector.extract_strided_slice %min3A_9 {offsets = [0, 17, 0, 384], sizes = [1, 1, 128, 128], strides = [1, 1, 1, 1]} : vector<1x19x128x512xi32> to vector<1x1x128x128xi32>
    %squeeze3A_593 = vector.shape_cast %slice3A_592 : vector<1x1x128x128xi32> to vector<128x128xi32>
    %add3A_594 = arith.addi %and3A_11, %squeeze3A_593 : vector<128x128xi32>
    %reshape3A_595 = vector.shape_cast %add3A_594 : vector<128x128xi32> to vector<128x128x1xi32>
    %gather3A_596 = vector.shape_cast %reshape3A_595 : vector<128x128x1xi32> to vector<128x128xi32>
    %gather3A_597 = tpu.dynamic_gather %broadcast_in_dim3A_573[%gather3A_596] in [1] : vector<128x128xf32>, vector<128x128xi32> -> vector<128x128xf32>
    %concatenate3A_598 = tpu.concatenate %gather3A_579, %gather3A_585, %gather3A_591, %gather3A_597 in 1 : vector<128x128xf32>, vector<128x128xf32>, vector<128x128xf32>, vector<128x128xf32> -> vector<128x512xf32>
    %reshape3A_599 = vector.shape_cast %concatenate3A_598 : vector<128x512xf32> to vector<1x1x128x512xf32>
    %get3A_600 = arith.constant 18 : index
    %get3A_601 = arith.constant 0 : index
    %get3A_602 = vector.load %arg2[%get3A_600, %get3A_601] : memref<19x128xf32, #tpu.memory_space<vmem>>, vector<1x128xf32>
    %get3A_603 = vector.shape_cast %get3A_602 : vector<1x128xf32> to vector<128xf32>
    %reshape3A_604 = vector.shape_cast %get3A_603 : vector<128xf32> to vector<1x128xf32>
    %broadcast_in_dim3A_605 = vector.shape_cast %reshape3A_604 : vector<1x128xf32> to vector<1x128xf32>
    %broadcast_in_dim3A_606 = vector.broadcast %broadcast_in_dim3A_605 : vector<1x128xf32> to vector<128x128xf32>
    %slice3A_607 = vector.extract_strided_slice %min3A_9 {offsets = [0, 18, 0, 0], sizes = [1, 1, 128, 128], strides = [1, 1, 1, 1]} : vector<1x19x128x512xi32> to vector<1x1x128x128xi32>
    %squeeze3A_608 = vector.shape_cast %slice3A_607 : vector<1x1x128x128xi32> to vector<128x128xi32>
    %add3A_609 = arith.addi %and3A_11, %squeeze3A_608 : vector<128x128xi32>
    %reshape3A_610 = vector.shape_cast %add3A_609 : vector<128x128xi32> to vector<128x128x1xi32>
    %gather3A_611 = vector.shape_cast %reshape3A_610 : vector<128x128x1xi32> to vector<128x128xi32>
    %gather3A_612 = tpu.dynamic_gather %broadcast_in_dim3A_606[%gather3A_611] in [1] : vector<128x128xf32>, vector<128x128xi32> -> vector<128x128xf32>
    %slice3A_613 = vector.extract_strided_slice %min3A_9 {offsets = [0, 18, 0, 128], sizes = [1, 1, 128, 128], strides = [1, 1, 1, 1]} : vector<1x19x128x512xi32> to vector<1x1x128x128xi32>
    %squeeze3A_614 = vector.shape_cast %slice3A_613 : vector<1x1x128x128xi32> to vector<128x128xi32>
    %add3A_615 = arith.addi %and3A_11, %squeeze3A_614 : vector<128x128xi32>
    %reshape3A_616 = vector.shape_cast %add3A_615 : vector<128x128xi32> to vector<128x128x1xi32>
    %gather3A_617 = vector.shape_cast %reshape3A_616 : vector<128x128x1xi32> to vector<128x128xi32>
    %gather3A_618 = tpu.dynamic_gather %broadcast_in_dim3A_606[%gather3A_617] in [1] : vector<128x128xf32>, vector<128x128xi32> -> vector<128x128xf32>
    %slice3A_619 = vector.extract_strided_slice %min3A_9 {offsets = [0, 18, 0, 256], sizes = [1, 1, 128, 128], strides = [1, 1, 1, 1]} : vector<1x19x128x512xi32> to vector<1x1x128x128xi32>
    %squeeze3A_620 = vector.shape_cast %slice3A_619 : vector<1x1x128x128xi32> to vector<128x128xi32>
    %add3A_621 = arith.addi %and3A_11, %squeeze3A_620 : vector<128x128xi32>
    %reshape3A_622 = vector.shape_cast %add3A_621 : vector<128x128xi32> to vector<128x128x1xi32>
    %gather3A_623 = vector.shape_cast %reshape3A_622 : vector<128x128x1xi32> to vector<128x128xi32>
    %gather3A_624 = tpu.dynamic_gather %broadcast_in_dim3A_606[%gather3A_623] in [1] : vector<128x128xf32>, vector<128x128xi32> -> vector<128x128xf32>
    %slice3A_625 = vector.extract_strided_slice %min3A_9 {offsets = [0, 18, 0, 384], sizes = [1, 1, 128, 128], strides = [1, 1, 1, 1]} : vector<1x19x128x512xi32> to vector<1x1x128x128xi32>
    %squeeze3A_626 = vector.shape_cast %slice3A_625 : vector<1x1x128x128xi32> to vector<128x128xi32>
    %add3A_627 = arith.addi %and3A_11, %squeeze3A_626 : vector<128x128xi32>
    %reshape3A_628 = vector.shape_cast %add3A_627 : vector<128x128xi32> to vector<128x128x1xi32>
    %gather3A_629 = vector.shape_cast %reshape3A_628 : vector<128x128x1xi32> to vector<128x128xi32>
    %gather3A_630 = tpu.dynamic_gather %broadcast_in_dim3A_606[%gather3A_629] in [1] : vector<128x128xf32>, vector<128x128xi32> -> vector<128x128xf32>
    %concatenate3A_631 = tpu.concatenate %gather3A_612, %gather3A_618, %gather3A_624, %gather3A_630 in 1 : vector<128x128xf32>, vector<128x128xf32>, vector<128x128xf32>, vector<128x128xf32> -> vector<128x512xf32>
    %reshape3A_632 = vector.shape_cast %concatenate3A_631 : vector<128x512xf32> to vector<1x1x128x512xf32>
    %concatenate3A_633 = tpu.concatenate %reshape3A_38, %reshape3A_71, %reshape3A_104, %reshape3A_137, %reshape3A_170, %reshape3A_203, %reshape3A_236, %reshape3A_269, %reshape3A_302, %reshape3A_335, %reshape3A_368, %reshape3A_401, %reshape3A_434, %reshape3A_467, %reshape3A_500, %reshape3A_533, %reshape3A_566, %reshape3A_599, %reshape3A_632 in 1 : vector<1x1x128x512xf32>, vector<1x1x128x512xf32>, vector<1x1x128x512xf32>, vector<1x1x128x512xf32>, vector<1x1x128x512xf32>, vector<1x1x128x512xf32>, vector<1x1x128x512xf32>, vector<1x1x128x512xf32>, vector<1x1x128x512xf32>, vector<1x1x128x512xf32>, vector<1x1x128x512xf32>, vector<1x1x128x512xf32>, vector<1x1x128x512xf32>, vector<1x1x128x512xf32>, vector<1x1x128x512xf32>, vector<1x1x128x512xf32>, vector<1x1x128x512xf32>, vector<1x1x128x512xf32>, vector<1x1x128x512xf32> -> vector<1x19x128x512xf32>
    %reduce_sum3A_634 = arith.constant dense<0.000000e+00> : vector<1x128x512xf32>
    %reduce_sum3A_635 = vector.multi_reduction <add>, %concatenate3A_633, %reduce_sum3A_634 [1] : vector<1x19x128x512xf32> to vector<1x128x512xf32>
    %broadcast_in_dim3A_636 = vector.shape_cast %reduce_sum3A_635 : vector<1x128x512xf32> to vector<1x1x128x512xf32>
    %eq3A = arith.constant 0.000000e+00 : f32
    %eq3A_637 = vector.broadcast %eq3A : f32 to vector<1x1x128x512xf32>
    %eq3A_638 = arith.cmpf oeq, %broadcast_in_dim3A_636, %eq3A_637 : vector<1x1x128x512xf32>
    %jit3A = arith.constant 1.000000e+00 : f32
    %broadcast_in_dim3A_639 = vector.broadcast %jit3A : f32 to vector<1x1x128x512xf32>
    %select_n3A = arith.select %eq3A_638, %broadcast_in_dim3A_639, %broadcast_in_dim3A_636 : vector<1x1x128x512xi1>, vector<1x1x128x512xf32>
    %div3A_640 = arith.constant 1.000000e+00 : f32
    %div3A_641 = vector.broadcast %div3A_640 : f32 to vector<1x1x128x512xf32>
    %div3A_642 = arith.divf %div3A_641, %select_n3A : vector<1x1x128x512xf32>
    %mul3A_643 = vector.broadcast %div3A_642 : vector<1x1x128x512xf32> to vector<1x19x128x512xf32>
    %mul3A_644 = arith.mulf %concatenate3A_633, %mul3A_643 : vector<1x19x128x512xf32>
    %swap3A = arith.constant 0 : index
    %swap3A_645 = arith.constant 0 : index
    %swap3A_646 = arith.constant 0 : index
    %swap3A_647 = arith.constant 0 : index
    %swap3A_648 = vector.load %arg4[%swap3A, %swap3A_645, %swap3A_646, %swap3A_647] : memref<1x19x128x512xf32, #tpu.memory_space<vmem>>, vector<1x19x128x512xf32>
    tpu.vector_store %arg4[%swap3A, %swap3A_645, %swap3A_646, %swap3A_647], %mul3A_644 {strides = array<i32>} : memref<1x19x128x512xf32, #tpu.memory_space<vmem>>, vector<1x19x128x512xf32>,
    return
  }
  func.func @transform_0(%arg0: i32, %arg1: i32) -> (i32, i32) {
    %c0_i32 = arith.constant 0 : i32
    %c0_i32_0 = arith.constant 0 : i32
    %c0_i32_1 = arith.constant 0 : i32
    return %c0_i32, %c0_i32_0 : i32, i32
  }
  func.func @transform_1(%arg0: i32, %arg1: i32) -> (i32, i32, i32, i32) {
    %c0_i32 = arith.constant 0 : i32
    %c0_i32_0 = arith.constant 0 : i32
    %c0_i32_1 = arith.constant 0 : i32
    return %arg0, %c0_i32, %arg1, %c0_i32_0 : i32, i32, i32, i32
  }
  func.func @transform_2(%arg0: i32, %arg1: i32) -> (i32, i32, i32, i32) {
    %c0_i32 = arith.constant 0 : i32
    %c0_i32_0 = arith.constant 0 : i32
    %c0_i32_1 = arith.constant 0 : i32
    return %arg0, %c0_i32, %arg1, %c0_i32_0 : i32, i32, i32, i32
  }
}

</mosaic_0001>

<sc_bundles>
// kernel: kernel.4.cloned.1.call-start
scs
__scs_entry_jumppad:
0x0: {  	(pc) =	sbr.rel $0x88, $3  }
0x1: {  	(tag) =	ssettag $0x0;
	lr =	simm.s32 $0x1  }
0x2: {  	[smem:$0x3F9F] =	sst lr;
	_ =	strace $0xD0000000  }
0x3: {  	_ = 	snop  }
0x4: {  	_ = 	snop  }
0x5: {  	_ = 	snop  }
0x6: {  	_ = 	snop  }
0x7: {  	_ = 	snop  }
__scs_overlays_trampoline_lowered:
0x8: {  	[smem:$0x3FAE] =	sst s0  }
0x9: {  	[smem:$0x3FAF] =	sst s1  }
0xa: {  	[smem:$0x3FB0] =	sst s2  }
0xb: {  	[smem:$0x3FB1] =	sst s3  }
0xc: {  	[smem:$0x3FB2] =	sst s4  }
0xd: {  	[smem:$0x3FB3] =	sst s5  }
0xe: {  	[smem:$0x3FB4] =	sst s6  }
0xf: {  	[smem:$0x3FB5] =	sst s7  }
0x10: {  	[smem:$0x3FB6] =	sst s8  }
0x11: {  	[smem:$0x3FB7] =	sst s9;
	s0 =	simm.s32 @!p0 $0x0  }
0x12: {  	s1 =	sld [smem:$0x3F9D];
	s0 =	simm.s32 @p0 $0x1  }
0x13: {  	[smem:$0x3FB8] =	sst s0;
	s0 =	simm.s32 @!p1 $0x0  }
0x14: {  	s2 =	sld [smem:$0x3F9C];
	s0 =	simm.s32 @p1 $0x1  }
0x15: {  	[smem:$0x3FB9] =	sst s0;
	s0 =	simm.s32 @!p2 $0x0  }
0x16: {  	s3 =	sld [smem:$0x3FDB];
	s0 =	simm.s32 @p2 $0x1  }
0x17: {  	s4 =	simm.s32 $0x1BF5;
	[smem:$0x3FBB] =	sst s0  }
0x18: {  	s0 =	sld [smem:$0x3F9E];
	_ =	swait.ge [sflag:s4], $0x0  }
0x19: {  	s7 =	sld [smem:$0x3F9F]  }
0x1a: {  	s8 =	sadd.s32 $0xFFFFE003, lr  }
0x1b: {  	s9 =	sadd.s32 $0xFFFFFEF7, lr;
	s5 =	simm.s32 $0xFFFFFFFF;
	p2 =	slt.u32 s8, $0xFFFFF086  }
0x1c: {  	p1 =	slt.u32 s9, $0xF7A;
	s5 =	simm.s32 @!p2 $0x0  }
0x1d: {  	s5 =	simm.s32 @p1 $0x1;
	p0 =	seq.s32 s7, s2  }
0x1e: {  	s7 =	smul.u32 @!p0 $0xF7A, s2;
	p2 =	seq.s32 @!p0 s5, $0x0  }
0x1f: {  	s9 =	smul.u32 $0xF7A, s1;
	s8 =	simm.s32 @!p0 $0x1BF5;
	p2 =	por !p2, p0  }
0x20: {  	[sflag:s8] =	ssyncset.s32 @!p0 $0xFFFFF086;
	s6 =	sadd.s32 @!p0 s3, s7;
	s7 =	simm.s32 @!p0 $0x108  }
0x21: {  	s3 =	sadd.s32 s3, s9;
	s6 =	sadd.s32 @!p0 $0x88, s6;
	s7 =	simm.s32 @p2 $0x1082  }
0x22: {  	[simem:s7], [sflag:s8] =	dma.local @!p0 [hbm:s6], $0xF7A  }
0x23: {  	s9 =	sor.u32 $0xD0000000, s2;
	s6 =	simm.s32 $0x108;
	_ =	swait.ge @!p0 [sflag:s8], $0x0  }
0x24: {  	s3 =	sadd.s32 $0x88, s3;
	s6 =	simm.s32 @!p1 $0x1082;
	[sflag:s4] =	ssyncset.s32 $0xFFFFF086  }
0x25: {  	[simem:s6], [sflag:s4] =	dma.local [hbm:s3], $0xF7A  }
0x26: {  	[smem:$0x3F9F] =	sst s1;
	(tag) =	ssettag s2;
	_ =	strace s9  }
0x27: {  	s1 =	sld [smem:$0x3FAF]  }
0x28: {  	s2 =	sld [smem:$0x3FB0]  }
0x29: {  	s4 =	sld [smem:$0x3FB2]  }
0x2a: {  	p0 =	seq.s32 s5, $0x0;
	s5 =	sld [smem:$0x3FB3]  }
0x2b: {  	s6 =	sld [smem:$0x3FB4]  }
0x2c: {  	s7 =	sld [smem:$0x3FB5]  }
0x2d: {  	s3 =	simm.s32 $0x108;
	s8 =	sld [smem:$0x3FB6]  }
0x2e: {  	s3 =	simm.s32 @!p0 $0x1082;
	s9 =	sld [smem:$0x3FB7]  }
0x2f: {  	lr =	sadd.s32 s0, s3;
	s0 =	sld [smem:$0x3FAE]  }
0x30: {  	s3 =	sld [smem:$0x3FB1]  }
0x31: {  	[smem:$0x3FBA] =	sst s10  }
0x32: {  	s10 =	sld [smem:$0x3FB8];
	_ =	sdelay $0x3  }
0x33: {  	p0 =	seq.s32 s10, $0x1;
	s10 =	sld [smem:$0x3FBA];
	_ =	sdelay $0x3  }
0x34: {  	[smem:$0x3FBA] =	sst s10  }
0x35: {  	s10 =	sld [smem:$0x3FB9];
	_ =	sdelay $0x3  }
0x36: {  	p1 =	seq.s32 s10, $0x1;
	s10 =	sld [smem:$0x3FBA];
	_ =	sdelay $0x3  }
0x37: {  	[smem:$0x3FBA] =	sst s10  }
0x38: {  	s10 =	sld [smem:$0x3FBB]  }
0x39: {  	_ = 	snop;
	(pc) =	sbr.ind lr, $3  }
0x3a: {  	_ = 	snop  }
0x3b: {  	_ = 	snop  }
0x3c: {  	p2 =	seq.s32 s10, $0x1;
	s10 =	sld [smem:$0x3FBA]  }
0x3d: {  	_ =	shalt  }
0x3e: {  	_ =	shalt  }
0x3f: {  	_ =	shalt  }
0x40: {  	_ =	shalt  }
0x41: {  	_ =	shalt  }
0x42: {  	_ =	shalt  }
0x43: {  	_ =	shalt  }
0x44: {  	_ =	shalt  }
0x45: {  	_ =	shalt  }
0x46: {  	_ =	shalt  }
0x47: {  	_ =	shalt  }
0x48: {  	_ =	shalt  }
0x49: {  	_ =	shalt  }
0x4a: {  	_ =	shalt  }
0x4b: {  	_ =	shalt  }
0x4c: {  	_ =	shalt  }
0x4d: {  	_ =	shalt  }
0x4e: {  	_ =	shalt  }
0x4f: {  	_ =	shalt  }
0x50: {  	_ =	shalt  }
0x51: {  	_ =	shalt  }
0x52: {  	_ =	shalt  }
0x53: {  	_ =	shalt  }
0x54: {  	_ =	shalt  }
0x55: {  	_ =	shalt  }
0x56: {  	_ =	shalt  }
0x57: {  	_ =	shalt  }
0x58: {  	_ =	shalt  }
0x59: {  	_ =	shalt  }
0x5a: {  	_ =	shalt  }
0x5b: {  	_ =	shalt  }
0x5c: {  	_ =	shalt  }
0x5d: {  	_ =	shalt  }
0x5e: {  	_ =	shalt  }
0x5f: {  	_ =	shalt  }
0x60: {  	_ =	shalt  }
0x61: {  	_ =	shalt  }
0x62: {  	_ =	shalt  }
0x63: {  	_ =	shalt  }
0x64: {  	_ =	shalt  }
0x65: {  	_ =	shalt  }
0x66: {  	_ =	shalt  }
0x67: {  	_ =	shalt  }
0x68: {  	_ =	shalt  }
0x69: {  	_ =	shalt  }
0x6a: {  	_ =	shalt  }
0x6b: {  	_ =	shalt  }
0x6c: {  	_ =	shalt  }
0x6d: {  	_ =	shalt  }
0x6e: {  	_ =	shalt  }
0x6f: {  	_ =	shalt  }
0x70: {  	_ =	shalt  }
0x71: {  	_ =	shalt  }
0x72: {  	_ =	shalt  }
0x73: {  	_ =	shalt  }
0x74: {  	_ =	shalt  }
0x75: {  	_ =	shalt  }
0x76: {  	_ =	shalt  }
0x77: {  	_ =	shalt  }
0x78: {  	_ =	shalt  }
0x79: {  	_ =	shalt  }
0x7a: {  	_ =	shalt  }
0x7b: {  	_ =	shalt  }
0x7c: {  	_ =	shalt  }
0x7d: {  	_ =	shalt  }
0x7e: {  	_ =	shalt  }
0x7f: {  	_ =	shalt  }
0x80: {  	_ =	shalt  }
0x81: {  	_ =	shalt  }
0x82: {  	_ =	shalt  }
0x83: {  	_ =	shalt  }
0x84: {  	_ =	shalt  }
0x85: {  	_ =	shalt  }
0x86: {  	_ =	shalt  }
0x87: {  	_ =	shalt  }
.Lfunc_end0:
.L_simem_size_0:
called_computation_lowered:
.L_overlay_start_0:
0x88: {  	s2 =	sld [smem:$0x3FD9]  }
0x89: {  	s3 =	sld [smem:$0x3FFE];
	_ =	sdelay $0x1  }
0x8a: {  	s1 =	srdreg.scid  }
0x8b: {  	s0 =	sand.u32 $0x1, s1  }
0x8c: {  	s16 =	sshll.u32 s0, $0xA;
	s2 =	sadd.s32 s3, s2  }
0x8d: {  	s2 =	sadd.s32 s2, s16  }
0x8e: {  	[smem:$0x3FC6] =	sst s2  }
0x8f: {  	_ = 	snop  }
0x90: {  	(tm) =	ssettm $0x1  }
0x91: {  	s17 =	sld [smem:$0x3FFB];
	_ =	sdelay $0x3  }
0x92: {  	_ =	strace s17  }
0x93: {  	s2 =	sld [smem:$0x3FFC];
	_ =	sdelay $0x3  }
0x94: {  	_ =	strace s2  }
0x95: {  	s2 =	sld [smem:$0x3FFD];
	_ =	sdelay $0x3  }
0x96: {  	_ =	strace s2  }
0x97: {  	_ =	strace $0x8FFFFFFF  }
0x98: {  	s18 =	sld [smem:$0x3FDB];
	_ =	sdelay $0x1  }
0x99: {  	s19 =	simm.s32 $_scs_section_size  }
0x9a: {  	s4 =	simm.s32 $_size__tile_overlayer_lowered;
	s5 =	simm.s32 $_tile_overlayer_lowered  }
0x9b: {  	s22 =	simm.s32 $0x1BFF;
	s21 =	sshll.u32 s5, $0x1;
	s2 =	sadd.s32 s19, s18  }
0x9c: {  	s6 =	simm.s32 $0x0;
	s20 =	sshll.u32 s4, $0x1;
	s4 =	sadd.s32 s21, s2  }
0x9d: {  	[timem:s6], [sflag:s22] =	dma.local [hbm:s4], s20  }
0x9e: {  	_ =	swait.ge [sflag:s22], s20  }
0x9f: {  	s3 =	ssub.s32 $0x0, s20;
	[sflag:s22] =	ssyncset.done $0x0  }
0xa0: {  	[sflag:s22] =	ssyncadd.s32 s3;
	_ =	sdelay $0x1  }
0xa1: {  	s23 =	simm.s32 $0x1B8B  }
0xa2: {  	_ =	swait.ge [sflag:s23], $0x1  }
0xa3: {  	[sflag:s23] =	ssyncset.done $0x0  }
0xa4: {  	s25 =	simm.s32 $0x1B8E;
	s24 =	sld [smem:$0x3FFE];
	[sflag:s23] =	ssyncadd.s32 $0xFFFFFFFF  }
0xa5: {  	s26 =	simm.s32 $execute0_lowered;
	[smem:$0x3FD2] =	sst s25  }
0xa6: {  	s4 =	sshll.u32 s26, $0x1;
	_ =	strace $0x80000046;
	[dreg:$0x1] =	wrdreg $0xFFFFFFFF  }
0xa7: {  	s28 =	simm.s32 $_size_execute0_lowered;
	s2 =	sadd.s32 s2, s4;
	[dreg:$0x0] =	wrdreg $0x0  }
0xa8: {  	s4 =	sshll.u32 s28, $0x1;
	[dreg:$0x2] =	wrdreg s2  }
0xa9: {  	[dreg:$0x3] =	wrdreg s4  }
0xaa: {  	[dreg:$0x4] =	wrdreg $0xC0  }
0xab: {  	_ =	task [dreg:s6], $0x5FFFF  }
0xac: {  	[dreg:$0x1] =	wrdreg $0xFFFFFFFF  }
0xad: {  	[dreg:$0x0] =	wrdreg $0x60  }
0xae: {  	[dreg:$0x2] =	wrdreg s24  }
0xaf: {  	[dreg:$0x3] =	wrdreg $0x9  }
0xb0: {  	_ =	task.clear_ibuf [dreg:s6], $0x4FFFF;
	_ =	strace $0x90000046  }
0xb1: {  	s29 =	simm.s32 $0x9;
	_ =	strace $0x80000048  }
0xb2: {  	_ =	swait.ge [sflag:s29], $0x1  }
0xb3: {  	[sflag:s29] =	ssyncadd.s32 $0xFFFFFFFF  }
0xb4: {  	_ =	strace $0x90000048  }
0xb5: {  	_ =	sfence  }
0xb6: {  	s30 =	sld [smem:$0x0];
	_ =	sdelay $0x2  }
0xb7: {  	s31 =	sshll.u32 s1, $0xD;
	s1 =	sshrl.u32 s1, $0x2  }
0xb8: {  	s3 =	sand.u32 $0x4000, s31;
	s1 =	sadd.s32 s1, s30  }
0xb9: {  	s0 =	sor.u32 s3, s0;
	s1 =	sshll.u32 s1, $0x11  }
0xba: {  	s0 =	sor.u32 s1, s0  }
0xbb: {  	s0 =	sadd.s32 $0x8F2B, s0  }
0xbc: {  	[sflag:s0] =	ssyncadd.remote.s32 $0x1  }
0xbd: {  	_ =	sfence.sel $0xFFFF  }
0xbe: {  	[dreg:$0x0] =	wrdreg $0xFFFFFFFF;
	(pc) =	sbr.abs _section_cstart, $3  }
0xbf: {  	[dreg:$0x1] =	wrdreg $0xFFFFFFFF  }
0xc0: {  	_ =	task.clear_ibuf [dreg:s6], $0x2FFFF;
	_ =	strace $0x9FFFFFFF  }
0xc1: {  	(tm) =	ssettm $0x7FFFFFFF  }
tec
execute0_lowered:
.L_overlay_start_1:
0x0: {  	(tag) =	ssettag $0x1  }
0x1: {  	s0 =	rddreg [dreg:$0x0]  }
0x2: {  	s1 =	simm.s32 $0x0;
	s2 =	srdreg.scid;
	s4 =	stileid.u32  }
0x3: {  	[smem:$0x7FF] =	sst s1;
	s5 =	sadd.s32 $0x600, s0;
	s3 =	sadd.s32 $0xC0600, s0  }
0x4: {  	s2 =	sand.u32 $0x1, s2;
	s4 =	sshll.u32 s4, $0xE;
	_ =	strace $0x80000047  }
0x5: {  	[dreg:$0x3] =	wrdreg s3;
	s28 =	ssub.s32 $0x2, s2;
	s2 =	sshll.u32 s2, $0xD  }
0x6: {  	s6 =	sadd.s32 $0xC0800, s0;
	[dreg:$0x2] =	wrdreg s5;
	s2 =	sor.u32 s2, s4  }
0x7: {  	s12 =	simm.s32 $0x2000;
	[dreg:$0x4] =	wrdreg s6;
	s4 =	sadd.s32 s6, s2  }
0x8: {  	s13 =	simm.s32 $0x200000;
	s30 =	sadd.s32 s5, s2;
	[dreg:$0x6] =	wrdreg s4  }
0x9: {  	s29 =	sshrl.u32 s28, $0x1;
	s31 =	sor.u32 $0x400, s2;
	[dreg:$0x5] =	wrdreg s30  }
0xa: {  	s0 =	ssub.s32 s28, s29;
	s3 =	sadd.s32 $0x800, s30;
	[dreg:$0x9] =	wrdreg s31  }
0xb: {  	s16 =	simm.s32 $0x1;
	s0 =	smax.u32 s0, $0x1;
	[dreg:$0x7] =	wrdreg s3  }
0xc: {  	s18 =	simm.s32 $0x2;
	[dreg:$0x8] =	wrdreg s0;
	s3 =	simm.s32 $0x0  }
.LBB2_1:
0xd: {  	[dreg:$0xa] =	wrdreg s3  }
0xe: {  	s0 =	rddreg [dreg:$0x3];
	s30 =	simm.s32 $0x5  }
0xf: {  	[tilespmem:s1], [sflag:$0x5] =	stream.linear.gather [hbm4b:s0+s1], $0x180, $0x38;
	[tilespmem:$0x18180] =	vst v63  }
0x10: {  	_ =	swait.ge [sflag:s30], $0x180  }
0x11: {  	s2 =	simm.s32 $0x180;
	[sflag:s30] =	ssyncset.done $0x0  }
0x12: {  	s23 =	simm.s32 $0x0;
	s31 =	rddreg [dreg:$0x5];
	[sflag:s30] =	ssyncadd.s32 $0xFFFFFE80  }
0x13: {  	[tilespmem:s2], [sflag:$0x1] =	stream.strided.gather [hbm4b:s31+s12], $0x6000, s13, s12, $0x38;
	[tilespmem:$0x18180] =	vst v63  }
.LBB2_2:
0x14: {  	s25 =	sshll.u32 s23, $0xB;
	s0 =	rddreg [dreg:$0x9]  }
0x15: {  	s19 =	rddreg [dreg:$0x2];
	s24 =	sor.u32 s0, s25  }
0x16: {  	s2 =	simm.s32 $0x6180;
	s0 =	sadd.s32 s19, s24  }
0x17: {  	[tilespmem:s2], [sflag:$0x2] =	stream.strided.gather [hbm4b:s0+s12], $0x6000, s13, s12, $0x38;
	[tilespmem:$0x18180] =	vst v63  }
0x18: {  	_ =	swait.ge [sflag:s16], $0x6000  }
0x19: {  	p0 =	seq.s32 s23, $0x0;
	[sflag:s16] =	ssyncset.done $0x0  }
0x1a: {  	s0 =	simm.s32 @!p0 $0x3;
	[sflag:s16] =	ssyncadd.s32 $0xFFFFA000  }
0x1b: {  	s3 =	simm.s32 $0x0;
	_ =	swait.ge @!p0 [sflag:s0], $0x6000  }
0x1c: {  	s20 =	sand.u32 $0x60, s3;
	s4 =	sand.u32 $0x1C00, s3;
	[sflag:s0] =	ssyncset.done @!p0 $0x0  }
0x1d: {  	s26 =	sor.u32 s20, s4;
	[sflag:s0] =	ssyncadd.s32 @!p0 $0xFFFFA000  }
0x1e: {  	v0 =	vld [tilespmem:s26+$0x190]  }
0x1f: {  	v1 =	vld [tilespmem:s26+$0x210]  }
0x20: {  	v2 =	vld [tilespmem:s26+$0x180]  }
0x21: {  	v3 =	vld [tilespmem:s26+$0x290]  }
0x22: {  	v4 =	vld [tilespmem:s26+$0x200]  }
0x23: {  	v5 =	vld [tilespmem:s26+$0x310];
	v0 =	vmul.f32 $1.442695020e+00, v0  }
0x24: {  	s21 =	sand.u32 $0x3, s3;
	v6 =	vld [tilespmem:s26+$0x280];
	v1 =	vmul.f32 $1.442695020e+00, v1  }
0x25: {  	s0 =	sshll.u32 s21, $0x5;
	v2 =	vmul.f32 $1.442695020e+00, v2;
	(erf) = vpow2.f32 v0;
	v0 =	vld [tilespmem:s26+$0x300]  }
0x26: {  	v7 =	vld [tilespmem:s26+$0x390];
	s0 =	sadd.s32 $0x0, s0;
	v3 =	vmul.f32 $1.442695020e+00, v3;
	(erf) = vpow2.f32 v1  }
0x27: {  	s22 =	sadd.s32 $0x10, s0;
	v1 =	vmul.f32 $1.442695020e+00, v4;
	v4 =	vld [tilespmem:s26+$0x410];
	(erf) = vpow2.f32 v2  }
0x28: {  	s14 =	sor.u32 $0x300, s22;
	v5 =	vmul.f32 $1.442695020e+00, v5;
	v2 =	vld [tilespmem:s26+$0x380];
	(erf) = vpow2.f32 v3  }
0x29: {  	v3 =	vmul.f32 $1.442695020e+00, v6;
	v6 =	vld [tilespmem:s14+$0x180];
	(erf) = vpow2.f32 v1  }
0x2a: {  	v1 =	vld [tilespmem:s26+$0x400];
	(erf) = vpow2.f32 v5;
	v0 =	vmul.f32 $1.442695020e+00, v0  }
0x2b: {  	s8 =	sor.u32 $0x380, s22;
	v7 =	vmul.f32 $1.442695020e+00, v7;
	(erf) = vpow2.f32 v3  }
0x2c: {  	s28 =	sor.u32 $0x300, s0;
	v5 =	vld [tilespmem:s8+$0x180];
	v4 =	vmul.f32 $1.442695020e+00, v4  }
0x2d: {  	s3 =	sor.u32 s3, s3;
	v3 =	vld [tilespmem:s28+$0x180];
	(erf) = vpow2.f32 v7;
	v2 =	vmul.f32 $1.442695020e+00, v2  }
0x2e: {  	s29 =	sor.u32 $0x380, s3;
	v8 =	vld [tilespmem:s26+$0x2190];
	(erf) = vpow2.f32 v0;
	v6 =	vmul.f32 $1.442695020e+00, v6;
	v0 =	vpop (erf)  }
0x2f: {  	v9 =	vld [tilespmem:s29+$0x180];
	(erf) = vpow2.f32 v4;
	v4 =	vmul.f32 $1.442695020e+00, v1;
	v1 =	vpop (erf)  }
0x30: {  	v10 =	vld [tilespmem:s26+$0x2210];
	(erf) = vpow2.f32 v2;
	v26 =	vpop (erf)  }
0x31: {  	v11 =	vld [tilespmem:s26+$0x2180];
	v2 =	vmul.f32 $1.442695020e+00, v5;
	(erf) = vpow2.f32 v6;
	v7 =	vpop (erf)  }
0x32: {  	v5 =	vadd.f32 v1, v0;
	v3 =	vmul.f32 $1.442695020e+00, v3;
	v6 =	vld [tilespmem:s26+$0x2290];
	(erf) = vpow2.f32 v4;
	v27 =	vpop (erf)  }
0x33: {  	v12 =	vmul.f32 $1.442695020e+00, v8;
	v4 =	vld [tilespmem:s26+$0x2200];
	(erf) = vpow2.f32 v2;
	v49 =	vpop (erf)  }
0x34: {  	v13 =	vld [tilespmem:s26+$0x2310];
	v9 =	vmul.f32 $1.442695020e+00, v9;
	v5 =	vadd.f32 v7, v5;
	(erf) = vpow2.f32 v3;
	v38 =	vpop (erf)  }
0x35: {  	v14 =	vld [tilespmem:s26+$0x2280];
	v10 =	vmul.f32 $1.442695020e+00, v10;
	(erf) = vpow2.f32 v12;
	[tilespmem:$0x1FDB0] =	vst v38  }
0x36: {  	v3 =	vadd.f32 v49, v5;
	v5 =	vmul.f32 $1.442695020e+00, v11;
	(erf) = vpow2.f32 v9;
	v15 =	vpop (erf);
	v12 =	vld [tilespmem:s26+$0x2390]  }
0x37: {  	v6 =	vmul.f32 $1.442695020e+00, v6;
	v50 =	vld [tilespmem:s26+$0x2300];
	v2 =	vpop (erf);
	(erf) = vpow2.f32 v10  }
0x38: {  	v51 =	vadd.f32 v15, v3;
	v16 =	vmul.f32 $1.442695020e+00, v4;
	[tilespmem:$0x1FDC0] =	vst v2;
	(erf) = vpow2.f32 v5;
	v52 =	vpop (erf)  }
0x39: {  	v13 =	vmul.f32 $1.442695020e+00, v13;
	v18 =	vld [tilespmem:s26+$0x2380];
	v62 =	vpop (erf);
	(erf) = vpow2.f32 v6  }
0x3a: {  	v17 =	vld [tilespmem:s26+$0x2410];
	v5 =	vadd.f32 v52, v51;
	(erf) = vpow2.f32 v16  }
0x3b: {  	s15 =	sor.u32 $0x2300, s22;
	v6 =	vmul.f32 $1.442695020e+00, v14;
	v53 =	vpop (erf);
	(erf) = vpow2.f32 v13  }
0x3c: {  	v14 =	vld [tilespmem:s15+$0x180];
	v19 =	vadd.f32 v53, v5;
	v3 =	vpop (erf);
	v12 =	vmul.f32 $1.442695020e+00, v12;
	v9 =	vmul.f32 $1.442695020e+00, v50  }
0x3d: {  	s17 =	sor.u32 $0x2380, s22;
	v16 =	vld [tilespmem:s26+$0x2400];
	(erf) = vpow2.f32 v6;
	v20 =	vpop (erf)  }
0x3e: {  	s30 =	sor.u32 $0x2300, s0;
	v13 =	vld [tilespmem:s17+$0x180];
	v19 =	vadd.f32 v20, v19;
	v4 =	vpop (erf);
	(erf) = vpow2.f32 v12;
	v12 =	vmul.f32 $1.442695020e+00, v18  }
0x3f: {  	s31 =	sor.u32 $0x2380, s3;
	v21 =	vld [tilespmem:s30+$0x180];
	v17 =	vmul.f32 $1.442695020e+00, v17;
	[tilespmem:$0x1FDD0] =	vst v4;
	v23 =	vpop (erf)  }
0x40: {  	(erf) = vpow2.f32 v9;
	v22 =	vld [tilespmem:s31+$0x180];
	v19 =	vadd.f32 v23, v19;
	v9 =	vpop (erf)  }
0x41: {  	v14 =	vmul.f32 $1.442695020e+00, v14;
	v18 =	vld [tilespmem:s26+$0x4190];
	(erf) = vpow2.f32 v17;
	v24 =	vpop (erf)  }
0x42: {  	v16 =	vmul.f32 $1.442695020e+00, v16;
	(erf) = vpow2.f32 v12;
	v19 =	vadd.f32 v24, v19;
	v12 =	vpop (erf)  }
0x43: {  	v13 =	vmul.f32 $1.442695020e+00, v13;
	(erf) = vpow2.f32 v14;
	v29 =	vpop (erf)  }
0x44: {  	v21 =	vmul.f32 $1.442695020e+00, v21;
	(erf) = vpow2.f32 v16;
	v16 =	vadd.f32 v29, v19  }
0x45: {  	v17 =	vld [tilespmem:s26+$0x4210];
	(erf) = vpow2.f32 v13;
	v13 =	vmul.f32 $1.442695020e+00, v22  }
0x46: {  	v25 =	vld [tilespmem:s26+$0x4180];
	v18 =	vmul.f32 $1.442695020e+00, v18;
	v14 =	vpop (erf)  }
0x47: {  	v28 =	vld [tilespmem:s26+$0x4290];
	(erf) = vpow2.f32 v21;
	v19 =	vpop (erf)  }
0x48: {  	(erf) = vpow2.f32 v18;
	v21 =	vadd.f32 v19, v16;
	v16 =	vpop (erf)  }
0x49: {  	(erf) = vpow2.f32 v13;
	v13 =	vpop (erf)  }
0x4a: {  	v17 =	vmul.f32 $1.442695020e+00, v17;
	v21 =	vadd.f32 v13, v21  }
0x4b: {  	v18 =	vmul.f32 $1.442695020e+00, v25  }
0x4c: {  	v22 =	vmul.f32 $1.442695020e+00, v28;
	(erf) = vpow2.f32 v17;
	v6 =	vpop (erf)  }
0x4d: {  	(erf) = vpow2.f32 v18;
	v28 =	vpop (erf)  }
0x4e: {  	v17 =	vadd.f32 v28, v21;
	v21 =	vpop (erf);
	(erf) = vpow2.f32 v22  }
0x4f: {  	v30 =	vpop (erf)  }
0x50: {  	v17 =	vadd.f32 v30, v17;
	v22 =	vpop (erf)  }
0x51: {  	v31 =	vld [tilespmem:s26+$0x4200];
	v32 =	vpop (erf)  }
0x52: {  	v33 =	vld [tilespmem:s26+$0x4280];
	v17 =	vadd.f32 v32, v17;
	v36 =	vpop (erf)  }
0x53: {  	v34 =	vpop (erf)  }
0x54: {  	v17 =	vadd.f32 v34, v17;
	v37 =	vpop (erf)  }
0x55: {  	v18 =	vpop (erf)  }
0x56: {  	v31 =	vmul.f32 $1.442695020e+00, v31;
	v17 =	vadd.f32 v18, v17;
	v39 =	vpop (erf)  }
0x57: {  	v33 =	vmul.f32 $1.442695020e+00, v33;
	v35 =	vpop (erf)  }
0x58: {  	(erf) = vpow2.f32 v31;
	v17 =	vadd.f32 v35, v17  }
0x59: {  	(erf) = vpow2.f32 v33  }
0x5a: {  	(erf) = vrcp.f32 v17;
	_ =	sdelay $0x6  }
0x5b: {  	v43 =	vpop (erf)  }
0x5c: {  	v44 =	vpop (erf)  }
0x5d: {  	v31 =	vpop (erf)  }
0x5e: {  	v31 =	vmul.f32 $1.500000000e+01, v31;
	_ =	sdelay $0x1  }
0x5f: {  	v0 =	vmul.f32 v31, v0;
	_ =	sdelay $0x1  }
0x60: {  	v17 =	vadd.f32 v27, v26;
	v0 =	vtrunc.f32 v0  }
0x61: {  	v0 =	vcvt.f32.s32 v0  }
0x62: {  	v17 =	vadd.f32 v38, v17  }
0x63: {  	v1 =	vmul.f32 v31, v1;
	vm0 =	vlt.s32 v0, $0xE  }
0x64: {  	v17 =	vadd.f32 v2, v17;
	v0 =	vnsel vm0, $0xE, v0  }
0x65: {  	v1 =	vtrunc.f32 v1  }
0x66: {  	v17 =	vadd.f32 v62, v17;
	v1 =	vcvt.f32.s32 v1;
	_ =	sdelay $0x1  }
0x67: {  	v54 =	vadd.f32 v3, v17;
	vm1 =	vlt.s32 v1, $0xE  }
0x68: {  	v7 =	vmul.f32 v31, v7;
	v1 =	vnsel vm1, $0xE, v1;
	v2 =	vld.idx.msk [tilespmem:v0+s1+$0x0], $0xffff  }
0x69: {  	v57 =	vadd.f32 v4, v54;
	v1 =	vadd.s32 $0xF, v1  }
0x6a: {  	v7 =	vtrunc.f32 v7  }
0x6b: {  	v58 =	vmul.f32 v31, v13;
	v13 =	vadd.f32 v9, v57;
	v7 =	vcvt.f32.s32 v7;
	_ =	sdelay $0x1  }
0x6c: {  	v15 =	vmul.f32 v31, v15;
	v13 =	vadd.f32 v12, v13;
	vm0 =	vlt.s32 v7, $0xE;
	[tilespmem:$0x1FE40] =	vst v2  }
0x6d: {  	v8 =	vmul.f32 v31, v49;
	v7 =	vnsel vm0, $0xE, v7;
	v4 =	vld.idx.msk [tilespmem:v1+s1+$0x0], $0xffff  }
0x6e: {  	v42 =	vadd.f32 v14, v13;
	v13 =	vtrunc.f32 v15;
	v15 =	vadd.s32 $0x1E, v7  }
0x6f: {  	v8 =	vtrunc.f32 v8  }
0x70: {  	v8 =	vcvt.f32.s32 v8  }
0x71: {  	v17 =	vmul.f32 v31, v35  }
0x72: {  	v34 =	vmul.f32 v31, v34;
	v30 =	vmul.f32 v31, v30;
	vm0 =	vlt.s32 v8, $0xE;
	[tilespmem:$0x1FE50] =	vst v4  }
0x73: {  	v55 =	vmul.f32 v31, v32;
	v28 =	vmul.f32 v31, v28;
	v7 =	vnsel vm0, $0xE, v8;
	v5 =	vld.idx.msk [tilespmem:v15+s1+$0x0], $0xffff  }
0x74: {  	v29 =	vmul.f32 v31, v29;
	v10 =	vmul.f32 v31, v52;
	v61 =	vadd.s32 $0x2D, v7  }
0x75: {  	v60 =	vmul.f32 v31, v53;
	v13 =	vcvt.f32.s32 v13  }
0x76: {  	v19 =	vmul.f32 v31, v19;
	v23 =	vmul.f32 v31, v23  }
0x77: {  	v59 =	vtrunc.f32 v10;
	v10 =	vtrunc.f32 v60;
	vm0 =	vlt.s32 v13, $0xE  }
0x78: {  	v63 =	vcvt.f32.s32 v59;
	v0 =	vnsel vm0, $0xE, v13;
	v13 =	vmul.f32 v31, v20;
	[tilespmem:$0x1FE70] =	vst v5  }
0x79: {  	v29 =	vtrunc.f32 v29;
	v1 =	vcvt.f32.s32 v10;
	v7 =	vld.idx.msk [tilespmem:v61+s1+$0x0], $0xffff  }
0x7a: {  	vm0 =	vlt.s32 v63, $0xE;
	v0 =	vadd.s32 $0x3C, v0;
	v13 =	vtrunc.f32 v13  }
0x7b: {  	v20 =	vnsel vm0, $0xE, v63;
	v13 =	vcvt.f32.s32 v13;
	vm0 =	vlt.s32 v1, $0xE  }
0x7c: {  	v15 =	vadd.s32 $0x4B, v20;
	v20 =	vtrunc.f32 v23;
	v23 =	vmul.f32 v31, v24  }
0x7d: {  	v1 =	vnsel vm0, $0xE, v1;
	vm0 =	vlt.s32 v13, $0xE;
	v20 =	vcvt.f32.s32 v20  }
0x7e: {  	v1 =	vadd.s32 $0x5A, v1;
	v24 =	vadd.f32 v4, v2;
	v23 =	vtrunc.f32 v23;
	[tilespmem:$0x1FE80] =	vst v7  }
0x7f: {  	v10 =	vnsel vm0, $0xE, v13;
	vm0 =	vlt.s32 v20, $0xE;
	v23 =	vcvt.f32.s32 v23;
	v13 =	vld.idx.msk [tilespmem:v0+s1+$0x0], $0xffff  }
0x80: {  	v20 =	vnsel vm0, $0xE, v20;
	v24 =	vadd.f32 v5, v24;
	v0 =	vadd.s32 $0x69, v10  }
0x81: {  	v29 =	vcvt.f32.s32 v29;
	v20 =	vadd.s32 $0x78, v20;
	vm0 =	vlt.s32 v23, $0xE;
	v15 =	vld.idx.msk [tilespmem:v15+s1+$0x0], $0xffff  }
0x82: {  	v19 =	vtrunc.f32 v19;
	v23 =	vnsel vm0, $0xE, v23;
	v24 =	vadd.f32 v7, v24  }
0x83: {  	v19 =	vcvt.f32.s32 v19;
	vm0 =	vlt.s32 v29, $0xE;
	v32 =	vld.idx.msk [tilespmem:v1+s1+$0x0], $0xffff;
	v1 =	vadd.s32 $0x87, v23  }
0x84: {  	v23 =	vadd.f32 v13, v24;
	v24 =	vnsel vm0, $0xE, v29;
	v29 =	vtrunc.f32 v58  }
0x85: {  	v28 =	vtrunc.f32 v28;
	v33 =	vld.idx.msk [tilespmem:v0+s1+$0x0], $0xffff;
	v0 =	vadd.s32 $0x96, v24;
	v24 =	vcvt.f32.s32 v29  }
0x86: {  	v59 =	vld.idx.msk [tilespmem:v20+s1+$0x0], $0xffff;
	v20 =	vcvt.f32.s32 v28;
	vm0 =	vlt.s32 v19, $0xE;
	v23 =	vadd.f32 v15, v23  }
0x87: {  	v28 =	vtrunc.f32 v30;
	v19 =	vnsel vm0, $0xE, v19;
	vm0 =	vlt.s32 v24, $0xE  }
0x88: {  	v19 =	vadd.s32 $0xA5, v19;
	v23 =	vadd.f32 v32, v23;
	v24 =	vnsel vm0, $0xE, v24  }
0x89: {  	v60 =	vld.idx.msk [tilespmem:v1+s1+$0x0], $0xffff;
	vm0 =	vlt.s32 v20, $0xE;
	v1 =	vadd.s32 $0xB4, v24;
	v24 =	vcvt.f32.s32 v28  }
0x8a: {  	v20 =	vnsel vm0, $0xE, v20;
	v28 =	vtrunc.f32 v55;
	v23 =	vadd.f32 v33, v23  }
0x8b: {  	v18 =	vmul.f32 v31, v18;
	v38 =	vld.idx.msk [tilespmem:v0+s1+$0x0], $0xffff;
	v0 =	vadd.s32 $0xC3, v20;
	v20 =	vcvt.f32.s32 v28  }
0x8c: {  	v28 =	vtrunc.f32 v34;
	vm0 =	vlt.s32 v24, $0xE;
	v23 =	vadd.f32 v59, v23  }
0x8d: {  	v40 =	vld.idx.msk [tilespmem:v19+s1+$0x0], $0xffff;
	v19 =	vnsel vm0, $0xE, v24;
	vm0 =	vlt.s32 v20, $0xE;
	v24 =	vcvt.f32.s32 v28  }
0x8e: {  	v19 =	vadd.s32 $0xD2, v19;
	v20 =	vnsel vm0, $0xE, v20;
	v23 =	vadd.f32 v60, v23  }
0x8f: {  	v41 =	vld.idx.msk [tilespmem:v1+s1+$0x0], $0xffff;
	v1 =	vtrunc.f32 v18;
	v18 =	vadd.s32 $0xE1, v20;
	vm0 =	vlt.s32 v24, $0xE  }
0x90: {  	v1 =	vcvt.f32.s32 v1;
	v20 =	vadd.f32 v38, v23;
	v23 =	vnsel vm0, $0xE, v24  }
0x91: {  	v24 =	vadd.f32 v16, v42;
	v42 =	vld.idx.msk [tilespmem:v0+s1+$0x0], $0xffff;
	v0 =	vtrunc.f32 v17;
	v17 =	vadd.s32 $0xF0, v23  }
0x92: {  	vm0 =	vlt.s32 v1, $0xE;
	v0 =	vcvt.f32.s32 v0;
	v20 =	vadd.f32 v40, v20  }
0x93: {  	v23 =	vadd.f32 v6, v24;
	v46 =	vld.idx.msk [tilespmem:v19+s1+$0x0], $0xffff;
	v1 =	vnsel vm0, $0xE, v1  }
0x94: {  	v1 =	vadd.s32 $0xFF, v1;
	vm0 =	vlt.s32 v0, $0xE;
	v19 =	vadd.f32 v41, v20  }
0x95: {  	v47 =	vld.idx.msk [tilespmem:v18+s1+$0x0], $0xffff;
	v20 =	vadd.f32 v21, v23;
	v0 =	vnsel vm0, $0xE, v0  }
0x96: {  	v0 =	vadd.s32 $0x10E, v0;
	v18 =	vadd.f32 v42, v19  }
0x97: {  	v19 =	vadd.f32 v22, v20;
	v45 =	vld.idx.msk [tilespmem:v17+s1+$0x0], $0xffff  }
0x98: {  	v17 =	vadd.f32 v46, v18  }
0x99: {  	v18 =	vadd.f32 v36, v19;
	v48 =	vld.idx.msk [tilespmem:v1+s1+$0x0], $0xffff  }
0x9a: {  	v1 =	vadd.f32 v47, v17  }
0x9b: {  	s7 =	simm.s32 $0x20;
	s3 =	simm.s32 $0x100;
	v17 =	vadd.f32 v37, v18;
	v49 =	vld.idx.msk [tilespmem:v0+s1+$0x0], $0xffff  }
0x9c: {  	s6 =	sand.u32 $0x60, s7;
	s9 =	sand.u32 $0x1C00, s3;
	v0 =	vadd.f32 v45, v1  }
0x9d: {  	s0 =	sor.u32 s6, s9;
	v1 =	vadd.f32 v39, v17  }
0x9e: {  	v17 =	vld [tilespmem:s0+$0x190];
	v0 =	vadd.f32 v48, v0  }
0x9f: {  	v18 =	vld [tilespmem:s0+$0x210];
	v1 =	vadd.f32 v43, v1  }
0xa0: {  	v19 =	vld [tilespmem:s0+$0x180];
	v0 =	vadd.f32 v49, v0  }
0xa1: {  	v20 =	vld [tilespmem:s0+$0x290];
	v1 =	vadd.f32 v44, v1  }
0xa2: {  	v23 =	vld [tilespmem:s0+$0x200];
	vm0 =	veq.f32 v0, $0.0e+00  }
0xa3: {  	s11 =	simm.s32 $0x1;
	(erf) = vrcp.f32 v1;
	v1 =	vmul.f32 $1.442695020e+00, v17;
	v17 =	vld [tilespmem:s0+$0x310];
	v0 =	vsel vm0, $0x3F800000, v0  }
0xa4: {  	s10 =	sand.u32 $0x3, s11;
	v18 =	vmul.f32 $1.442695020e+00, v18;
	(erf) = vrcp.f32 v0;
	v0 =	vld [tilespmem:s0+$0x280]  }
0xa5: {  	s2 =	sshll.u32 s10, $0x5;
	v24 =	vld [tilespmem:s0+$0x390];
	v19 =	vmul.f32 $1.442695020e+00, v19;
	(erf) = vpow2.f32 v1  }
0xa6: {  	s5 =	sadd.s32 $0x100, s2;
	v20 =	vmul.f32 $1.442695020e+00, v20;
	v1 =	vld [tilespmem:s0+$0x300];
	(erf) = vpow2.f32 v18  }
0xa7: {  	s6 =	sadd.s32 $0x10, s5;
	v18 =	vmul.f32 $1.442695020e+00, v23;
	v23 =	vld [tilespmem:s0+$0x410];
	(erf) = vpow2.f32 v19  }
0xa8: {  	s20 =	sor.u32 $0x300, s6;
	v19 =	vld [tilespmem:s0+$0x380];
	v17 =	vmul.f32 $1.442695020e+00, v17;
	(erf) = vpow2.f32 v20  }
0xa9: {  	v20 =	vld [tilespmem:s20+$0x180];
	v0 =	vmul.f32 $1.442695020e+00, v0;
	(erf) = vpow2.f32 v18  }
0xaa: {  	s19 =	sor.u32 $0x380, s6;
	v24 =	vmul.f32 $1.442695020e+00, v24;
	v18 =	vld [tilespmem:s0+$0x400];
	(erf) = vpow2.f32 v17  }
0xab: {  	s2 =	sor.u32 $0x300, s5;
	v1 =	vmul.f32 $1.442695020e+00, v1;
	v17 =	vld [tilespmem:s19+$0x180];
	(erf) = vpow2.f32 v0  }
0xac: {  	s7 =	sor.u32 s7, s3;
	v0 =	vld [tilespmem:s2+$0x180];
	v23 =	vmul.f32 $1.442695020e+00, v23;
	v8 =	vpop (erf);
	(erf) = vpow2.f32 v24  }
0xad: {  	s4 =	sor.u32 $0x380, s7;
	v19 =	vmul.f32 $1.442695020e+00, v19;
	v24 =	vld [tilespmem:s0+$0x2190];
	(erf) = vpow2.f32 v1;
	v56 =	vpop (erf)  }
0xae: {  	v28 =	vld [tilespmem:s4+$0x180];
	v20 =	vmul.f32 $1.442695020e+00, v20;
	(erf) = vpow2.f32 v23;
	v50 =	vpop (erf)  }
0xaf: {  	v29 =	vld [tilespmem:s0+$0x2210];
	v18 =	vmul.f32 $1.442695020e+00, v18;
	(erf) = vpow2.f32 v19;
	v51 =	vpop (erf)  }
0xb0: {  	v19 =	vld [tilespmem:s0+$0x2180];
	v17 =	vmul.f32 $1.442695020e+00, v17;
	(erf) = vpow2.f32 v20;
	v7 =	vpop (erf)  }
0xb1: {  	v0 =	vmul.f32 $1.442695020e+00, v0;
	v20 =	vld [tilespmem:s0+$0x2290];
	(erf) = vpow2.f32 v18;
	[tilespmem:$0x1FF60] =	vst v7;
	v52 =	vpop (erf)  }
0xb2: {  	v30 =	vmul.f32 $1.442695020e+00, v24;
	v18 =	vld [tilespmem:s0+$0x2200];
	(erf) = vpow2.f32 v17;
	v11 =	vpop (erf)  }
0xb3: {  	v17 =	vmul.f32 $1.442695020e+00, v28;
	v28 =	vld [tilespmem:s0+$0x2310];
	(erf) = vpow2.f32 v0;
	[tilespmem:$0x1FF50] =	vst v11;
	v53 =	vpop (erf)  }
0xb4: {  	v29 =	vmul.f32 $1.442695020e+00, v29;
	v0 =	vld [tilespmem:s0+$0x2280];
	(erf) = vpow2.f32 v30;
	v2 =	vpop (erf)  }
0xb5: {  	v19 =	vmul.f32 $1.442695020e+00, v19;
	v30 =	vld [tilespmem:s0+$0x2390];
	(erf) = vpow2.f32 v17;
	[tilespmem:$0x1FF70] =	vst v2;
	v54 =	vpop (erf)  }
0xb6: {  	v20 =	vmul.f32 $1.442695020e+00, v20;
	v17 =	vld [tilespmem:s0+$0x2300];
	(erf) = vpow2.f32 v29;
	v35 =	vpop (erf)  }
0xb7: {  	v29 =	vld [tilespmem:s0+$0x2410];
	v18 =	vmul.f32 $1.442695020e+00, v18;
	(erf) = vpow2.f32 v19;
	v55 =	vpop (erf)  }
0xb8: {  	s21 =	sor.u32 $0x2300, s6;
	v19 =	vld [tilespmem:s0+$0x2380];
	v28 =	vmul.f32 $1.442695020e+00, v28;
	(erf) = vpow2.f32 v20;
	v34 =	vpop (erf)  }
0xb9: {  	v20 =	vld [tilespmem:s21+$0x180];
	v0 =	vmul.f32 $1.442695020e+00, v0;
	(erf) = vpow2.f32 v18;
	[tilespmem:$0x1FF80] =	vst v34;
	v57 =	vpop (erf)  }
0xba: {  	s22 =	sor.u32 $0x2380, s6;
	v30 =	vmul.f32 $1.442695020e+00, v30;
	v18 =	vld [tilespmem:s0+$0x2400];
	(erf) = vpow2.f32 v28;
	v5 =	vpop (erf)  }
0xbb: {  	s9 =	sor.u32 $0x2300, s5;
	v28 =	vld [tilespmem:s22+$0x180];
	v17 =	vmul.f32 $1.442695020e+00, v17;
	(erf) = vpow2.f32 v0;
	[tilespmem:$0x1FF90] =	vst v5;
	v58 =	vpop (erf)  }
0xbc: {  	v29 =	vmul.f32 $1.442695020e+00, v29;
	v0 =	vld [tilespmem:s9+$0x180];
	(erf) = vpow2.f32 v30;
	v10 =	vpop (erf)  }
0xbd: {  	s6 =	sor.u32 $0x2380, s7;
	v30 =	vmul.f32 $1.442695020e+00, v19;
	v31 =	vld [tilespmem:s0+$0x4190];
	(erf) = vpow2.f32 v17;
	[tilespmem:$0x1FFA0] =	vst v10;
	v25 =	vpop (erf)  }
0xbe: {  	v20 =	vmul.f32 $1.442695020e+00, v20;
	v17 =	vld [tilespmem:s6+$0x180];
	(erf) = vpow2.f32 v29;
	v23 =	vpop (erf)  }
0xbf: {  	v29 =	vld [tilespmem:s0+$0x4210];
	v18 =	vmul.f32 $1.442695020e+00, v18;
	(erf) = vpow2.f32 v30;
	[tilespmem:$0x1FFB0] =	vst v23  }
0xc0: {  	v28 =	vmul.f32 $1.442695020e+00, v28;
	v24 =	vpop (erf);
	(erf) = vpow2.f32 v20;
	v30 =	vld [tilespmem:s0+$0x4180]  }
0xc1: {  	v61 =	vld [tilespmem:s0+$0x4290];
	v4 =	vpop (erf);
	(erf) = vpow2.f32 v18;
	v0 =	vmul.f32 $1.442695020e+00, v0  }
0xc2: {  	v18 =	vmul.f32 $1.442695020e+00, v31;
	[tilespmem:$0x1FFC0] =	vst v4;
	(erf) = vpow2.f32 v28  }
0xc3: {  	v28 =	vld [tilespmem:s0+$0x4200];
	(erf) = vpow2.f32 v0;
	v0 =	vmul.f32 $1.442695020e+00, v17  }
0xc4: {  	v20 =	vpop (erf);
	v31 =	vld [tilespmem:s0+$0x4280];
	v29 =	vmul.f32 $1.442695020e+00, v29;
	(erf) = vpow2.f32 v18  }
0xc5: {  	v1 =	vpop (erf);
	(erf) = vpow2.f32 v0;
	v0 =	vmul.f32 $1.442695020e+00, v30  }
0xc6: {  	v19 =	vpop (erf);
	v30 =	vadd.f32 v51, v50;
	(erf) = vpow2.f32 v29;
	v29 =	vmul.f32 $1.442695020e+00, v61  }
0xc7: {  	v63 =	vpop (erf);
	(erf) = vpow2.f32 v0  }
0xc8: {  	v18 =	vpop (erf);
	v28 =	vmul.f32 $1.442695020e+00, v28;
	(erf) = vpow2.f32 v29;
	v29 =	vadd.f32 v52, v30  }
0xc9: {  	v32 =	vmul.f32 v56, v32;
	v11 =	vadd.f32 v11, v7;
	v0 =	vld [tilespmem:$0x1FDB0];
	v30 =	vmul.f32 $1.442695020e+00, v31  }
0xca: {  	v7 =	vpop (erf);
	(erf) = vpow2.f32 v28;
	v28 =	vmul.f32 $1.500000000e+01, v8;
	v29 =	vadd.f32 v53, v29  }
0xcb: {  	v33 =	vmul.f32 v56, v33;
	v17 =	vpop (erf);
	v31 =	vadd.f32 v2, v11;
	(erf) = vpow2.f32 v30  }
0xcc: {  	v27 =	vmul.f32 v28, v27;
	v26 =	vmul.f32 v28, v26;
	v2 =	vadd.f32 v54, v29  }
0xcd: {  	v30 =	vadd.f32 v35, v31;
	v12 =	vmul.f32 v28, v12;
	v8 =	vmul.f32 v28, v14  }
0xce: {  	v11 =	vmul.f32 v28, v21;
	v31 =	vmul.f32 v28, v0;
	v2 =	vadd.f32 v55, v2  }
0xcf: {  	v29 =	vmul.f32 v28, v62;
	v62 =	vmul.f32 v28, v3;
	v3 =	vadd.f32 v34, v30  }
0xd0: {  	v34 =	vmul.f32 v28, v22;
	v21 =	vtrunc.f32 v27;
	v2 =	vadd.f32 v57, v2  }
0xd1: {  	v22 =	vtrunc.f32 v26;
	v12 =	vtrunc.f32 v12;
	v3 =	vadd.f32 v5, v3  }
0xd2: {  	v0 =	vld [tilespmem:$0x1FDC0];
	v5 =	vmul.f32 v28, v16;
	v21 =	vcvt.f32.s32 v21;
	v16 =	vadd.f32 v58, v2  }
0xd3: {  	v22 =	vcvt.f32.s32 v22;
	v26 =	vtrunc.f32 v31;
	v14 =	vadd.f32 v10, v3  }
0xd4: {  	v26 =	vcvt.f32.s32 v26;
	v3 =	vmul.f32 v28, v36;
	v16 =	vadd.f32 v25, v16  }
0xd5: {  	v10 =	vmul.f32 v28, v37;
	vm0 =	vlt.s32 v21, $0xE;
	v14 =	vadd.f32 v23, v14  }
0xd6: {  	vm1 =	vlt.s32 v22, $0xE;
	v5 =	vtrunc.f32 v5;
	v16 =	vadd.f32 v24, v16  }
0xd7: {  	v61 =	vmul.f32 v28, v0;
	v0 =	vld [tilespmem:$0x1FDD0];
	v21 =	vnsel vm0, $0xE, v21;
	v14 =	vadd.f32 v4, v14  }
0xd8: {  	vm0 =	vlt.s32 v26, $0xE;
	v2 =	vmul.f32 v28, v39;
	v16 =	vadd.f32 v20, v16  }
0xd9: {  	v23 =	vmul.f32 v28, v43;
	v43 =	vmul.f32 v28, v44;
	v14 =	vadd.f32 v1, v14  }
0xda: {  	v21 =	vadd.s32 $0xF, v21;
	v26 =	vnsel vm0, $0xE, v26;
	v16 =	vadd.f32 v19, v16  }
0xdb: {  	v27 =	vtrunc.f32 v61;
	v26 =	vadd.s32 $0x1E, v26;
	v14 =	vadd.f32 v63, v14  }
0xdc: {  	v27 =	vcvt.f32.s32 v27;
	v30 =	vmul.f32 v28, v0;
	v16 =	vadd.f32 v18, v16  }
0xdd: {  	v0 =	vmul.f32 v28, v9;
	v9 =	vmul.f32 v28, v6;
	v14 =	vadd.f32 v7, v14  }
0xde: {  	v36 =	vpop (erf);
	v28 =	vtrunc.f32 v29;
	v29 =	vtrunc.f32 v62;
	v16 =	vadd.f32 v17, v16  }
0xdf: {  	[tilespmem:$0x1FFD0] =	vst v1;
	v22 =	vnsel vm1, $0xE, v22;
	v44 =	vpop (erf);
	vm0 =	vlt.s32 v27, $0xE;
	v14 =	vadd.f32 v36, v14  }
0xe0: {  	[tilespmem:$0x1FFE0] =	vst v63;
	v37 =	vpop (erf);
	v28 =	vcvt.f32.s32 v28;
	v27 =	vnsel vm0, $0xE, v27;
	v16 =	vadd.f32 v44, v16  }
0xe1: {  	[tilespmem:$0x1FFF0] =	vst v7;
	v31 =	vcvt.f32.s32 v29;
	v27 =	vadd.s32 $0x2D, v27;
	v29 =	vpop (erf);
	v14 =	vadd.f32 v37, v14  }
0xe2: {  	v62 =	vld.idx.msk [tilespmem:v21+s1+$0x0], $0xffff;
	v21 =	vtrunc.f32 v30;
	vm0 =	vlt.s32 v28, $0xE;
	v39 =	vpop (erf);
	v16 =	vadd.f32 v29, v16  }
0xe3: {  	v61 =	vld.idx.msk [tilespmem:v26+s1+$0x0], $0xffff;
	v28 =	vnsel vm0, $0xE, v28;
	vm0 =	vlt.s32 v31, $0xE;
	v7 =	vpop (erf);
	v14 =	vadd.f32 v39, v14  }
0xe4: {  	v63 =	vld.idx.msk [tilespmem:v22+s1+$0x0], $0xffff;
	v30 =	vnsel vm0, $0xE, v31;
	v31 =	vcvt.f32.s32 v21;
	v22 =	vpop (erf);
	v16 =	vadd.f32 v7, v16  }
0xe5: {  	v12 =	vcvt.f32.s32 v12;
	v5 =	vcvt.f32.s32 v5;
	v6 =	vpop (erf);
	v14 =	vadd.f32 v22, v14  }
0xe6: {  	v3 =	vtrunc.f32 v3;
	v26 =	vtrunc.f32 v0;
	vm0 =	vlt.s32 v31, $0xE;
	v21 =	vpop (erf)  }
0xe7: {  	v28 =	vadd.s32 $0x3C, v28;
	v31 =	vnsel vm0, $0xE, v31;
	v1 =	vpop (erf);
	v14 =	vadd.f32 v21, v14  }
0xe8: {  	v0 =	vld.idx.msk [tilespmem:v27+s1+$0x0], $0xffff;
	[tilespmem:$0x1FDF0] =	vst v62;
	v27 =	vadd.s32 $0x5A, v31;
	v31 =	vadd.f32 v6, v16;
	v16 =	vmov v61;
	v61 =	vpop (erf)  }
0xe9: {  	v10 =	vtrunc.f32 v10;
	v26 =	vcvt.f32.s32 v26;
	[tilespmem:$0x1FDE0] =	vst v61;
	v61 =	vadd.f32 v61, v14  }
0xea: {  	v30 =	vadd.s32 $0x4B, v30;
	[tilespmem:$0x1FE00] =	vst v63;
	v62 =	vadd.f32 v62, v63;
	v31 =	vadd.f32 v1, v31;
	v63 =	vpop (erf)  }
0xeb: {  	v4 =	vtrunc.f32 v8;
	vm0 =	vlt.s32 v26, $0xE;
	v61 =	vadd.f32 v63, v61  }
0xec: {  	v4 =	vcvt.f32.s32 v4;
	v26 =	vnsel vm0, $0xE, v26;
	v14 =	vld.idx.msk [tilespmem:v28+s1+$0x0], $0xffff;
	(erf) = vrcp.f32 v31  }
0xed: {  	vm0 =	vlt.s32 v12, $0xE;
	v26 =	vadd.s32 $0x69, v26;
	(erf) = vrcp.f32 v61;
	v61 =	vld [tilespmem:$0x1FE40]  }
0xee: {  	v12 =	vnsel vm0, $0xE, v12;
	vm0 =	vlt.s32 v4, $0xE;
	v28 =	vadd.f32 v16, v62;
	[tilespmem:$0x1FE10] =	vst v63  }
0xef: {  	v3 =	vcvt.f32.s32 v3;
	v12 =	vadd.s32 $0x78, v12;
	v4 =	vnsel vm0, $0xE, v4;
	v30 =	vld.idx.msk [tilespmem:v30+s1+$0x0], $0xffff  }
0xf0: {  	vm0 =	vlt.s32 v5, $0xE;
	v62 =	vtrunc.f32 v9;
	[tilespmem:$0x1FE20] =	vst v0;
	v63 =	vld [tilespmem:$0x1FE80];
	v28 =	vadd.f32 v0, v28  }
0xf1: {  	v2 =	vtrunc.f32 v2;
	v5 =	vnsel vm0, $0xE, v5;
	v62 =	vcvt.f32.s32 v62;
	v0 =	vld.idx.msk [tilespmem:v27+s1+$0x0], $0xffff;
	[tilespmem:$0x1FE30] =	vst v14  }
0xf2: {  	v28 =	vadd.f32 v14, v28;
	v14 =	vld.idx.msk [tilespmem:v26+s1+$0x0], $0xffff;
	v27 =	vmul.f32 v56, v61;
	v61 =	vadd.s32 $0x87, v4  }
0xf3: {  	v2 =	vcvt.f32.s32 v2;
	v5 =	vadd.s32 $0x96, v5;
	v9 =	vtrunc.f32 v11;
	v4 =	vld [tilespmem:$0x1FE50]  }
0xf4: {  	v9 =	vcvt.f32.s32 v9;
	vm0 =	vlt.s32 v62, $0xE;
	[tilespmem:$0x1FE60] =	vst v30;
	v31 =	vadd.f32 v30, v28  }
0xf5: {  	v30 =	vmul.f32 v56, v63;
	v8 =	vld.idx.msk [tilespmem:v12+s1+$0x0], $0xffff;
	v28 =	vmul.f32 v56, v13;
	v12 =	vnsel vm0, $0xE, v62  }
0xf6: {  	[tilespmem:$0x1FE90] =	vst v0;
	vm0 =	vlt.s32 v9, $0xE;
	v62 =	vmul.f32 v56, v60;
	v63 =	vadd.f32 v0, v31  }
0xf7: {  	v60 =	vmul.f32 v56, v41;
	v12 =	vadd.s32 $0xA5, v12;
	v31 =	vmul.f32 v56, v15;
	v0 =	vld.idx.msk [tilespmem:v61+s1+$0x0], $0xffff  }
0xf8: {  	v11 =	vadd.f32 v14, v63;
	v26 =	vmul.f32 v56, v4;
	v61 =	vtrunc.f32 v34  }
0xf9: {  	v9 =	vnsel vm0, $0xE, v9;
	v4 =	vld [tilespmem:$0x1FE70];
	[tilespmem:$0x1FEA0] =	vst v14;
	v34 =	vmul.f32 v56, v59;
	v59 =	vcvt.f32.s32 v61  }
0xfa: {  	v63 =	vmul.f32 v56, v38;
	v38 =	vadd.s32 $0xB4, v9;
	v13 =	vld.idx.msk [tilespmem:v5+s1+$0x0], $0xffff;
	v5 =	vadd.f32 v8, v11  }
0xfb: {  	[tilespmem:$0x1FEB0] =	vst v8;
	v61 =	vmul.f32 v56, v40;
	v40 =	vmul.f32 v56, v45;
	vm0 =	vlt.s32 v59, $0xE  }
0xfc: {  	v9 =	vnsel vm0, $0xE, v59;
	v59 =	vmul.f32 v56, v42;
	v42 =	vmul.f32 v56, v46;
	[tilespmem:$0x1FEC0] =	vst v0  }
0xfd: {  	v46 =	vmul.f32 v56, v47;
	v5 =	vadd.f32 v0, v5;
	v0 =	vld.idx.msk [tilespmem:v12+s1+$0x0], $0xffff;
	v12 =	vcvt.f32.s32 v10  }
0xfe: {  	vm0 =	vlt.s32 v3, $0xE;
	v47 =	vmul.f32 v56, v49;
	v4 =	vmul.f32 v56, v4  }
0xff: {  	v11 =	vadd.s32 $0xC3, v9;
	v3 =	vnsel vm0, $0xE, v3;
	vm0 =	vlt.s32 v12, $0xE  }
0x100: {  	v49 =	vpop (erf);
	v8 =	vld.idx.msk [tilespmem:v38+s1+$0x0], $0xffff;
	v3 =	vadd.s32 $0xD2, v3;
	v5 =	vadd.f32 v13, v5;
	v12 =	vnsel vm0, $0xE, v12  }
0x101: {  	v45 =	vadd.s32 $0xE1, v12;
	v12 =	vtrunc.f32 v23;
	v23 =	vmul.f32 $1.500000000e+01, v49  }
0x102: {  	v38 =	vmul.f32 v56, v48;
	vm0 =	vlt.s32 v2, $0xE;
	v48 =	vcvt.f32.s32 v12  }
0x103: {  	v5 =	vadd.f32 v0, v5;
	v6 =	vmul.f32 v23, v6;
	v41 =	vmul.f32 v23, v44  }
0x104: {  	v9 =	vld.idx.msk [tilespmem:v11+s1+$0x0], $0xffff;
	[tilespmem:$0x1FED0] =	vst v0;
	v0 =	vnsel vm0, $0xE, v2;
	v29 =	vmul.f32 v23, v29;
	v2 =	vmul.f32 v23, v18  }
0x105: {  	[tilespmem:$0x1FEE0] =	vst v8;
	v44 =	vmul.f32 v23, v17;
	v49 =	vmul.f32 v23, v19  }
0x106: {  	v18 =	vmul.f32 v23, v50;
	v19 =	vmul.f32 v23, v51;
	v56 =	vadd.f32 v8, v5;
	v8 =	vld.idx.msk [tilespmem:v3+s1+$0x0], $0xffff  }
0x107: {  	v50 =	vmul.f32 v23, v54;
	v51 =	vmul.f32 v23, v53  }
0x108: {  	v53 =	vmul.f32 v23, v57;
	v25 =	vmul.f32 v23, v25  }
0x109: {  	v0 =	vadd.s32 $0xF0, v0;
	v5 =	vtrunc.f32 v43;
	v3 =	vmul.f32 v23, v1  }
0x10a: {  	vm0 =	vlt.s32 v48, $0xE;
	v43 =	vcvt.f32.s32 v5;
	v5 =	vmul.f32 v23, v7;
	[tilespmem:$0x1FEF0] =	vst v9  }
0x10b: {  	v18 =	vtrunc.f32 v18;
	v1 =	vadd.f32 v9, v56;
	v56 =	vmul.f32 v23, v20;
	[tilespmem:$0x1FF00] =	vst v8  }
0x10c: {  	v20 =	vnsel vm0, $0xE, v48;
	v48 =	vmul.f32 v23, v52;
	vm0 =	vlt.s32 v43, $0xE;
	v7 =	vld.idx.msk [tilespmem:v45+s1+$0x0], $0xffff  }
0x10d: {  	v19 =	vtrunc.f32 v19;
	v20 =	vadd.s32 $0xFF, v20;
	v43 =	vnsel vm0, $0xE, v43  }
0x10e: {  	v52 =	vmul.f32 v23, v55;
	v48 =	vtrunc.f32 v48;
	v57 =	vld.idx.msk [tilespmem:v0+s1+$0x0], $0xffff;
	v0 =	vadd.s32 $0x10E, v43  }
0x10f: {  	v45 =	vcvt.f32.s32 v18;
	v43 =	vmul.f32 v23, v58  }
0x110: {  	v1 =	vadd.f32 v8, v1;
	v23 =	vmul.f32 v23, v24;
	v24 =	vcvt.f32.s32 v19  }
0x111: {  	v48 =	vcvt.f32.s32 v48;
	vm0 =	vlt.s32 v45, $0xE;
	[tilespmem:$0x1FF10] =	vst v7  }
0x112: {  	vm1 =	vlt.s32 v24, $0xE;
	v45 =	vnsel vm0, $0xE, v45;
	v1 =	vadd.f32 v7, v1;
	v7 =	vld.idx.msk [tilespmem:v20+s1+$0x0], $0xffff  }
0x113: {  	v24 =	vnsel vm1, $0xE, v24;
	vm0 =	vlt.s32 v48, $0xE;
	v20 =	vtrunc.f32 v51;
	v58 =	vld.idx.msk [tilespmem:v0+s1+$0x0], $0xffff  }
0x114: {  	v51 =	vcvt.f32.s32 v20;
	v0 =	vadd.f32 v57, v1;
	v1 =	vadd.s32 $0xF, v24  }
0x115: {  	v52 =	vtrunc.f32 v52;
	v8 =	vtrunc.f32 v50;
	v24 =	vnsel vm0, $0xE, v48  }
0x116: {  	[tilespmem:$0x1FF20] =	vst v57;
	v48 =	vcvt.f32.s32 v8;
	v24 =	vadd.s32 $0x1E, v24;
	vm0 =	vlt.s32 v51, $0xE  }
0x117: {  	v52 =	vcvt.f32.s32 v52;
	v10 =	vnsel vm0, $0xE, v51;
	[tilespmem:$0x1FF30] =	vst v7  }
0x118: {  	vm0 =	vlt.s32 v48, $0xE;
	v11 =	vadd.f32 v7, v0;
	v50 =	vadd.s32 $0x2D, v10;
	v0 =	vld.idx.msk [tilespmem:v45+s1+$0x0], $0xffff;
	[tilespmem:$0x1FF40] =	vst v58  }
0x119: {  	v25 =	vtrunc.f32 v25;
	v55 =	vtrunc.f32 v53;
	v48 =	vnsel vm0, $0xE, v48;
	v1 =	vld.idx.msk [tilespmem:v1+s1+$0x0], $0xffff  }
0x11a: {  	v8 =	vcvt.f32.s32 v55;
	vm0 =	vlt.s32 v52, $0xE;
	v9 =	vadd.s32 $0x3C, v48  }
0x11b: {  	v25 =	vcvt.f32.s32 v25;
	v43 =	vtrunc.f32 v43;
	v45 =	vld.idx.msk [tilespmem:v24+s1+$0x0], $0xffff;
	v24 =	vnsel vm0, $0xE, v52  }
0x11c: {  	v43 =	vcvt.f32.s32 v43;
	vm0 =	vlt.s32 v8, $0xE;
	v24 =	vadd.s32 $0x4B, v24  }
0x11d: {  	v23 =	vtrunc.f32 v23;
	v57 =	vadd.f32 v58, v11;
	v51 =	vnsel vm0, $0xE, v8;
	v48 =	vld.idx.msk [tilespmem:v50+s1+$0x0], $0xffff  }
0x11e: {  	vm0 =	vlt.s32 v43, $0xE;
	v51 =	vadd.s32 $0x5A, v51;
	v11 =	vadd.f32 v1, v0  }
0x11f: {  	v49 =	vtrunc.f32 v49;
	v23 =	vcvt.f32.s32 v23;
	v10 =	vnsel vm0, $0xE, v43;
	v43 =	vld.idx.msk [tilespmem:v9+s1+$0x0], $0xffff  }
0x120: {  	vm0 =	vlt.s32 v25, $0xE;
	v58 =	vadd.s32 $0x69, v10;
	v52 =	vadd.f32 v45, v11  }
0x121: {  	v25 =	vnsel vm0, $0xE, v25;
	vm0 =	vlt.s32 v23, $0xE;
	v9 =	vtrunc.f32 v56;
	v7 =	vld.idx.msk [tilespmem:v24+s1+$0x0], $0xffff  }
0x122: {  	v24 =	vadd.s32 $0x78, v25;
	v25 =	vcvt.f32.s32 v9;
	v52 =	vadd.f32 v48, v52  }
0x123: {  	v49 =	vcvt.f32.s32 v49;
	v23 =	vnsel vm0, $0xE, v23;
	v51 =	vld.idx.msk [tilespmem:v51+s1+$0x0], $0xffff  }
0x124: {  	v23 =	vadd.s32 $0x87, v23;
	vm0 =	vlt.s32 v25, $0xE;
	v10 =	vadd.f32 v43, v52  }
0x125: {  	v2 =	vtrunc.f32 v2;
	v25 =	vnsel vm0, $0xE, v25;
	v52 =	vld.idx.msk [tilespmem:v58+s1+$0x0], $0xffff  }
0x126: {  	vm0 =	vlt.s32 v49, $0xE;
	v25 =	vadd.s32 $0x96, v25;
	v54 =	vadd.f32 v7, v10  }
0x127: {  	v44 =	vtrunc.f32 v44;
	v11 =	vcvt.f32.s32 v2;
	v49 =	vnsel vm0, $0xE, v49;
	v2 =	vld.idx.msk [tilespmem:v24+s1+$0x0], $0xffff  }
0x128: {  	v41 =	vtrunc.f32 v41;
	v24 =	vadd.s32 $0xA5, v49;
	v58 =	vadd.f32 v51, v54  }
0x129: {  	v29 =	vtrunc.f32 v29;
	v44 =	vcvt.f32.s32 v44;
	vm0 =	vlt.s32 v11, $0xE;
	v53 =	vld.idx.msk [tilespmem:v23+s1+$0x0], $0xffff  }
0x12a: {  	v41 =	vcvt.f32.s32 v41;
	v8 =	vnsel vm0, $0xE, v11;
	v49 =	vadd.f32 v52, v58  }
0x12b: {  	v29 =	vcvt.f32.s32 v29;
	v23 =	vadd.s32 $0xB4, v8;
	v58 =	vld.idx.msk [tilespmem:v25+s1+$0x0], $0xffff  }
0x12c: {  	vm1 =	vlt.s32 v41, $0xE;
	vm0 =	vlt.s32 v44, $0xE;
	v9 =	vadd.f32 v2, v49  }
0x12d: {  	v5 =	vtrunc.f32 v5;
	v44 =	vnsel vm0, $0xE, v44;
	v54 =	vld.idx.msk [tilespmem:v24+s1+$0x0], $0xffff;
	v24 =	vnsel vm1, $0xE, v41  }
0x12e: {  	vm1 =	vlt.s32 v29, $0xE;
	v25 =	vadd.s32 $0xC3, v44;
	v10 =	vadd.f32 v53, v9  }
0x12f: {  	v6 =	vtrunc.f32 v6;
	v5 =	vcvt.f32.s32 v5;
	v29 =	vnsel vm1, $0xE, v29  }
0x130: {  	v24 =	vadd.s32 $0xD2, v24;
	v55 =	vld.idx.msk [tilespmem:v23+s1+$0x0], $0xffff;
	v23 =	vadd.s32 $0xE1, v29;
	v29 =	vadd.f32 v58, v10  }
0x131: {  	v6 =	vcvt.f32.s32 v6;
	v44 =	vld [tilespmem:$0x1FF50]  }
0x132: {  	v3 =	vtrunc.f32 v3;
	vm0 =	veq.f32 v57, $0.0e+00;
	vm1 =	vlt.s32 v5, $0xE;
	v49 =	vld [tilespmem:$0x1FF60]  }
0x133: {  	v3 =	vcvt.f32.s32 v3;
	v11 =	vsel vm0, $0x3F800000, v57;
	v5 =	vnsel vm1, $0xE, v5;
	v56 =	vld.idx.msk [tilespmem:v25+s1+$0x0], $0xffff  }
0x134: {  	vm0 =	vlt.s32 v6, $0xE;
	v5 =	vadd.s32 $0xF0, v5;
	v25 =	vadd.f32 v54, v29;
	v29 =	vpop (erf)  }
0x135: {  	v6 =	vnsel vm0, $0xE, v6;
	v57 =	vld.idx.msk [tilespmem:v24+s1+$0x0], $0xffff;
	v29 =	vmul.f32 $1.500000000e+01, v29  }
0x136: {  	v50 =	vld [tilespmem:$0x1FF70];
	vm0 =	vlt.s32 v3, $0xE;
	v6 =	vadd.s32 $0xFF, v6;
	v24 =	vadd.f32 v55, v25  }
0x137: {  	v3 =	vnsel vm0, $0xE, v3;
	v41 =	vld.idx.msk [tilespmem:v23+s1+$0x0], $0xffff;
	v25 =	vmul.f32 v29, v44  }
0x138: {  	v3 =	vadd.s32 $0x10E, v3;
	v24 =	vadd.f32 v56, v24;
	v44 =	vmul.f32 v29, v49  }
0x139: {  	v12 =	vld.idx.msk [tilespmem:v5+s1+$0x0], $0xffff;
	(erf) = vrcp.f32 v11;
	v25 =	vtrunc.f32 v25  }
0x13a: {  	v10 =	vadd.f32 v57, v24;
	v5 =	vtrunc.f32 v44;
	v25 =	vcvt.f32.s32 v25  }
0x13b: {  	v9 =	vmul.f32 v29, v50;
	v50 =	vld.idx.msk [tilespmem:v6+s1+$0x0], $0xffff;
	v5 =	vcvt.f32.s32 v5  }
0x13c: {  	v35 =	vmul.f32 v29, v35;
	v11 =	vadd.f32 v41, v10;
	vm0 =	vlt.s32 v25, $0xE  }
0x13d: {  	v49 =	vtrunc.f32 v9;
	v44 =	vld.idx.msk [tilespmem:v3+s1+$0x0], $0xffff;
	v25 =	vnsel vm0, $0xE, v25;
	vm0 =	vlt.s32 v5, $0xE  }
0x13e: {  	v6 =	vcvt.f32.s32 v49;
	v49 =	vadd.f32 v12, v11;
	v3 =	vnsel vm0, $0xE, v5;
	v5 =	vld [tilespmem:$0x1FF80];
	[tilespmem:s26+$0xC190] =	vst v27  }
0x13f: {  	v35 =	vtrunc.f32 v35;
	[tilespmem:s26+$0xC210] =	vst v26  }
0x140: {  	v35 =	vcvt.f32.s32 v35;
	v27 =	vadd.f32 v50, v49;
	v49 =	vld [tilespmem:$0x1FF90]  }
0x141: {  	vm0 =	vlt.s32 v6, $0xE  }
0x142: {  	v6 =	vnsel vm0, $0xE, v6;
	vm0 =	vlt.s32 v35, $0xE;
	[tilespmem:s26+$0xC290] =	vst v4  }
0x143: {  	v25 =	vadd.s32 $0xF, v25;
	[tilespmem:s26+$0xC310] =	vst v30;
	v4 =	vnsel vm0, $0xE, v35  }
0x144: {  	[tilespmem:s26+$0xC390] =	vst v28;
	v4 =	vadd.s32 $0x2D, v4  }
0x145: {  	v26 =	vmul.f32 v29, v49;
	v49 =	vld [tilespmem:$0x1FFA0]  }
0x146: {  	[tilespmem:s26+$0xC410] =	vst v31  }
0x147: {  	v5 =	vmul.f32 v29, v5;
	v35 =	vld [tilespmem:$0x1FFB0];
	[tilespmem:s14+$0xC180] =	vst v32  }
0x148: {  	v30 =	vtrunc.f32 v26;
	v26 =	vld.idx.msk [tilespmem:v25+s1+$0x0], $0xffff;
	[tilespmem:s8+$0xC180] =	vst v33  }
0x149: {  	v5 =	vtrunc.f32 v5;
	v17 =	vld.idx.msk [tilespmem:v4+s1+$0x0], $0xffff;
	[tilespmem:s26+$0xE190] =	vst v34  }
0x14a: {  	v5 =	vcvt.f32.s32 v5;
	v25 =	vmul.f32 v29, v49;
	v49 =	vld [tilespmem:$0x1FFC0];
	[tilespmem:s26+$0xE210] =	vst v62  }
0x14b: {  	v6 =	vadd.s32 $0x1E, v6;
	v27 =	vadd.f32 v44, v27;
	v4 =	vld [tilespmem:$0x1FFD0];
	[tilespmem:s26+$0xE290] =	vst v63  }
0x14c: {  	vm0 =	vlt.s32 v5, $0xE;
	[tilespmem:s26+$0xE310] =	vst v61  }
0x14d: {  	v5 =	vnsel vm0, $0xE, v5;
	vm0 =	veq.f32 v27, $0.0e+00;
	[tilespmem:s26+$0xE390] =	vst v60  }
0x14e: {  	v28 =	vsel vm0, $0x3F800000, v27;
	v27 =	vld.idx.msk [tilespmem:v3+s1+$0x0], $0xffff;
	v3 =	vcvt.f32.s32 v30;
	v30 =	vmul.f32 v29, v35;
	[tilespmem:s26+$0xE410] =	vst v59  }
0x14f: {  	v5 =	vadd.s32 $0x3C, v5;
	(erf) = vrcp.f32 v28;
	v25 =	vtrunc.f32 v25;
	v61 =	vld [tilespmem:$0x1FFE0]  }
0x150: {  	v15 =	vld.idx.msk [tilespmem:v6+s1+$0x0], $0xffff;
	vm0 =	vlt.s32 v3, $0xE;
	v6 =	vcvt.f32.s32 v25;
	v25 =	vtrunc.f32 v30  }
0x151: {  	v37 =	vmul.f32 v29, v37;
	[tilespmem:s15+$0xC180] =	vst v42;
	v3 =	vnsel vm0, $0xE, v3;
	v25 =	vcvt.f32.s32 v25  }
0x152: {  	[tilespmem:s17+$0xC180] =	vst v46;
	v31 =	vmul.f32 v29, v49;
	v3 =	vadd.s32 $0x4B, v3;
	vm0 =	vlt.s32 v6, $0xE  }
0x153: {  	v63 =	vld [tilespmem:$0x1FFF0];
	v4 =	vmul.f32 v29, v4;
	vm1 =	vlt.s32 v25, $0xE;
	v11 =	vadd.f32 v26, v27  }
0x154: {  	v6 =	vnsel vm0, $0xE, v6;
	v31 =	vtrunc.f32 v31;
	v62 =	vmul.f32 v29, v61  }
0x155: {  	v18 =	vld.idx.msk [tilespmem:v5+s1+$0x0], $0xffff;
	v25 =	vnsel vm1, $0xE, v25;
	v5 =	vadd.s32 $0x5A, v6;
	v49 =	vcvt.f32.s32 v31  }
0x156: {  	v6 =	vadd.f32 v15, v11;
	v4 =	vtrunc.f32 v4;
	v32 =	vtrunc.f32 v62  }
0x157: {  	v59 =	vmul.f32 v29, v36;
	v60 =	vadd.s32 $0x69, v25;
	v4 =	vcvt.f32.s32 v4  }
0x158: {  	v11 =	vmul.f32 v29, v63;
	vm0 =	vlt.s32 v49, $0xE;
	v19 =	vld.idx.msk [tilespmem:v3+s1+$0x0], $0xffff;
	v3 =	vadd.f32 v17, v6;
	v25 =	vpop (erf)  }
0x159: {  	[tilespmem:s26+$0x10290] =	vst v47;
	v6 =	vnsel vm0, $0xE, v49;
	vm0 =	vlt.s32 v4, $0xE;
	v49 =	vcvt.f32.s32 v32;
	v32 =	vpop (erf)  }
0x15a: {  	[tilespmem:s26+$0x10190] =	vst v40;
	v6 =	vadd.s32 $0x78, v6;
	v4 =	vnsel vm0, $0xE, v4;
	v0 =	vmul.f32 v32, v0  }
0x15b: {  	[tilespmem:s26+$0x10210] =	vst v38;
	v20 =	vld.idx.msk [tilespmem:v5+s1+$0x0], $0xffff;
	v3 =	vadd.f32 v18, v3;
	v5 =	vadd.s32 $0x87, v4;
	v1 =	vmul.f32 v32, v1  }
0x15c: {  	v4 =	vtrunc.f32 v11;
	vm0 =	vlt.s32 v49, $0xE;
	[tilespmem:s0+$0xC190] =	vst v0;
	v0 =	vmul.f32 v32, v45  }
0x15d: {  	v24 =	vld.idx.msk [tilespmem:v60+s1+$0x0], $0xffff;
	v60 =	vnsel vm0, $0xE, v49;
	v61 =	vcvt.f32.s32 v4;
	[tilespmem:s0+$0xC210] =	vst v1;
	v1 =	vmul.f32 v32, v48  }
0x15e: {  	v3 =	vadd.f32 v19, v3;
	v62 =	vadd.s32 $0x96, v60;
	[tilespmem:s0+$0xC290] =	vst v0;
	v0 =	vmul.f32 v32, v43  }
0x15f: {  	v4 =	vtrunc.f32 v59;
	vm0 =	vlt.s32 v61, $0xE;
	[tilespmem:s0+$0xC310] =	vst v1;
	v1 =	vmul.f32 v32, v7  }
0x160: {  	v63 =	vadd.f32 v20, v3;
	v30 =	vld.idx.msk [tilespmem:v6+s1+$0x0], $0xffff;
	v6 =	vnsel vm0, $0xE, v61;
	[tilespmem:s0+$0xC390] =	vst v0;
	v0 =	vmul.f32 v32, v51  }
0x161: {  	v3 =	vcvt.f32.s32 v4;
	v42 =	vadd.s32 $0xA5, v6;
	[tilespmem:s0+$0xC410] =	vst v1;
	v1 =	vmul.f32 v32, v52  }
0x162: {  	v36 =	vld.idx.msk [tilespmem:v5+s1+$0x0], $0xffff;
	v5 =	vtrunc.f32 v37;
	v4 =	vadd.f32 v24, v63;
	[tilespmem:s20+$0xC180] =	vst v0;
	v0 =	vmul.f32 v32, v2  }
0x163: {  	s14 =	simm.s32 $0x200;
	s8 =	simm.s32 $0x2;
	s15 =	simm.s32 $0x40;
	vm0 =	vlt.s32 v3, $0xE;
	v38 =	vld.idx.msk [tilespmem:v62+s1+$0x0], $0xffff;
	v2 =	vmul.f32 v29, v39;
	[tilespmem:s19+$0xC180] =	vst v1;
	v1 =	vmul.f32 v32, v53  }
.LBB2_3:
0x164: {  	v5 =	vcvt.f32.s32 v5  }
0x165: {  	s3 =	sand.u32 $0x60, s15;
	s5 =	sand.u32 $0x1C00, s14;
	v39 =	vmul.f32 v29, v22;
	[tilespmem:s0+$0xE190] =	vst v0;
	v0 =	vmul.f32 v32, v58  }
0x166: {  	v4 =	vadd.f32 v30, v4;
	v45 =	vmul.f32 v32, v57;
	s3 =	sor.u32 s3, s5;
	[tilespmem:s0+$0xE210] =	vst v1;
	v1 =	vmul.f32 v32, v54  }
0x167: {  	v3 =	vnsel vm0, $0xE, v3;
	v57 =	vmul.f32 v32, v44;
	v6 =	vld [tilespmem:s3+$0x190];
	[tilespmem:s0+$0xE290] =	vst v0;
	v0 =	vmul.f32 v32, v55  }
0x168: {  	v2 =	vtrunc.f32 v2;
	v4 =	vadd.f32 v36, v4;
	v43 =	vld [tilespmem:s3+$0x210];
	[tilespmem:s0+$0xE310] =	vst v1;
	v1 =	vmul.f32 v32, v56  }
0x169: {  	v40 =	vadd.s32 $0xB4, v3;
	vm0 =	vlt.s32 v5, $0xE;
	v3 =	vld [tilespmem:s3+$0x180];
	v2 =	vcvt.f32.s32 v2;
	[tilespmem:s0+$0xE390] =	vst v0  }
0x16a: {  	v5 =	vnsel vm0, $0xE, v5;
	v22 =	vadd.f32 v38, v4;
	v46 =	vld [tilespmem:s3+$0x290];
	[tilespmem:s0+$0xE410] =	vst v1;
	v1 =	vmul.f32 v32, v41  }
0x16b: {  	v4 =	vtrunc.f32 v39;
	v56 =	vld [tilespmem:s3+$0x200];
	v0 =	vadd.s32 $0xC3, v5;
	v5 =	vmul.f32 v29, v21;
	[tilespmem:s21+$0xC180] =	vst v45  }
0x16c: {  	s11 =	sadd.s32 $0x1, s11;
	v4 =	vcvt.f32.s32 v4;
	v6 =	vmul.f32 $1.442695020e+00, v6;
	v58 =	vld [tilespmem:s3+$0x310];
	[tilespmem:s22+$0xC180] =	vst v1  }
0x16d: {  	s10 =	sor.u32 s15, s14;
	v59 =	vld [tilespmem:s3+$0x280];
	vm0 =	vlt.s32 v2, $0xE;
	v21 =	vtrunc.f32 v5;
	s22 =	sand.u32 $0x3, s11;
	v43 =	vmul.f32 $1.442695020e+00, v43;
	[tilespmem:s0+$0x10290] =	vst v57  }
0x16e: {  	s7 =	sor.u32 $0x380, s10;
	s5 =	sor.u32 $0x2380, s10;
	v1 =	vnsel vm0, $0xE, v2;
	v2 =	vmul.f32 $1.442695020e+00, v3;
	s10 =	sshll.u32 s22, $0x5;
	(erf) = vpow2.f32 v6;
	v5 =	vld [tilespmem:s3+$0x390]  }
0x16f: {  	v6 =	vld [tilespmem:s3+$0x300];
	s17 =	sadd.s32 s10, s14;
	v3 =	vmul.f32 $1.442695020e+00, v46;
	(erf) = vpow2.f32 v43  }
0x170: {  	vm0 =	vlt.s32 v4, $0xE;
	v39 =	vmul.f32 $1.442695020e+00, v56;
	v41 =	vld [tilespmem:s3+$0x410];
	s22 =	sadd.s32 $0x10, s17;
	(erf) = vpow2.f32 v2  }
0x171: {  	s19 =	sor.u32 $0x300, s17;
	s10 =	sor.u32 $0x2300, s17;
	v2 =	vnsel vm0, $0xE, v4;
	v4 =	vld [tilespmem:s3+$0x380];
	s17 =	sor.u32 $0x300, s22;
	v60 =	vmul.f32 $1.442695020e+00, v58;
	(erf) = vpow2.f32 v3  }
0x172: {  	v3 =	vadd.s32 $0xE1, v2;
	v2 =	vmul.f32 $1.442695020e+00, v59;
	v61 =	vld [tilespmem:s17+$0x180];
	(erf) = vpow2.f32 v39  }
0x173: {  	v62 =	vld [tilespmem:s3+$0x400];
	s20 =	sor.u32 $0x380, s22;
	v5 =	vmul.f32 $1.442695020e+00, v5;
	(erf) = vpow2.f32 v60  }
0x174: {  	v63 =	vld [tilespmem:s20+$0x180];
	v6 =	vmul.f32 $1.442695020e+00, v6;
	(erf) = vpow2.f32 v2  }
0x175: {  	v41 =	vmul.f32 $1.442695020e+00, v41;
	v2 =	vld [tilespmem:s19+$0x180];
	(erf) = vpow2.f32 v5  }
0x176: {  	v4 =	vmul.f32 $1.442695020e+00, v4;
	v5 =	vld [tilespmem:s3+$0x2190];
	(erf) = vpow2.f32 v6  }
0x177: {  	v6 =	vld [tilespmem:s7+$0x180];
	v44 =	vmul.f32 $1.442695020e+00, v61;
	v54 =	vpop (erf);
	(erf) = vpow2.f32 v41  }
0x178: {  	v8 =	vmul.f32 $1.442695020e+00, v62;
	v33 =	vld [tilespmem:s3+$0x2210];
	(erf) = vpow2.f32 v4;
	v55 =	vpop (erf)  }
0x179: {  	v43 =	vmul.f32 $1.442695020e+00, v63;
	v4 =	vld [tilespmem:s3+$0x2180];
	v34 =	vadd.f32 v55, v54;
	v7 =	vpop (erf);
	(erf) = vpow2.f32 v44  }
0x17a: {  	v47 =	vld [tilespmem:s3+$0x2290];
	v2 =	vmul.f32 $1.442695020e+00, v2;
	(erf) = vpow2.f32 v8;
	v57 =	vpop (erf)  }
0x17b: {  	v48 =	vld [tilespmem:s3+$0x2200];
	v5 =	vmul.f32 $1.442695020e+00, v5;
	v35 =	vadd.f32 v57, v34;
	v41 =	vpop (erf);
	(erf) = vpow2.f32 v43  }
0x17c: {  	v39 =	vld [tilespmem:s3+$0x2310];
	v6 =	vmul.f32 $1.442695020e+00, v6;
	v37 =	vadd.f32 v41, v7;
	(erf) = vpow2.f32 v2;
	v56 =	vpop (erf)  }
0x17d: {  	v45 =	vmul.f32 $1.442695020e+00, v33;
	[tilespmem:$0x1FD90] =	vst v7;
	v2 =	vld [tilespmem:s3+$0x2280];
	v49 =	vadd.f32 v56, v35;
	v7 =	vpop (erf);
	(erf) = vpow2.f32 v5  }
0x17e: {  	v51 =	vld [tilespmem:s3+$0x2390];
	v4 =	vmul.f32 $1.442695020e+00, v4;
	v5 =	vadd.f32 v7, v37;
	(erf) = vpow2.f32 v6;
	v63 =	vpop (erf)  }
0x17f: {  	v47 =	vmul.f32 $1.442695020e+00, v47;
	[tilespmem:$0x1FDA0] =	vst v7;
	v7 =	vadd.f32 v63, v49;
	v44 =	vpop (erf);
	(erf) = vpow2.f32 v45  }
0x180: {  	v62 =	vmul.f32 $1.442695020e+00, v48;
	v11 =	vld [tilespmem:s3+$0x2410];
	v5 =	vadd.f32 v44, v5;
	(erf) = vpow2.f32 v4;
	v58 =	vpop (erf)  }
0x181: {  	s21 =	sor.u32 $0x2300, s22;
	s22 =	sor.u32 $0x2380, s22;
	v46 =	vmul.f32 $1.442695020e+00, v39;
	v6 =	vld [tilespmem:s3+$0x2300];
	v49 =	vadd.f32 v58, v7;
	v43 =	vpop (erf);
	(erf) = vpow2.f32 v47  }
0x182: {  	v53 =	vld [tilespmem:s22+$0x180];
	v2 =	vmul.f32 $1.442695020e+00, v2;
	v5 =	vadd.f32 v43, v5;
	(erf) = vpow2.f32 v62;
	v59 =	vpop (erf)  }
0x183: {  	v51 =	vmul.f32 $1.442695020e+00, v51;
	v4 =	vld [tilespmem:s3+$0x2380];
	v49 =	vadd.f32 v59, v49;
	v45 =	vpop (erf);
	(erf) = vpow2.f32 v46  }
0x184: {  	v33 =	vld [tilespmem:s21+$0x180];
	v5 =	vadd.f32 v45, v5;
	(erf) = vpow2.f32 v2;
	v60 =	vpop (erf)  }
0x185: {  	v52 =	vld [tilespmem:s3+$0x2400];
	v49 =	vadd.f32 v60, v49;
	v46 =	vpop (erf);
	(erf) = vpow2.f32 v51  }
0x186: {  	v6 =	vmul.f32 $1.442695020e+00, v6;
	v2 =	vld [tilespmem:s10+$0x180];
	v5 =	vadd.f32 v46, v5;
	v61 =	vpop (erf)  }
0x187: {  	v48 =	vmul.f32 $1.442695020e+00, v11;
	v14 =	vmul.f32 $1.442695020e+00, v53;
	v10 =	vadd.f32 v61, v49;
	v51 =	vpop (erf)  }
0x188: {  	v7 =	vld [tilespmem:s3+$0x4190];
	v4 =	vmul.f32 $1.442695020e+00, v4;
	(erf) = vpow2.f32 v6;
	v5 =	vadd.f32 v51, v5;
	v62 =	vpop (erf)  }
0x189: {  	v34 =	vmul.f32 $1.442695020e+00, v33;
	v6 =	vld [tilespmem:s5+$0x180];
	(erf) = vpow2.f32 v48;
	v11 =	vadd.f32 v62, v10;
	v47 =	vpop (erf)  }
0x18a: {  	v35 =	vmul.f32 $1.442695020e+00, v52;
	v37 =	vld [tilespmem:s3+$0x4210];
	(erf) = vpow2.f32 v4;
	v5 =	vadd.f32 v47, v5;
	v33 =	vpop (erf)  }
0x18b: {  	v9 =	vld [tilespmem:s3+$0x4180];
	(erf) = vpow2.f32 v34;
	v39 =	vmul.f32 $1.442695020e+00, v2;
	v2 =	vadd.f32 v33, v11;
	v52 =	vpop (erf)  }
0x18c: {  	v1 =	vadd.s32 $0xD2, v1;
	v53 =	vld [tilespmem:s3+$0x4290];
	(erf) = vpow2.f32 v35;
	v4 =	vpop (erf)  }
0x18d: {  	v7 =	vmul.f32 $1.442695020e+00, v7;
	v10 =	vld [tilespmem:s3+$0x4200];
	(erf) = vpow2.f32 v14;
	v23 =	vadd.f32 v4, v2;
	v48 =	vpop (erf)  }
0x18e: {  	v8 =	vld.idx.msk [tilespmem:v0+s1+$0x0], $0xffff;
	v6 =	vmul.f32 $1.442695020e+00, v6;
	v14 =	vadd.f32 v52, v5;
	(erf) = vpow2.f32 v39;
	v5 =	vpop (erf)  }
0x18f: {  	v34 =	vmul.f32 $1.442695020e+00, v37;
	(erf) = vpow2.f32 v7;
	v7 =	vld.idx.msk [tilespmem:v42+s1+$0x0], $0xffff;
	v37 =	vadd.f32 v5, v23  }
0x190: {  	v9 =	vmul.f32 $1.442695020e+00, v9;
	v42 =	vld [tilespmem:$0x1FDE0];
	v35 =	vadd.f32 v48, v14;
	(erf) = vpow2.f32 v6  }
0x191: {  	v11 =	vld [tilespmem:s3+$0x4280];
	v39 =	vmov v12;
	v6 =	vmul.f32 $1.442695020e+00, v53;
	v49 =	vpop (erf);
	(erf) = vpow2.f32 v34  }
0x192: {  	v12 =	vld.idx.msk [tilespmem:v40+s1+$0x0], $0xffff;
	v10 =	vmul.f32 $1.442695020e+00, v10;
	v0 =	vadd.f32 v49, v35;
	(erf) = vpow2.f32 v9;
	v2 =	vpop (erf)  }
0x193: {  	v40 =	vadd.f32 v2, v37;
	v53 =	vpop (erf);
	(erf) = vpow2.f32 v6;
	v37 =	vmov v13;
	v13 =	vld [tilespmem:$0x1FE10]  }
0x194: {  	v9 =	vld.idx.msk [tilespmem:v1+s1+$0x0], $0xffff;
	v23 =	vmov v16;
	v0 =	vadd.f32 v53, v0;
	(erf) = vpow2.f32 v10;
	v1 =	vpop (erf)  }
0x195: {  	v10 =	vmul.f32 v29, v42;
	v34 =	vadd.f32 v7, v22;
	v16 =	vadd.f32 v1, v40;
	v42 =	vpop (erf)  }
0x196: {  	v22 =	vadd.f32 v42, v0;
	v6 =	vpop (erf)  }
0x197: {  	v11 =	vmul.f32 $1.442695020e+00, v11;
	v16 =	vadd.f32 v6, v16;
	v40 =	vpop (erf)  }
0x198: {  	v21 =	vcvt.f32.s32 v21;
	v14 =	vmul.f32 v29, v13;
	v13 =	vpop (erf)  }
0x199: {  	(erf) = vpow2.f32 v11;
	v11 =	vadd.f32 v12, v34;
	v16 =	vadd.f32 v13, v16;
	v34 =	vpop (erf)  }
0x19a: {  	v29 =	vadd.f32 v40, v22;
	v22 =	vpop (erf)  }
0x19b: {  	vm0 =	vlt.s32 v21, $0xE;
	v16 =	vadd.f32 v22, v16  }
0x19c: {  	v0 =	vnsel vm0, $0xE, v21;
	v35 =	vadd.f32 v34, v29  }
0x19d: {  	v31 =	vmov v17;
	v28 =	vmov v18;
	v14 =	vtrunc.f32 v14;
	v21 =	vpop (erf)  }
0x19e: {  	v17 =	vadd.s32 $0xF0, v0;
	v18 =	vcvt.f32.s32 v14;
	v14 =	vadd.f32 v21, v35;
	v29 =	vpop (erf)  }
0x19f: {  	v0 =	vmov v30;
	v30 =	vmov v19;
	v19 =	vadd.f32 v29, v16;
	v16 =	vpop (erf)  }
0x1a0: {  	v35 =	vmov v20;
	v20 =	vadd.f32 v16, v14;
	v14 =	vld [tilespmem:$0x1FE00];
	_ =	sdelay $0x4  }
0x1a1: {  	[tilespmem:$0x1FDE0] =	vst v16;
	v16 =	vpop (erf);
	(erf) = vrcp.f32 v19;
	v19 =	vmul.f32 v25, v14;
	v14 =	vmov v27  }
0x1a2: {  	[tilespmem:$0x1FE00] =	vst v14;
	v14 =	vld [tilespmem:$0x1FDF0]  }
0x1a3: {  	v10 =	vtrunc.f32 v10  }
0x1a4: {  	v10 =	vcvt.f32.s32 v10;
	v20 =	vadd.f32 v16, v20;
	_ =	sdelay $0x1  }
0x1a5: {  	vm0 =	vlt.s32 v10, $0xE;
	(erf) = vrcp.f32 v20  }
0x1a6: {  	v10 =	vnsel vm0, $0xE, v10;
	v20 =	vld [tilespmem:$0x1FE60];
	v27 =	vmul.f32 v25, v14;
	v14 =	vmul.f32 v25, v23;
	v23 =	vmovc v30  }
0x1a7: {  	v10 =	vadd.s32 $0xFF, v10;
	[tilespmem:$0x1FE60] =	vst v23;
	v23 =	vld [tilespmem:$0x1FEA0]  }
0x1a8: {  	[tilespmem:$0x1FE10] =	vst v16;
	v16 =	vmov v26  }
0x1a9: {  	[tilespmem:$0x1FDF0] =	vst v16;
	v16 =	vld [tilespmem:$0x1FE20]  }
0x1aa: {  	v3 =	vld.idx.msk [tilespmem:v3+s1+$0x0], $0xffff;
	vm0 =	vlt.s32 v18, $0xE  }
0x1ab: {  	v17 =	vld.idx.msk [tilespmem:v17+s1+$0x0], $0xffff;
	v18 =	vnsel vm0, $0xE, v18;
	[tilespmem:s26+$0xC180] =	vst v19  }
0x1ac: {  	v18 =	vadd.s32 $0x10E, v18;
	v10 =	vld.idx.msk [tilespmem:v10+s1+$0x0], $0xffff;
	[tilespmem:s26+$0xC200] =	vst v27;
	v27 =	vmul.f32 v25, v23;
	v23 =	vmov v24  }
0x1ad: {  	[tilespmem:$0x1FEA0] =	vst v23;
	v23 =	vld [tilespmem:$0x1FEC0]  }
0x1ae: {  	v19 =	vmul.f32 v25, v16;
	v16 =	vld [tilespmem:$0x1FE30]  }
0x1af: {  	[tilespmem:s26+$0xC280] =	vst v14;
	v14 =	vld [tilespmem:$0x1FE90]  }
0x1b0: {  	v28 =	vmov v28  }
0x1b1: {  	v11 =	vadd.f32 v8, v11;
	[tilespmem:$0x1FE30] =	vst v28;
	v18 =	vld.idx.msk [tilespmem:v18+s1+$0x0], $0xffff  }
0x1b2: {  	v20 =	vmul.f32 v25, v20;
	[tilespmem:s26+$0xC300] =	vst v19;
	v19 =	vld [tilespmem:$0x1FEB0];
	v28 =	vmul.f32 v25, v23;
	v23 =	vmov v0  }
0x1b3: {  	v11 =	vadd.f32 v9, v11;
	v26 =	vmul.f32 v25, v16;
	[tilespmem:$0x1FEB0] =	vst v23;
	v23 =	vld [tilespmem:$0x1FED0]  }
0x1b4: {  	[tilespmem:s26+$0xC400] =	vst v20;
	v20 =	vld [tilespmem:$0x1FEE0];
	v14 =	vmul.f32 v25, v14  }
0x1b5: {  	v31 =	vmov v31;
	v11 =	vadd.f32 v3, v11;
	[tilespmem:s26+$0xC380] =	vst v26;
	v26 =	vmul.f32 v25, v37;
	v37 =	vld [tilespmem:$0x1FF20]  }
0x1b6: {  	[tilespmem:$0x1FE20] =	vst v31;
	v16 =	vmov v15;
	v15 =	vmov v35  }
0x1b7: {  	v11 =	vadd.f32 v17, v11;
	[tilespmem:$0x1FE90] =	vst v15  }
0x1b8: {  	v39 =	vmul.f32 v32, v39;
	[tilespmem:s28+$0xC180] =	vst v14;
	v14 =	vmov v8;
	v8 =	vpop (erf);
	v30 =	vmul.f32 v25, v23;
	v23 =	vld [tilespmem:$0x1FEF0]  }
0x1b9: {  	v35 =	vadd.f32 v10, v11;
	v19 =	vmul.f32 v25, v19;
	[tilespmem:s29+$0xC180] =	vst v27;
	v8 =	vmul.f32 $1.500000000e+01, v8  }
0x1ba: {  	v20 =	vmul.f32 v25, v20;
	v27 =	vmovc v3;
	v3 =	vmov v36;
	[tilespmem:s26+$0xE280] =	vst v26;
	v11 =	vmul.f32 v25, v37  }
0x1bb: {  	[tilespmem:$0x1FEC0] =	vst v3;
	v24 =	vmul.f32 v8, v29;
	v26 =	vmul.f32 v8, v13  }
0x1bc: {  	[tilespmem:s26+$0xE200] =	vst v28;
	v3 =	vmul.f32 v8, v22;
	v28 =	vmul.f32 v8, v1  }
0x1bd: {  	[tilespmem:s26+$0xE180] =	vst v19;
	v19 =	vld [tilespmem:$0x1FF40];
	v1 =	vmul.f32 v8, v2;
	v31 =	vmul.f32 v25, v23;
	v23 =	vmovc v7;
	v7 =	vmov v12  }
0x1be: {  	v2 =	vmul.f32 v8, v4;
	v4 =	vmul.f32 v8, v54;
	[tilespmem:$0x1FEE0] =	vst v7;
	v7 =	vld [tilespmem:$0x1FF00]  }
0x1bf: {  	v5 =	vmul.f32 v8, v5;
	v54 =	vmul.f32 v8, v56;
	[tilespmem:$0x1FEF0] =	vst v14;
	v14 =	vld [tilespmem:$0x1FF30]  }
0x1c0: {  	[tilespmem:s26+$0xE380] =	vst v20;
	v56 =	vmul.f32 v8, v58;
	v4 =	vtrunc.f32 v4;
	v12 =	vld [tilespmem:$0x1FF10]  }
0x1c1: {  	[tilespmem:$0x1FF10] =	vst v27;
	v27 =	vmul.f32 v8, v6;
	v6 =	vmul.f32 v8, v55  }
0x1c2: {  	v0 =	vmov v9;
	v19 =	vmul.f32 v25, v19;
	v4 =	vcvt.f32.s32 v4;
	[tilespmem:s26+$0xE300] =	vst v30  }
0x1c3: {  	v9 =	vadd.f32 v18, v35;
	[tilespmem:$0x1FF00] =	vst v0;
	v6 =	vtrunc.f32 v6;
	v7 =	vmul.f32 v25, v7  }
0x1c4: {  	v14 =	vmul.f32 v25, v14;
	[tilespmem:s26+$0xE400] =	vst v31;
	v6 =	vcvt.f32.s32 v6  }
0x1c5: {  	vm0 =	veq.f32 v9, $0.0e+00;
	v12 =	vmul.f32 v25, v12;
	v25 =	vmovc v17;
	[tilespmem:s30+$0xC180] =	vst v7;
	v7 =	vmul.f32 v8, v57  }
0x1c6: {  	v55 =	vtrunc.f32 v54;
	vm1 =	vlt.s32 v6, $0xE;
	v17 =	vmul.f32 v32, v50;
	[tilespmem:$0x1FF20] =	vst v25  }
0x1c7: {  	v25 =	vsel vm0, $0x3F800000, v9;
	vm0 =	vlt.s32 v4, $0xE;
	[tilespmem:s31+$0xC180] =	vst v12;
	v7 =	vtrunc.f32 v7  }
0x1c8: {  	v50 =	vmul.f32 v8, v63;
	v4 =	vnsel vm0, $0xE, v4;
	[tilespmem:s26+$0x10180] =	vst v11;
	v7 =	vcvt.f32.s32 v7  }
0x1c9: {  	v15 =	vmovc v10;
	v61 =	vmul.f32 v8, v61;
	v10 =	vcvt.f32.s32 v55;
	v6 =	vnsel vm1, $0xE, v6;
	[tilespmem:s26+$0x10200] =	vst v14  }
0x1ca: {  	v6 =	vadd.s32 $0xF, v6;
	v9 =	vtrunc.f32 v50;
	[tilespmem:s26+$0x10280] =	vst v19;
	s26 =	smov.u32 s0;
	vm0 =	vlt.s32 v7, $0xE  }
0x1cb: {  	v9 =	vcvt.f32.s32 v9;
	[tilespmem:s26+$0x10190] =	vst v39;
	v7 =	vnsel vm0, $0xE, v7;
	vm0 =	vlt.s32 v10, $0xE  }
0x1cc: {  	v0 =	vmovc v18;
	v12 =	vmul.f32 v8, v59;
	[tilespmem:s26+$0x10210] =	vst v17;
	v7 =	vadd.s32 $0x1E, v7;
	v10 =	vnsel vm0, $0xE, v10  }
0x1cd: {  	[tilespmem:$0x1FF40] =	vst v0;
	v0 =	vmul.f32 v8, v33;
	v11 =	vtrunc.f32 v56;
	v35 =	vld.idx.msk [tilespmem:v4+s1+$0x0], $0xffff;
	v4 =	vadd.s32 $0x2D, v10  }
0x1ce: {  	v57 =	vcvt.f32.s32 v11;
	v58 =	vtrunc.f32 v12;
	vm0 =	vlt.s32 v9, $0xE  }
0x1cf: {  	v59 =	vmul.f32 v8, v60;
	v37 =	vld.idx.msk [tilespmem:v6+s1+$0x0], $0xffff;
	v6 =	vnsel vm0, $0xE, v9;
	v9 =	vcvt.f32.s32 v58  }
0x1d0: {  	v8 =	vmul.f32 v8, v62;
	vm0 =	vlt.s32 v57, $0xE;
	v6 =	vadd.s32 $0x3C, v6  }
0x1d1: {  	v13 =	vmovc v38;
	v60 =	vtrunc.f32 v59;
	v38 =	vld.idx.msk [tilespmem:v7+s1+$0x0], $0xffff;
	v7 =	vnsel vm0, $0xE, v57;
	vm0 =	vlt.s32 v9, $0xE  }
0x1d2: {  	v10 =	vcvt.f32.s32 v60;
	v7 =	vadd.s32 $0x4B, v7;
	v59 =	vld.idx.msk [tilespmem:v4+s1+$0x0], $0xffff;
	v4 =	vnsel vm0, $0xE, v9  }
0x1d3: {  	v2 =	vtrunc.f32 v2;
	v63 =	vtrunc.f32 v61;
	v4 =	vadd.s32 $0x5A, v4  }
0x1d4: {  	v8 =	vtrunc.f32 v8;
	vm0 =	vlt.s32 v10, $0xE;
	v9 =	vcvt.f32.s32 v63  }
0x1d5: {  	v0 =	vtrunc.f32 v0;
	v8 =	vcvt.f32.s32 v8;
	v60 =	vld.idx.msk [tilespmem:v6+s1+$0x0], $0xffff;
	v6 =	vnsel vm0, $0xE, v10  }
0x1d6: {  	v32 =	vadd.f32 v37, v35;
	v6 =	vadd.s32 $0x69, v6;
	vm0 =	vlt.s32 v9, $0xE  }
0x1d7: {  	v0 =	vcvt.f32.s32 v0;
	v61 =	vld.idx.msk [tilespmem:v7+s1+$0x0], $0xffff;
	v7 =	vnsel vm0, $0xE, v9;
	vm0 =	vlt.s32 v8, $0xE  }
0x1d8: {  	v33 =	vadd.f32 v38, v32;
	v7 =	vadd.s32 $0x78, v7;
	v62 =	vld.idx.msk [tilespmem:v4+s1+$0x0], $0xffff;
	v4 =	vnsel vm0, $0xE, v8  }
0x1d9: {  	v5 =	vtrunc.f32 v5;
	vm0 =	vlt.s32 v0, $0xE;
	v4 =	vadd.s32 $0x87, v4  }
0x1da: {  	v22 =	vmovc v34;
	v2 =	vcvt.f32.s32 v2;
	v34 =	vadd.f32 v59, v33;
	v0 =	vnsel vm0, $0xE, v0  }
0x1db: {  	v5 =	vcvt.f32.s32 v5;
	v63 =	vld.idx.msk [tilespmem:v6+s1+$0x0], $0xffff;
	v6 =	vadd.s32 $0x96, v0  }
0x1dc: {  	v1 =	vtrunc.f32 v1;
	vm0 =	vlt.s32 v2, $0xE;
	v36 =	vadd.f32 v60, v34  }
0x1dd: {  	v2 =	vnsel vm0, $0xE, v2;
	vm0 =	vlt.s32 v5, $0xE;
	v0 =	vld.idx.msk [tilespmem:v7+s1+$0x0], $0xffff;
	v7 =	vcvt.f32.s32 v1  }
0x1de: {  	v2 =	vadd.s32 $0xA5, v2;
	v8 =	vadd.f32 v61, v36;
	v1 =	vld.idx.msk [tilespmem:v4+s1+$0x0], $0xffff;
	v4 =	vnsel vm0, $0xE, v5  }
0x1df: {  	v5 =	vtrunc.f32 v28;
	v4 =	vadd.s32 $0xB4, v4;
	vm0 =	vlt.s32 v7, $0xE  }
0x1e0: {  	v5 =	vcvt.f32.s32 v5;
	v58 =	vld.idx.msk [tilespmem:v6+s1+$0x0], $0xffff;
	v6 =	vnsel vm0, $0xE, v7;
	v7 =	vtrunc.f32 v27  }
0x1e1: {  	v8 =	vadd.f32 v62, v8;
	v7 =	vcvt.f32.s32 v7  }
0x1e2: {  	v6 =	vadd.s32 $0xC3, v6;
	vm0 =	vlt.s32 v5, $0xE  }
0x1e3: {  	v8 =	vadd.f32 v63, v8;
	v54 =	vld.idx.msk [tilespmem:v2+s1+$0x0], $0xffff;
	v2 =	vnsel vm0, $0xE, v5;
	vm0 =	vlt.s32 v7, $0xE  }
0x1e4: {  	v2 =	vadd.s32 $0xD2, v2;
	v55 =	vld.idx.msk [tilespmem:v4+s1+$0x0], $0xffff;
	v4 =	vnsel vm0, $0xE, v7  }
0x1e5: {  	v8 =	vadd.f32 v0, v8;
	v5 =	vtrunc.f32 v26;
	v4 =	vadd.s32 $0xE1, v4  }
0x1e6: {  	v3 =	vtrunc.f32 v3;
	v5 =	vcvt.f32.s32 v5  }
0x1e7: {  	v3 =	vcvt.f32.s32 v3;
	[tilespmem:$0x1FED0] =	vst v23;
	v23 =	vpop (erf);
	v8 =	vadd.f32 v1, v8;
	v56 =	vld.idx.msk [tilespmem:v6+s1+$0x0], $0xffff;
	v6 =	vtrunc.f32 v24  }
0x1e8: {  	v29 =	vmul.f32 $1.500000000e+01, v23;
	v39 =	vld [tilespmem:$0x1FDA0];
	vm0 =	vlt.s32 v5, $0xE;
	v6 =	vcvt.f32.s32 v6  }
0x1e9: {  	v7 =	vadd.f32 v58, v8;
	v5 =	vnsel vm0, $0xE, v5;
	vm0 =	vlt.s32 v3, $0xE;
	v57 =	vld.idx.msk [tilespmem:v2+s1+$0x0], $0xffff  }
0x1ea: {  	v2 =	vnsel vm0, $0xE, v3;
	v3 =	vmul.f32 v29, v41;
	vm0 =	vlt.s32 v6, $0xE;
	v41 =	vld.idx.msk [tilespmem:v4+s1+$0x0], $0xffff  }
0x1eb: {  	v5 =	vadd.s32 $0xF0, v5;
	v7 =	vadd.f32 v54, v7;
	v4 =	vnsel vm0, $0xE, v6;
	v6 =	vld [tilespmem:$0x1FD90];
	_ =	sdelay $0x1  }
0x1ec: {  	v2 =	vadd.s32 $0xFF, v2;
	v7 =	vadd.f32 v55, v7  }
0x1ed: {  	v44 =	vmul.f32 v29, v44;
	v3 =	vtrunc.f32 v3  }
0x1ee: {  	v45 =	vmul.f32 v29, v45;
	v3 =	vcvt.f32.s32 v3;
	v7 =	vadd.f32 v56, v7  }
0x1ef: {  	v8 =	vmul.f32 v29, v39;
	v12 =	vld.idx.msk [tilespmem:v5+s1+$0x0], $0xffff;
	v6 =	vmul.f32 v29, v6  }
0x1f0: {  	v4 =	vadd.s32 $0x10E, v4;
	vm0 =	vlt.s32 v3, $0xE;
	v7 =	vadd.f32 v57, v7  }
0x1f1: {  	(erf) = vrcp.f32 v25;
	v50 =	vld.idx.msk [tilespmem:v2+s1+$0x0], $0xffff;
	v3 =	vnsel vm0, $0xE, v3;
	v5 =	vtrunc.f32 v6  }
0x1f2: {  	v7 =	vadd.f32 v41, v7;
	v6 =	vtrunc.f32 v8;
	v5 =	vcvt.f32.s32 v5  }
0x1f3: {  	v3 =	vadd.s32 $0xF, v3;
	v2 =	vcvt.f32.s32 v6;
	v6 =	vtrunc.f32 v44  }
0x1f4: {  	v7 =	vadd.f32 v12, v7;
	v6 =	vcvt.f32.s32 v6;
	vm1 =	vlt.s32 v5, $0xE  }
0x1f5: {  	v44 =	vld.idx.msk [tilespmem:v4+s1+$0x0], $0xffff;
	vm0 =	vlt.s32 v2, $0xE;
	v4 =	vnsel vm1, $0xE, v5;
	v5 =	vmul.f32 v29, v43  }
0x1f6: {  	v7 =	vadd.f32 v50, v7;
	v2 =	vnsel vm0, $0xE, v2;
	vm0 =	vlt.s32 v6, $0xE  }
0x1f7: {  	v2 =	vadd.s32 $0x1E, v2;
	v6 =	vnsel vm0, $0xE, v6;
	v5 =	vtrunc.f32 v5  }
0x1f8: {  	v26 =	vld.idx.msk [tilespmem:v3+s1+$0x0], $0xffff;
	v3 =	vadd.s32 $0x2D, v6;
	v6 =	vmul.f32 v29, v46;
	v5 =	vcvt.f32.s32 v5  }
0x1f9: {  	v8 =	vtrunc.f32 v45  }
0x1fa: {  	v7 =	vadd.f32 v44, v7;
	v6 =	vtrunc.f32 v6;
	vm0 =	vlt.s32 v5, $0xE  }
0x1fb: {  	v27 =	vld.idx.msk [tilespmem:v4+s1+$0x0], $0xffff;
	v4 =	vcvt.f32.s32 v8;
	v6 =	vcvt.f32.s32 v6;
	v5 =	vnsel vm0, $0xE, v5  }
0x1fc: {  	[tilespmem:$0x1FF30] =	vst v15;
	v46 =	vmul.f32 v29, v51;
	vm0 =	veq.f32 v7, $0.0e+00;
	v15 =	vld.idx.msk [tilespmem:v2+s1+$0x0], $0xffff;
	v2 =	vadd.s32 $0x3C, v5  }
0x1fd: {  	vm1 =	vlt.s32 v4, $0xE;
	v5 =	vsel vm0, $0x3F800000, v7;
	vm0 =	vlt.s32 v6, $0xE  }
0x1fe: {  	v25 =	vpop (erf);
	v7 =	vmul.f32 v29, v52;
	v4 =	vnsel vm1, $0xE, v4;
	(erf) = vrcp.f32 v5  }
0x1ff: {  	v17 =	vld.idx.msk [tilespmem:v3+s1+$0x0], $0xffff;
	v5 =	vmul.f32 v29, v47;
	v3 =	vadd.s32 $0x4B, v4;
	v4 =	vtrunc.f32 v46  }
0x200: {  	v6 =	vnsel vm0, $0xE, v6;
	v4 =	vcvt.f32.s32 v4  }
0x201: {  	v7 =	vtrunc.f32 v7;
	v47 =	vadd.f32 v26, v27;
	v5 =	vtrunc.f32 v5  }
0x202: {  	v5 =	vcvt.f32.s32 v5;
	v18 =	vld.idx.msk [tilespmem:v2+s1+$0x0], $0xffff;
	v2 =	vadd.s32 $0x5A, v6;
	vm0 =	vlt.s32 v4, $0xE  }
0x203: {  	v7 =	vcvt.f32.s32 v7;
	v6 =	vadd.f32 v15, v47;
	v4 =	vnsel vm0, $0xE, v4  }
0x204: {  	vm0 =	vlt.s32 v5, $0xE;
	v19 =	vld.idx.msk [tilespmem:v3+s1+$0x0], $0xffff;
	v3 =	vadd.s32 $0x69, v4;
	v4 =	vmul.f32 v29, v48  }
0x205: {  	v6 =	vadd.f32 v17, v6;
	v5 =	vnsel vm0, $0xE, v5  }
0x206: {  	vm0 =	vlt.s32 v7, $0xE;
	v5 =	vadd.s32 $0x78, v5;
	v4 =	vtrunc.f32 v4  }
0x207: {  	v49 =	vmul.f32 v29, v49;
	v7 =	vnsel vm0, $0xE, v7;
	v20 =	vld.idx.msk [tilespmem:v2+s1+$0x0], $0xffff;
	v2 =	vcvt.f32.s32 v4;
	v32 =	vpop (erf)  }
0x208: {  	v4 =	vmul.f32 v29, v53;
	v6 =	vadd.f32 v18, v6;
	v51 =	vmul.f32 v32, v35  }
0x209: {  	s0 =	smov.u32 s3;
	v52 =	vmul.f32 v32, v37;
	v53 =	vmul.f32 v32, v38;
	v24 =	vld.idx.msk [tilespmem:v3+s1+$0x0], $0xffff;
	v3 =	vadd.s32 $0x87, v7  }
0x20a: {  	v7 =	vtrunc.f32 v49;
	v6 =	vadd.f32 v19, v6;
	vm0 =	vlt.s32 v2, $0xE;
	[tilespmem:s0+$0xC190] =	vst v51  }
0x20b: {  	s8 =	sadd.s32 $0x2, s8;
	v30 =	vld.idx.msk [tilespmem:v5+s1+$0x0], $0xffff;
	v2 =	vnsel vm0, $0xE, v2;
	v5 =	vcvt.f32.s32 v7;
	[tilespmem:s0+$0xC210] =	vst v52;
	v7 =	vmul.f32 v32, v59  }
0x20c: {  	p1 =	slt.u32 s8, $0x3E;
	v62 =	vmul.f32 v32, v62;
	[tilespmem:s0+$0xC290] =	vst v53;
	v59 =	vmul.f32 v32, v60;
	v2 =	vadd.s32 $0x96, v2  }
.Ltmp0:
0x20d: {  	v6 =	vadd.f32 v20, v6;
	[tilespmem:s0+$0xC310] =	vst v7;
	v7 =	vmul.f32 v32, v61;
	vm0 =	vlt.s32 v5, $0xE;
	(pc) =	sbr.rel @p1 .LBB2_3-.Ltmp0, $4  }
0x20e: {  	s15 =	sadd.s32 $0x20, s15;
	v4 =	vtrunc.f32 v4;
	v60 =	vmul.f32 v29, v42;
	[tilespmem:s0+$0xC390] =	vst v59;
	v5 =	vnsel vm0, $0xE, v5  }
0x20f: {  	s14 =	sadd.s32 $0x100, s14;
	s28 =	smov.u32 s2;
	s2 =	smov.u32 s19;
	v36 =	vld.idx.msk [tilespmem:v3+s1+$0x0], $0xffff;
	v3 =	vcvt.f32.s32 v4;
	v4 =	vadd.f32 v24, v6;
	[tilespmem:s0+$0xC410] =	vst v7;
	v6 =	vmul.f32 v32, v63  }
0x210: {  	s29 =	smov.u32 s4;
	s4 =	smov.u32 s7;
	s30 =	smov.u32 s9;
	v0 =	vmul.f32 v32, v0;
	v1 =	vmul.f32 v32, v1;
	v42 =	vadd.s32 $0xA5, v5;
	[tilespmem:s17+$0xC180] =	vst v62  }
0x211: {  	s9 =	smov.u32 s10;
	s31 =	smov.u32 s6;
	s6 =	smov.u32 s5;
	v5 =	vtrunc.f32 v60;
	v38 =	vld.idx.msk [tilespmem:v2+s1+$0x0], $0xffff;
	vm0 =	vlt.s32 v3, $0xE;
	v2 =	vmul.f32 v29, v40;
	[tilespmem:s20+$0xC180] =	vst v6  }
0x212: {  	v10 =	vld [tilespmem:$0x1FDE0]  }
0x213: {  	v6 =	vmul.f32 v32, v58;
	v11 =	vld [tilespmem:$0x1FE10];
	[tilespmem:s0+$0xE190] =	vst v0  }
0x214: {  	[tilespmem:s0+$0xE210] =	vst v1;
	v34 =	vmul.f32 v32, v54  }
0x215: {  	v35 =	vmul.f32 v32, v55;
	[tilespmem:s0+$0xE290] =	vst v6  }
0x216: {  	v39 =	vmul.f32 v32, v56;
	[tilespmem:s0+$0xE310] =	vst v34  }
0x217: {  	v40 =	vmul.f32 v32, v57;
	[tilespmem:s0+$0xE390] =	vst v35  }
0x218: {  	v41 =	vmul.f32 v32, v41;
	[tilespmem:s0+$0xE410] =	vst v39  }
0x219: {  	[tilespmem:s21+$0xC180] =	vst v40  }
0x21a: {  	v9 =	vld.idx.msk [tilespmem:v42+s1+$0x0], $0xffff;
	[tilespmem:s22+$0xC180] =	vst v41;
	v10 =	vmul.f32 v29, v10  }
0x21b: {  	v8 =	vmul.f32 v29, v21;
	v42 =	vmul.f32 v32, v44;
	v1 =	vld [tilespmem:$0x1FE00]  }
0x21c: {  	v11 =	vmul.f32 v29, v11;
	v10 =	vtrunc.f32 v10  }
0x21d: {  	v8 =	vtrunc.f32 v8;
	v10 =	vcvt.f32.s32 v10  }
0x21e: {  	v8 =	vcvt.f32.s32 v8;
	v11 =	vtrunc.f32 v11  }
0x21f: {  	v3 =	vnsel vm0, $0xE, v3;
	v33 =	vcvt.f32.s32 v11;
	vm13 =	vlt.s32 v10, $0xE  }
0x220: {  	vm12 =	vlt.s32 v8, $0xE;
	[tilespmem:s0+$0x10290] =	vst v42;
	v1 =	vmul.f32 v25, v1;
	v10 =	vnsel vm13, $0xE, v10  }
0x221: {  	v8 =	vnsel vm12, $0xE, v8;
	vm14 =	vlt.s32 v33, $0xE;
	v37 =	vadd.s32 $0xFF, v10;
	v10 =	vld [tilespmem:$0x1FDF0]  }
0x222: {  	v3 =	vadd.s32 $0xB4, v3;
	v31 =	vadd.s32 $0xF0, v8;
	v8 =	vnsel vm14, $0xE, v33;
	[tilespmem:s26+$0xC180] =	vst v1  }
0x223: {  	v5 =	vcvt.f32.s32 v5;
	v7 =	vmul.f32 v29, v22;
	v8 =	vadd.s32 $0x10E, v8;
	v45 =	vld [tilespmem:$0x1FE20]  }
0x224: {  	v4 =	vadd.f32 v30, v4;
	v2 =	vtrunc.f32 v2  }
0x225: {  	vm9 =	vlt.s32 v5, $0xE;
	v2 =	vcvt.f32.s32 v2;
	v7 =	vtrunc.f32 v7  }
0x226: {  	v5 =	vnsel vm9, $0xE, v5;
	v7 =	vcvt.f32.s32 v7;
	v10 =	vmul.f32 v25, v10  }
0x227: {  	v43 =	vmul.f32 v25, v16;
	v5 =	vadd.s32 $0xC3, v5;
	vm10 =	vlt.s32 v2, $0xE;
	v3 =	vld.idx.msk [tilespmem:v3+s1+$0x0], $0xffff  }
0x228: {  	v2 =	vnsel vm10, $0xE, v2;
	vm11 =	vlt.s32 v7, $0xE;
	v44 =	vld.idx.msk [tilespmem:v8+s1+$0x0], $0xffff;
	v8 =	vmul.f32 v25, v45;
	[tilespmem:s26+$0xC200] =	vst v10  }
0x229: {  	v2 =	vadd.s32 $0xD2, v2;
	v7 =	vnsel vm11, $0xE, v7;
	v10 =	vld [tilespmem:$0x1FE30];
	[tilespmem:s26+$0xC280] =	vst v43  }
0x22a: {  	v4 =	vadd.f32 v36, v4;
	v7 =	vadd.s32 $0xE1, v7;
	v11 =	vld [tilespmem:$0x1FE60];
	[tilespmem:s26+$0xC300] =	vst v8  }
0x22b: {  	v8 =	vld [tilespmem:$0x1FE90]  }
0x22c: {  	v4 =	vadd.f32 v38, v4  }
0x22d: {  	v5 =	vld.idx.msk [tilespmem:v5+s1+$0x0], $0xffff  }
0x22e: {  	v4 =	vadd.f32 v9, v4;
	v2 =	vld.idx.msk [tilespmem:v2+s1+$0x0], $0xffff;
	v10 =	vmul.f32 v25, v10  }
0x22f: {  	v7 =	vld.idx.msk [tilespmem:v7+s1+$0x0], $0xffff;
	v11 =	vmul.f32 v25, v11  }
0x230: {  	v4 =	vadd.f32 v3, v4;
	v0 =	vld.idx.msk [tilespmem:v31+s1+$0x0], $0xffff;
	v8 =	vmul.f32 v25, v8;
	[tilespmem:s26+$0xC380] =	vst v10  }
0x231: {  	v10 =	vld [tilespmem:$0x1FEA0];
	[tilespmem:s26+$0xC400] =	vst v11  }
0x232: {  	v4 =	vadd.f32 v5, v4;
	v11 =	vld [tilespmem:$0x1FEB0];
	[tilespmem:s28+$0xC180] =	vst v8  }
0x233: {  	v8 =	vld [tilespmem:$0x1FEC0]  }
0x234: {  	v4 =	vadd.f32 v2, v4  }
0x235: {  	v6 =	vld.idx.msk [tilespmem:v37+s1+$0x0], $0xffff  }
0x236: {  	v4 =	vadd.f32 v7, v4;
	v10 =	vmul.f32 v25, v10  }
0x237: {  	v11 =	vmul.f32 v25, v11  }
0x238: {  	v4 =	vadd.f32 v0, v4;
	v8 =	vmul.f32 v25, v8;
	[tilespmem:s29+$0xC180] =	vst v10  }
0x239: {  	v46 =	vmul.f32 v25, v13;
	[tilespmem:s26+$0xE180] =	vst v11  }
0x23a: {  	v4 =	vadd.f32 v6, v4;
	v11 =	vld [tilespmem:$0x1FED0];
	[tilespmem:s26+$0xE200] =	vst v8  }
0x23b: {  	v47 =	vld [tilespmem:$0x1FEE0];
	[tilespmem:s26+$0xE280] =	vst v46  }
0x23c: {  	v4 =	vadd.f32 v44, v4;
	v8 =	vld [tilespmem:$0x1FEF0];
	_ =	sdelay $0x1  }
0x23d: {  	vm15 =	veq.f32 v4, $0.0e+00  }
0x23e: {  	v4 =	vsel vm15, $0x3F800000, v4;
	v11 =	vmul.f32 v25, v11  }
0x23f: {  	(erf) = vrcp.f32 v4;
	v4 =	vmul.f32 v25, v47  }
0x240: {  	v8 =	vmul.f32 v25, v8;
	[tilespmem:s26+$0xE300] =	vst v11  }
0x241: {  	v10 =	vld [tilespmem:$0x1FF00];
	[tilespmem:s26+$0xE380] =	vst v4  }
0x242: {  	v4 =	vld [tilespmem:$0x1FF10];
	[tilespmem:s26+$0xE400] =	vst v8  }
0x243: {  	v8 =	vld [tilespmem:$0x1FF20];
	_ =	sdelay $0x2  }
0x244: {  	v10 =	vmul.f32 v25, v10  }
0x245: {  	v4 =	vmul.f32 v25, v4  }
0x246: {  	v8 =	vmul.f32 v25, v8;
	[tilespmem:s30+$0xC180] =	vst v10  }
0x247: {  	v48 =	vmul.f32 v32, v12;
	v10 =	vld [tilespmem:$0x1FF30];
	[tilespmem:s31+$0xC180] =	vst v4  }
0x248: {  	v49 =	vmul.f32 v32, v50;
	v50 =	vpop (erf);
	v4 =	vld [tilespmem:$0x1FF40];
	[tilespmem:s26+$0x10180] =	vst v8  }
0x249: {  	v51 =	vmul.f32 v50, v27;
	[tilespmem:s0+$0x10190] =	vst v48  }
0x24a: {  	v52 =	vmul.f32 v50, v26;
	[tilespmem:s0+$0x10210] =	vst v49  }
0x24b: {  	v53 =	vmul.f32 v50, v15;
	[tilespmem:s0+$0xC180] =	vst v51  }
0x24c: {  	v54 =	vmul.f32 v50, v17;
	[tilespmem:s0+$0xC200] =	vst v52  }
0x24d: {  	v55 =	vmul.f32 v50, v18;
	[tilespmem:s0+$0xC280] =	vst v53  }
0x24e: {  	v56 =	vmul.f32 v50, v19;
	[tilespmem:s0+$0xC300] =	vst v54  }
0x24f: {  	v57 =	vmul.f32 v50, v20;
	[tilespmem:s0+$0xC380] =	vst v55  }
0x250: {  	v58 =	vmul.f32 v50, v24;
	[tilespmem:s0+$0xC400] =	vst v56  }
0x251: {  	v59 =	vmul.f32 v50, v30;
	[tilespmem:s2+$0xC180] =	vst v57  }
0x252: {  	v60 =	vmul.f32 v50, v36;
	[tilespmem:s4+$0xC180] =	vst v58  }
0x253: {  	v61 =	vmul.f32 v50, v38;
	[tilespmem:s0+$0xE180] =	vst v59  }
0x254: {  	v9 =	vmul.f32 v50, v9;
	[tilespmem:s0+$0xE200] =	vst v60  }
0x255: {  	v3 =	vmul.f32 v50, v3;
	[tilespmem:s0+$0xE280] =	vst v61  }
0x256: {  	v5 =	vmul.f32 v50, v5;
	[tilespmem:s0+$0xE300] =	vst v9  }
0x257: {  	v2 =	vmul.f32 v50, v2;
	[tilespmem:s0+$0xE380] =	vst v3  }
0x258: {  	v62 =	vmul.f32 v50, v7;
	[tilespmem:s0+$0xE400] =	vst v5  }
0x259: {  	v10 =	vmul.f32 v25, v10;
	[tilespmem:s9+$0xC180] =	vst v2  }
0x25a: {  	v0 =	vmul.f32 v50, v0;
	[tilespmem:s6+$0xC180] =	vst v62  }
0x25b: {  	v63 =	vmul.f32 v50, v6;
	[tilespmem:s26+$0x10200] =	vst v10  }
0x25c: {  	v1 =	vmul.f32 v50, v44;
	[tilespmem:s0+$0x10180] =	vst v0  }
0x25d: {  	p1 =	sne.s32 s23, $0x3;
	v4 =	vmul.f32 v25, v4;
	[tilespmem:s0+$0x10200] =	vst v63  }
.Ltmp1:
0x25e: {  	[tilespmem:s0+$0x10280] =	vst v1;
	(pc) =	sbr.rel @p1 .LBB2_6-.Ltmp1, $4  }
0x25f: {  	[tilespmem:s26+$0x10280] =	vst v4  }
0x260: {  	s0 =	rddreg [dreg:$0x6]  }
0x261: {  	s31 =	simm.s32 $0xC180;
	s0 =	sadd.s32 s25, s0  }
0x262: {  	[hbm4b:s0+s12] =	stream.strided.scatter [tilespmem:s31], [sflag:$0x3], $0x6000, s13, s12, $0x38;
	[tilespmem:$0x18180] =	vst v63  }
.Ltmp2:
0x263: {  	(pc) =	sbr.rel .LBB2_7-.Ltmp2, $4  }
0x264: {  	_ = 	snop  }
0x265: {  	_ =	swait.ge [sflag:s18], $0x6000  }
0x266: {  	[sflag:s18] =	ssyncset.done $0x0  }
0x267: {  	[sflag:s18] =	ssyncadd.s32 $0xFFFFA000  }
.LBB2_6:
0x268: {  	s0 =	rddreg [dreg:$0x7]  }
.Ltmp3:
0x269: {  	s2 =	simm.s32 $0x180;
	s0 =	sadd.s32 s25, s0;
	(pc) =	sbr.rel @p0 .LBB2_8-.Ltmp3, $4  }
0x26a: {  	[tilespmem:s2], [sflag:$0x1] =	stream.strided.gather [hbm4b:s0+s12], $0x6000, s13, s12, $0x38;
	[tilespmem:$0x18180] =	vst v63  }
0x26b: {  	_ =	swait.ge [sflag:s18], $0x6000  }
0x26c: {  	[sflag:s18] =	ssyncset.done $0x0  }
0x26d: {  	[sflag:s18] =	ssyncadd.s32 $0xFFFFA000  }
.LBB2_7:
0x26e: {  	s0 =	simm.s32 $0x4  }
0x26f: {  	_ =	swait.ge [sflag:s0], $0x6000  }
0x270: {  	[sflag:s0] =	ssyncset.done $0x0  }
0x271: {  	[sflag:s0] =	ssyncadd.s32 $0xFFFFA000  }
.LBB2_8:
0x272: {  	s3 =	simm.s32 $0x0  }
0x273: {  	s0 =	sand.u32 $0x60, s3;
	s2 =	sand.u32 $0x1C00, s3  }
0x274: {  	s25 =	sor.u32 s0, s2  }
0x275: {  	v0 =	vld [tilespmem:s25+$0x6190]  }
0x276: {  	v1 =	vld [tilespmem:s25+$0x6210]  }
0x277: {  	v2 =	vld [tilespmem:s25+$0x6180]  }
0x278: {  	v3 =	vld [tilespmem:s25+$0x6290]  }
0x279: {  	v4 =	vld [tilespmem:s25+$0x6200]  }
0x27a: {  	v5 =	vld [tilespmem:s25+$0x6310];
	v0 =	vmul.f32 $1.442695020e+00, v0  }
0x27b: {  	s5 =	sand.u32 $0x3, s3;
	v6 =	vld [tilespmem:s25+$0x6280];
	v1 =	vmul.f32 $1.442695020e+00, v1  }
0x27c: {  	s0 =	sshll.u32 s5, $0x5;
	v2 =	vmul.f32 $1.442695020e+00, v2;
	(erf) = vpow2.f32 v0;
	v0 =	vld [tilespmem:s25+$0x6300]  }
0x27d: {  	v7 =	vld [tilespmem:s25+$0x6390];
	s0 =	sadd.s32 $0x0, s0;
	v3 =	vmul.f32 $1.442695020e+00, v3;
	(erf) = vpow2.f32 v1  }
0x27e: {  	s6 =	sadd.s32 $0x10, s0;
	v1 =	vmul.f32 $1.442695020e+00, v4;
	v4 =	vld [tilespmem:s25+$0x6410];
	(erf) = vpow2.f32 v2  }
0x27f: {  	s14 =	sor.u32 $0x300, s6;
	v5 =	vmul.f32 $1.442695020e+00, v5;
	v2 =	vld [tilespmem:s25+$0x6380];
	(erf) = vpow2.f32 v3  }
0x280: {  	v3 =	vmul.f32 $1.442695020e+00, v6;
	v6 =	vld [tilespmem:s14+$0x6180];
	(erf) = vpow2.f32 v1  }
0x281: {  	v1 =	vld [tilespmem:s25+$0x6400];
	(erf) = vpow2.f32 v5;
	v0 =	vmul.f32 $1.442695020e+00, v0  }
0x282: {  	s8 =	sor.u32 $0x380, s6;
	v7 =	vmul.f32 $1.442695020e+00, v7;
	(erf) = vpow2.f32 v3  }
0x283: {  	s26 =	sor.u32 $0x300, s0;
	v5 =	vld [tilespmem:s8+$0x6180];
	v4 =	vmul.f32 $1.442695020e+00, v4  }
0x284: {  	s3 =	sor.u32 s3, s3;
	v3 =	vld [tilespmem:s26+$0x6180];
	(erf) = vpow2.f32 v7;
	v2 =	vmul.f32 $1.442695020e+00, v2  }
0x285: {  	s28 =	sor.u32 $0x380, s3;
	v8 =	vld [tilespmem:s25+$0x8190];
	(erf) = vpow2.f32 v0;
	v6 =	vmul.f32 $1.442695020e+00, v6;
	v0 =	vpop (erf)  }
0x286: {  	v9 =	vld [tilespmem:s28+$0x6180];
	(erf) = vpow2.f32 v4;
	v4 =	vmul.f32 $1.442695020e+00, v1;
	v1 =	vpop (erf)  }
0x287: {  	v10 =	vld [tilespmem:s25+$0x8210];
	(erf) = vpow2.f32 v2;
	v26 =	vpop (erf)  }
0x288: {  	v11 =	vld [tilespmem:s25+$0x8180];
	v2 =	vmul.f32 $1.442695020e+00, v5;
	(erf) = vpow2.f32 v6;
	v7 =	vpop (erf)  }
0x289: {  	v5 =	vadd.f32 v1, v0;
	v3 =	vmul.f32 $1.442695020e+00, v3;
	v6 =	vld [tilespmem:s25+$0x8290];
	(erf) = vpow2.f32 v4;
	v27 =	vpop (erf)  }
0x28a: {  	v12 =	vmul.f32 $1.442695020e+00, v8;
	v4 =	vld [tilespmem:s25+$0x8200];
	(erf) = vpow2.f32 v2;
	v49 =	vpop (erf)  }
0x28b: {  	v13 =	vld [tilespmem:s25+$0x8310];
	v9 =	vmul.f32 $1.442695020e+00, v9;
	v5 =	vadd.f32 v7, v5;
	(erf) = vpow2.f32 v3;
	v38 =	vpop (erf)  }
0x28c: {  	v14 =	vld [tilespmem:s25+$0x8280];
	v10 =	vmul.f32 $1.442695020e+00, v10;
	(erf) = vpow2.f32 v12;
	[tilespmem:$0x1FB40] =	vst v38  }
0x28d: {  	v3 =	vadd.f32 v49, v5;
	v5 =	vmul.f32 $1.442695020e+00, v11;
	(erf) = vpow2.f32 v9;
	v15 =	vpop (erf);
	v12 =	vld [tilespmem:s25+$0x8390]  }
0x28e: {  	v6 =	vmul.f32 $1.442695020e+00, v6;
	v50 =	vld [tilespmem:s25+$0x8300];
	v2 =	vpop (erf);
	(erf) = vpow2.f32 v10  }
0x28f: {  	v51 =	vadd.f32 v15, v3;
	v16 =	vmul.f32 $1.442695020e+00, v4;
	[tilespmem:$0x1FB50] =	vst v2;
	(erf) = vpow2.f32 v5;
	v52 =	vpop (erf)  }
0x290: {  	v13 =	vmul.f32 $1.442695020e+00, v13;
	v18 =	vld [tilespmem:s25+$0x8380];
	v62 =	vpop (erf);
	(erf) = vpow2.f32 v6  }
0x291: {  	v17 =	vld [tilespmem:s25+$0x8410];
	v5 =	vadd.f32 v52, v51;
	(erf) = vpow2.f32 v16  }
0x292: {  	s15 =	sor.u32 $0x2300, s6;
	v6 =	vmul.f32 $1.442695020e+00, v14;
	v53 =	vpop (erf);
	(erf) = vpow2.f32 v13  }
0x293: {  	v14 =	vld [tilespmem:s15+$0x6180];
	v19 =	vadd.f32 v53, v5;
	v3 =	vpop (erf);
	v12 =	vmul.f32 $1.442695020e+00, v12;
	v9 =	vmul.f32 $1.442695020e+00, v50  }
0x294: {  	s17 =	sor.u32 $0x2380, s6;
	v16 =	vld [tilespmem:s25+$0x8400];
	(erf) = vpow2.f32 v6;
	v20 =	vpop (erf)  }
0x295: {  	s29 =	sor.u32 $0x2300, s0;
	v13 =	vld [tilespmem:s17+$0x6180];
	v19 =	vadd.f32 v20, v19;
	v4 =	vpop (erf);
	(erf) = vpow2.f32 v12;
	v12 =	vmul.f32 $1.442695020e+00, v18  }
0x296: {  	s30 =	sor.u32 $0x2380, s3;
	v21 =	vld [tilespmem:s29+$0x6180];
	v17 =	vmul.f32 $1.442695020e+00, v17;
	[tilespmem:$0x1FB60] =	vst v4;
	v23 =	vpop (erf)  }
0x297: {  	(erf) = vpow2.f32 v9;
	v22 =	vld [tilespmem:s30+$0x6180];
	v19 =	vadd.f32 v23, v19;
	v9 =	vpop (erf)  }
0x298: {  	v14 =	vmul.f32 $1.442695020e+00, v14;
	v18 =	vld [tilespmem:s25+$0xA190];
	(erf) = vpow2.f32 v17;
	v24 =	vpop (erf)  }
0x299: {  	v16 =	vmul.f32 $1.442695020e+00, v16;
	(erf) = vpow2.f32 v12;
	v19 =	vadd.f32 v24, v19;
	v12 =	vpop (erf)  }
0x29a: {  	v13 =	vmul.f32 $1.442695020e+00, v13;
	(erf) = vpow2.f32 v14;
	v29 =	vpop (erf)  }
0x29b: {  	v21 =	vmul.f32 $1.442695020e+00, v21;
	(erf) = vpow2.f32 v16;
	v16 =	vadd.f32 v29, v19  }
0x29c: {  	v17 =	vld [tilespmem:s25+$0xA210];
	(erf) = vpow2.f32 v13;
	v13 =	vmul.f32 $1.442695020e+00, v22  }
0x29d: {  	v25 =	vld [tilespmem:s25+$0xA180];
	v18 =	vmul.f32 $1.442695020e+00, v18;
	v14 =	vpop (erf)  }
0x29e: {  	v28 =	vld [tilespmem:s25+$0xA290];
	(erf) = vpow2.f32 v21;
	v19 =	vpop (erf)  }
0x29f: {  	(erf) = vpow2.f32 v18;
	v21 =	vadd.f32 v19, v16;
	v16 =	vpop (erf)  }
0x2a0: {  	(erf) = vpow2.f32 v13;
	v13 =	vpop (erf)  }
0x2a1: {  	v17 =	vmul.f32 $1.442695020e+00, v17;
	v21 =	vadd.f32 v13, v21  }
0x2a2: {  	v18 =	vmul.f32 $1.442695020e+00, v25  }
0x2a3: {  	v22 =	vmul.f32 $1.442695020e+00, v28;
	(erf) = vpow2.f32 v17;
	v6 =	vpop (erf)  }
0x2a4: {  	(erf) = vpow2.f32 v18;
	v28 =	vpop (erf)  }
0x2a5: {  	v17 =	vadd.f32 v28, v21;
	v21 =	vpop (erf);
	(erf) = vpow2.f32 v22  }
0x2a6: {  	v30 =	vpop (erf)  }
0x2a7: {  	v17 =	vadd.f32 v30, v17;
	v22 =	vpop (erf)  }
0x2a8: {  	v31 =	vld [tilespmem:s25+$0xA200];
	v32 =	vpop (erf)  }
0x2a9: {  	v33 =	vld [tilespmem:s25+$0xA280];
	v17 =	vadd.f32 v32, v17;
	v36 =	vpop (erf)  }
0x2aa: {  	v34 =	vpop (erf)  }
0x2ab: {  	v17 =	vadd.f32 v34, v17;
	v37 =	vpop (erf)  }
0x2ac: {  	v18 =	vpop (erf)  }
0x2ad: {  	v31 =	vmul.f32 $1.442695020e+00, v31;
	v17 =	vadd.f32 v18, v17;
	v39 =	vpop (erf)  }
0x2ae: {  	v33 =	vmul.f32 $1.442695020e+00, v33;
	v35 =	vpop (erf)  }
0x2af: {  	(erf) = vpow2.f32 v31;
	v17 =	vadd.f32 v35, v17  }
0x2b0: {  	(erf) = vpow2.f32 v33  }
0x2b1: {  	(erf) = vrcp.f32 v17;
	_ =	sdelay $0x6  }
0x2b2: {  	v43 =	vpop (erf)  }
0x2b3: {  	v44 =	vpop (erf)  }
0x2b4: {  	v31 =	vpop (erf)  }
0x2b5: {  	v31 =	vmul.f32 $1.500000000e+01, v31;
	_ =	sdelay $0x1  }
0x2b6: {  	v0 =	vmul.f32 v31, v0;
	_ =	sdelay $0x1  }
0x2b7: {  	v17 =	vadd.f32 v27, v26;
	v0 =	vtrunc.f32 v0  }
0x2b8: {  	v0 =	vcvt.f32.s32 v0  }
0x2b9: {  	v17 =	vadd.f32 v38, v17  }
0x2ba: {  	v1 =	vmul.f32 v31, v1;
	vm0 =	vlt.s32 v0, $0xE  }
0x2bb: {  	v17 =	vadd.f32 v2, v17;
	v0 =	vnsel vm0, $0xE, v0  }
0x2bc: {  	v1 =	vtrunc.f32 v1  }
0x2bd: {  	v17 =	vadd.f32 v62, v17;
	v1 =	vcvt.f32.s32 v1;
	_ =	sdelay $0x1  }
0x2be: {  	v54 =	vadd.f32 v3, v17;
	vm1 =	vlt.s32 v1, $0xE  }
0x2bf: {  	v7 =	vmul.f32 v31, v7;
	v1 =	vnsel vm1, $0xE, v1;
	v2 =	vld.idx.msk [tilespmem:v0+s1+$0x0], $0xffff  }
0x2c0: {  	v57 =	vadd.f32 v4, v54;
	v1 =	vadd.s32 $0xF, v1  }
0x2c1: {  	v7 =	vtrunc.f32 v7  }
0x2c2: {  	v58 =	vmul.f32 v31, v13;
	v13 =	vadd.f32 v9, v57;
	v7 =	vcvt.f32.s32 v7;
	_ =	sdelay $0x1  }
0x2c3: {  	v15 =	vmul.f32 v31, v15;
	v13 =	vadd.f32 v12, v13;
	vm0 =	vlt.s32 v7, $0xE;
	[tilespmem:$0x1FBD0] =	vst v2  }
0x2c4: {  	v8 =	vmul.f32 v31, v49;
	v7 =	vnsel vm0, $0xE, v7;
	v4 =	vld.idx.msk [tilespmem:v1+s1+$0x0], $0xffff  }
0x2c5: {  	v42 =	vadd.f32 v14, v13;
	v13 =	vtrunc.f32 v15;
	v15 =	vadd.s32 $0x1E, v7  }
0x2c6: {  	v8 =	vtrunc.f32 v8  }
0x2c7: {  	v8 =	vcvt.f32.s32 v8  }
0x2c8: {  	v17 =	vmul.f32 v31, v35  }
0x2c9: {  	v34 =	vmul.f32 v31, v34;
	v30 =	vmul.f32 v31, v30;
	vm0 =	vlt.s32 v8, $0xE;
	[tilespmem:$0x1FBE0] =	vst v4  }
0x2ca: {  	v55 =	vmul.f32 v31, v32;
	v28 =	vmul.f32 v31, v28;
	v7 =	vnsel vm0, $0xE, v8;
	v5 =	vld.idx.msk [tilespmem:v15+s1+$0x0], $0xffff  }
0x2cb: {  	v29 =	vmul.f32 v31, v29;
	v10 =	vmul.f32 v31, v52;
	v61 =	vadd.s32 $0x2D, v7  }
0x2cc: {  	v60 =	vmul.f32 v31, v53;
	v13 =	vcvt.f32.s32 v13  }
0x2cd: {  	v19 =	vmul.f32 v31, v19;
	v23 =	vmul.f32 v31, v23  }
0x2ce: {  	v59 =	vtrunc.f32 v10;
	v10 =	vtrunc.f32 v60;
	vm0 =	vlt.s32 v13, $0xE  }
0x2cf: {  	v63 =	vcvt.f32.s32 v59;
	v0 =	vnsel vm0, $0xE, v13;
	v13 =	vmul.f32 v31, v20;
	[tilespmem:$0x1FC00] =	vst v5  }
0x2d0: {  	v29 =	vtrunc.f32 v29;
	v1 =	vcvt.f32.s32 v10;
	v7 =	vld.idx.msk [tilespmem:v61+s1+$0x0], $0xffff  }
0x2d1: {  	vm0 =	vlt.s32 v63, $0xE;
	v0 =	vadd.s32 $0x3C, v0;
	v13 =	vtrunc.f32 v13  }
0x2d2: {  	v20 =	vnsel vm0, $0xE, v63;
	v13 =	vcvt.f32.s32 v13;
	vm0 =	vlt.s32 v1, $0xE  }
0x2d3: {  	v15 =	vadd.s32 $0x4B, v20;
	v20 =	vtrunc.f32 v23;
	v23 =	vmul.f32 v31, v24  }
0x2d4: {  	v1 =	vnsel vm0, $0xE, v1;
	vm0 =	vlt.s32 v13, $0xE;
	v20 =	vcvt.f32.s32 v20  }
0x2d5: {  	v1 =	vadd.s32 $0x5A, v1;
	v24 =	vadd.f32 v4, v2;
	v23 =	vtrunc.f32 v23;
	[tilespmem:$0x1FC10] =	vst v7  }
0x2d6: {  	v10 =	vnsel vm0, $0xE, v13;
	vm0 =	vlt.s32 v20, $0xE;
	v23 =	vcvt.f32.s32 v23;
	v13 =	vld.idx.msk [tilespmem:v0+s1+$0x0], $0xffff  }
0x2d7: {  	v20 =	vnsel vm0, $0xE, v20;
	v24 =	vadd.f32 v5, v24;
	v0 =	vadd.s32 $0x69, v10  }
0x2d8: {  	v29 =	vcvt.f32.s32 v29;
	v20 =	vadd.s32 $0x78, v20;
	vm0 =	vlt.s32 v23, $0xE;
	v15 =	vld.idx.msk [tilespmem:v15+s1+$0x0], $0xffff  }
0x2d9: {  	v19 =	vtrunc.f32 v19;
	v23 =	vnsel vm0, $0xE, v23;
	v24 =	vadd.f32 v7, v24  }
0x2da: {  	v19 =	vcvt.f32.s32 v19;
	vm0 =	vlt.s32 v29, $0xE;
	v32 =	vld.idx.msk [tilespmem:v1+s1+$0x0], $0xffff;
	v1 =	vadd.s32 $0x87, v23  }
0x2db: {  	v23 =	vadd.f32 v13, v24;
	v24 =	vnsel vm0, $0xE, v29;
	v29 =	vtrunc.f32 v58  }
0x2dc: {  	v28 =	vtrunc.f32 v28;
	v33 =	vld.idx.msk [tilespmem:v0+s1+$0x0], $0xffff;
	v0 =	vadd.s32 $0x96, v24;
	v24 =	vcvt.f32.s32 v29  }
0x2dd: {  	v59 =	vld.idx.msk [tilespmem:v20+s1+$0x0], $0xffff;
	v20 =	vcvt.f32.s32 v28;
	vm0 =	vlt.s32 v19, $0xE;
	v23 =	vadd.f32 v15, v23  }
0x2de: {  	v28 =	vtrunc.f32 v30;
	v19 =	vnsel vm0, $0xE, v19;
	vm0 =	vlt.s32 v24, $0xE  }
0x2df: {  	v19 =	vadd.s32 $0xA5, v19;
	v23 =	vadd.f32 v32, v23;
	v24 =	vnsel vm0, $0xE, v24  }
0x2e0: {  	v60 =	vld.idx.msk [tilespmem:v1+s1+$0x0], $0xffff;
	vm0 =	vlt.s32 v20, $0xE;
	v1 =	vadd.s32 $0xB4, v24;
	v24 =	vcvt.f32.s32 v28  }
0x2e1: {  	v20 =	vnsel vm0, $0xE, v20;
	v28 =	vtrunc.f32 v55;
	v23 =	vadd.f32 v33, v23  }
0x2e2: {  	v18 =	vmul.f32 v31, v18;
	v38 =	vld.idx.msk [tilespmem:v0+s1+$0x0], $0xffff;
	v0 =	vadd.s32 $0xC3, v20;
	v20 =	vcvt.f32.s32 v28  }
0x2e3: {  	v28 =	vtrunc.f32 v34;
	vm0 =	vlt.s32 v24, $0xE;
	v23 =	vadd.f32 v59, v23  }
0x2e4: {  	v40 =	vld.idx.msk [tilespmem:v19+s1+$0x0], $0xffff;
	v19 =	vnsel vm0, $0xE, v24;
	vm0 =	vlt.s32 v20, $0xE;
	v24 =	vcvt.f32.s32 v28  }
0x2e5: {  	v19 =	vadd.s32 $0xD2, v19;
	v20 =	vnsel vm0, $0xE, v20;
	v23 =	vadd.f32 v60, v23  }
0x2e6: {  	v41 =	vld.idx.msk [tilespmem:v1+s1+$0x0], $0xffff;
	v1 =	vtrunc.f32 v18;
	v18 =	vadd.s32 $0xE1, v20;
	vm0 =	vlt.s32 v24, $0xE  }
0x2e7: {  	v1 =	vcvt.f32.s32 v1;
	v20 =	vadd.f32 v38, v23;
	v23 =	vnsel vm0, $0xE, v24  }
0x2e8: {  	v24 =	vadd.f32 v16, v42;
	v42 =	vld.idx.msk [tilespmem:v0+s1+$0x0], $0xffff;
	v0 =	vtrunc.f32 v17;
	v17 =	vadd.s32 $0xF0, v23  }
0x2e9: {  	vm0 =	vlt.s32 v1, $0xE;
	v0 =	vcvt.f32.s32 v0;
	v20 =	vadd.f32 v40, v20  }
0x2ea: {  	v23 =	vadd.f32 v6, v24;
	v46 =	vld.idx.msk [tilespmem:v19+s1+$0x0], $0xffff;
	v1 =	vnsel vm0, $0xE, v1  }
0x2eb: {  	v1 =	vadd.s32 $0xFF, v1;
	vm0 =	vlt.s32 v0, $0xE;
	v19 =	vadd.f32 v41, v20  }
0x2ec: {  	v47 =	vld.idx.msk [tilespmem:v18+s1+$0x0], $0xffff;
	v20 =	vadd.f32 v21, v23;
	v0 =	vnsel vm0, $0xE, v0  }
0x2ed: {  	v0 =	vadd.s32 $0x10E, v0;
	v18 =	vadd.f32 v42, v19  }
0x2ee: {  	v19 =	vadd.f32 v22, v20;
	v45 =	vld.idx.msk [tilespmem:v17+s1+$0x0], $0xffff  }
0x2ef: {  	v17 =	vadd.f32 v46, v18  }
0x2f0: {  	v18 =	vadd.f32 v36, v19;
	v48 =	vld.idx.msk [tilespmem:v1+s1+$0x0], $0xffff  }
0x2f1: {  	v1 =	vadd.f32 v47, v17  }
0x2f2: {  	s7 =	simm.s32 $0x100;
	s5 =	simm.s32 $0x20;
	v17 =	vadd.f32 v37, v18;
	v49 =	vld.idx.msk [tilespmem:v0+s1+$0x0], $0xffff  }
0x2f3: {  	s10 =	sand.u32 $0x1C00, s7;
	s9 =	sand.u32 $0x60, s5;
	v0 =	vadd.f32 v45, v1  }
0x2f4: {  	s31 =	sor.u32 s9, s10;
	v1 =	vadd.f32 v39, v17  }
0x2f5: {  	v17 =	vld [tilespmem:s31+$0x6190];
	v0 =	vadd.f32 v48, v0  }
0x2f6: {  	v18 =	vld [tilespmem:s31+$0x6210];
	v1 =	vadd.f32 v43, v1  }
0x2f7: {  	v19 =	vld [tilespmem:s31+$0x6180];
	v0 =	vadd.f32 v49, v0  }
0x2f8: {  	v20 =	vld [tilespmem:s31+$0x6290];
	v1 =	vadd.f32 v44, v1  }
0x2f9: {  	v23 =	vld [tilespmem:s31+$0x6200];
	vm0 =	veq.f32 v0, $0.0e+00  }
0x2fa: {  	s6 =	simm.s32 $0x1;
	(erf) = vrcp.f32 v1;
	v1 =	vmul.f32 $1.442695020e+00, v17;
	v17 =	vld [tilespmem:s31+$0x6310];
	v0 =	vsel vm0, $0x3F800000, v0  }
0x2fb: {  	s11 =	sand.u32 $0x3, s6;
	v18 =	vmul.f32 $1.442695020e+00, v18;
	(erf) = vrcp.f32 v0;
	v0 =	vld [tilespmem:s31+$0x6280]  }
0x2fc: {  	s0 =	sshll.u32 s11, $0x5;
	v24 =	vld [tilespmem:s31+$0x6390];
	v19 =	vmul.f32 $1.442695020e+00, v19;
	(erf) = vpow2.f32 v1  }
0x2fd: {  	s19 =	sadd.s32 $0x100, s0;
	v20 =	vmul.f32 $1.442695020e+00, v20;
	v1 =	vld [tilespmem:s31+$0x6300];
	(erf) = vpow2.f32 v18  }
0x2fe: {  	s4 =	sadd.s32 $0x10, s19;
	v18 =	vmul.f32 $1.442695020e+00, v23;
	v23 =	vld [tilespmem:s31+$0x6410];
	(erf) = vpow2.f32 v19  }
0x2ff: {  	s20 =	sor.u32 $0x300, s4;
	v19 =	vld [tilespmem:s31+$0x6380];
	v17 =	vmul.f32 $1.442695020e+00, v17;
	(erf) = vpow2.f32 v20  }
0x300: {  	v20 =	vld [tilespmem:s20+$0x6180];
	v0 =	vmul.f32 $1.442695020e+00, v0;
	(erf) = vpow2.f32 v18  }
0x301: {  	s22 =	sor.u32 $0x380, s4;
	v24 =	vmul.f32 $1.442695020e+00, v24;
	v18 =	vld [tilespmem:s31+$0x6400];
	(erf) = vpow2.f32 v17  }
0x302: {  	s0 =	sor.u32 $0x300, s19;
	v1 =	vmul.f32 $1.442695020e+00, v1;
	v17 =	vld [tilespmem:s22+$0x6180];
	(erf) = vpow2.f32 v0  }
0x303: {  	s5 =	sor.u32 s5, s7;
	v0 =	vld [tilespmem:s0+$0x6180];
	v23 =	vmul.f32 $1.442695020e+00, v23;
	v8 =	vpop (erf);
	(erf) = vpow2.f32 v24  }
0x304: {  	s2 =	sor.u32 $0x380, s5;
	v19 =	vmul.f32 $1.442695020e+00, v19;
	v24 =	vld [tilespmem:s31+$0x8190];
	(erf) = vpow2.f32 v1;
	v56 =	vpop (erf)  }
0x305: {  	v28 =	vld [tilespmem:s2+$0x6180];
	v20 =	vmul.f32 $1.442695020e+00, v20;
	(erf) = vpow2.f32 v23;
	v50 =	vpop (erf)  }
0x306: {  	v29 =	vld [tilespmem:s31+$0x8210];
	v18 =	vmul.f32 $1.442695020e+00, v18;
	(erf) = vpow2.f32 v19;
	v51 =	vpop (erf)  }
0x307: {  	v19 =	vld [tilespmem:s31+$0x8180];
	v17 =	vmul.f32 $1.442695020e+00, v17;
	(erf) = vpow2.f32 v20;
	v7 =	vpop (erf)  }
0x308: {  	v0 =	vmul.f32 $1.442695020e+00, v0;
	v20 =	vld [tilespmem:s31+$0x8290];
	(erf) = vpow2.f32 v18;
	[tilespmem:$0x1FCF0] =	vst v7;
	v52 =	vpop (erf)  }
0x309: {  	v30 =	vmul.f32 $1.442695020e+00, v24;
	v18 =	vld [tilespmem:s31+$0x8200];
	(erf) = vpow2.f32 v17;
	v11 =	vpop (erf)  }
0x30a: {  	v17 =	vmul.f32 $1.442695020e+00, v28;
	v28 =	vld [tilespmem:s31+$0x8310];
	(erf) = vpow2.f32 v0;
	[tilespmem:$0x1FCE0] =	vst v11;
	v53 =	vpop (erf)  }
0x30b: {  	v29 =	vmul.f32 $1.442695020e+00, v29;
	v0 =	vld [tilespmem:s31+$0x8280];
	(erf) = vpow2.f32 v30;
	v2 =	vpop (erf)  }
0x30c: {  	v19 =	vmul.f32 $1.442695020e+00, v19;
	v30 =	vld [tilespmem:s31+$0x8390];
	(erf) = vpow2.f32 v17;
	[tilespmem:$0x1FD00] =	vst v2;
	v54 =	vpop (erf)  }
0x30d: {  	v20 =	vmul.f32 $1.442695020e+00, v20;
	v17 =	vld [tilespmem:s31+$0x8300];
	(erf) = vpow2.f32 v29;
	v35 =	vpop (erf)  }
0x30e: {  	v29 =	vld [tilespmem:s31+$0x8410];
	v18 =	vmul.f32 $1.442695020e+00, v18;
	(erf) = vpow2.f32 v19;
	v55 =	vpop (erf)  }
0x30f: {  	s11 =	sor.u32 $0x2300, s4;
	v19 =	vld [tilespmem:s31+$0x8380];
	v28 =	vmul.f32 $1.442695020e+00, v28;
	(erf) = vpow2.f32 v20;
	v34 =	vpop (erf)  }
0x310: {  	v20 =	vld [tilespmem:s11+$0x6180];
	v0 =	vmul.f32 $1.442695020e+00, v0;
	(erf) = vpow2.f32 v18;
	[tilespmem:$0x1FD10] =	vst v34;
	v57 =	vpop (erf)  }
0x311: {  	s21 =	sor.u32 $0x2380, s4;
	v30 =	vmul.f32 $1.442695020e+00, v30;
	v18 =	vld [tilespmem:s31+$0x8400];
	(erf) = vpow2.f32 v28;
	v5 =	vpop (erf)  }
0x312: {  	s4 =	sor.u32 $0x2300, s19;
	v28 =	vld [tilespmem:s21+$0x6180];
	v17 =	vmul.f32 $1.442695020e+00, v17;
	(erf) = vpow2.f32 v0;
	[tilespmem:$0x1FD20] =	vst v5;
	v58 =	vpop (erf)  }
0x313: {  	v29 =	vmul.f32 $1.442695020e+00, v29;
	v0 =	vld [tilespmem:s4+$0x6180];
	(erf) = vpow2.f32 v30;
	v10 =	vpop (erf)  }
0x314: {  	s9 =	sor.u32 $0x2380, s5;
	v30 =	vmul.f32 $1.442695020e+00, v19;
	v31 =	vld [tilespmem:s31+$0xA190];
	(erf) = vpow2.f32 v17;
	[tilespmem:$0x1FD30] =	vst v10;
	v25 =	vpop (erf)  }
0x315: {  	v20 =	vmul.f32 $1.442695020e+00, v20;
	v17 =	vld [tilespmem:s9+$0x6180];
	(erf) = vpow2.f32 v29;
	v23 =	vpop (erf)  }
0x316: {  	v29 =	vld [tilespmem:s31+$0xA210];
	v18 =	vmul.f32 $1.442695020e+00, v18;
	(erf) = vpow2.f32 v30;
	[tilespmem:$0x1FD40] =	vst v23  }
0x317: {  	v28 =	vmul.f32 $1.442695020e+00, v28;
	v24 =	vpop (erf);
	(erf) = vpow2.f32 v20;
	v30 =	vld [tilespmem:s31+$0xA180]  }
0x318: {  	v61 =	vld [tilespmem:s31+$0xA290];
	v4 =	vpop (erf);
	(erf) = vpow2.f32 v18;
	v0 =	vmul.f32 $1.442695020e+00, v0  }
0x319: {  	v18 =	vmul.f32 $1.442695020e+00, v31;
	[tilespmem:$0x1FD50] =	vst v4;
	(erf) = vpow2.f32 v28  }
0x31a: {  	v28 =	vld [tilespmem:s31+$0xA200];
	(erf) = vpow2.f32 v0;
	v0 =	vmul.f32 $1.442695020e+00, v17  }
0x31b: {  	v20 =	vpop (erf);
	v31 =	vld [tilespmem:s31+$0xA280];
	v29 =	vmul.f32 $1.442695020e+00, v29;
	(erf) = vpow2.f32 v18  }
0x31c: {  	v1 =	vpop (erf);
	(erf) = vpow2.f32 v0;
	v0 =	vmul.f32 $1.442695020e+00, v30  }
0x31d: {  	v19 =	vpop (erf);
	v30 =	vadd.f32 v51, v50;
	(erf) = vpow2.f32 v29;
	v29 =	vmul.f32 $1.442695020e+00, v61  }
0x31e: {  	v63 =	vpop (erf);
	(erf) = vpow2.f32 v0  }
0x31f: {  	v18 =	vpop (erf);
	v28 =	vmul.f32 $1.442695020e+00, v28;
	(erf) = vpow2.f32 v29;
	v29 =	vadd.f32 v52, v30  }
0x320: {  	v32 =	vmul.f32 v56, v32;
	v11 =	vadd.f32 v11, v7;
	v0 =	vld [tilespmem:$0x1FB40];
	v30 =	vmul.f32 $1.442695020e+00, v31  }
0x321: {  	v7 =	vpop (erf);
	(erf) = vpow2.f32 v28;
	v28 =	vmul.f32 $1.500000000e+01, v8;
	v29 =	vadd.f32 v53, v29  }
0x322: {  	v33 =	vmul.f32 v56, v33;
	v17 =	vpop (erf);
	v31 =	vadd.f32 v2, v11;
	(erf) = vpow2.f32 v30  }
0x323: {  	v27 =	vmul.f32 v28, v27;
	v26 =	vmul.f32 v28, v26;
	v2 =	vadd.f32 v54, v29  }
0x324: {  	v30 =	vadd.f32 v35, v31;
	v12 =	vmul.f32 v28, v12;
	v8 =	vmul.f32 v28, v14  }
0x325: {  	v11 =	vmul.f32 v28, v21;
	v31 =	vmul.f32 v28, v0;
	v2 =	vadd.f32 v55, v2  }
0x326: {  	v29 =	vmul.f32 v28, v62;
	v62 =	vmul.f32 v28, v3;
	v3 =	vadd.f32 v34, v30  }
0x327: {  	v34 =	vmul.f32 v28, v22;
	v21 =	vtrunc.f32 v27;
	v2 =	vadd.f32 v57, v2  }
0x328: {  	v22 =	vtrunc.f32 v26;
	v12 =	vtrunc.f32 v12;
	v3 =	vadd.f32 v5, v3  }
0x329: {  	v0 =	vld [tilespmem:$0x1FB50];
	v5 =	vmul.f32 v28, v16;
	v21 =	vcvt.f32.s32 v21;
	v16 =	vadd.f32 v58, v2  }
0x32a: {  	v22 =	vcvt.f32.s32 v22;
	v26 =	vtrunc.f32 v31;
	v14 =	vadd.f32 v10, v3  }
0x32b: {  	v26 =	vcvt.f32.s32 v26;
	v3 =	vmul.f32 v28, v36;
	v16 =	vadd.f32 v25, v16  }
0x32c: {  	v10 =	vmul.f32 v28, v37;
	vm0 =	vlt.s32 v21, $0xE;
	v14 =	vadd.f32 v23, v14  }
0x32d: {  	vm1 =	vlt.s32 v22, $0xE;
	v5 =	vtrunc.f32 v5;
	v16 =	vadd.f32 v24, v16  }
0x32e: {  	v61 =	vmul.f32 v28, v0;
	v0 =	vld [tilespmem:$0x1FB60];
	v21 =	vnsel vm0, $0xE, v21;
	v14 =	vadd.f32 v4, v14  }
0x32f: {  	vm0 =	vlt.s32 v26, $0xE;
	v2 =	vmul.f32 v28, v39;
	v16 =	vadd.f32 v20, v16  }
0x330: {  	v23 =	vmul.f32 v28, v43;
	v43 =	vmul.f32 v28, v44;
	v14 =	vadd.f32 v1, v14  }
0x331: {  	v21 =	vadd.s32 $0xF, v21;
	v26 =	vnsel vm0, $0xE, v26;
	v16 =	vadd.f32 v19, v16  }
0x332: {  	v27 =	vtrunc.f32 v61;
	v26 =	vadd.s32 $0x1E, v26;
	v14 =	vadd.f32 v63, v14  }
0x333: {  	v27 =	vcvt.f32.s32 v27;
	v30 =	vmul.f32 v28, v0;
	v16 =	vadd.f32 v18, v16  }
0x334: {  	v0 =	vmul.f32 v28, v9;
	v9 =	vmul.f32 v28, v6;
	v14 =	vadd.f32 v7, v14  }
0x335: {  	v36 =	vpop (erf);
	v28 =	vtrunc.f32 v29;
	v29 =	vtrunc.f32 v62;
	v16 =	vadd.f32 v17, v16  }
0x336: {  	[tilespmem:$0x1FD60] =	vst v1;
	v22 =	vnsel vm1, $0xE, v22;
	v44 =	vpop (erf);
	vm0 =	vlt.s32 v27, $0xE;
	v14 =	vadd.f32 v36, v14  }
0x337: {  	[tilespmem:$0x1FD70] =	vst v63;
	v37 =	vpop (erf);
	v28 =	vcvt.f32.s32 v28;
	v27 =	vnsel vm0, $0xE, v27;
	v16 =	vadd.f32 v44, v16  }
0x338: {  	[tilespmem:$0x1FD80] =	vst v7;
	v31 =	vcvt.f32.s32 v29;
	v27 =	vadd.s32 $0x2D, v27;
	v29 =	vpop (erf);
	v14 =	vadd.f32 v37, v14  }
0x339: {  	v62 =	vld.idx.msk [tilespmem:v21+s1+$0x0], $0xffff;
	v21 =	vtrunc.f32 v30;
	vm0 =	vlt.s32 v28, $0xE;
	v39 =	vpop (erf);
	v16 =	vadd.f32 v29, v16  }
0x33a: {  	v61 =	vld.idx.msk [tilespmem:v26+s1+$0x0], $0xffff;
	v28 =	vnsel vm0, $0xE, v28;
	vm0 =	vlt.s32 v31, $0xE;
	v7 =	vpop (erf);
	v14 =	vadd.f32 v39, v14  }
0x33b: {  	v63 =	vld.idx.msk [tilespmem:v22+s1+$0x0], $0xffff;
	v30 =	vnsel vm0, $0xE, v31;
	v31 =	vcvt.f32.s32 v21;
	v22 =	vpop (erf);
	v16 =	vadd.f32 v7, v16  }
0x33c: {  	v12 =	vcvt.f32.s32 v12;
	v5 =	vcvt.f32.s32 v5;
	v6 =	vpop (erf);
	v14 =	vadd.f32 v22, v14  }
0x33d: {  	v3 =	vtrunc.f32 v3;
	v26 =	vtrunc.f32 v0;
	vm0 =	vlt.s32 v31, $0xE;
	v21 =	vpop (erf)  }
0x33e: {  	v28 =	vadd.s32 $0x3C, v28;
	v31 =	vnsel vm0, $0xE, v31;
	v1 =	vpop (erf);
	v14 =	vadd.f32 v21, v14  }
0x33f: {  	v0 =	vld.idx.msk [tilespmem:v27+s1+$0x0], $0xffff;
	[tilespmem:$0x1FB80] =	vst v62;
	v27 =	vadd.s32 $0x5A, v31;
	v31 =	vadd.f32 v6, v16;
	v16 =	vmov v61;
	v61 =	vpop (erf)  }
0x340: {  	v10 =	vtrunc.f32 v10;
	v26 =	vcvt.f32.s32 v26;
	[tilespmem:$0x1FB70] =	vst v61;
	v61 =	vadd.f32 v61, v14  }
0x341: {  	v30 =	vadd.s32 $0x4B, v30;
	[tilespmem:$0x1FB90] =	vst v63;
	v62 =	vadd.f32 v62, v63;
	v31 =	vadd.f32 v1, v31;
	v63 =	vpop (erf)  }
0x342: {  	v4 =	vtrunc.f32 v8;
	vm0 =	vlt.s32 v26, $0xE;
	v61 =	vadd.f32 v63, v61  }
0x343: {  	v4 =	vcvt.f32.s32 v4;
	v26 =	vnsel vm0, $0xE, v26;
	v14 =	vld.idx.msk [tilespmem:v28+s1+$0x0], $0xffff;
	(erf) = vrcp.f32 v31  }
0x344: {  	vm0 =	vlt.s32 v12, $0xE;
	v26 =	vadd.s32 $0x69, v26;
	(erf) = vrcp.f32 v61;
	v61 =	vld [tilespmem:$0x1FBD0]  }
0x345: {  	v12 =	vnsel vm0, $0xE, v12;
	vm0 =	vlt.s32 v4, $0xE;
	v28 =	vadd.f32 v16, v62;
	[tilespmem:$0x1FBA0] =	vst v63  }
0x346: {  	v3 =	vcvt.f32.s32 v3;
	v12 =	vadd.s32 $0x78, v12;
	v4 =	vnsel vm0, $0xE, v4;
	v30 =	vld.idx.msk [tilespmem:v30+s1+$0x0], $0xffff  }
0x347: {  	vm0 =	vlt.s32 v5, $0xE;
	v62 =	vtrunc.f32 v9;
	[tilespmem:$0x1FBB0] =	vst v0;
	v63 =	vld [tilespmem:$0x1FC10];
	v28 =	vadd.f32 v0, v28  }
0x348: {  	v2 =	vtrunc.f32 v2;
	v5 =	vnsel vm0, $0xE, v5;
	v62 =	vcvt.f32.s32 v62;
	v0 =	vld.idx.msk [tilespmem:v27+s1+$0x0], $0xffff;
	[tilespmem:$0x1FBC0] =	vst v14  }
0x349: {  	v28 =	vadd.f32 v14, v28;
	v14 =	vld.idx.msk [tilespmem:v26+s1+$0x0], $0xffff;
	v27 =	vmul.f32 v56, v61;
	v61 =	vadd.s32 $0x87, v4  }
0x34a: {  	v2 =	vcvt.f32.s32 v2;
	v5 =	vadd.s32 $0x96, v5;
	v9 =	vtrunc.f32 v11;
	v4 =	vld [tilespmem:$0x1FBE0]  }
0x34b: {  	v9 =	vcvt.f32.s32 v9;
	vm0 =	vlt.s32 v62, $0xE;
	[tilespmem:$0x1FBF0] =	vst v30;
	v31 =	vadd.f32 v30, v28  }
0x34c: {  	v30 =	vmul.f32 v56, v63;
	v8 =	vld.idx.msk [tilespmem:v12+s1+$0x0], $0xffff;
	v28 =	vmul.f32 v56, v13;
	v12 =	vnsel vm0, $0xE, v62  }
0x34d: {  	[tilespmem:$0x1FC20] =	vst v0;
	vm0 =	vlt.s32 v9, $0xE;
	v62 =	vmul.f32 v56, v60;
	v63 =	vadd.f32 v0, v31  }
0x34e: {  	v60 =	vmul.f32 v56, v41;
	v12 =	vadd.s32 $0xA5, v12;
	v31 =	vmul.f32 v56, v15;
	v0 =	vld.idx.msk [tilespmem:v61+s1+$0x0], $0xffff  }
0x34f: {  	v11 =	vadd.f32 v14, v63;
	v26 =	vmul.f32 v56, v4;
	v61 =	vtrunc.f32 v34  }
0x350: {  	v9 =	vnsel vm0, $0xE, v9;
	v4 =	vld [tilespmem:$0x1FC00];
	[tilespmem:$0x1FC30] =	vst v14;
	v34 =	vmul.f32 v56, v59;
	v59 =	vcvt.f32.s32 v61  }
0x351: {  	v63 =	vmul.f32 v56, v38;
	v38 =	vadd.s32 $0xB4, v9;
	v13 =	vld.idx.msk [tilespmem:v5+s1+$0x0], $0xffff;
	v5 =	vadd.f32 v8, v11  }
0x352: {  	[tilespmem:$0x1FC40] =	vst v8;
	v61 =	vmul.f32 v56, v40;
	v40 =	vmul.f32 v56, v45;
	vm0 =	vlt.s32 v59, $0xE  }
0x353: {  	v9 =	vnsel vm0, $0xE, v59;
	v59 =	vmul.f32 v56, v42;
	v42 =	vmul.f32 v56, v46;
	[tilespmem:$0x1FC50] =	vst v0  }
0x354: {  	v46 =	vmul.f32 v56, v47;
	v5 =	vadd.f32 v0, v5;
	v0 =	vld.idx.msk [tilespmem:v12+s1+$0x0], $0xffff;
	v12 =	vcvt.f32.s32 v10  }
0x355: {  	vm0 =	vlt.s32 v3, $0xE;
	v47 =	vmul.f32 v56, v49;
	v4 =	vmul.f32 v56, v4  }
0x356: {  	v11 =	vadd.s32 $0xC3, v9;
	v3 =	vnsel vm0, $0xE, v3;
	vm0 =	vlt.s32 v12, $0xE  }
0x357: {  	v49 =	vpop (erf);
	v8 =	vld.idx.msk [tilespmem:v38+s1+$0x0], $0xffff;
	v3 =	vadd.s32 $0xD2, v3;
	v5 =	vadd.f32 v13, v5;
	v12 =	vnsel vm0, $0xE, v12  }
0x358: {  	v45 =	vadd.s32 $0xE1, v12;
	v12 =	vtrunc.f32 v23;
	v23 =	vmul.f32 $1.500000000e+01, v49  }
0x359: {  	v38 =	vmul.f32 v56, v48;
	vm0 =	vlt.s32 v2, $0xE;
	v48 =	vcvt.f32.s32 v12  }
0x35a: {  	v5 =	vadd.f32 v0, v5;
	v6 =	vmul.f32 v23, v6;
	v41 =	vmul.f32 v23, v44  }
0x35b: {  	v9 =	vld.idx.msk [tilespmem:v11+s1+$0x0], $0xffff;
	[tilespmem:$0x1FC60] =	vst v0;
	v0 =	vnsel vm0, $0xE, v2;
	v29 =	vmul.f32 v23, v29;
	v2 =	vmul.f32 v23, v18  }
0x35c: {  	[tilespmem:$0x1FC70] =	vst v8;
	v44 =	vmul.f32 v23, v17;
	v49 =	vmul.f32 v23, v19  }
0x35d: {  	v18 =	vmul.f32 v23, v50;
	v19 =	vmul.f32 v23, v51;
	v56 =	vadd.f32 v8, v5;
	v8 =	vld.idx.msk [tilespmem:v3+s1+$0x0], $0xffff  }
0x35e: {  	v50 =	vmul.f32 v23, v54;
	v51 =	vmul.f32 v23, v53  }
0x35f: {  	v53 =	vmul.f32 v23, v57;
	v25 =	vmul.f32 v23, v25  }
0x360: {  	v0 =	vadd.s32 $0xF0, v0;
	v5 =	vtrunc.f32 v43;
	v3 =	vmul.f32 v23, v1  }
0x361: {  	vm0 =	vlt.s32 v48, $0xE;
	v43 =	vcvt.f32.s32 v5;
	v5 =	vmul.f32 v23, v7;
	[tilespmem:$0x1FC80] =	vst v9  }
0x362: {  	v18 =	vtrunc.f32 v18;
	v1 =	vadd.f32 v9, v56;
	v56 =	vmul.f32 v23, v20;
	[tilespmem:$0x1FC90] =	vst v8  }
0x363: {  	v20 =	vnsel vm0, $0xE, v48;
	v48 =	vmul.f32 v23, v52;
	vm0 =	vlt.s32 v43, $0xE;
	v7 =	vld.idx.msk [tilespmem:v45+s1+$0x0], $0xffff  }
0x364: {  	v19 =	vtrunc.f32 v19;
	v20 =	vadd.s32 $0xFF, v20;
	v43 =	vnsel vm0, $0xE, v43  }
0x365: {  	v52 =	vmul.f32 v23, v55;
	v48 =	vtrunc.f32 v48;
	v57 =	vld.idx.msk [tilespmem:v0+s1+$0x0], $0xffff;
	v0 =	vadd.s32 $0x10E, v43  }
0x366: {  	v45 =	vcvt.f32.s32 v18;
	v43 =	vmul.f32 v23, v58  }
0x367: {  	v1 =	vadd.f32 v8, v1;
	v23 =	vmul.f32 v23, v24;
	v24 =	vcvt.f32.s32 v19  }
0x368: {  	v48 =	vcvt.f32.s32 v48;
	vm0 =	vlt.s32 v45, $0xE;
	[tilespmem:$0x1FCA0] =	vst v7  }
0x369: {  	vm1 =	vlt.s32 v24, $0xE;
	v45 =	vnsel vm0, $0xE, v45;
	v1 =	vadd.f32 v7, v1;
	v7 =	vld.idx.msk [tilespmem:v20+s1+$0x0], $0xffff  }
0x36a: {  	v24 =	vnsel vm1, $0xE, v24;
	vm0 =	vlt.s32 v48, $0xE;
	v20 =	vtrunc.f32 v51;
	v58 =	vld.idx.msk [tilespmem:v0+s1+$0x0], $0xffff  }
0x36b: {  	v51 =	vcvt.f32.s32 v20;
	v0 =	vadd.f32 v57, v1;
	v1 =	vadd.s32 $0xF, v24  }
0x36c: {  	v52 =	vtrunc.f32 v52;
	v8 =	vtrunc.f32 v50;
	v24 =	vnsel vm0, $0xE, v48  }
0x36d: {  	[tilespmem:$0x1FCB0] =	vst v57;
	v48 =	vcvt.f32.s32 v8;
	v24 =	vadd.s32 $0x1E, v24;
	vm0 =	vlt.s32 v51, $0xE  }
0x36e: {  	v52 =	vcvt.f32.s32 v52;
	v10 =	vnsel vm0, $0xE, v51;
	[tilespmem:$0x1FCC0] =	vst v7  }
0x36f: {  	vm0 =	vlt.s32 v48, $0xE;
	v11 =	vadd.f32 v7, v0;
	v50 =	vadd.s32 $0x2D, v10;
	v0 =	vld.idx.msk [tilespmem:v45+s1+$0x0], $0xffff;
	[tilespmem:$0x1FCD0] =	vst v58  }
0x370: {  	v25 =	vtrunc.f32 v25;
	v55 =	vtrunc.f32 v53;
	v48 =	vnsel vm0, $0xE, v48;
	v1 =	vld.idx.msk [tilespmem:v1+s1+$0x0], $0xffff  }
0x371: {  	v8 =	vcvt.f32.s32 v55;
	vm0 =	vlt.s32 v52, $0xE;
	v9 =	vadd.s32 $0x3C, v48  }
0x372: {  	v25 =	vcvt.f32.s32 v25;
	v43 =	vtrunc.f32 v43;
	v45 =	vld.idx.msk [tilespmem:v24+s1+$0x0], $0xffff;
	v24 =	vnsel vm0, $0xE, v52  }
0x373: {  	v43 =	vcvt.f32.s32 v43;
	vm0 =	vlt.s32 v8, $0xE;
	v24 =	vadd.s32 $0x4B, v24  }
0x374: {  	v23 =	vtrunc.f32 v23;
	v57 =	vadd.f32 v58, v11;
	v51 =	vnsel vm0, $0xE, v8;
	v48 =	vld.idx.msk [tilespmem:v50+s1+$0x0], $0xffff  }
0x375: {  	vm0 =	vlt.s32 v43, $0xE;
	v51 =	vadd.s32 $0x5A, v51;
	v11 =	vadd.f32 v1, v0  }
0x376: {  	v49 =	vtrunc.f32 v49;
	v23 =	vcvt.f32.s32 v23;
	v10 =	vnsel vm0, $0xE, v43;
	v43 =	vld.idx.msk [tilespmem:v9+s1+$0x0], $0xffff  }
0x377: {  	vm0 =	vlt.s32 v25, $0xE;
	v58 =	vadd.s32 $0x69, v10;
	v52 =	vadd.f32 v45, v11  }
0x378: {  	v25 =	vnsel vm0, $0xE, v25;
	vm0 =	vlt.s32 v23, $0xE;
	v9 =	vtrunc.f32 v56;
	v7 =	vld.idx.msk [tilespmem:v24+s1+$0x0], $0xffff  }
0x379: {  	v24 =	vadd.s32 $0x78, v25;
	v25 =	vcvt.f32.s32 v9;
	v52 =	vadd.f32 v48, v52  }
0x37a: {  	v49 =	vcvt.f32.s32 v49;
	v23 =	vnsel vm0, $0xE, v23;
	v51 =	vld.idx.msk [tilespmem:v51+s1+$0x0], $0xffff  }
0x37b: {  	v23 =	vadd.s32 $0x87, v23;
	vm0 =	vlt.s32 v25, $0xE;
	v10 =	vadd.f32 v43, v52  }
0x37c: {  	v2 =	vtrunc.f32 v2;
	v25 =	vnsel vm0, $0xE, v25;
	v52 =	vld.idx.msk [tilespmem:v58+s1+$0x0], $0xffff  }
0x37d: {  	vm0 =	vlt.s32 v49, $0xE;
	v25 =	vadd.s32 $0x96, v25;
	v54 =	vadd.f32 v7, v10  }
0x37e: {  	v44 =	vtrunc.f32 v44;
	v11 =	vcvt.f32.s32 v2;
	v49 =	vnsel vm0, $0xE, v49;
	v2 =	vld.idx.msk [tilespmem:v24+s1+$0x0], $0xffff  }
0x37f: {  	v41 =	vtrunc.f32 v41;
	v24 =	vadd.s32 $0xA5, v49;
	v58 =	vadd.f32 v51, v54  }
0x380: {  	v29 =	vtrunc.f32 v29;
	v44 =	vcvt.f32.s32 v44;
	vm0 =	vlt.s32 v11, $0xE;
	v53 =	vld.idx.msk [tilespmem:v23+s1+$0x0], $0xffff  }
0x381: {  	v41 =	vcvt.f32.s32 v41;
	v8 =	vnsel vm0, $0xE, v11;
	v49 =	vadd.f32 v52, v58  }
0x382: {  	v29 =	vcvt.f32.s32 v29;
	v23 =	vadd.s32 $0xB4, v8;
	v58 =	vld.idx.msk [tilespmem:v25+s1+$0x0], $0xffff  }
0x383: {  	vm1 =	vlt.s32 v41, $0xE;
	vm0 =	vlt.s32 v44, $0xE;
	v9 =	vadd.f32 v2, v49  }
0x384: {  	v5 =	vtrunc.f32 v5;
	v44 =	vnsel vm0, $0xE, v44;
	v54 =	vld.idx.msk [tilespmem:v24+s1+$0x0], $0xffff;
	v24 =	vnsel vm1, $0xE, v41  }
0x385: {  	vm1 =	vlt.s32 v29, $0xE;
	v25 =	vadd.s32 $0xC3, v44;
	v10 =	vadd.f32 v53, v9  }
0x386: {  	v6 =	vtrunc.f32 v6;
	v5 =	vcvt.f32.s32 v5;
	v29 =	vnsel vm1, $0xE, v29  }
0x387: {  	v24 =	vadd.s32 $0xD2, v24;
	v55 =	vld.idx.msk [tilespmem:v23+s1+$0x0], $0xffff;
	v23 =	vadd.s32 $0xE1, v29;
	v29 =	vadd.f32 v58, v10  }
0x388: {  	v6 =	vcvt.f32.s32 v6;
	v44 =	vld [tilespmem:$0x1FCE0]  }
0x389: {  	v3 =	vtrunc.f32 v3;
	vm0 =	veq.f32 v57, $0.0e+00;
	vm1 =	vlt.s32 v5, $0xE;
	v49 =	vld [tilespmem:$0x1FCF0]  }
0x38a: {  	v3 =	vcvt.f32.s32 v3;
	v11 =	vsel vm0, $0x3F800000, v57;
	v5 =	vnsel vm1, $0xE, v5;
	v56 =	vld.idx.msk [tilespmem:v25+s1+$0x0], $0xffff  }
0x38b: {  	vm0 =	vlt.s32 v6, $0xE;
	v5 =	vadd.s32 $0xF0, v5;
	v25 =	vadd.f32 v54, v29;
	v29 =	vpop (erf)  }
0x38c: {  	v6 =	vnsel vm0, $0xE, v6;
	v57 =	vld.idx.msk [tilespmem:v24+s1+$0x0], $0xffff;
	v29 =	vmul.f32 $1.500000000e+01, v29  }
0x38d: {  	v50 =	vld [tilespmem:$0x1FD00];
	vm0 =	vlt.s32 v3, $0xE;
	v6 =	vadd.s32 $0xFF, v6;
	v24 =	vadd.f32 v55, v25  }
0x38e: {  	v3 =	vnsel vm0, $0xE, v3;
	v41 =	vld.idx.msk [tilespmem:v23+s1+$0x0], $0xffff;
	v25 =	vmul.f32 v29, v44  }
0x38f: {  	v3 =	vadd.s32 $0x10E, v3;
	v24 =	vadd.f32 v56, v24;
	v44 =	vmul.f32 v29, v49  }
0x390: {  	v12 =	vld.idx.msk [tilespmem:v5+s1+$0x0], $0xffff;
	(erf) = vrcp.f32 v11;
	v25 =	vtrunc.f32 v25  }
0x391: {  	v10 =	vadd.f32 v57, v24;
	v5 =	vtrunc.f32 v44;
	v25 =	vcvt.f32.s32 v25  }
0x392: {  	v9 =	vmul.f32 v29, v50;
	v50 =	vld.idx.msk [tilespmem:v6+s1+$0x0], $0xffff;
	v5 =	vcvt.f32.s32 v5  }
0x393: {  	v35 =	vmul.f32 v29, v35;
	v11 =	vadd.f32 v41, v10;
	vm0 =	vlt.s32 v25, $0xE  }
0x394: {  	v49 =	vtrunc.f32 v9;
	v44 =	vld.idx.msk [tilespmem:v3+s1+$0x0], $0xffff;
	v25 =	vnsel vm0, $0xE, v25;
	vm0 =	vlt.s32 v5, $0xE  }
0x395: {  	v6 =	vcvt.f32.s32 v49;
	v49 =	vadd.f32 v12, v11;
	v3 =	vnsel vm0, $0xE, v5;
	v5 =	vld [tilespmem:$0x1FD10];
	[tilespmem:s25+$0x12190] =	vst v27  }
0x396: {  	v35 =	vtrunc.f32 v35;
	[tilespmem:s25+$0x12210] =	vst v26  }
0x397: {  	v35 =	vcvt.f32.s32 v35;
	v27 =	vadd.f32 v50, v49;
	v49 =	vld [tilespmem:$0x1FD20]  }
0x398: {  	vm0 =	vlt.s32 v6, $0xE  }
0x399: {  	v6 =	vnsel vm0, $0xE, v6;
	vm0 =	vlt.s32 v35, $0xE;
	[tilespmem:s25+$0x12290] =	vst v4  }
0x39a: {  	v25 =	vadd.s32 $0xF, v25;
	[tilespmem:s25+$0x12310] =	vst v30;
	v4 =	vnsel vm0, $0xE, v35  }
0x39b: {  	[tilespmem:s25+$0x12390] =	vst v28;
	v4 =	vadd.s32 $0x2D, v4  }
0x39c: {  	v26 =	vmul.f32 v29, v49;
	v49 =	vld [tilespmem:$0x1FD30]  }
0x39d: {  	[tilespmem:s25+$0x12410] =	vst v31  }
0x39e: {  	v5 =	vmul.f32 v29, v5;
	v35 =	vld [tilespmem:$0x1FD40];
	[tilespmem:s14+$0x12180] =	vst v32  }
0x39f: {  	v30 =	vtrunc.f32 v26;
	v26 =	vld.idx.msk [tilespmem:v25+s1+$0x0], $0xffff;
	[tilespmem:s8+$0x12180] =	vst v33  }
0x3a0: {  	v5 =	vtrunc.f32 v5;
	v17 =	vld.idx.msk [tilespmem:v4+s1+$0x0], $0xffff;
	[tilespmem:s25+$0x14190] =	vst v34  }
0x3a1: {  	v5 =	vcvt.f32.s32 v5;
	v25 =	vmul.f32 v29, v49;
	v49 =	vld [tilespmem:$0x1FD50];
	[tilespmem:s25+$0x14210] =	vst v62  }
0x3a2: {  	v6 =	vadd.s32 $0x1E, v6;
	v27 =	vadd.f32 v44, v27;
	v4 =	vld [tilespmem:$0x1FD60];
	[tilespmem:s25+$0x14290] =	vst v63  }
0x3a3: {  	vm0 =	vlt.s32 v5, $0xE;
	[tilespmem:s25+$0x14310] =	vst v61  }
0x3a4: {  	v5 =	vnsel vm0, $0xE, v5;
	vm0 =	veq.f32 v27, $0.0e+00;
	[tilespmem:s25+$0x14390] =	vst v60  }
0x3a5: {  	v28 =	vsel vm0, $0x3F800000, v27;
	v27 =	vld.idx.msk [tilespmem:v3+s1+$0x0], $0xffff;
	v3 =	vcvt.f32.s32 v30;
	v30 =	vmul.f32 v29, v35;
	[tilespmem:s25+$0x14410] =	vst v59  }
0x3a6: {  	v5 =	vadd.s32 $0x3C, v5;
	(erf) = vrcp.f32 v28;
	v25 =	vtrunc.f32 v25;
	v61 =	vld [tilespmem:$0x1FD70]  }
0x3a7: {  	v15 =	vld.idx.msk [tilespmem:v6+s1+$0x0], $0xffff;
	vm0 =	vlt.s32 v3, $0xE;
	v6 =	vcvt.f32.s32 v25;
	v25 =	vtrunc.f32 v30  }
0x3a8: {  	v37 =	vmul.f32 v29, v37;
	[tilespmem:s15+$0x12180] =	vst v42;
	v3 =	vnsel vm0, $0xE, v3;
	v25 =	vcvt.f32.s32 v25  }
0x3a9: {  	[tilespmem:s17+$0x12180] =	vst v46;
	v31 =	vmul.f32 v29, v49;
	v3 =	vadd.s32 $0x4B, v3;
	vm0 =	vlt.s32 v6, $0xE  }
0x3aa: {  	v63 =	vld [tilespmem:$0x1FD80];
	v4 =	vmul.f32 v29, v4;
	vm1 =	vlt.s32 v25, $0xE;
	v11 =	vadd.f32 v26, v27  }
0x3ab: {  	v6 =	vnsel vm0, $0xE, v6;
	v31 =	vtrunc.f32 v31;
	v62 =	vmul.f32 v29, v61  }
0x3ac: {  	v18 =	vld.idx.msk [tilespmem:v5+s1+$0x0], $0xffff;
	v25 =	vnsel vm1, $0xE, v25;
	v5 =	vadd.s32 $0x5A, v6;
	v49 =	vcvt.f32.s32 v31  }
0x3ad: {  	v6 =	vadd.f32 v15, v11;
	v4 =	vtrunc.f32 v4;
	v32 =	vtrunc.f32 v62  }
0x3ae: {  	v59 =	vmul.f32 v29, v36;
	v60 =	vadd.s32 $0x69, v25;
	v4 =	vcvt.f32.s32 v4  }
0x3af: {  	v11 =	vmul.f32 v29, v63;
	vm0 =	vlt.s32 v49, $0xE;
	v19 =	vld.idx.msk [tilespmem:v3+s1+$0x0], $0xffff;
	v3 =	vadd.f32 v17, v6;
	v25 =	vpop (erf)  }
0x3b0: {  	[tilespmem:s25+$0x16290] =	vst v47;
	v6 =	vnsel vm0, $0xE, v49;
	vm0 =	vlt.s32 v4, $0xE;
	v49 =	vcvt.f32.s32 v32;
	v32 =	vpop (erf)  }
0x3b1: {  	[tilespmem:s25+$0x16190] =	vst v40;
	v6 =	vadd.s32 $0x78, v6;
	v4 =	vnsel vm0, $0xE, v4;
	v0 =	vmul.f32 v32, v0  }
0x3b2: {  	[tilespmem:s25+$0x16210] =	vst v38;
	v20 =	vld.idx.msk [tilespmem:v5+s1+$0x0], $0xffff;
	v3 =	vadd.f32 v18, v3;
	v5 =	vadd.s32 $0x87, v4;
	v1 =	vmul.f32 v32, v1  }
0x3b3: {  	v4 =	vtrunc.f32 v11;
	vm0 =	vlt.s32 v49, $0xE;
	[tilespmem:s31+$0x12190] =	vst v0;
	v0 =	vmul.f32 v32, v45  }
0x3b4: {  	v24 =	vld.idx.msk [tilespmem:v60+s1+$0x0], $0xffff;
	v60 =	vnsel vm0, $0xE, v49;
	v61 =	vcvt.f32.s32 v4;
	[tilespmem:s31+$0x12210] =	vst v1;
	v1 =	vmul.f32 v32, v48  }
0x3b5: {  	v3 =	vadd.f32 v19, v3;
	v62 =	vadd.s32 $0x96, v60;
	[tilespmem:s31+$0x12290] =	vst v0;
	v0 =	vmul.f32 v32, v43  }
0x3b6: {  	v4 =	vtrunc.f32 v59;
	vm0 =	vlt.s32 v61, $0xE;
	[tilespmem:s31+$0x12310] =	vst v1;
	v1 =	vmul.f32 v32, v7  }
0x3b7: {  	v63 =	vadd.f32 v20, v3;
	v30 =	vld.idx.msk [tilespmem:v6+s1+$0x0], $0xffff;
	v6 =	vnsel vm0, $0xE, v61;
	[tilespmem:s31+$0x12390] =	vst v0;
	v0 =	vmul.f32 v32, v51  }
0x3b8: {  	v3 =	vcvt.f32.s32 v4;
	v42 =	vadd.s32 $0xA5, v6;
	[tilespmem:s31+$0x12410] =	vst v1;
	v1 =	vmul.f32 v32, v52  }
0x3b9: {  	s23 =	sadd.s32 $0x1, s23;
	v36 =	vld.idx.msk [tilespmem:v5+s1+$0x0], $0xffff;
	v5 =	vtrunc.f32 v37;
	v4 =	vadd.f32 v24, v63;
	[tilespmem:s20+$0x12180] =	vst v0;
	v0 =	vmul.f32 v32, v2  }
0x3ba: {  	s14 =	simm.s32 $0x200;
	s8 =	simm.s32 $0x2;
	s15 =	simm.s32 $0x40;
	vm0 =	vlt.s32 v3, $0xE;
	v38 =	vld.idx.msk [tilespmem:v62+s1+$0x0], $0xffff;
	v2 =	vmul.f32 v29, v39;
	[tilespmem:s22+$0x12180] =	vst v1;
	v1 =	vmul.f32 v32, v53  }
.LBB2_9:
0x3bb: {  	v5 =	vcvt.f32.s32 v5  }
0x3bc: {  	s3 =	sand.u32 $0x60, s15;
	s5 =	sand.u32 $0x1C00, s14;
	v39 =	vmul.f32 v29, v22;
	[tilespmem:s31+$0x14190] =	vst v0;
	v0 =	vmul.f32 v32, v58  }
0x3bd: {  	v4 =	vadd.f32 v30, v4;
	v45 =	vmul.f32 v32, v57;
	s3 =	sor.u32 s3, s5;
	[tilespmem:s31+$0x14210] =	vst v1;
	v1 =	vmul.f32 v32, v54  }
0x3be: {  	v3 =	vnsel vm0, $0xE, v3;
	v57 =	vmul.f32 v32, v44;
	v6 =	vld [tilespmem:s3+$0x6190];
	[tilespmem:s31+$0x14290] =	vst v0;
	v0 =	vmul.f32 v32, v55  }
0x3bf: {  	v2 =	vtrunc.f32 v2;
	v4 =	vadd.f32 v36, v4;
	v43 =	vld [tilespmem:s3+$0x6210];
	[tilespmem:s31+$0x14310] =	vst v1;
	v1 =	vmul.f32 v32, v56  }
0x3c0: {  	v40 =	vadd.s32 $0xB4, v3;
	vm0 =	vlt.s32 v5, $0xE;
	v3 =	vld [tilespmem:s3+$0x6180];
	v2 =	vcvt.f32.s32 v2;
	[tilespmem:s31+$0x14390] =	vst v0  }
0x3c1: {  	v5 =	vnsel vm0, $0xE, v5;
	v22 =	vadd.f32 v38, v4;
	v46 =	vld [tilespmem:s3+$0x6290];
	[tilespmem:s31+$0x14410] =	vst v1;
	v1 =	vmul.f32 v32, v41  }
0x3c2: {  	v4 =	vtrunc.f32 v39;
	v56 =	vld [tilespmem:s3+$0x6200];
	v0 =	vadd.s32 $0xC3, v5;
	v5 =	vmul.f32 v29, v21;
	[tilespmem:s11+$0x12180] =	vst v45  }
0x3c3: {  	s6 =	sadd.s32 $0x1, s6;
	v4 =	vcvt.f32.s32 v4;
	v6 =	vmul.f32 $1.442695020e+00, v6;
	v58 =	vld [tilespmem:s3+$0x6310];
	[tilespmem:s21+$0x12180] =	vst v1  }
0x3c4: {  	s10 =	sor.u32 s15, s14;
	s20 =	sand.u32 $0x3, s6;
	v59 =	vld [tilespmem:s3+$0x6280];
	vm0 =	vlt.s32 v2, $0xE;
	v21 =	vtrunc.f32 v5;
	v43 =	vmul.f32 $1.442695020e+00, v43;
	[tilespmem:s31+$0x16290] =	vst v57  }
0x3c5: {  	s7 =	sor.u32 $0x380, s10;
	s5 =	sor.u32 $0x2380, s10;
	s10 =	sshll.u32 s20, $0x5;
	v1 =	vnsel vm0, $0xE, v2;
	v2 =	vmul.f32 $1.442695020e+00, v3;
	(erf) = vpow2.f32 v6;
	v5 =	vld [tilespmem:s3+$0x6390]  }
0x3c6: {  	s21 =	sadd.s32 s10, s14;
	v6 =	vld [tilespmem:s3+$0x6300];
	v3 =	vmul.f32 $1.442695020e+00, v46;
	(erf) = vpow2.f32 v43  }
0x3c7: {  	vm0 =	vlt.s32 v4, $0xE;
	v39 =	vmul.f32 $1.442695020e+00, v56;
	s22 =	sadd.s32 $0x10, s21;
	v41 =	vld [tilespmem:s3+$0x6410];
	(erf) = vpow2.f32 v2  }
0x3c8: {  	s17 =	sor.u32 $0x300, s22;
	v2 =	vnsel vm0, $0xE, v4;
	v4 =	vld [tilespmem:s3+$0x6380];
	v60 =	vmul.f32 $1.442695020e+00, v58;
	(erf) = vpow2.f32 v3  }
0x3c9: {  	v61 =	vld [tilespmem:s17+$0x6180];
	v3 =	vadd.s32 $0xE1, v2;
	v2 =	vmul.f32 $1.442695020e+00, v59;
	(erf) = vpow2.f32 v39  }
0x3ca: {  	v62 =	vld [tilespmem:s3+$0x6400];
	s20 =	sor.u32 $0x380, s22;
	v5 =	vmul.f32 $1.442695020e+00, v5;
	(erf) = vpow2.f32 v60  }
0x3cb: {  	s19 =	sor.u32 $0x300, s21;
	v63 =	vld [tilespmem:s20+$0x6180];
	v6 =	vmul.f32 $1.442695020e+00, v6;
	(erf) = vpow2.f32 v2  }
0x3cc: {  	v41 =	vmul.f32 $1.442695020e+00, v41;
	v2 =	vld [tilespmem:s19+$0x6180];
	(erf) = vpow2.f32 v5  }
0x3cd: {  	v4 =	vmul.f32 $1.442695020e+00, v4;
	v5 =	vld [tilespmem:s3+$0x8190];
	(erf) = vpow2.f32 v6  }
0x3ce: {  	v44 =	vmul.f32 $1.442695020e+00, v61;
	v6 =	vld [tilespmem:s7+$0x6180];
	v54 =	vpop (erf);
	(erf) = vpow2.f32 v41  }
0x3cf: {  	v8 =	vmul.f32 $1.442695020e+00, v62;
	v33 =	vld [tilespmem:s3+$0x8210];
	(erf) = vpow2.f32 v4;
	v55 =	vpop (erf)  }
0x3d0: {  	v43 =	vmul.f32 $1.442695020e+00, v63;
	v4 =	vld [tilespmem:s3+$0x8180];
	v34 =	vadd.f32 v55, v54;
	v7 =	vpop (erf);
	(erf) = vpow2.f32 v44  }
0x3d1: {  	v47 =	vld [tilespmem:s3+$0x8290];
	v2 =	vmul.f32 $1.442695020e+00, v2;
	(erf) = vpow2.f32 v8;
	v57 =	vpop (erf)  }
0x3d2: {  	v48 =	vld [tilespmem:s3+$0x8200];
	v5 =	vmul.f32 $1.442695020e+00, v5;
	v35 =	vadd.f32 v57, v34;
	v41 =	vpop (erf);
	(erf) = vpow2.f32 v43  }
0x3d3: {  	v39 =	vld [tilespmem:s3+$0x8310];
	v6 =	vmul.f32 $1.442695020e+00, v6;
	v37 =	vadd.f32 v41, v7;
	(erf) = vpow2.f32 v2;
	v56 =	vpop (erf)  }
0x3d4: {  	v45 =	vmul.f32 $1.442695020e+00, v33;
	[tilespmem:$0x1FB20] =	vst v7;
	v2 =	vld [tilespmem:s3+$0x8280];
	v49 =	vadd.f32 v56, v35;
	v7 =	vpop (erf);
	(erf) = vpow2.f32 v5  }
0x3d5: {  	v51 =	vld [tilespmem:s3+$0x8390];
	v4 =	vmul.f32 $1.442695020e+00, v4;
	v5 =	vadd.f32 v7, v37;
	(erf) = vpow2.f32 v6;
	v63 =	vpop (erf)  }
0x3d6: {  	v47 =	vmul.f32 $1.442695020e+00, v47;
	[tilespmem:$0x1FB30] =	vst v7;
	v7 =	vadd.f32 v63, v49;
	v44 =	vpop (erf);
	(erf) = vpow2.f32 v45  }
0x3d7: {  	v62 =	vmul.f32 $1.442695020e+00, v48;
	v11 =	vld [tilespmem:s3+$0x8410];
	v5 =	vadd.f32 v44, v5;
	(erf) = vpow2.f32 v4;
	v58 =	vpop (erf)  }
0x3d8: {  	s10 =	sor.u32 $0x2300, s21;
	s21 =	sor.u32 $0x2380, s22;
	v46 =	vmul.f32 $1.442695020e+00, v39;
	v6 =	vld [tilespmem:s3+$0x8300];
	v49 =	vadd.f32 v58, v7;
	v43 =	vpop (erf);
	(erf) = vpow2.f32 v47  }
0x3d9: {  	v53 =	vld [tilespmem:s21+$0x6180];
	v2 =	vmul.f32 $1.442695020e+00, v2;
	v5 =	vadd.f32 v43, v5;
	(erf) = vpow2.f32 v62;
	v59 =	vpop (erf)  }
0x3da: {  	s11 =	sor.u32 $0x2300, s22;
	v51 =	vmul.f32 $1.442695020e+00, v51;
	v4 =	vld [tilespmem:s3+$0x8380];
	v49 =	vadd.f32 v59, v49;
	v45 =	vpop (erf);
	(erf) = vpow2.f32 v46  }
0x3db: {  	v33 =	vld [tilespmem:s11+$0x6180];
	v5 =	vadd.f32 v45, v5;
	(erf) = vpow2.f32 v2;
	v60 =	vpop (erf)  }
0x3dc: {  	v52 =	vld [tilespmem:s3+$0x8400];
	v49 =	vadd.f32 v60, v49;
	v46 =	vpop (erf);
	(erf) = vpow2.f32 v51  }
0x3dd: {  	v6 =	vmul.f32 $1.442695020e+00, v6;
	v2 =	vld [tilespmem:s10+$0x6180];
	v5 =	vadd.f32 v46, v5;
	v61 =	vpop (erf)  }
0x3de: {  	v48 =	vmul.f32 $1.442695020e+00, v11;
	v14 =	vmul.f32 $1.442695020e+00, v53;
	v10 =	vadd.f32 v61, v49;
	v51 =	vpop (erf)  }
0x3df: {  	v7 =	vld [tilespmem:s3+$0xA190];
	v4 =	vmul.f32 $1.442695020e+00, v4;
	(erf) = vpow2.f32 v6;
	v5 =	vadd.f32 v51, v5;
	v62 =	vpop (erf)  }
0x3e0: {  	v34 =	vmul.f32 $1.442695020e+00, v33;
	v6 =	vld [tilespmem:s5+$0x6180];
	(erf) = vpow2.f32 v48;
	v11 =	vadd.f32 v62, v10;
	v47 =	vpop (erf)  }
0x3e1: {  	v35 =	vmul.f32 $1.442695020e+00, v52;
	v37 =	vld [tilespmem:s3+$0xA210];
	(erf) = vpow2.f32 v4;
	v5 =	vadd.f32 v47, v5;
	v33 =	vpop (erf)  }
0x3e2: {  	v9 =	vld [tilespmem:s3+$0xA180];
	(erf) = vpow2.f32 v34;
	v39 =	vmul.f32 $1.442695020e+00, v2;
	v2 =	vadd.f32 v33, v11;
	v52 =	vpop (erf)  }
0x3e3: {  	v1 =	vadd.s32 $0xD2, v1;
	v53 =	vld [tilespmem:s3+$0xA290];
	(erf) = vpow2.f32 v35;
	v4 =	vpop (erf)  }
0x3e4: {  	v7 =	vmul.f32 $1.442695020e+00, v7;
	v10 =	vld [tilespmem:s3+$0xA200];
	(erf) = vpow2.f32 v14;
	v23 =	vadd.f32 v4, v2;
	v48 =	vpop (erf)  }
0x3e5: {  	v8 =	vld.idx.msk [tilespmem:v0+s1+$0x0], $0xffff;
	v6 =	vmul.f32 $1.442695020e+00, v6;
	v14 =	vadd.f32 v52, v5;
	(erf) = vpow2.f32 v39;
	v5 =	vpop (erf)  }
0x3e6: {  	v34 =	vmul.f32 $1.442695020e+00, v37;
	(erf) = vpow2.f32 v7;
	v7 =	vld.idx.msk [tilespmem:v42+s1+$0x0], $0xffff;
	v37 =	vadd.f32 v5, v23  }
0x3e7: {  	v9 =	vmul.f32 $1.442695020e+00, v9;
	v42 =	vld [tilespmem:$0x1FB70];
	v35 =	vadd.f32 v48, v14;
	(erf) = vpow2.f32 v6  }
0x3e8: {  	v11 =	vld [tilespmem:s3+$0xA280];
	v39 =	vmov v12;
	v6 =	vmul.f32 $1.442695020e+00, v53;
	v49 =	vpop (erf);
	(erf) = vpow2.f32 v34  }
0x3e9: {  	v12 =	vld.idx.msk [tilespmem:v40+s1+$0x0], $0xffff;
	v10 =	vmul.f32 $1.442695020e+00, v10;
	v0 =	vadd.f32 v49, v35;
	(erf) = vpow2.f32 v9;
	v2 =	vpop (erf)  }
0x3ea: {  	v40 =	vadd.f32 v2, v37;
	v53 =	vpop (erf);
	(erf) = vpow2.f32 v6;
	v37 =	vmov v13;
	v13 =	vld [tilespmem:$0x1FBA0]  }
0x3eb: {  	v9 =	vld.idx.msk [tilespmem:v1+s1+$0x0], $0xffff;
	v23 =	vmov v16;
	v0 =	vadd.f32 v53, v0;
	(erf) = vpow2.f32 v10;
	v1 =	vpop (erf)  }
0x3ec: {  	v10 =	vmul.f32 v29, v42;
	v34 =	vadd.f32 v7, v22;
	v16 =	vadd.f32 v1, v40;
	v42 =	vpop (erf)  }
0x3ed: {  	v22 =	vadd.f32 v42, v0;
	v6 =	vpop (erf)  }
0x3ee: {  	v11 =	vmul.f32 $1.442695020e+00, v11;
	v16 =	vadd.f32 v6, v16;
	v40 =	vpop (erf)  }
0x3ef: {  	v21 =	vcvt.f32.s32 v21;
	v14 =	vmul.f32 v29, v13;
	v13 =	vpop (erf)  }
0x3f0: {  	(erf) = vpow2.f32 v11;
	v11 =	vadd.f32 v12, v34;
	v16 =	vadd.f32 v13, v16;
	v34 =	vpop (erf)  }
0x3f1: {  	v29 =	vadd.f32 v40, v22;
	v22 =	vpop (erf)  }
0x3f2: {  	vm0 =	vlt.s32 v21, $0xE;
	v16 =	vadd.f32 v22, v16  }
0x3f3: {  	v0 =	vnsel vm0, $0xE, v21;
	v35 =	vadd.f32 v34, v29  }
0x3f4: {  	v31 =	vmov v17;
	v28 =	vmov v18;
	v14 =	vtrunc.f32 v14;
	v21 =	vpop (erf)  }
0x3f5: {  	v17 =	vadd.s32 $0xF0, v0;
	v18 =	vcvt.f32.s32 v14;
	v14 =	vadd.f32 v21, v35;
	v29 =	vpop (erf)  }
0x3f6: {  	v0 =	vmov v30;
	v30 =	vmov v19;
	v19 =	vadd.f32 v29, v16;
	v16 =	vpop (erf)  }
0x3f7: {  	v35 =	vmov v20;
	v20 =	vadd.f32 v16, v14;
	v14 =	vld [tilespmem:$0x1FB90];
	_ =	sdelay $0x4  }
0x3f8: {  	[tilespmem:$0x1FB70] =	vst v16;
	v16 =	vpop (erf);
	(erf) = vrcp.f32 v19;
	v19 =	vmul.f32 v25, v14;
	v14 =	vmov v27  }
0x3f9: {  	[tilespmem:$0x1FB90] =	vst v14;
	v14 =	vld [tilespmem:$0x1FB80]  }
0x3fa: {  	v10 =	vtrunc.f32 v10  }
0x3fb: {  	v10 =	vcvt.f32.s32 v10;
	v20 =	vadd.f32 v16, v20;
	_ =	sdelay $0x1  }
0x3fc: {  	vm0 =	vlt.s32 v10, $0xE;
	(erf) = vrcp.f32 v20  }
0x3fd: {  	v10 =	vnsel vm0, $0xE, v10;
	v20 =	vld [tilespmem:$0x1FBF0];
	v27 =	vmul.f32 v25, v14;
	v14 =	vmul.f32 v25, v23;
	v23 =	vmovc v30  }
0x3fe: {  	v10 =	vadd.s32 $0xFF, v10;
	[tilespmem:$0x1FBF0] =	vst v23;
	v23 =	vld [tilespmem:$0x1FC30]  }
0x3ff: {  	[tilespmem:$0x1FBA0] =	vst v16;
	v16 =	vmov v26  }
0x400: {  	[tilespmem:$0x1FB80] =	vst v16;
	v16 =	vld [tilespmem:$0x1FBB0]  }
0x401: {  	v3 =	vld.idx.msk [tilespmem:v3+s1+$0x0], $0xffff;
	vm0 =	vlt.s32 v18, $0xE  }
0x402: {  	v17 =	vld.idx.msk [tilespmem:v17+s1+$0x0], $0xffff;
	v18 =	vnsel vm0, $0xE, v18;
	[tilespmem:s25+$0x12180] =	vst v19  }
0x403: {  	v18 =	vadd.s32 $0x10E, v18;
	v10 =	vld.idx.msk [tilespmem:v10+s1+$0x0], $0xffff;
	[tilespmem:s25+$0x12200] =	vst v27;
	v27 =	vmul.f32 v25, v23;
	v23 =	vmov v24  }
0x404: {  	[tilespmem:$0x1FC30] =	vst v23;
	v23 =	vld [tilespmem:$0x1FC50]  }
0x405: {  	v19 =	vmul.f32 v25, v16;
	v16 =	vld [tilespmem:$0x1FBC0]  }
0x406: {  	[tilespmem:s25+$0x12280] =	vst v14;
	v14 =	vld [tilespmem:$0x1FC20]  }
0x407: {  	v28 =	vmov v28  }
0x408: {  	v11 =	vadd.f32 v8, v11;
	[tilespmem:$0x1FBC0] =	vst v28;
	v18 =	vld.idx.msk [tilespmem:v18+s1+$0x0], $0xffff  }
0x409: {  	v20 =	vmul.f32 v25, v20;
	[tilespmem:s25+$0x12300] =	vst v19;
	v19 =	vld [tilespmem:$0x1FC40];
	v28 =	vmul.f32 v25, v23;
	v23 =	vmov v0  }
0x40a: {  	v11 =	vadd.f32 v9, v11;
	v26 =	vmul.f32 v25, v16;
	[tilespmem:$0x1FC40] =	vst v23;
	v23 =	vld [tilespmem:$0x1FC60]  }
0x40b: {  	[tilespmem:s25+$0x12400] =	vst v20;
	v20 =	vld [tilespmem:$0x1FC70];
	v14 =	vmul.f32 v25, v14  }
0x40c: {  	v31 =	vmov v31;
	v11 =	vadd.f32 v3, v11;
	[tilespmem:s25+$0x12380] =	vst v26;
	v26 =	vmul.f32 v25, v37;
	v37 =	vld [tilespmem:$0x1FCB0]  }
0x40d: {  	[tilespmem:$0x1FBB0] =	vst v31;
	v16 =	vmov v15;
	v15 =	vmov v35  }
0x40e: {  	v11 =	vadd.f32 v17, v11;
	[tilespmem:$0x1FC20] =	vst v15  }
0x40f: {  	v39 =	vmul.f32 v32, v39;
	[tilespmem:s26+$0x12180] =	vst v14;
	v14 =	vmov v8;
	v8 =	vpop (erf);
	v30 =	vmul.f32 v25, v23;
	v23 =	vld [tilespmem:$0x1FC80]  }
0x410: {  	v35 =	vadd.f32 v10, v11;
	v19 =	vmul.f32 v25, v19;
	[tilespmem:s28+$0x12180] =	vst v27;
	v8 =	vmul.f32 $1.500000000e+01, v8  }
0x411: {  	v20 =	vmul.f32 v25, v20;
	v27 =	vmovc v3;
	v3 =	vmov v36;
	[tilespmem:s25+$0x14280] =	vst v26;
	v11 =	vmul.f32 v25, v37  }
0x412: {  	[tilespmem:$0x1FC50] =	vst v3;
	v24 =	vmul.f32 v8, v29;
	v26 =	vmul.f32 v8, v13  }
0x413: {  	[tilespmem:s25+$0x14200] =	vst v28;
	v3 =	vmul.f32 v8, v22;
	v28 =	vmul.f32 v8, v1  }
0x414: {  	[tilespmem:s25+$0x14180] =	vst v19;
	v19 =	vld [tilespmem:$0x1FCD0];
	v1 =	vmul.f32 v8, v2;
	v31 =	vmul.f32 v25, v23;
	v23 =	vmovc v7;
	v7 =	vmov v12  }
0x415: {  	v2 =	vmul.f32 v8, v4;
	v4 =	vmul.f32 v8, v54;
	[tilespmem:$0x1FC70] =	vst v7;
	v7 =	vld [tilespmem:$0x1FC90]  }
0x416: {  	v5 =	vmul.f32 v8, v5;
	v54 =	vmul.f32 v8, v56;
	[tilespmem:$0x1FC80] =	vst v14;
	v14 =	vld [tilespmem:$0x1FCC0]  }
0x417: {  	[tilespmem:s25+$0x14380] =	vst v20;
	v56 =	vmul.f32 v8, v58;
	v4 =	vtrunc.f32 v4;
	v12 =	vld [tilespmem:$0x1FCA0]  }
0x418: {  	[tilespmem:$0x1FCA0] =	vst v27;
	v27 =	vmul.f32 v8, v6;
	v6 =	vmul.f32 v8, v55  }
0x419: {  	v0 =	vmov v9;
	v19 =	vmul.f32 v25, v19;
	v4 =	vcvt.f32.s32 v4;
	[tilespmem:s25+$0x14300] =	vst v30  }
0x41a: {  	v9 =	vadd.f32 v18, v35;
	[tilespmem:$0x1FC90] =	vst v0;
	v6 =	vtrunc.f32 v6;
	v7 =	vmul.f32 v25, v7  }
0x41b: {  	v14 =	vmul.f32 v25, v14;
	[tilespmem:s25+$0x14400] =	vst v31;
	v6 =	vcvt.f32.s32 v6  }
0x41c: {  	vm0 =	veq.f32 v9, $0.0e+00;
	v12 =	vmul.f32 v25, v12;
	v25 =	vmovc v17;
	[tilespmem:s29+$0x12180] =	vst v7;
	v7 =	vmul.f32 v8, v57  }
0x41d: {  	v55 =	vtrunc.f32 v54;
	vm1 =	vlt.s32 v6, $0xE;
	v17 =	vmul.f32 v32, v50;
	[tilespmem:$0x1FCB0] =	vst v25  }
0x41e: {  	v25 =	vsel vm0, $0x3F800000, v9;
	vm0 =	vlt.s32 v4, $0xE;
	[tilespmem:s30+$0x12180] =	vst v12;
	v7 =	vtrunc.f32 v7  }
0x41f: {  	v50 =	vmul.f32 v8, v63;
	v4 =	vnsel vm0, $0xE, v4;
	[tilespmem:s25+$0x16180] =	vst v11;
	v7 =	vcvt.f32.s32 v7  }
0x420: {  	v15 =	vmovc v10;
	v61 =	vmul.f32 v8, v61;
	v10 =	vcvt.f32.s32 v55;
	v6 =	vnsel vm1, $0xE, v6;
	[tilespmem:s25+$0x16200] =	vst v14  }
0x421: {  	v6 =	vadd.s32 $0xF, v6;
	v9 =	vtrunc.f32 v50;
	[tilespmem:s25+$0x16280] =	vst v19;
	s25 =	smov.u32 s31;
	vm0 =	vlt.s32 v7, $0xE  }
0x422: {  	v9 =	vcvt.f32.s32 v9;
	[tilespmem:s25+$0x16190] =	vst v39;
	v7 =	vnsel vm0, $0xE, v7;
	vm0 =	vlt.s32 v10, $0xE  }
0x423: {  	v0 =	vmovc v18;
	v12 =	vmul.f32 v8, v59;
	[tilespmem:s25+$0x16210] =	vst v17;
	v7 =	vadd.s32 $0x1E, v7;
	v10 =	vnsel vm0, $0xE, v10  }
0x424: {  	[tilespmem:$0x1FCD0] =	vst v0;
	v0 =	vmul.f32 v8, v33;
	v11 =	vtrunc.f32 v56;
	v35 =	vld.idx.msk [tilespmem:v4+s1+$0x0], $0xffff;
	v4 =	vadd.s32 $0x2D, v10  }
0x425: {  	v57 =	vcvt.f32.s32 v11;
	v58 =	vtrunc.f32 v12;
	vm0 =	vlt.s32 v9, $0xE  }
0x426: {  	v59 =	vmul.f32 v8, v60;
	v37 =	vld.idx.msk [tilespmem:v6+s1+$0x0], $0xffff;
	v6 =	vnsel vm0, $0xE, v9;
	v9 =	vcvt.f32.s32 v58  }
0x427: {  	v8 =	vmul.f32 v8, v62;
	vm0 =	vlt.s32 v57, $0xE;
	v6 =	vadd.s32 $0x3C, v6  }
0x428: {  	v13 =	vmovc v38;
	v60 =	vtrunc.f32 v59;
	v38 =	vld.idx.msk [tilespmem:v7+s1+$0x0], $0xffff;
	v7 =	vnsel vm0, $0xE, v57;
	vm0 =	vlt.s32 v9, $0xE  }
0x429: {  	v10 =	vcvt.f32.s32 v60;
	v7 =	vadd.s32 $0x4B, v7;
	v59 =	vld.idx.msk [tilespmem:v4+s1+$0x0], $0xffff;
	v4 =	vnsel vm0, $0xE, v9  }
0x42a: {  	v2 =	vtrunc.f32 v2;
	v63 =	vtrunc.f32 v61;
	v4 =	vadd.s32 $0x5A, v4  }
0x42b: {  	v8 =	vtrunc.f32 v8;
	vm0 =	vlt.s32 v10, $0xE;
	v9 =	vcvt.f32.s32 v63  }
0x42c: {  	v0 =	vtrunc.f32 v0;
	v8 =	vcvt.f32.s32 v8;
	v60 =	vld.idx.msk [tilespmem:v6+s1+$0x0], $0xffff;
	v6 =	vnsel vm0, $0xE, v10  }
0x42d: {  	v32 =	vadd.f32 v37, v35;
	v6 =	vadd.s32 $0x69, v6;
	vm0 =	vlt.s32 v9, $0xE  }
0x42e: {  	v0 =	vcvt.f32.s32 v0;
	v61 =	vld.idx.msk [tilespmem:v7+s1+$0x0], $0xffff;
	v7 =	vnsel vm0, $0xE, v9;
	vm0 =	vlt.s32 v8, $0xE  }
0x42f: {  	v33 =	vadd.f32 v38, v32;
	v7 =	vadd.s32 $0x78, v7;
	v62 =	vld.idx.msk [tilespmem:v4+s1+$0x0], $0xffff;
	v4 =	vnsel vm0, $0xE, v8  }
0x430: {  	v5 =	vtrunc.f32 v5;
	vm0 =	vlt.s32 v0, $0xE;
	v4 =	vadd.s32 $0x87, v4  }
0x431: {  	v22 =	vmovc v34;
	v2 =	vcvt.f32.s32 v2;
	v34 =	vadd.f32 v59, v33;
	v0 =	vnsel vm0, $0xE, v0  }
0x432: {  	v5 =	vcvt.f32.s32 v5;
	v63 =	vld.idx.msk [tilespmem:v6+s1+$0x0], $0xffff;
	v6 =	vadd.s32 $0x96, v0  }
0x433: {  	v1 =	vtrunc.f32 v1;
	vm0 =	vlt.s32 v2, $0xE;
	v36 =	vadd.f32 v60, v34  }
0x434: {  	v2 =	vnsel vm0, $0xE, v2;
	vm0 =	vlt.s32 v5, $0xE;
	v0 =	vld.idx.msk [tilespmem:v7+s1+$0x0], $0xffff;
	v7 =	vcvt.f32.s32 v1  }
0x435: {  	v2 =	vadd.s32 $0xA5, v2;
	v8 =	vadd.f32 v61, v36;
	v1 =	vld.idx.msk [tilespmem:v4+s1+$0x0], $0xffff;
	v4 =	vnsel vm0, $0xE, v5  }
0x436: {  	v5 =	vtrunc.f32 v28;
	v4 =	vadd.s32 $0xB4, v4;
	vm0 =	vlt.s32 v7, $0xE  }
0x437: {  	v5 =	vcvt.f32.s32 v5;
	v58 =	vld.idx.msk [tilespmem:v6+s1+$0x0], $0xffff;
	v6 =	vnsel vm0, $0xE, v7;
	v7 =	vtrunc.f32 v27  }
0x438: {  	v8 =	vadd.f32 v62, v8;
	v7 =	vcvt.f32.s32 v7  }
0x439: {  	v6 =	vadd.s32 $0xC3, v6;
	vm0 =	vlt.s32 v5, $0xE  }
0x43a: {  	v8 =	vadd.f32 v63, v8;
	v54 =	vld.idx.msk [tilespmem:v2+s1+$0x0], $0xffff;
	v2 =	vnsel vm0, $0xE, v5;
	vm0 =	vlt.s32 v7, $0xE  }
0x43b: {  	v2 =	vadd.s32 $0xD2, v2;
	v55 =	vld.idx.msk [tilespmem:v4+s1+$0x0], $0xffff;
	v4 =	vnsel vm0, $0xE, v7  }
0x43c: {  	v8 =	vadd.f32 v0, v8;
	v5 =	vtrunc.f32 v26;
	v4 =	vadd.s32 $0xE1, v4  }
0x43d: {  	v3 =	vtrunc.f32 v3;
	v5 =	vcvt.f32.s32 v5  }
0x43e: {  	v3 =	vcvt.f32.s32 v3;
	[tilespmem:$0x1FC60] =	vst v23;
	v23 =	vpop (erf);
	v8 =	vadd.f32 v1, v8;
	v56 =	vld.idx.msk [tilespmem:v6+s1+$0x0], $0xffff;
	v6 =	vtrunc.f32 v24  }
0x43f: {  	v29 =	vmul.f32 $1.500000000e+01, v23;
	v39 =	vld [tilespmem:$0x1FB30];
	vm0 =	vlt.s32 v5, $0xE;
	v6 =	vcvt.f32.s32 v6  }
0x440: {  	v7 =	vadd.f32 v58, v8;
	v5 =	vnsel vm0, $0xE, v5;
	vm0 =	vlt.s32 v3, $0xE;
	v57 =	vld.idx.msk [tilespmem:v2+s1+$0x0], $0xffff  }
0x441: {  	v2 =	vnsel vm0, $0xE, v3;
	v3 =	vmul.f32 v29, v41;
	vm0 =	vlt.s32 v6, $0xE;
	v41 =	vld.idx.msk [tilespmem:v4+s1+$0x0], $0xffff  }
0x442: {  	v5 =	vadd.s32 $0xF0, v5;
	v7 =	vadd.f32 v54, v7;
	v4 =	vnsel vm0, $0xE, v6;
	v6 =	vld [tilespmem:$0x1FB20];
	_ =	sdelay $0x1  }
0x443: {  	v2 =	vadd.s32 $0xFF, v2;
	v7 =	vadd.f32 v55, v7  }
0x444: {  	v44 =	vmul.f32 v29, v44;
	v3 =	vtrunc.f32 v3  }
0x445: {  	v45 =	vmul.f32 v29, v45;
	v3 =	vcvt.f32.s32 v3;
	v7 =	vadd.f32 v56, v7  }
0x446: {  	v8 =	vmul.f32 v29, v39;
	v12 =	vld.idx.msk [tilespmem:v5+s1+$0x0], $0xffff;
	v6 =	vmul.f32 v29, v6  }
0x447: {  	v4 =	vadd.s32 $0x10E, v4;
	vm0 =	vlt.s32 v3, $0xE;
	v7 =	vadd.f32 v57, v7  }
0x448: {  	(erf) = vrcp.f32 v25;
	v50 =	vld.idx.msk [tilespmem:v2+s1+$0x0], $0xffff;
	v3 =	vnsel vm0, $0xE, v3;
	v5 =	vtrunc.f32 v6  }
0x449: {  	v7 =	vadd.f32 v41, v7;
	v6 =	vtrunc.f32 v8;
	v5 =	vcvt.f32.s32 v5  }
0x44a: {  	v3 =	vadd.s32 $0xF, v3;
	v2 =	vcvt.f32.s32 v6;
	v6 =	vtrunc.f32 v44  }
0x44b: {  	v7 =	vadd.f32 v12, v7;
	v6 =	vcvt.f32.s32 v6;
	vm1 =	vlt.s32 v5, $0xE  }
0x44c: {  	v44 =	vld.idx.msk [tilespmem:v4+s1+$0x0], $0xffff;
	vm0 =	vlt.s32 v2, $0xE;
	v4 =	vnsel vm1, $0xE, v5;
	v5 =	vmul.f32 v29, v43  }
0x44d: {  	v7 =	vadd.f32 v50, v7;
	v2 =	vnsel vm0, $0xE, v2;
	vm0 =	vlt.s32 v6, $0xE  }
0x44e: {  	v2 =	vadd.s32 $0x1E, v2;
	v6 =	vnsel vm0, $0xE, v6;
	v5 =	vtrunc.f32 v5  }
0x44f: {  	v26 =	vld.idx.msk [tilespmem:v3+s1+$0x0], $0xffff;
	v3 =	vadd.s32 $0x2D, v6;
	v6 =	vmul.f32 v29, v46;
	v5 =	vcvt.f32.s32 v5  }
0x450: {  	v8 =	vtrunc.f32 v45  }
0x451: {  	v7 =	vadd.f32 v44, v7;
	v6 =	vtrunc.f32 v6;
	vm0 =	vlt.s32 v5, $0xE  }
0x452: {  	v27 =	vld.idx.msk [tilespmem:v4+s1+$0x0], $0xffff;
	v4 =	vcvt.f32.s32 v8;
	v6 =	vcvt.f32.s32 v6;
	v5 =	vnsel vm0, $0xE, v5  }
0x453: {  	[tilespmem:$0x1FCC0] =	vst v15;
	v46 =	vmul.f32 v29, v51;
	vm0 =	veq.f32 v7, $0.0e+00;
	v15 =	vld.idx.msk [tilespmem:v2+s1+$0x0], $0xffff;
	v2 =	vadd.s32 $0x3C, v5  }
0x454: {  	vm1 =	vlt.s32 v4, $0xE;
	v5 =	vsel vm0, $0x3F800000, v7;
	vm0 =	vlt.s32 v6, $0xE  }
0x455: {  	v25 =	vpop (erf);
	v7 =	vmul.f32 v29, v52;
	v4 =	vnsel vm1, $0xE, v4;
	(erf) = vrcp.f32 v5  }
0x456: {  	v17 =	vld.idx.msk [tilespmem:v3+s1+$0x0], $0xffff;
	v5 =	vmul.f32 v29, v47;
	v3 =	vadd.s32 $0x4B, v4;
	v4 =	vtrunc.f32 v46  }
0x457: {  	v6 =	vnsel vm0, $0xE, v6;
	v4 =	vcvt.f32.s32 v4  }
0x458: {  	v7 =	vtrunc.f32 v7;
	v47 =	vadd.f32 v26, v27;
	v5 =	vtrunc.f32 v5  }
0x459: {  	v5 =	vcvt.f32.s32 v5;
	v18 =	vld.idx.msk [tilespmem:v2+s1+$0x0], $0xffff;
	v2 =	vadd.s32 $0x5A, v6;
	vm0 =	vlt.s32 v4, $0xE  }
0x45a: {  	v7 =	vcvt.f32.s32 v7;
	v6 =	vadd.f32 v15, v47;
	v4 =	vnsel vm0, $0xE, v4  }
0x45b: {  	vm0 =	vlt.s32 v5, $0xE;
	v19 =	vld.idx.msk [tilespmem:v3+s1+$0x0], $0xffff;
	v3 =	vadd.s32 $0x69, v4;
	v4 =	vmul.f32 v29, v48  }
0x45c: {  	v6 =	vadd.f32 v17, v6;
	v5 =	vnsel vm0, $0xE, v5  }
0x45d: {  	vm0 =	vlt.s32 v7, $0xE;
	v5 =	vadd.s32 $0x78, v5;
	v4 =	vtrunc.f32 v4  }
0x45e: {  	v49 =	vmul.f32 v29, v49;
	v7 =	vnsel vm0, $0xE, v7;
	v20 =	vld.idx.msk [tilespmem:v2+s1+$0x0], $0xffff;
	v2 =	vcvt.f32.s32 v4;
	v32 =	vpop (erf)  }
0x45f: {  	v4 =	vmul.f32 v29, v53;
	v6 =	vadd.f32 v18, v6;
	v51 =	vmul.f32 v32, v35  }
0x460: {  	s31 =	smov.u32 s3;
	v52 =	vmul.f32 v32, v37;
	v53 =	vmul.f32 v32, v38;
	v24 =	vld.idx.msk [tilespmem:v3+s1+$0x0], $0xffff;
	v3 =	vadd.s32 $0x87, v7  }
0x461: {  	v7 =	vtrunc.f32 v49;
	v6 =	vadd.f32 v19, v6;
	vm0 =	vlt.s32 v2, $0xE;
	[tilespmem:s31+$0x12190] =	vst v51  }
0x462: {  	s8 =	sadd.s32 $0x2, s8;
	v30 =	vld.idx.msk [tilespmem:v5+s1+$0x0], $0xffff;
	v2 =	vnsel vm0, $0xE, v2;
	v5 =	vcvt.f32.s32 v7;
	[tilespmem:s31+$0x12210] =	vst v52;
	v7 =	vmul.f32 v32, v59  }
0x463: {  	p0 =	slt.u32 s8, $0x3E;
	v62 =	vmul.f32 v32, v62;
	[tilespmem:s31+$0x12290] =	vst v53;
	v59 =	vmul.f32 v32, v60;
	v2 =	vadd.s32 $0x96, v2  }
.Ltmp4:
0x464: {  	v6 =	vadd.f32 v20, v6;
	[tilespmem:s31+$0x12310] =	vst v7;
	v7 =	vmul.f32 v32, v61;
	vm0 =	vlt.s32 v5, $0xE;
	(pc) =	sbr.rel @p0 .LBB2_9-.Ltmp4, $4  }
0x465: {  	s15 =	sadd.s32 $0x20, s15;
	v4 =	vtrunc.f32 v4;
	v60 =	vmul.f32 v29, v42;
	[tilespmem:s31+$0x12390] =	vst v59;
	v5 =	vnsel vm0, $0xE, v5  }
0x466: {  	s14 =	sadd.s32 $0x100, s14;
	s26 =	smov.u32 s0;
	s0 =	smov.u32 s19;
	v36 =	vld.idx.msk [tilespmem:v3+s1+$0x0], $0xffff;
	v3 =	vcvt.f32.s32 v4;
	v4 =	vadd.f32 v24, v6;
	[tilespmem:s31+$0x12410] =	vst v7;
	v6 =	vmul.f32 v32, v63  }
0x467: {  	s28 =	smov.u32 s2;
	s2 =	smov.u32 s7;
	s29 =	smov.u32 s4;
	v0 =	vmul.f32 v32, v0;
	v1 =	vmul.f32 v32, v1;
	v42 =	vadd.s32 $0xA5, v5;
	[tilespmem:s17+$0x12180] =	vst v62  }
0x468: {  	s4 =	smov.u32 s10;
	s30 =	smov.u32 s9;
	s9 =	smov.u32 s5;
	v5 =	vtrunc.f32 v60;
	v38 =	vld.idx.msk [tilespmem:v2+s1+$0x0], $0xffff;
	vm0 =	vlt.s32 v3, $0xE;
	v2 =	vmul.f32 v29, v40;
	[tilespmem:s20+$0x12180] =	vst v6  }
0x469: {  	v10 =	vld [tilespmem:$0x1FB70]  }
0x46a: {  	v6 =	vmul.f32 v32, v58;
	v11 =	vld [tilespmem:$0x1FBA0];
	[tilespmem:s31+$0x14190] =	vst v0  }
0x46b: {  	[tilespmem:s31+$0x14210] =	vst v1;
	v34 =	vmul.f32 v32, v54  }
0x46c: {  	v35 =	vmul.f32 v32, v55;
	[tilespmem:s31+$0x14290] =	vst v6  }
0x46d: {  	v39 =	vmul.f32 v32, v56;
	[tilespmem:s31+$0x14310] =	vst v34  }
0x46e: {  	v40 =	vmul.f32 v32, v57;
	[tilespmem:s31+$0x14390] =	vst v35  }
0x46f: {  	v41 =	vmul.f32 v32, v41;
	[tilespmem:s31+$0x14410] =	vst v39  }
0x470: {  	[tilespmem:s11+$0x12180] =	vst v40  }
0x471: {  	v9 =	vld.idx.msk [tilespmem:v42+s1+$0x0], $0xffff;
	[tilespmem:s21+$0x12180] =	vst v41;
	v10 =	vmul.f32 v29, v10  }
0x472: {  	v8 =	vmul.f32 v29, v21;
	v42 =	vmul.f32 v32, v44;
	v1 =	vld [tilespmem:$0x1FB90]  }
0x473: {  	v11 =	vmul.f32 v29, v11;
	v10 =	vtrunc.f32 v10  }
0x474: {  	v8 =	vtrunc.f32 v8;
	v10 =	vcvt.f32.s32 v10  }
0x475: {  	v8 =	vcvt.f32.s32 v8;
	v11 =	vtrunc.f32 v11  }
0x476: {  	v3 =	vnsel vm0, $0xE, v3;
	v33 =	vcvt.f32.s32 v11;
	vm13 =	vlt.s32 v10, $0xE  }
0x477: {  	vm12 =	vlt.s32 v8, $0xE;
	[tilespmem:s31+$0x16290] =	vst v42;
	v1 =	vmul.f32 v25, v1;
	v10 =	vnsel vm13, $0xE, v10  }
0x478: {  	v8 =	vnsel vm12, $0xE, v8;
	vm14 =	vlt.s32 v33, $0xE;
	v37 =	vadd.s32 $0xFF, v10;
	v10 =	vld [tilespmem:$0x1FB80]  }
0x479: {  	v3 =	vadd.s32 $0xB4, v3;
	v31 =	vadd.s32 $0xF0, v8;
	v8 =	vnsel vm14, $0xE, v33;
	[tilespmem:s25+$0x12180] =	vst v1  }
0x47a: {  	v5 =	vcvt.f32.s32 v5;
	v7 =	vmul.f32 v29, v22;
	v8 =	vadd.s32 $0x10E, v8;
	v45 =	vld [tilespmem:$0x1FBB0]  }
0x47b: {  	v4 =	vadd.f32 v30, v4;
	v2 =	vtrunc.f32 v2  }
0x47c: {  	vm9 =	vlt.s32 v5, $0xE;
	v2 =	vcvt.f32.s32 v2;
	v7 =	vtrunc.f32 v7  }
0x47d: {  	v5 =	vnsel vm9, $0xE, v5;
	v7 =	vcvt.f32.s32 v7;
	v10 =	vmul.f32 v25, v10  }
0x47e: {  	v43 =	vmul.f32 v25, v16;
	v5 =	vadd.s32 $0xC3, v5;
	vm10 =	vlt.s32 v2, $0xE;
	v3 =	vld.idx.msk [tilespmem:v3+s1+$0x0], $0xffff  }
0x47f: {  	v2 =	vnsel vm10, $0xE, v2;
	vm11 =	vlt.s32 v7, $0xE;
	v44 =	vld.idx.msk [tilespmem:v8+s1+$0x0], $0xffff;
	v8 =	vmul.f32 v25, v45;
	[tilespmem:s25+$0x12200] =	vst v10  }
0x480: {  	v2 =	vadd.s32 $0xD2, v2;
	v7 =	vnsel vm11, $0xE, v7;
	v10 =	vld [tilespmem:$0x1FBC0];
	[tilespmem:s25+$0x12280] =	vst v43  }
0x481: {  	v4 =	vadd.f32 v36, v4;
	v7 =	vadd.s32 $0xE1, v7;
	v11 =	vld [tilespmem:$0x1FBF0];
	[tilespmem:s25+$0x12300] =	vst v8  }
0x482: {  	v8 =	vld [tilespmem:$0x1FC20]  }
0x483: {  	v4 =	vadd.f32 v38, v4  }
0x484: {  	v5 =	vld.idx.msk [tilespmem:v5+s1+$0x0], $0xffff  }
0x485: {  	v4 =	vadd.f32 v9, v4;
	v2 =	vld.idx.msk [tilespmem:v2+s1+$0x0], $0xffff;
	v10 =	vmul.f32 v25, v10  }
0x486: {  	v7 =	vld.idx.msk [tilespmem:v7+s1+$0x0], $0xffff;
	v11 =	vmul.f32 v25, v11  }
0x487: {  	v4 =	vadd.f32 v3, v4;
	v0 =	vld.idx.msk [tilespmem:v31+s1+$0x0], $0xffff;
	v8 =	vmul.f32 v25, v8;
	[tilespmem:s25+$0x12380] =	vst v10  }
0x488: {  	v10 =	vld [tilespmem:$0x1FC30];
	[tilespmem:s25+$0x12400] =	vst v11  }
0x489: {  	v4 =	vadd.f32 v5, v4;
	v11 =	vld [tilespmem:$0x1FC40];
	[tilespmem:s26+$0x12180] =	vst v8  }
0x48a: {  	v8 =	vld [tilespmem:$0x1FC50]  }
0x48b: {  	v4 =	vadd.f32 v2, v4  }
0x48c: {  	v6 =	vld.idx.msk [tilespmem:v37+s1+$0x0], $0xffff  }
0x48d: {  	v4 =	vadd.f32 v7, v4;
	v10 =	vmul.f32 v25, v10  }
0x48e: {  	v11 =	vmul.f32 v25, v11  }
0x48f: {  	v4 =	vadd.f32 v0, v4;
	v8 =	vmul.f32 v25, v8;
	[tilespmem:s28+$0x12180] =	vst v10  }
0x490: {  	v46 =	vmul.f32 v25, v13;
	[tilespmem:s25+$0x14180] =	vst v11  }
0x491: {  	v4 =	vadd.f32 v6, v4;
	v11 =	vld [tilespmem:$0x1FC60];
	[tilespmem:s25+$0x14200] =	vst v8  }
0x492: {  	v47 =	vld [tilespmem:$0x1FC70];
	[tilespmem:s25+$0x14280] =	vst v46  }
0x493: {  	v4 =	vadd.f32 v44, v4;
	v8 =	vld [tilespmem:$0x1FC80];
	_ =	sdelay $0x1  }
0x494: {  	vm15 =	veq.f32 v4, $0.0e+00  }
0x495: {  	v4 =	vsel vm15, $0x3F800000, v4;
	v11 =	vmul.f32 v25, v11  }
0x496: {  	(erf) = vrcp.f32 v4;
	v4 =	vmul.f32 v25, v47  }
0x497: {  	v8 =	vmul.f32 v25, v8;
	[tilespmem:s25+$0x14300] =	vst v11  }
0x498: {  	v10 =	vld [tilespmem:$0x1FC90];
	[tilespmem:s25+$0x14380] =	vst v4  }
0x499: {  	v4 =	vld [tilespmem:$0x1FCA0];
	[tilespmem:s25+$0x14400] =	vst v8  }
0x49a: {  	v8 =	vld [tilespmem:$0x1FCB0];
	_ =	sdelay $0x2  }
0x49b: {  	v10 =	vmul.f32 v25, v10  }
0x49c: {  	v4 =	vmul.f32 v25, v4  }
0x49d: {  	v8 =	vmul.f32 v25, v8;
	[tilespmem:s29+$0x12180] =	vst v10  }
0x49e: {  	v48 =	vmul.f32 v32, v12;
	v10 =	vld [tilespmem:$0x1FCC0];
	[tilespmem:s30+$0x12180] =	vst v4  }
0x49f: {  	v49 =	vmul.f32 v32, v50;
	v50 =	vpop (erf);
	v4 =	vld [tilespmem:$0x1FCD0];
	[tilespmem:s25+$0x16180] =	vst v8  }
0x4a0: {  	v51 =	vmul.f32 v50, v27;
	[tilespmem:s31+$0x16190] =	vst v48  }
0x4a1: {  	v52 =	vmul.f32 v50, v26;
	[tilespmem:s31+$0x16210] =	vst v49  }
0x4a2: {  	v53 =	vmul.f32 v50, v15;
	[tilespmem:s31+$0x12180] =	vst v51  }
0x4a3: {  	v54 =	vmul.f32 v50, v17;
	[tilespmem:s31+$0x12200] =	vst v52  }
0x4a4: {  	v55 =	vmul.f32 v50, v18;
	[tilespmem:s31+$0x12280] =	vst v53  }
0x4a5: {  	v56 =	vmul.f32 v50, v19;
	[tilespmem:s31+$0x12300] =	vst v54  }
0x4a6: {  	v57 =	vmul.f32 v50, v20;
	[tilespmem:s31+$0x12380] =	vst v55  }
0x4a7: {  	v58 =	vmul.f32 v50, v24;
	[tilespmem:s31+$0x12400] =	vst v56  }
0x4a8: {  	v59 =	vmul.f32 v50, v30;
	[tilespmem:s0+$0x12180] =	vst v57  }
0x4a9: {  	v60 =	vmul.f32 v50, v36;
	[tilespmem:s2+$0x12180] =	vst v58  }
0x4aa: {  	v61 =	vmul.f32 v50, v38;
	[tilespmem:s31+$0x14180] =	vst v59  }
0x4ab: {  	v9 =	vmul.f32 v50, v9;
	[tilespmem:s31+$0x14200] =	vst v60  }
0x4ac: {  	v3 =	vmul.f32 v50, v3;
	[tilespmem:s31+$0x14280] =	vst v61  }
0x4ad: {  	v5 =	vmul.f32 v50, v5;
	[tilespmem:s31+$0x14300] =	vst v9  }
0x4ae: {  	v2 =	vmul.f32 v50, v2;
	[tilespmem:s31+$0x14380] =	vst v3  }
0x4af: {  	v62 =	vmul.f32 v50, v7;
	[tilespmem:s31+$0x14400] =	vst v5  }
0x4b0: {  	v10 =	vmul.f32 v25, v10;
	[tilespmem:s4+$0x12180] =	vst v2  }
0x4b1: {  	v0 =	vmul.f32 v50, v0;
	[tilespmem:s9+$0x12180] =	vst v62  }
0x4b2: {  	v63 =	vmul.f32 v50, v6;
	[tilespmem:s25+$0x16200] =	vst v10  }
0x4b3: {  	v1 =	vmul.f32 v50, v44;
	[tilespmem:s31+$0x16180] =	vst v0  }
0x4b4: {  	p0 =	sne.s32 s23, $0x4;
	v4 =	vmul.f32 v25, v4;
	[tilespmem:s31+$0x16200] =	vst v63  }
.Ltmp5:
0x4b5: {  	[tilespmem:s31+$0x16280] =	vst v1;
	(pc) =	sbr.rel @p0 .LBB2_2-.Ltmp5, $4  }
0x4b6: {  	[tilespmem:s25+$0x16280] =	vst v4  }
0x4b7: {  	s0 =	rddreg [dreg:$0x4]  }
0x4b8: {  	s31 =	simm.s32 $0x12180;
	s0 =	sadd.s32 s0, s24  }
0x4b9: {  	[hbm4b:s0+s12] =	stream.strided.scatter [tilespmem:s31], [sflag:$0x4], $0x6000, s13, s12, $0x38;
	[tilespmem:$0x18180] =	vst v63  }
0x4ba: {  	s0 =	simm.s32 $0x3  }
0x4bb: {  	_ =	swait.ge [sflag:s0], $0x6000  }
0x4bc: {  	[sflag:s0] =	ssyncset.done $0x0  }
0x4bd: {  	s2 =	simm.s32 $0x4;
	[sflag:s0] =	ssyncadd.s32 $0xFFFFA000  }
0x4be: {  	_ =	swait.ge [sflag:s2], $0x6000  }
0x4bf: {  	s3 =	rddreg [dreg:$0xa]  }
0x4c0: {  	s31 =	rddreg [dreg:$0x8];
	s3 =	sadd.s32 $0x1, s3  }
0x4c1: {  	p0 =	sne.s32 s3, s31  }
.Ltmp6:
0x4c2: {  	_ = 	snop;
	(pc) =	sbr.rel @p0 .LBB2_1-.Ltmp6, $3  }
0x4c3: {  	_ =	sdelay $0x1  }
0x4c4: {  	[sflag:s2] =	ssyncset.done $0x0  }
0x4c5: {  	[sflag:s2] =	ssyncadd.s32 $0xFFFFA000  }
0x4c6: {  	_ =	sfence.sel $0x180000  }
0x4c7: {  	[bflag:$0x0] =	sbarrier.arrive $0xFFFF  }
0x4c8: {  	_ =	strace $0x90000047  }
0x4c9: {  	s0 =	stileid.u32;
	[bflag:$0x2] =	sbarrier.arrive $0xFFFF  }
0x4ca: {  	p0 =	sne.s32 s0, $0x0;
	s0 =	rddreg [dreg:$0x1]  }
0x4cb: {  	s0 =	sadd.s32 @!p0 $0x100000, s0  }
0x4cc: {  	[sflag:s0] =	ssyncadd.tile.s32 @!p0 $0x1;
	_ =	shalt  }
.Lfunc_end2:
_tile_overlayer_lowered:
.L_overlay_start_2:
0x4cd: {  	(tag) =	ssettag $0x2  }
0x4ce: {  	s0 =	rddreg [dreg:$0x0];
	s2 =	stileid.u32  }
0x4cf: {  	s1 =	rddreg [dreg:$0x1];
	p0 =	sne.s32 s2, $0x0  }
0x4d0: {  	s3 =	rddreg [dreg:$0x2];
	[bflag:$0x3] =	sbarrier.arrive $0xFFFF;
	s2 =	simm.s32 @!p0 $0x1C05  }
0x4d1: {  	[timem:s3], [sflag:s2] =	dma.local @!p0 [hbm:s0], s1  }
0x4d2: {  	s0 =	simm.s32 @!p0 $0x5  }
0x4d3: {  	_ =	swait.ge @!p0 [sflag:s0], s1  }
0x4d4: {  	s1 =	ssub.s32 @!p0 $0x0, s1;
	[sflag:s0] =	ssyncset.done @!p0 $0x0  }
0x4d5: {  	[sflag:s0] =	ssyncadd.s32 @!p0 s1  }
0x4d6: {  	[bflag:$0x3] =	sbarrier.arrive $0xFFFF  }
0x4d7: {  	_ =	shalt  }

</sc_bundles>
